<compile_context>
chip_gen: v7x
topology: tpu7x:2x2x1
jax: 0.10.2.dev20260603
libtpu: 0.0.44.dev20260713+nightly
codegen_flags: <defaults>
</compile_context>

<pallas_src>
import dataclasses
import functools

import jax
import jax.numpy as jnp
from jax import lax
from jax.experimental import pallas as pl
from jax.experimental.pallas import tpu as pltpu
from jax.experimental.pallas import tpu_sc as plsc

B, N, E = 8, 10000, 128 * 2500
C = 128

NC, NS, L = 2, 16, 16
N_PER_S = N // NS

DEG_PER_W = E // (NC * NS)
DEG_SCH_E = 2000
DEG_NSCH = DEG_PER_W // DEG_SCH_E

ACC_PER_S = E // NS
ACC_CH = 80
ACC_SCH = 50
ACC_NSCH = ACC_PER_S // (ACC_CH * ACC_SCH)
B_PER_CORE = B // NC

_vector_mesh = plsc.VectorSubcoreMesh(core_axis_name="c", subcore_axis_name="s")

_sc_params = pltpu.CompilerParams()
if "needs_layout_passes" in pltpu.CompilerParams.__dataclass_fields__:
    _sc_params = dataclasses.replace(_sc_params, needs_layout_passes=False)


def _deg_body(dst_hbm, w_hbm, degp_hbm, dst_v, w_v, acc_v):
    c = lax.axis_index("c")
    s = lax.axis_index("s")
    wid = c * NS + s

    zeros = jnp.zeros((L,), jnp.float32)

    @pl.loop(0, N // L)
    def _(r):
        acc_v[pl.ds(r * L, L)] = zeros

    @pl.loop(0, DEG_NSCH)
    def _(sc):
        pltpu.sync_copy(dst_hbm.at[wid, sc], dst_v)
        pltpu.sync_copy(w_hbm.at[wid, sc], w_v)

        @pl.loop(0, DEG_SCH_E // L)
        def _(i):
            ix = dst_v[pl.ds(i * L, L)]
            vv = w_v[pl.ds(i * L, L)]
            plsc.addupdate_scatter(acc_v, [ix], vv)

    pltpu.sync_copy(acc_v, degp_hbm.at[wid])


def _sc_degree(dst, w):
    dst3 = dst.reshape(NC * NS, DEG_NSCH, DEG_SCH_E)
    w3 = w.reshape(NC * NS, DEG_NSCH, DEG_SCH_E)
    kern = pl.kernel(
        _deg_body,
        out_type=jax.ShapeDtypeStruct((NC * NS, N), jnp.float32),
        mesh=_vector_mesh,
        compiler_params=_sc_params,
        scratch_types=[
            pltpu.VMEM((DEG_SCH_E,), jnp.int32),
            pltpu.VMEM((DEG_SCH_E,), jnp.float32),
            pltpu.VMEM((N,), jnp.float32),
        ],
    )
    return kern(dst3, w3)


def _acc_body(y_hbm, y4_hbm, src_hbm, dst_hbm, w_hbm, acc_hbm,
              src_v, dst_v, w_v, rows_a, rows_b, sem_a, sem_b, acc_sh):
    c = lax.axis_index("c")
    s = lax.axis_index("s")

    def scale_and_scatter(j, rows_v):
        @plsc.parallel_loop(0, ACC_CH, unroll=4)
        def _(r):
            wspl = plsc.load_gather(
                w_v, [jnp.full((L,), j, jnp.int32),
                      jnp.full((L,), r, jnp.int32)])
            for k in range(C // L):
                sl = pl.ds(k * L, L)
                rows_v[r, sl] = rows_v[r, sl] * wspl

        pltpu.sync_copy(rows_v, acc_sh.at[dst_v.at[j]], add=True)

    def gather(b, j, rows_v, sem):
        pltpu.async_copy(y_hbm.at[b].at[src_v.at[j]], rows_v, sem)

    def gwait(rows_v, sem):
        pltpu.make_async_copy(y_hbm.at[0].at[src_v.at[0]], rows_v, sem).wait()

    for bi in range(B_PER_CORE):
        b = c * B_PER_CORE + bi

        pltpu.sync_copy(y4_hbm.at[b, s],
                        acc_sh.at[pl.ds(s * N_PER_S, N_PER_S)])
        plsc.subcore_barrier()

        @pl.loop(0, ACC_NSCH)
        def _(sc):
            pltpu.sync_copy(src_hbm.at[s, sc], src_v)
            pltpu.sync_copy(dst_hbm.at[s, sc], dst_v)
            pltpu.sync_copy(w_hbm.at[s, sc], w_v)

            gather(b, 0, rows_a, sem_a)
            gather(b, 1, rows_b, sem_b)

            @pl.loop(0, ACC_SCH // 2)
            def _(p):
                j0 = 2 * p
                gwait(rows_a, sem_a)
                scale_and_scatter(j0, rows_a)

                @pl.when(j0 + 2 < ACC_SCH)
                def _():
                    gather(b, j0 + 2, rows_a, sem_a)

                gwait(rows_b, sem_b)
                scale_and_scatter(j0 + 1, rows_b)

                @pl.when(j0 + 3 < ACC_SCH)
                def _():
                    gather(b, j0 + 3, rows_b, sem_b)

        plsc.subcore_barrier()
        pltpu.sync_copy(acc_sh.at[pl.ds(s * N_PER_S, N_PER_S)],
                        acc_hbm.at[b, s])
        plsc.subcore_barrier()


def _sc_accumulate(y, src, dst, w):
    src4 = src.reshape(NS, ACC_NSCH, ACC_SCH, ACC_CH)
    dst4 = dst.reshape(NS, ACC_NSCH, ACC_SCH, ACC_CH)
    w4 = w.reshape(NS, ACC_NSCH, ACC_SCH, ACC_CH)
    y4 = y.reshape(B, NS, N_PER_S, C)
    kern = pl.kernel(
        _acc_body,
        out_type=jax.ShapeDtypeStruct((B, NS, N_PER_S, C), jnp.float32),
        mesh=_vector_mesh,
        compiler_params=_sc_params,
        scratch_types=[
            pltpu.VMEM((ACC_SCH, ACC_CH), jnp.int32),
            pltpu.VMEM((ACC_SCH, ACC_CH), jnp.int32),
            pltpu.VMEM((ACC_SCH, ACC_CH), jnp.float32),
            pltpu.VMEM((ACC_CH, C), jnp.float32),
            pltpu.VMEM((ACC_CH, C), jnp.float32),
            pltpu.SemaphoreType.DMA,
            pltpu.SemaphoreType.DMA,
            pltpu.VMEM_SHARED((N, C), jnp.float32),
        ],
    )
    return kern(y, y4, src4, dst4, w4).reshape(B, N, C)


NBLK = 1000


def _y_body(x_ref, w_ref, degp_ref, y_ref):
    deg = jnp.sum(degp_ref[0], axis=-1) + 1.0
    dinv = lax.rsqrt(deg)
    xw = jnp.dot(x_ref[0], w_ref[...], preferred_element_type=jnp.float32)
    y_ref[0] = dinv[:, None] * xw


def _tc_y(x, w, degp):
    return pl.pallas_call(
        _y_body,
        out_shape=jax.ShapeDtypeStruct((B, N, C), jnp.float32),
        grid=(B, N // NBLK),
        in_specs=[
            pl.BlockSpec((1, NBLK, C), lambda b, n: (b, n, 0)),
            pl.BlockSpec((C, C), lambda b, n: (0, 0)),
            pl.BlockSpec((1, NBLK, NC * NS), lambda b, n: (n, 0, 0)),
        ],
        out_specs=pl.BlockSpec((1, NBLK, C), lambda b, n: (b, n, 0)),
    )(x, w, degp)


def _out_body(acc_ref, degp_ref, b_ref, o_ref):
    deg = jnp.sum(degp_ref[0], axis=-1) + 1.0
    dinv = lax.rsqrt(deg)
    o_ref[0] = dinv[:, None] * acc_ref[0] + b_ref[...]


def _tc_out(acc, degp, bias):
    return pl.pallas_call(
        _out_body,
        out_shape=jax.ShapeDtypeStruct((B, N, C), jnp.float32),
        grid=(B, N // NBLK),
        in_specs=[
            pl.BlockSpec((1, NBLK, C), lambda b, n: (b, n, 0)),
            pl.BlockSpec((1, NBLK, NC * NS), lambda b, n: (n, 0, 0)),
            pl.BlockSpec((1, C), lambda b, n: (0, 0)),
        ],
        out_specs=pl.BlockSpec((1, NBLK, C), lambda b, n: (b, n, 0)),
    )(acc, degp, bias.reshape(1, C))


def kernel(X, edge_index, edge_weight, W, b):
    src = edge_index[0]
    dst = edge_index[1]
    degp = _sc_degree(dst, edge_weight)
    degp = degp.T.reshape(N // NBLK, NBLK, NC * NS)
    y = _tc_y(X, W, degp)
    acc = _sc_accumulate(y, src, dst, edge_weight)
    return _tc_out(acc, degp, b)

# --- scband reference (transcript-rebuilt; emitter-appended) ---
"""Pipeline reference for scband-py-gconv-21225728377152 (READ-ONLY COPY).

The authoritative reference and input builder live on the scoring server;
editing this copy changes nothing except your own understanding.
"""

import jax, jax.numpy as jnp
import numpy as np

B, N, E = 8, 10000, 320000
IN_C, OUT_C = 128, 128


def setup_inputs(seed: int = 0) -> dict:
    key = jax.random.key(seed)
    k0, k1, k2, k3 = jax.random.split(key, 4)
    X = jax.random.normal(k0, (B, N, IN_C), dtype=jnp.float32)
    edge_index = jax.random.randint(k1, (2, E), 0, N, dtype=jnp.int32)
    edge_weight = jax.random.uniform(k2, (E,), dtype=jnp.float32)
    # GCNConv learned parameters: Linear weight [in, out] and bias [out]
    W = jax.random.normal(k3, (IN_C, OUT_C), dtype=jnp.float32) * (1.0 / np.sqrt(IN_C))
    b = jnp.zeros((OUT_C,), dtype=jnp.float32)
    return {"X": X, "edge_index": edge_index, "edge_weight": edge_weight, "W": W, "b": b}


def reference(X, edge_index, edge_weight, W, b):
    # PyG GCNConv with node_dim=1 (batched over dim 0), gcn_norm with
    # add_self_loops=True (self-loop weight 1.0):
    #   A_hat = D^{-1/2} (A + I) D^{-1/2};  out = A_hat @ (X W) + b
    n = X.shape[1]
    src = edge_index[0]
    dst = edge_index[1]
    loop = jnp.arange(n, dtype=edge_index.dtype)
    src2 = jnp.concatenate([src, loop])
    dst2 = jnp.concatenate([dst, loop])
    w2 = jnp.concatenate([edge_weight, jnp.ones((n,), dtype=edge_weight.dtype)])
    # degree computed at target (col) nodes per PyG gcn_norm
    deg = jax.ops.segment_sum(w2, dst2, num_segments=n)
    dinv = jnp.where(deg > 0, 1.0 / jnp.sqrt(deg), 0.0)
    norm = dinv[src2] * w2 * dinv[dst2]  # [E+N]
    XW = jnp.einsum("bnc,co->bno", X, W)  # [B, N, OUT_C]
    msgs = XW[:, src2, :] * norm[None, :, None]  # gather from source nodes
    out = jnp.zeros((X.shape[0], n, W.shape[1]), dtype=XW.dtype)
    out = out.at[:, dst2, :].add(msgs)  # scatter-add to target nodes
    out = out + b
    return out.reshape(X.shape[0], X.shape[1], -1)

if __name__ == "__main__":
    import jax
    _d = setup_inputs()
    print(jax.jit(kernel)(*tuple(_d.values())))

</pallas_src>

<mosaic_0001>
#map = affine_map<(d0, d1) -> (0, 0, 0)>
#map1 = affine_map<(d0, d1) -> (0, 0, 0, 0)>
module attributes {stable_mosaic.version = 14 : i64} {
  func.func @_acc_body(%arg0: i32, %arg1: i32, %arg2: memref<8x10000x128xf32, #tpu.memory_space<hbm>>, %arg3: memref<8x16x625x128xf32, #tpu.memory_space<hbm>>, %arg4: memref<16x5x50x80xi32, #tpu.memory_space<hbm>>, %arg5: memref<16x5x50x80xi32, #tpu.memory_space<hbm>>, %arg6: memref<16x5x50x80xf32, #tpu.memory_space<hbm>>, %arg7: memref<8x16x625x128xf32, #tpu.memory_space<hbm>>, %arg8: memref<50x80xi32, #tpu.memory_space<vmem>>, %arg9: memref<50x80xi32, #tpu.memory_space<vmem>>, %arg10: memref<50x80xf32, #tpu.memory_space<vmem>>, %arg11: memref<80x128xf32, #tpu.memory_space<vmem>>, %arg12: memref<80x128xf32, #tpu.memory_space<vmem>>, %arg13: memref<!tpu.dma_semaphore, #tpu.memory_space<semaphore_mem>>, %arg14: memref<!tpu.dma_semaphore, #tpu.memory_space<semaphore_mem>>, %arg15: memref<10000x128xf32, #tpu.memory_space<vmem_shared>>) attributes {dimension_semantics = [#tpu.dimension_semantics<core_parallel>, #tpu.dimension_semantics<subcore_parallel>], iteration_bounds = array<i64: 2, 16>, scalar_prefetch = 0 : i64, scratch_operands = 8 : i64, tpu.core_type = #tpu.core_type<sc_vector_subcore>, window_params = [{transform_indices = #map}, {transform_indices = #map1}, {transform_indices = #map1}, {transform_indices = #map1}, {transform_indices = #map1}, {transform_indices = #map1}]} {
    %mul3A = arith.constant 4 : i32
    %mul3A_0 = arith.muli %arg0, %mul3A : i32
    %add3A = arith.constant 0 : i32
    %add3A_1 = arith.addi %mul3A_0, %add3A : i32
    %mul3A_2 = arith.constant 625 : i32
    %mul3A_3 = arith.muli %arg1, %mul3A_2 : i32
    "tpu.region"() ({
      %run_scoped3A = tpu.sem_alloc : memref<!tpu.dma_semaphore, #tpu.memory_space<semaphore_mem>>
      %dma_start3A = arith.constant 0 : i32
      %dma_start3A_60 = tpu.memref_slice %arg15[%mul3A_3, %dma_start3A] : memref<10000x128xf32, #tpu.memory_space<vmem_shared>> -> memref<625x128xf32, #tpu.memory_space<vmem_shared>>
      %dma_start3A_61 = arith.constant 0 : i32
      %dma_start3A_62 = arith.constant 0 : i32
      %dma_start3A_63 = tpu.memref_slice %arg3[%add3A_1, %arg1, %dma_start3A_61, %dma_start3A_62] : memref<8x16x625x128xf32, #tpu.memory_space<hbm>> -> memref<1x1x625x128xf32, #tpu.memory_space<hbm>>
      %dma_start3A_64 = tpu.memref_squeeze %dma_start3A_63 : memref<1x1x625x128xf32, #tpu.memory_space<hbm>> -> memref<625x128xf32, #tpu.memory_space<hbm>>
      tpu.enqueue_dma source(%dma_start3A_64 : memref<625x128xf32, #tpu.memory_space<hbm>>) target(%dma_start3A_60 : memref<625x128xf32, #tpu.memory_space<vmem_shared>>) target_semaphore(%run_scoped3A : memref<!tpu.dma_semaphore, #tpu.memory_space<semaphore_mem>>)
      %dma_wait3A = arith.constant 0 : i32
      %dma_wait3A_65 = tpu.memref_slice %arg15[%mul3A_3, %dma_wait3A] : memref<10000x128xf32, #tpu.memory_space<vmem_shared>> -> memref<625x128xf32, #tpu.memory_space<vmem_shared>>
      %dma_wait3A_66 = arith.constant 0 : i32
      %dma_wait3A_67 = arith.constant 0 : i32
      %dma_wait3A_68 = tpu.memref_slice %arg3[%add3A_1, %arg1, %dma_wait3A_66, %dma_wait3A_67] : memref<8x16x625x128xf32, #tpu.memory_space<hbm>> -> memref<1x1x625x128xf32, #tpu.memory_space<hbm>>
      %dma_wait3A_69 = tpu.memref_squeeze %dma_wait3A_68 : memref<1x1x625x128xf32, #tpu.memory_space<hbm>> -> memref<625x128xf32, #tpu.memory_space<hbm>>
      tpu.wait_dma2 semaphore(%run_scoped3A : memref<!tpu.dma_semaphore, #tpu.memory_space<semaphore_mem>>) src(%dma_wait3A_69 : memref<625x128xf32, #tpu.memory_space<hbm>>) dst(%dma_wait3A_65 : memref<625x128xf32, #tpu.memory_space<vmem_shared>>)
      tpu.yield
    }) : () -> ()
    %barrier3A = arith.constant 0 : index
    tpu.barrier barrier_id(%barrier3A)
    %scan3A = arith.constant 0 : i32
    %scan3A_4 = arith.constant 5 : i32
    %scan3A_5 = arith.addi %scan3A, %scan3A_4 : i32
    %scan3A_6 = arith.constant 1 : i32
    scf.for %scan3A_60 = %scan3A to %scan3A_5 step %scan3A_6  : i32 {
      %mul3A_61 = arith.constant 1 : i32
      %mul3A_62 = arith.muli %scan3A_60, %mul3A_61 : i32
      %add3A_63 = arith.constant 0 : i32
      %add3A_64 = arith.addi %add3A_63, %mul3A_62 : i32
      "tpu.region"() ({
        %run_scoped3A = tpu.sem_alloc : memref<!tpu.dma_semaphore, #tpu.memory_space<semaphore_mem>>
        %dma_start3A_91 = arith.constant 0 : i32
        %dma_start3A_92 = arith.constant 0 : i32
        %dma_start3A_93 = tpu.memref_slice %arg4[%arg1, %add3A_64, %dma_start3A_91, %dma_start3A_92] : memref<16x5x50x80xi32, #tpu.memory_space<hbm>> -> memref<1x1x50x80xi32, #tpu.memory_space<hbm>>
        %dma_start3A_94 = tpu.memref_squeeze %dma_start3A_93 : memref<1x1x50x80xi32, #tpu.memory_space<hbm>> -> memref<50x80xi32, #tpu.memory_space<hbm>>
        %dma_start3A_95 = arith.constant 0 : i32
        %dma_start3A_96 = arith.constant 0 : i32
        %dma_start3A_97 = tpu.memref_slice %arg4[%arg1, %add3A_64, %dma_start3A_95, %dma_start3A_96] : memref<16x5x50x80xi32, #tpu.memory_space<hbm>> -> memref<1x1x50x80xi32, #tpu.memory_space<hbm>>
        %dma_start3A_98 = tpu.memref_squeeze %dma_start3A_97 : memref<1x1x50x80xi32, #tpu.memory_space<hbm>> -> memref<50x80xi32, #tpu.memory_space<hbm>>
        tpu.enqueue_dma source(%dma_start3A_98 : memref<50x80xi32, #tpu.memory_space<hbm>>) target(%arg8 : memref<50x80xi32, #tpu.memory_space<vmem>>) target_semaphore(%run_scoped3A : memref<!tpu.dma_semaphore, #tpu.memory_space<semaphore_mem>>)
        %dma_wait3A = arith.constant 0 : i32
        %dma_wait3A_99 = arith.constant 0 : i32
        %dma_wait3A_100 = tpu.memref_slice %arg4[%arg1, %add3A_64, %dma_wait3A, %dma_wait3A_99] : memref<16x5x50x80xi32, #tpu.memory_space<hbm>> -> memref<1x1x50x80xi32, #tpu.memory_space<hbm>>
        %dma_wait3A_101 = tpu.memref_squeeze %dma_wait3A_100 : memref<1x1x50x80xi32, #tpu.memory_space<hbm>> -> memref<50x80xi32, #tpu.memory_space<hbm>>
        %dma_wait3A_102 = arith.constant 0 : i32
        %dma_wait3A_103 = arith.constant 0 : i32
        %dma_wait3A_104 = tpu.memref_slice %arg4[%arg1, %add3A_64, %dma_wait3A_102, %dma_wait3A_103] : memref<16x5x50x80xi32, #tpu.memory_space<hbm>> -> memref<1x1x50x80xi32, #tpu.memory_space<hbm>>
        %dma_wait3A_105 = tpu.memref_squeeze %dma_wait3A_104 : memref<1x1x50x80xi32, #tpu.memory_space<hbm>> -> memref<50x80xi32, #tpu.memory_space<hbm>>
        tpu.wait_dma2 semaphore(%run_scoped3A : memref<!tpu.dma_semaphore, #tpu.memory_space<semaphore_mem>>) src(%dma_wait3A_105 : memref<50x80xi32, #tpu.memory_space<hbm>>) dst(%arg8 : memref<50x80xi32, #tpu.memory_space<vmem>>)
        tpu.yield
      }) : () -> ()
      "tpu.region"() ({
        %run_scoped3A = tpu.sem_alloc : memref<!tpu.dma_semaphore, #tpu.memory_space<semaphore_mem>>
        %dma_start3A_91 = arith.constant 0 : i32
        %dma_start3A_92 = arith.constant 0 : i32
        %dma_start3A_93 = tpu.memref_slice %arg5[%arg1, %add3A_64, %dma_start3A_91, %dma_start3A_92] : memref<16x5x50x80xi32, #tpu.memory_space<hbm>> -> memref<1x1x50x80xi32, #tpu.memory_space<hbm>>
        %dma_start3A_94 = tpu.memref_squeeze %dma_start3A_93 : memref<1x1x50x80xi32, #tpu.memory_space<hbm>> -> memref<50x80xi32, #tpu.memory_space<hbm>>
        %dma_start3A_95 = arith.constant 0 : i32
        %dma_start3A_96 = arith.constant 0 : i32
        %dma_start3A_97 = tpu.memref_slice %arg5[%arg1, %add3A_64, %dma_start3A_95, %dma_start3A_96] : memref<16x5x50x80xi32, #tpu.memory_space<hbm>> -> memref<1x1x50x80xi32, #tpu.memory_space<hbm>>
        %dma_start3A_98 = tpu.memref_squeeze %dma_start3A_97 : memref<1x1x50x80xi32, #tpu.memory_space<hbm>> -> memref<50x80xi32, #tpu.memory_space<hbm>>
        tpu.enqueue_dma source(%dma_start3A_98 : memref<50x80xi32, #tpu.memory_space<hbm>>) target(%arg9 : memref<50x80xi32, #tpu.memory_space<vmem>>) target_semaphore(%run_scoped3A : memref<!tpu.dma_semaphore, #tpu.memory_space<semaphore_mem>>)
        %dma_wait3A = arith.constant 0 : i32
        %dma_wait3A_99 = arith.constant 0 : i32
        %dma_wait3A_100 = tpu.memref_slice %arg5[%arg1, %add3A_64, %dma_wait3A, %dma_wait3A_99] : memref<16x5x50x80xi32, #tpu.memory_space<hbm>> -> memref<1x1x50x80xi32, #tpu.memory_space<hbm>>
        %dma_wait3A_101 = tpu.memref_squeeze %dma_wait3A_100 : memref<1x1x50x80xi32, #tpu.memory_space<hbm>> -> memref<50x80xi32, #tpu.memory_space<hbm>>
        %dma_wait3A_102 = arith.constant 0 : i32
        %dma_wait3A_103 = arith.constant 0 : i32
        %dma_wait3A_104 = tpu.memref_slice %arg5[%arg1, %add3A_64, %dma_wait3A_102, %dma_wait3A_103] : memref<16x5x50x80xi32, #tpu.memory_space<hbm>> -> memref<1x1x50x80xi32, #tpu.memory_space<hbm>>
        %dma_wait3A_105 = tpu.memref_squeeze %dma_wait3A_104 : memref<1x1x50x80xi32, #tpu.memory_space<hbm>> -> memref<50x80xi32, #tpu.memory_space<hbm>>
        tpu.wait_dma2 semaphore(%run_scoped3A : memref<!tpu.dma_semaphore, #tpu.memory_space<semaphore_mem>>) src(%dma_wait3A_105 : memref<50x80xi32, #tpu.memory_space<hbm>>) dst(%arg9 : memref<50x80xi32, #tpu.memory_space<vmem>>)
        tpu.yield
      }) : () -> ()
      "tpu.region"() ({
        %run_scoped3A = tpu.sem_alloc : memref<!tpu.dma_semaphore, #tpu.memory_space<semaphore_mem>>
        %dma_start3A_91 = arith.constant 0 : i32
        %dma_start3A_92 = arith.constant 0 : i32
        %dma_start3A_93 = tpu.memref_slice %arg6[%arg1, %add3A_64, %dma_start3A_91, %dma_start3A_92] : memref<16x5x50x80xf32, #tpu.memory_space<hbm>> -> memref<1x1x50x80xf32, #tpu.memory_space<hbm>>
        %dma_start3A_94 = tpu.memref_squeeze %dma_start3A_93 : memref<1x1x50x80xf32, #tpu.memory_space<hbm>> -> memref<50x80xf32, #tpu.memory_space<hbm>>
        %dma_start3A_95 = arith.constant 0 : i32
        %dma_start3A_96 = arith.constant 0 : i32
        %dma_start3A_97 = tpu.memref_slice %arg6[%arg1, %add3A_64, %dma_start3A_95, %dma_start3A_96] : memref<16x5x50x80xf32, #tpu.memory_space<hbm>> -> memref<1x1x50x80xf32, #tpu.memory_space<hbm>>
        %dma_start3A_98 = tpu.memref_squeeze %dma_start3A_97 : memref<1x1x50x80xf32, #tpu.memory_space<hbm>> -> memref<50x80xf32, #tpu.memory_space<hbm>>
        tpu.enqueue_dma source(%dma_start3A_98 : memref<50x80xf32, #tpu.memory_space<hbm>>) target(%arg10 : memref<50x80xf32, #tpu.memory_space<vmem>>) target_semaphore(%run_scoped3A : memref<!tpu.dma_semaphore, #tpu.memory_space<semaphore_mem>>)
        %dma_wait3A = arith.constant 0 : i32
        %dma_wait3A_99 = arith.constant 0 : i32
        %dma_wait3A_100 = tpu.memref_slice %arg6[%arg1, %add3A_64, %dma_wait3A, %dma_wait3A_99] : memref<16x5x50x80xf32, #tpu.memory_space<hbm>> -> memref<1x1x50x80xf32, #tpu.memory_space<hbm>>
        %dma_wait3A_101 = tpu.memref_squeeze %dma_wait3A_100 : memref<1x1x50x80xf32, #tpu.memory_space<hbm>> -> memref<50x80xf32, #tpu.memory_space<hbm>>
        %dma_wait3A_102 = arith.constant 0 : i32
        %dma_wait3A_103 = arith.constant 0 : i32
        %dma_wait3A_104 = tpu.memref_slice %arg6[%arg1, %add3A_64, %dma_wait3A_102, %dma_wait3A_103] : memref<16x5x50x80xf32, #tpu.memory_space<hbm>> -> memref<1x1x50x80xf32, #tpu.memory_space<hbm>>
        %dma_wait3A_105 = tpu.memref_squeeze %dma_wait3A_104 : memref<1x1x50x80xf32, #tpu.memory_space<hbm>> -> memref<50x80xf32, #tpu.memory_space<hbm>>
        tpu.wait_dma2 semaphore(%run_scoped3A : memref<!tpu.dma_semaphore, #tpu.memory_space<semaphore_mem>>) src(%dma_wait3A_105 : memref<50x80xf32, #tpu.memory_space<hbm>>) dst(%arg10 : memref<50x80xf32, #tpu.memory_space<vmem>>)
        tpu.yield
      }) : () -> ()
      %dma_start3A = arith.constant 0 : i32
      %dma_start3A_65 = arith.constant 0 : i32
      %dma_start3A_66 = tpu.memref_slice %arg8[%dma_start3A, %dma_start3A_65] : memref<50x80xi32, #tpu.memory_space<vmem>> -> memref<1x80xi32, #tpu.memory_space<vmem>>
      %dma_start3A_67 = tpu.memref_squeeze %dma_start3A_66 : memref<1x80xi32, #tpu.memory_space<vmem>> -> memref<80xi32, #tpu.memory_space<vmem>>
      %dma_start3A_68 = arith.constant 0 : i32
      %dma_start3A_69 = arith.constant 0 : i32
      %dma_start3A_70 = tpu.memref_slice %arg2[%add3A_1, %dma_start3A_68, %dma_start3A_69] : memref<8x10000x128xf32, #tpu.memory_space<hbm>> -> memref<1x10000x128xf32, #tpu.memory_space<hbm>>
      %dma_start3A_71 = tpu.memref_squeeze %dma_start3A_70 : memref<1x10000x128xf32, #tpu.memory_space<hbm>> -> memref<10000x128xf32, #tpu.memory_space<hbm>>
      %dma_start3A_72 = arith.constant 0 : i32
      %dma_start3A_73 = arith.constant 0 : i32
      %dma_start3A_74 = tpu.memref_slice %dma_start3A_71[%dma_start3A_72, %dma_start3A_73] : memref<10000x128xf32, #tpu.memory_space<hbm>> -> memref<10000x128xf32, #tpu.memory_space<hbm>>
      tpu.enqueue_indirect_dma source(%dma_start3A_74 : memref<10000x128xf32, #tpu.memory_space<hbm>>) target(%arg11 : memref<80x128xf32, #tpu.memory_space<vmem>>) offsets(%dma_start3A_67 : memref<80xi32, #tpu.memory_space<vmem>>) semaphore(%arg13 : memref<!tpu.dma_semaphore, #tpu.memory_space<semaphore_mem>>)
      %dma_start3A_75 = arith.constant 1 : i32
      %dma_start3A_76 = arith.constant 0 : i32
      %dma_start3A_77 = tpu.memref_slice %arg8[%dma_start3A_75, %dma_start3A_76] : memref<50x80xi32, #tpu.memory_space<vmem>> -> memref<1x80xi32, #tpu.memory_space<vmem>>
      %dma_start3A_78 = tpu.memref_squeeze %dma_start3A_77 : memref<1x80xi32, #tpu.memory_space<vmem>> -> memref<80xi32, #tpu.memory_space<vmem>>
      %dma_start3A_79 = arith.constant 0 : i32
      %dma_start3A_80 = arith.constant 0 : i32
      %dma_start3A_81 = tpu.memref_slice %arg2[%add3A_1, %dma_start3A_79, %dma_start3A_80] : memref<8x10000x128xf32, #tpu.memory_space<hbm>> -> memref<1x10000x128xf32, #tpu.memory_space<hbm>>
      %dma_start3A_82 = tpu.memref_squeeze %dma_start3A_81 : memref<1x10000x128xf32, #tpu.memory_space<hbm>> -> memref<10000x128xf32, #tpu.memory_space<hbm>>
      %dma_start3A_83 = arith.constant 0 : i32
      %dma_start3A_84 = arith.constant 0 : i32
      %dma_start3A_85 = tpu.memref_slice %dma_start3A_82[%dma_start3A_83, %dma_start3A_84] : memref<10000x128xf32, #tpu.memory_space<hbm>> -> memref<10000x128xf32, #tpu.memory_space<hbm>>
      tpu.enqueue_indirect_dma source(%dma_start3A_85 : memref<10000x128xf32, #tpu.memory_space<hbm>>) target(%arg12 : memref<80x128xf32, #tpu.memory_space<vmem>>) offsets(%dma_start3A_78 : memref<80xi32, #tpu.memory_space<vmem>>) semaphore(%arg14 : memref<!tpu.dma_semaphore, #tpu.memory_space<semaphore_mem>>)
      %scan3A_86 = arith.constant 0 : i32
      %scan3A_87 = arith.constant 25 : i32
      %scan3A_88 = arith.addi %scan3A_86, %scan3A_87 : i32
      %scan3A_89 = arith.constant 1 : i32
      scf.for %scan3A_91 = %scan3A_86 to %scan3A_88 step %scan3A_89  : i32 {
        %mul3A_92 = arith.constant 1 : i32
        %mul3A_93 = arith.muli %scan3A_91, %mul3A_92 : i32
        %add3A_94 = arith.constant 0 : i32
        %add3A_95 = arith.addi %add3A_94, %mul3A_93 : i32
        %mul3A_96 = arith.constant 2 : i32
        %mul3A_97 = arith.muli %mul3A_96, %add3A_95 : i32
        %dma_wait3A = arith.constant 0 : i32
        %dma_wait3A_98 = arith.constant 0 : i32
        %dma_wait3A_99 = arith.constant 0 : i32
        %dma_wait3A_100 = tpu.memref_slice %arg8[%dma_wait3A_98, %dma_wait3A_99] : memref<50x80xi32, #tpu.memory_space<vmem>> -> memref<1x80xi32, #tpu.memory_space<vmem>>
        %dma_wait3A_101 = tpu.memref_squeeze %dma_wait3A_100 : memref<1x80xi32, #tpu.memory_space<vmem>> -> memref<80xi32, #tpu.memory_space<vmem>>
        %dma_wait3A_102 = arith.constant 0 : i32
        %dma_wait3A_103 = arith.constant 0 : i32
        %dma_wait3A_104 = tpu.memref_slice %arg2[%dma_wait3A, %dma_wait3A_102, %dma_wait3A_103] : memref<8x10000x128xf32, #tpu.memory_space<hbm>> -> memref<1x10000x128xf32, #tpu.memory_space<hbm>>
        %dma_wait3A_105 = tpu.memref_squeeze %dma_wait3A_104 : memref<1x10000x128xf32, #tpu.memory_space<hbm>> -> memref<10000x128xf32, #tpu.memory_space<hbm>>
        %dma_wait3A_106 = arith.constant 0 : i32
        %dma_wait3A_107 = arith.constant 0 : i32
        %dma_wait3A_108 = tpu.memref_slice %dma_wait3A_105[%dma_wait3A_106, %dma_wait3A_107] : memref<10000x128xf32, #tpu.memory_space<hbm>> -> memref<10000x128xf32, #tpu.memory_space<hbm>>
        tpu.wait_indirect_dma semaphore(%arg13 : memref<!tpu.dma_semaphore, #tpu.memory_space<semaphore_mem>>) src(%dma_wait3A_108 : memref<10000x128xf32, #tpu.memory_space<hbm>>) dst(%arg11 : memref<80x128xf32, #tpu.memory_space<vmem>>)
        %parallel_loop3A = arith.constant 0 : i32
        %parallel_loop3A_109 = arith.constant 80 : i32
        %parallel_loop3A_110 = arith.constant 1 : i32
        scf.for %parallel_loop3A_139 = %parallel_loop3A to %parallel_loop3A_109 step %parallel_loop3A_110  : i32 {
          %parallel_loop3A_140 = vector.broadcast %mul3A_97 : i32 to vector<16xi32>
          %parallel_loop3A_141 = vector.broadcast %parallel_loop3A_139 : i32 to vector<16xi32>
          %parallel_loop3A_142 = tpu.vector_load_idx %arg10[%parallel_loop3A_140, %parallel_loop3A_141] : memref<50x80xf32, #tpu.memory_space<vmem>>[vector<16xi32>, vector<16xi32>], vector<16xf32>,
          %parallel_loop3A_143 = arith.index_cast %parallel_loop3A_139 : i32 to index
          %parallel_loop3A_144 = arith.constant 0 : index
          %parallel_loop3A_145 = tpu.vector_load %arg11[%parallel_loop3A_143, %parallel_loop3A_144] {strides = array<i32>} : memref<80x128xf32, #tpu.memory_space<vmem>>, vector<16xf32>,
          %parallel_loop3A_146 = arith.mulf %parallel_loop3A_145, %parallel_loop3A_142 : vector<16xf32>
          %parallel_loop3A_147 = arith.index_cast %parallel_loop3A_139 : i32 to index
          %parallel_loop3A_148 = arith.constant 0 : index
          %parallel_loop3A_149 = tpu.vector_load %arg11[%parallel_loop3A_147, %parallel_loop3A_148] {strides = array<i32>} : memref<80x128xf32, #tpu.memory_space<vmem>>, vector<16xf32>,
          tpu.vector_store %arg11[%parallel_loop3A_147, %parallel_loop3A_148], %parallel_loop3A_146 {strides = array<i32>} : memref<80x128xf32, #tpu.memory_space<vmem>>, vector<16xf32>,
          %parallel_loop3A_150 = arith.index_cast %parallel_loop3A_139 : i32 to index
          %parallel_loop3A_151 = arith.constant 16 : index
          %parallel_loop3A_152 = tpu.vector_load %arg11[%parallel_loop3A_150, %parallel_loop3A_151] {strides = array<i32>} : memref<80x128xf32, #tpu.memory_space<vmem>>, vector<16xf32>,
          %parallel_loop3A_153 = arith.mulf %parallel_loop3A_152, %parallel_loop3A_142 : vector<16xf32>
          %parallel_loop3A_154 = arith.index_cast %parallel_loop3A_139 : i32 to index
          %parallel_loop3A_155 = arith.constant 16 : index
          %parallel_loop3A_156 = tpu.vector_load %arg11[%parallel_loop3A_154, %parallel_loop3A_155] {strides = array<i32>} : memref<80x128xf32, #tpu.memory_space<vmem>>, vector<16xf32>,
          tpu.vector_store %arg11[%parallel_loop3A_154, %parallel_loop3A_155], %parallel_loop3A_153 {strides = array<i32>} : memref<80x128xf32, #tpu.memory_space<vmem>>, vector<16xf32>,
          %parallel_loop3A_157 = arith.index_cast %parallel_loop3A_139 : i32 to index
          %parallel_loop3A_158 = arith.constant 32 : index
          %parallel_loop3A_159 = tpu.vector_load %arg11[%parallel_loop3A_157, %parallel_loop3A_158] {strides = array<i32>} : memref<80x128xf32, #tpu.memory_space<vmem>>, vector<16xf32>,
          %parallel_loop3A_160 = arith.mulf %parallel_loop3A_159, %parallel_loop3A_142 : vector<16xf32>
          %parallel_loop3A_161 = arith.index_cast %parallel_loop3A_139 : i32 to index
          %parallel_loop3A_162 = arith.constant 32 : index
          %parallel_loop3A_163 = tpu.vector_load %arg11[%parallel_loop3A_161, %parallel_loop3A_162] {strides = array<i32>} : memref<80x128xf32, #tpu.memory_space<vmem>>, vector<16xf32>,
          tpu.vector_store %arg11[%parallel_loop3A_161, %parallel_loop3A_162], %parallel_loop3A_160 {strides = array<i32>} : memref<80x128xf32, #tpu.memory_space<vmem>>, vector<16xf32>,
          %parallel_loop3A_164 = arith.index_cast %parallel_loop3A_139 : i32 to index
          %parallel_loop3A_165 = arith.constant 48 : index
          %parallel_loop3A_166 = tpu.vector_load %arg11[%parallel_loop3A_164, %parallel_loop3A_165] {strides = array<i32>} : memref<80x128xf32, #tpu.memory_space<vmem>>, vector<16xf32>,
          %parallel_loop3A_167 = arith.mulf %parallel_loop3A_166, %parallel_loop3A_142 : vector<16xf32>
          %parallel_loop3A_168 = arith.index_cast %parallel_loop3A_139 : i32 to index
          %parallel_loop3A_169 = arith.constant 48 : index
          %parallel_loop3A_170 = tpu.vector_load %arg11[%parallel_loop3A_168, %parallel_loop3A_169] {strides = array<i32>} : memref<80x128xf32, #tpu.memory_space<vmem>>, vector<16xf32>,
          tpu.vector_store %arg11[%parallel_loop3A_168, %parallel_loop3A_169], %parallel_loop3A_167 {strides = array<i32>} : memref<80x128xf32, #tpu.memory_space<vmem>>, vector<16xf32>,
          %parallel_loop3A_171 = arith.index_cast %parallel_loop3A_139 : i32 to index
          %parallel_loop3A_172 = arith.constant 64 : index
          %parallel_loop3A_173 = tpu.vector_load %arg11[%parallel_loop3A_171, %parallel_loop3A_172] {strides = array<i32>} : memref<80x128xf32, #tpu.memory_space<vmem>>, vector<16xf32>,
          %parallel_loop3A_174 = arith.mulf %parallel_loop3A_173, %parallel_loop3A_142 : vector<16xf32>
          %parallel_loop3A_175 = arith.index_cast %parallel_loop3A_139 : i32 to index
          %parallel_loop3A_176 = arith.constant 64 : index
          %parallel_loop3A_177 = tpu.vector_load %arg11[%parallel_loop3A_175, %parallel_loop3A_176] {strides = array<i32>} : memref<80x128xf32, #tpu.memory_space<vmem>>, vector<16xf32>,
          tpu.vector_store %arg11[%parallel_loop3A_175, %parallel_loop3A_176], %parallel_loop3A_174 {strides = array<i32>} : memref<80x128xf32, #tpu.memory_space<vmem>>, vector<16xf32>,
          %parallel_loop3A_178 = arith.index_cast %parallel_loop3A_139 : i32 to index
          %parallel_loop3A_179 = arith.constant 80 : index
          %parallel_loop3A_180 = tpu.vector_load %arg11[%parallel_loop3A_178, %parallel_loop3A_179] {strides = array<i32>} : memref<80x128xf32, #tpu.memory_space<vmem>>, vector<16xf32>,
          %parallel_loop3A_181 = arith.mulf %parallel_loop3A_180, %parallel_loop3A_142 : vector<16xf32>
          %parallel_loop3A_182 = arith.index_cast %parallel_loop3A_139 : i32 to index
          %parallel_loop3A_183 = arith.constant 80 : index
          %parallel_loop3A_184 = tpu.vector_load %arg11[%parallel_loop3A_182, %parallel_loop3A_183] {strides = array<i32>} : memref<80x128xf32, #tpu.memory_space<vmem>>, vector<16xf32>,
          tpu.vector_store %arg11[%parallel_loop3A_182, %parallel_loop3A_183], %parallel_loop3A_181 {strides = array<i32>} : memref<80x128xf32, #tpu.memory_space<vmem>>, vector<16xf32>,
          %parallel_loop3A_185 = arith.index_cast %parallel_loop3A_139 : i32 to index
          %parallel_loop3A_186 = arith.constant 96 : index
          %parallel_loop3A_187 = tpu.vector_load %arg11[%parallel_loop3A_185, %parallel_loop3A_186] {strides = array<i32>} : memref<80x128xf32, #tpu.memory_space<vmem>>, vector<16xf32>,
          %parallel_loop3A_188 = arith.mulf %parallel_loop3A_187, %parallel_loop3A_142 : vector<16xf32>
          %parallel_loop3A_189 = arith.index_cast %parallel_loop3A_139 : i32 to index
          %parallel_loop3A_190 = arith.constant 96 : index
          %parallel_loop3A_191 = tpu.vector_load %arg11[%parallel_loop3A_189, %parallel_loop3A_190] {strides = array<i32>} : memref<80x128xf32, #tpu.memory_space<vmem>>, vector<16xf32>,
          tpu.vector_store %arg11[%parallel_loop3A_189, %parallel_loop3A_190], %parallel_loop3A_188 {strides = array<i32>} : memref<80x128xf32, #tpu.memory_space<vmem>>, vector<16xf32>,
          %parallel_loop3A_192 = arith.index_cast %parallel_loop3A_139 : i32 to index
          %parallel_loop3A_193 = arith.constant 112 : index
          %parallel_loop3A_194 = tpu.vector_load %arg11[%parallel_loop3A_192, %parallel_loop3A_193] {strides = array<i32>} : memref<80x128xf32, #tpu.memory_space<vmem>>, vector<16xf32>,
          %parallel_loop3A_195 = arith.mulf %parallel_loop3A_194, %parallel_loop3A_142 : vector<16xf32>
          %parallel_loop3A_196 = arith.index_cast %parallel_loop3A_139 : i32 to index
          %parallel_loop3A_197 = arith.constant 112 : index
          %parallel_loop3A_198 = tpu.vector_load %arg11[%parallel_loop3A_196, %parallel_loop3A_197] {strides = array<i32>} : memref<80x128xf32, #tpu.memory_space<vmem>>, vector<16xf32>,
          tpu.vector_store %arg11[%parallel_loop3A_196, %parallel_loop3A_197], %parallel_loop3A_195 {strides = array<i32>} : memref<80x128xf32, #tpu.memory_space<vmem>>, vector<16xf32>,
        } {sc.loop_unroll_factor = 4 : i64, sc.parallel_access}
        "tpu.region"() ({
          %run_scoped3A = tpu.sem_alloc : memref<!tpu.dma_semaphore, #tpu.memory_space<semaphore_mem>>
          %dma_start3A_139 = arith.constant 0 : i32
          %dma_start3A_140 = tpu.memref_slice %arg9[%mul3A_97, %dma_start3A_139] : memref<50x80xi32, #tpu.memory_space<vmem>> -> memref<1x80xi32, #tpu.memory_space<vmem>>
          %dma_start3A_141 = tpu.memref_squeeze %dma_start3A_140 : memref<1x80xi32, #tpu.memory_space<vmem>> -> memref<80xi32, #tpu.memory_space<vmem>>
          %dma_start3A_142 = arith.constant 0 : i32
          %dma_start3A_143 = arith.constant 0 : i32
          %dma_start3A_144 = tpu.memref_slice %arg15[%dma_start3A_142, %dma_start3A_143] : memref<10000x128xf32, #tpu.memory_space<vmem_shared>> -> memref<10000x128xf32, #tpu.memory_space<vmem_shared>>
          tpu.enqueue_indirect_dma source(%arg11 : memref<80x128xf32, #tpu.memory_space<vmem>>) target(%dma_start3A_144 : memref<10000x128xf32, #tpu.memory_space<vmem_shared>>) offsets(%dma_start3A_141 : memref<80xi32, #tpu.memory_space<vmem>>) semaphore(%run_scoped3A : memref<!tpu.dma_semaphore, #tpu.memory_space<semaphore_mem>>) {add = true}
          %dma_wait3A_145 = arith.constant 0 : i32
          %dma_wait3A_146 = tpu.memref_slice %arg9[%mul3A_97, %dma_wait3A_145] : memref<50x80xi32, #tpu.memory_space<vmem>> -> memref<1x80xi32, #tpu.memory_space<vmem>>
          %dma_wait3A_147 = tpu.memref_squeeze %dma_wait3A_146 : memref<1x80xi32, #tpu.memory_space<vmem>> -> memref<80xi32, #tpu.memory_space<vmem>>
          %dma_wait3A_148 = arith.constant 0 : i32
          %dma_wait3A_149 = arith.constant 0 : i32
          %dma_wait3A_150 = tpu.memref_slice %arg15[%dma_wait3A_148, %dma_wait3A_149] : memref<10000x128xf32, #tpu.memory_space<vmem_shared>> -> memref<10000x128xf32, #tpu.memory_space<vmem_shared>>
          tpu.wait_indirect_dma semaphore(%run_scoped3A : memref<!tpu.dma_semaphore, #tpu.memory_space<semaphore_mem>>) src(%arg11 : memref<80x128xf32, #tpu.memory_space<vmem>>) dst(%dma_wait3A_150 : memref<10000x128xf32, #tpu.memory_space<vmem_shared>>)
          tpu.yield
        }) : () -> ()
        %add3A_111 = arith.constant 2 : i32
        %add3A_112 = arith.addi %mul3A_97, %add3A_111 : i32
        %lt3A = arith.constant 50 : i32
        %lt3A_113 = arith.cmpi slt, %add3A_112, %lt3A : i32
        %convert_element_type3A = arith.extui %lt3A_113 : i1 to i32
        %cond3A = arith.constant 0 : i32
        %cond3A_114 = arith.cmpi ne, %convert_element_type3A, %cond3A : i32
        scf.if %cond3A_114 {
          %add3A_139 = arith.constant 2 : i32
          %add3A_140 = arith.addi %mul3A_97, %add3A_139 : i32
          %dma_start3A_141 = arith.constant 0 : i32
          %dma_start3A_142 = tpu.memref_slice %arg8[%add3A_140, %dma_start3A_141] : memref<50x80xi32, #tpu.memory_space<vmem>> -> memref<1x80xi32, #tpu.memory_space<vmem>>
          %dma_start3A_143 = tpu.memref_squeeze %dma_start3A_142 : memref<1x80xi32, #tpu.memory_space<vmem>> -> memref<80xi32, #tpu.memory_space<vmem>>
          %dma_start3A_144 = arith.constant 0 : i32
          %dma_start3A_145 = arith.constant 0 : i32
          %dma_start3A_146 = tpu.memref_slice %arg2[%add3A_1, %dma_start3A_144, %dma_start3A_145] : memref<8x10000x128xf32, #tpu.memory_space<hbm>> -> memref<1x10000x128xf32, #tpu.memory_space<hbm>>
          %dma_start3A_147 = tpu.memref_squeeze %dma_start3A_146 : memref<1x10000x128xf32, #tpu.memory_space<hbm>> -> memref<10000x128xf32, #tpu.memory_space<hbm>>
          %dma_start3A_148 = arith.constant 0 : i32
          %dma_start3A_149 = arith.constant 0 : i32
          %dma_start3A_150 = tpu.memref_slice %dma_start3A_147[%dma_start3A_148, %dma_start3A_149] : memref<10000x128xf32, #tpu.memory_space<hbm>> -> memref<10000x128xf32, #tpu.memory_space<hbm>>
          tpu.enqueue_indirect_dma source(%dma_start3A_150 : memref<10000x128xf32, #tpu.memory_space<hbm>>) target(%arg11 : memref<80x128xf32, #tpu.memory_space<vmem>>) offsets(%dma_start3A_143 : memref<80xi32, #tpu.memory_space<vmem>>) semaphore(%arg13 : memref<!tpu.dma_semaphore, #tpu.memory_space<semaphore_mem>>)
        } else {
        }
        %dma_wait3A_115 = arith.constant 0 : i32
        %dma_wait3A_116 = arith.constant 0 : i32
        %dma_wait3A_117 = arith.constant 0 : i32
        %dma_wait3A_118 = tpu.memref_slice %arg8[%dma_wait3A_116, %dma_wait3A_117] : memref<50x80xi32, #tpu.memory_space<vmem>> -> memref<1x80xi32, #tpu.memory_space<vmem>>
        %dma_wait3A_119 = tpu.memref_squeeze %dma_wait3A_118 : memref<1x80xi32, #tpu.memory_space<vmem>> -> memref<80xi32, #tpu.memory_space<vmem>>
        %dma_wait3A_120 = arith.constant 0 : i32
        %dma_wait3A_121 = arith.constant 0 : i32
        %dma_wait3A_122 = tpu.memref_slice %arg2[%dma_wait3A_115, %dma_wait3A_120, %dma_wait3A_121] : memref<8x10000x128xf32, #tpu.memory_space<hbm>> -> memref<1x10000x128xf32, #tpu.memory_space<hbm>>
        %dma_wait3A_123 = tpu.memref_squeeze %dma_wait3A_122 : memref<1x10000x128xf32, #tpu.memory_space<hbm>> -> memref<10000x128xf32, #tpu.memory_space<hbm>>
        %dma_wait3A_124 = arith.constant 0 : i32
        %dma_wait3A_125 = arith.constant 0 : i32
        %dma_wait3A_126 = tpu.memref_slice %dma_wait3A_123[%dma_wait3A_124, %dma_wait3A_125] : memref<10000x128xf32, #tpu.memory_space<hbm>> -> memref<10000x128xf32, #tpu.memory_space<hbm>>
        tpu.wait_indirect_dma semaphore(%arg14 : memref<!tpu.dma_semaphore, #tpu.memory_space<semaphore_mem>>) src(%dma_wait3A_126 : memref<10000x128xf32, #tpu.memory_space<hbm>>) dst(%arg12 : memref<80x128xf32, #tpu.memory_space<vmem>>)
        %add3A_127 = arith.constant 1 : i32
        %add3A_128 = arith.addi %mul3A_97, %add3A_127 : i32
        %parallel_loop3A_129 = arith.constant 0 : i32
        %parallel_loop3A_130 = arith.constant 80 : i32
        %parallel_loop3A_131 = arith.constant 1 : i32
        scf.for %parallel_loop3A_139 = %parallel_loop3A_129 to %parallel_loop3A_130 step %parallel_loop3A_131  : i32 {
          %parallel_loop3A_140 = vector.broadcast %add3A_128 : i32 to vector<16xi32>
          %parallel_loop3A_141 = vector.broadcast %parallel_loop3A_139 : i32 to vector<16xi32>
          %parallel_loop3A_142 = tpu.vector_load_idx %arg10[%parallel_loop3A_140, %parallel_loop3A_141] : memref<50x80xf32, #tpu.memory_space<vmem>>[vector<16xi32>, vector<16xi32>], vector<16xf32>,
          %parallel_loop3A_143 = arith.index_cast %parallel_loop3A_139 : i32 to index
          %parallel_loop3A_144 = arith.constant 0 : index
          %parallel_loop3A_145 = tpu.vector_load %arg12[%parallel_loop3A_143, %parallel_loop3A_144] {strides = array<i32>} : memref<80x128xf32, #tpu.memory_space<vmem>>, vector<16xf32>,
          %parallel_loop3A_146 = arith.mulf %parallel_loop3A_145, %parallel_loop3A_142 : vector<16xf32>
          %parallel_loop3A_147 = arith.index_cast %parallel_loop3A_139 : i32 to index
          %parallel_loop3A_148 = arith.constant 0 : index
          %parallel_loop3A_149 = tpu.vector_load %arg12[%parallel_loop3A_147, %parallel_loop3A_148] {strides = array<i32>} : memref<80x128xf32, #tpu.memory_space<vmem>>, vector<16xf32>,
          tpu.vector_store %arg12[%parallel_loop3A_147, %parallel_loop3A_148], %parallel_loop3A_146 {strides = array<i32>} : memref<80x128xf32, #tpu.memory_space<vmem>>, vector<16xf32>,
          %parallel_loop3A_150 = arith.index_cast %parallel_loop3A_139 : i32 to index
          %parallel_loop3A_151 = arith.constant 16 : index
          %parallel_loop3A_152 = tpu.vector_load %arg12[%parallel_loop3A_150, %parallel_loop3A_151] {strides = array<i32>} : memref<80x128xf32, #tpu.memory_space<vmem>>, vector<16xf32>,
          %parallel_loop3A_153 = arith.mulf %parallel_loop3A_152, %parallel_loop3A_142 : vector<16xf32>
          %parallel_loop3A_154 = arith.index_cast %parallel_loop3A_139 : i32 to index
          %parallel_loop3A_155 = arith.constant 16 : index
          %parallel_loop3A_156 = tpu.vector_load %arg12[%parallel_loop3A_154, %parallel_loop3A_155] {strides = array<i32>} : memref<80x128xf32, #tpu.memory_space<vmem>>, vector<16xf32>,
          tpu.vector_store %arg12[%parallel_loop3A_154, %parallel_loop3A_155], %parallel_loop3A_153 {strides = array<i32>} : memref<80x128xf32, #tpu.memory_space<vmem>>, vector<16xf32>,
          %parallel_loop3A_157 = arith.index_cast %parallel_loop3A_139 : i32 to index
          %parallel_loop3A_158 = arith.constant 32 : index
          %parallel_loop3A_159 = tpu.vector_load %arg12[%parallel_loop3A_157, %parallel_loop3A_158] {strides = array<i32>} : memref<80x128xf32, #tpu.memory_space<vmem>>, vector<16xf32>,
          %parallel_loop3A_160 = arith.mulf %parallel_loop3A_159, %parallel_loop3A_142 : vector<16xf32>
          %parallel_loop3A_161 = arith.index_cast %parallel_loop3A_139 : i32 to index
          %parallel_loop3A_162 = arith.constant 32 : index
          %parallel_loop3A_163 = tpu.vector_load %arg12[%parallel_loop3A_161, %parallel_loop3A_162] {strides = array<i32>} : memref<80x128xf32, #tpu.memory_space<vmem>>, vector<16xf32>,
          tpu.vector_store %arg12[%parallel_loop3A_161, %parallel_loop3A_162], %parallel_loop3A_160 {strides = array<i32>} : memref<80x128xf32, #tpu.memory_space<vmem>>, vector<16xf32>,
          %parallel_loop3A_164 = arith.index_cast %parallel_loop3A_139 : i32 to index
          %parallel_loop3A_165 = arith.constant 48 : index
          %parallel_loop3A_166 = tpu.vector_load %arg12[%parallel_loop3A_164, %parallel_loop3A_165] {strides = array<i32>} : memref<80x128xf32, #tpu.memory_space<vmem>>, vector<16xf32>,
          %parallel_loop3A_167 = arith.mulf %parallel_loop3A_166, %parallel_loop3A_142 : vector<16xf32>
          %parallel_loop3A_168 = arith.index_cast %parallel_loop3A_139 : i32 to index
          %parallel_loop3A_169 = arith.constant 48 : index
          %parallel_loop3A_170 = tpu.vector_load %arg12[%parallel_loop3A_168, %parallel_loop3A_169] {strides = array<i32>} : memref<80x128xf32, #tpu.memory_space<vmem>>, vector<16xf32>,
          tpu.vector_store %arg12[%parallel_loop3A_168, %parallel_loop3A_169], %parallel_loop3A_167 {strides = array<i32>} : memref<80x128xf32, #tpu.memory_space<vmem>>, vector<16xf32>,
          %parallel_loop3A_171 = arith.index_cast %parallel_loop3A_139 : i32 to index
          %parallel_loop3A_172 = arith.constant 64 : index
          %parallel_loop3A_173 = tpu.vector_load %arg12[%parallel_loop3A_171, %parallel_loop3A_172] {strides = array<i32>} : memref<80x128xf32, #tpu.memory_space<vmem>>, vector<16xf32>,
          %parallel_loop3A_174 = arith.mulf %parallel_loop3A_173, %parallel_loop3A_142 : vector<16xf32>
          %parallel_loop3A_175 = arith.index_cast %parallel_loop3A_139 : i32 to index
          %parallel_loop3A_176 = arith.constant 64 : index
          %parallel_loop3A_177 = tpu.vector_load %arg12[%parallel_loop3A_175, %parallel_loop3A_176] {strides = array<i32>} : memref<80x128xf32, #tpu.memory_space<vmem>>, vector<16xf32>,
          tpu.vector_store %arg12[%parallel_loop3A_175, %parallel_loop3A_176], %parallel_loop3A_174 {strides = array<i32>} : memref<80x128xf32, #tpu.memory_space<vmem>>, vector<16xf32>,
          %parallel_loop3A_178 = arith.index_cast %parallel_loop3A_139 : i32 to index
          %parallel_loop3A_179 = arith.constant 80 : index
          %parallel_loop3A_180 = tpu.vector_load %arg12[%parallel_loop3A_178, %parallel_loop3A_179] {strides = array<i32>} : memref<80x128xf32, #tpu.memory_space<vmem>>, vector<16xf32>,
          %parallel_loop3A_181 = arith.mulf %parallel_loop3A_180, %parallel_loop3A_142 : vector<16xf32>
          %parallel_loop3A_182 = arith.index_cast %parallel_loop3A_139 : i32 to index
          %parallel_loop3A_183 = arith.constant 80 : index
          %parallel_loop3A_184 = tpu.vector_load %arg12[%parallel_loop3A_182, %parallel_loop3A_183] {strides = array<i32>} : memref<80x128xf32, #tpu.memory_space<vmem>>, vector<16xf32>,
          tpu.vector_store %arg12[%parallel_loop3A_182, %parallel_loop3A_183], %parallel_loop3A_181 {strides = array<i32>} : memref<80x128xf32, #tpu.memory_space<vmem>>, vector<16xf32>,
          %parallel_loop3A_185 = arith.index_cast %parallel_loop3A_139 : i32 to index
          %parallel_loop3A_186 = arith.constant 96 : index
          %parallel_loop3A_187 = tpu.vector_load %arg12[%parallel_loop3A_185, %parallel_loop3A_186] {strides = array<i32>} : memref<80x128xf32, #tpu.memory_space<vmem>>, vector<16xf32>,
          %parallel_loop3A_188 = arith.mulf %parallel_loop3A_187, %parallel_loop3A_142 : vector<16xf32>
          %parallel_loop3A_189 = arith.index_cast %parallel_loop3A_139 : i32 to index
          %parallel_loop3A_190 = arith.constant 96 : index
          %parallel_loop3A_191 = tpu.vector_load %arg12[%parallel_loop3A_189, %parallel_loop3A_190] {strides = array<i32>} : memref<80x128xf32, #tpu.memory_space<vmem>>, vector<16xf32>,
          tpu.vector_store %arg12[%parallel_loop3A_189, %parallel_loop3A_190], %parallel_loop3A_188 {strides = array<i32>} : memref<80x128xf32, #tpu.memory_space<vmem>>, vector<16xf32>,
          %parallel_loop3A_192 = arith.index_cast %parallel_loop3A_139 : i32 to index
          %parallel_loop3A_193 = arith.constant 112 : index
          %parallel_loop3A_194 = tpu.vector_load %arg12[%parallel_loop3A_192, %parallel_loop3A_193] {strides = array<i32>} : memref<80x128xf32, #tpu.memory_space<vmem>>, vector<16xf32>,
          %parallel_loop3A_195 = arith.mulf %parallel_loop3A_194, %parallel_loop3A_142 : vector<16xf32>
          %parallel_loop3A_196 = arith.index_cast %parallel_loop3A_139 : i32 to index
          %parallel_loop3A_197 = arith.constant 112 : index
          %parallel_loop3A_198 = tpu.vector_load %arg12[%parallel_loop3A_196, %parallel_loop3A_197] {strides = array<i32>} : memref<80x128xf32, #tpu.memory_space<vmem>>, vector<16xf32>,
          tpu.vector_store %arg12[%parallel_loop3A_196, %parallel_loop3A_197], %parallel_loop3A_195 {strides = array<i32>} : memref<80x128xf32, #tpu.memory_space<vmem>>, vector<16xf32>,
        } {sc.loop_unroll_factor = 4 : i64, sc.parallel_access}
        "tpu.region"() ({
          %run_scoped3A = tpu.sem_alloc : memref<!tpu.dma_semaphore, #tpu.memory_space<semaphore_mem>>
          %dma_start3A_139 = arith.constant 0 : i32
          %dma_start3A_140 = tpu.memref_slice %arg9[%add3A_128, %dma_start3A_139] : memref<50x80xi32, #tpu.memory_space<vmem>> -> memref<1x80xi32, #tpu.memory_space<vmem>>
          %dma_start3A_141 = tpu.memref_squeeze %dma_start3A_140 : memref<1x80xi32, #tpu.memory_space<vmem>> -> memref<80xi32, #tpu.memory_space<vmem>>
          %dma_start3A_142 = arith.constant 0 : i32
          %dma_start3A_143 = arith.constant 0 : i32
          %dma_start3A_144 = tpu.memref_slice %arg15[%dma_start3A_142, %dma_start3A_143] : memref<10000x128xf32, #tpu.memory_space<vmem_shared>> -> memref<10000x128xf32, #tpu.memory_space<vmem_shared>>
          tpu.enqueue_indirect_dma source(%arg12 : memref<80x128xf32, #tpu.memory_space<vmem>>) target(%dma_start3A_144 : memref<10000x128xf32, #tpu.memory_space<vmem_shared>>) offsets(%dma_start3A_141 : memref<80xi32, #tpu.memory_space<vmem>>) semaphore(%run_scoped3A : memref<!tpu.dma_semaphore, #tpu.memory_space<semaphore_mem>>) {add = true}
          %dma_wait3A_145 = arith.constant 0 : i32
          %dma_wait3A_146 = tpu.memref_slice %arg9[%add3A_128, %dma_wait3A_145] : memref<50x80xi32, #tpu.memory_space<vmem>> -> memref<1x80xi32, #tpu.memory_space<vmem>>
          %dma_wait3A_147 = tpu.memref_squeeze %dma_wait3A_146 : memref<1x80xi32, #tpu.memory_space<vmem>> -> memref<80xi32, #tpu.memory_space<vmem>>
          %dma_wait3A_148 = arith.constant 0 : i32
          %dma_wait3A_149 = arith.constant 0 : i32
          %dma_wait3A_150 = tpu.memref_slice %arg15[%dma_wait3A_148, %dma_wait3A_149] : memref<10000x128xf32, #tpu.memory_space<vmem_shared>> -> memref<10000x128xf32, #tpu.memory_space<vmem_shared>>
          tpu.wait_indirect_dma semaphore(%run_scoped3A : memref<!tpu.dma_semaphore, #tpu.memory_space<semaphore_mem>>) src(%arg12 : memref<80x128xf32, #tpu.memory_space<vmem>>) dst(%dma_wait3A_150 : memref<10000x128xf32, #tpu.memory_space<vmem_shared>>)
          tpu.yield
        }) : () -> ()
        %add3A_132 = arith.constant 3 : i32
        %add3A_133 = arith.addi %mul3A_97, %add3A_132 : i32
        %lt3A_134 = arith.constant 50 : i32
        %lt3A_135 = arith.cmpi slt, %add3A_133, %lt3A_134 : i32
        %convert_element_type3A_136 = arith.extui %lt3A_135 : i1 to i32
        %cond3A_137 = arith.constant 0 : i32
        %cond3A_138 = arith.cmpi ne, %convert_element_type3A_136, %cond3A_137 : i32
        scf.if %cond3A_138 {
          %add3A_139 = arith.constant 3 : i32
          %add3A_140 = arith.addi %mul3A_97, %add3A_139 : i32
          %dma_start3A_141 = arith.constant 0 : i32
          %dma_start3A_142 = tpu.memref_slice %arg8[%add3A_140, %dma_start3A_141] : memref<50x80xi32, #tpu.memory_space<vmem>> -> memref<1x80xi32, #tpu.memory_space<vmem>>
          %dma_start3A_143 = tpu.memref_squeeze %dma_start3A_142 : memref<1x80xi32, #tpu.memory_space<vmem>> -> memref<80xi32, #tpu.memory_space<vmem>>
          %dma_start3A_144 = arith.constant 0 : i32
          %dma_start3A_145 = arith.constant 0 : i32
          %dma_start3A_146 = tpu.memref_slice %arg2[%add3A_1, %dma_start3A_144, %dma_start3A_145] : memref<8x10000x128xf32, #tpu.memory_space<hbm>> -> memref<1x10000x128xf32, #tpu.memory_space<hbm>>
          %dma_start3A_147 = tpu.memref_squeeze %dma_start3A_146 : memref<1x10000x128xf32, #tpu.memory_space<hbm>> -> memref<10000x128xf32, #tpu.memory_space<hbm>>
          %dma_start3A_148 = arith.constant 0 : i32
          %dma_start3A_149 = arith.constant 0 : i32
          %dma_start3A_150 = tpu.memref_slice %dma_start3A_147[%dma_start3A_148, %dma_start3A_149] : memref<10000x128xf32, #tpu.memory_space<hbm>> -> memref<10000x128xf32, #tpu.memory_space<hbm>>
          tpu.enqueue_indirect_dma source(%dma_start3A_150 : memref<10000x128xf32, #tpu.memory_space<hbm>>) target(%arg12 : memref<80x128xf32, #tpu.memory_space<vmem>>) offsets(%dma_start3A_143 : memref<80xi32, #tpu.memory_space<vmem>>) semaphore(%arg14 : memref<!tpu.dma_semaphore, #tpu.memory_space<semaphore_mem>>)
        } else {
        }
      }
      %scan3A_90 = arith.constant 25 : i32
    }
    %scan3A_7 = arith.constant 5 : i32
    %barrier3A_8 = arith.constant 0 : index
    tpu.barrier barrier_id(%barrier3A_8)
    %mul3A_9 = arith.constant 625 : i32
    %mul3A_10 = arith.muli %arg1, %mul3A_9 : i32
    "tpu.region"() ({
      %run_scoped3A = tpu.sem_alloc : memref<!tpu.dma_semaphore, #tpu.memory_space<semaphore_mem>>
      %dma_start3A = arith.constant 0 : i32
      %dma_start3A_60 = arith.constant 0 : i32
      %dma_start3A_61 = tpu.memref_slice %arg7[%add3A_1, %arg1, %dma_start3A, %dma_start3A_60] : memref<8x16x625x128xf32, #tpu.memory_space<hbm>> -> memref<1x1x625x128xf32, #tpu.memory_space<hbm>>
      %dma_start3A_62 = tpu.memref_squeeze %dma_start3A_61 : memref<1x1x625x128xf32, #tpu.memory_space<hbm>> -> memref<625x128xf32, #tpu.memory_space<hbm>>
      %dma_start3A_63 = arith.constant 0 : i32
      %dma_start3A_64 = tpu.memref_slice %arg15[%mul3A_10, %dma_start3A_63] : memref<10000x128xf32, #tpu.memory_space<vmem_shared>> -> memref<625x128xf32, #tpu.memory_space<vmem_shared>>
      tpu.enqueue_dma source(%dma_start3A_64 : memref<625x128xf32, #tpu.memory_space<vmem_shared>>) target(%dma_start3A_62 : memref<625x128xf32, #tpu.memory_space<hbm>>) target_semaphore(%run_scoped3A : memref<!tpu.dma_semaphore, #tpu.memory_space<semaphore_mem>>)
      %dma_wait3A = arith.constant 0 : i32
      %dma_wait3A_65 = arith.constant 0 : i32
      %dma_wait3A_66 = tpu.memref_slice %arg7[%add3A_1, %arg1, %dma_wait3A, %dma_wait3A_65] : memref<8x16x625x128xf32, #tpu.memory_space<hbm>> -> memref<1x1x625x128xf32, #tpu.memory_space<hbm>>
      %dma_wait3A_67 = tpu.memref_squeeze %dma_wait3A_66 : memref<1x1x625x128xf32, #tpu.memory_space<hbm>> -> memref<625x128xf32, #tpu.memory_space<hbm>>
      %dma_wait3A_68 = arith.constant 0 : i32
      %dma_wait3A_69 = tpu.memref_slice %arg15[%mul3A_10, %dma_wait3A_68] : memref<10000x128xf32, #tpu.memory_space<vmem_shared>> -> memref<625x128xf32, #tpu.memory_space<vmem_shared>>
      tpu.wait_dma2 semaphore(%run_scoped3A : memref<!tpu.dma_semaphore, #tpu.memory_space<semaphore_mem>>) src(%dma_wait3A_69 : memref<625x128xf32, #tpu.memory_space<vmem_shared>>) dst(%dma_wait3A_67 : memref<625x128xf32, #tpu.memory_space<hbm>>)
      tpu.yield
    }) : () -> ()
    %barrier3A_11 = arith.constant 0 : index
    tpu.barrier barrier_id(%barrier3A_11)
    %mul3A_12 = arith.constant 4 : i32
    %mul3A_13 = arith.muli %arg0, %mul3A_12 : i32
    %add3A_14 = arith.constant 1 : i32
    %add3A_15 = arith.addi %mul3A_13, %add3A_14 : i32
    %mul3A_16 = arith.constant 625 : i32
    %mul3A_17 = arith.muli %arg1, %mul3A_16 : i32
    "tpu.region"() ({
      %run_scoped3A = tpu.sem_alloc : memref<!tpu.dma_semaphore, #tpu.memory_space<semaphore_mem>>
      %dma_start3A = arith.constant 0 : i32
      %dma_start3A_60 = tpu.memref_slice %arg15[%mul3A_17, %dma_start3A] : memref<10000x128xf32, #tpu.memory_space<vmem_shared>> -> memref<625x128xf32, #tpu.memory_space<vmem_shared>>
      %dma_start3A_61 = arith.constant 0 : i32
      %dma_start3A_62 = arith.constant 0 : i32
      %dma_start3A_63 = tpu.memref_slice %arg3[%add3A_15, %arg1, %dma_start3A_61, %dma_start3A_62] : memref<8x16x625x128xf32, #tpu.memory_space<hbm>> -> memref<1x1x625x128xf32, #tpu.memory_space<hbm>>
      %dma_start3A_64 = tpu.memref_squeeze %dma_start3A_63 : memref<1x1x625x128xf32, #tpu.memory_space<hbm>> -> memref<625x128xf32, #tpu.memory_space<hbm>>
      tpu.enqueue_dma source(%dma_start3A_64 : memref<625x128xf32, #tpu.memory_space<hbm>>) target(%dma_start3A_60 : memref<625x128xf32, #tpu.memory_space<vmem_shared>>) target_semaphore(%run_scoped3A : memref<!tpu.dma_semaphore, #tpu.memory_space<semaphore_mem>>)
      %dma_wait3A = arith.constant 0 : i32
      %dma_wait3A_65 = tpu.memref_slice %arg15[%mul3A_17, %dma_wait3A] : memref<10000x128xf32, #tpu.memory_space<vmem_shared>> -> memref<625x128xf32, #tpu.memory_space<vmem_shared>>
      %dma_wait3A_66 = arith.constant 0 : i32
      %dma_wait3A_67 = arith.constant 0 : i32
      %dma_wait3A_68 = tpu.memref_slice %arg3[%add3A_15, %arg1, %dma_wait3A_66, %dma_wait3A_67] : memref<8x16x625x128xf32, #tpu.memory_space<hbm>> -> memref<1x1x625x128xf32, #tpu.memory_space<hbm>>
      %dma_wait3A_69 = tpu.memref_squeeze %dma_wait3A_68 : memref<1x1x625x128xf32, #tpu.memory_space<hbm>> -> memref<625x128xf32, #tpu.memory_space<hbm>>
      tpu.wait_dma2 semaphore(%run_scoped3A : memref<!tpu.dma_semaphore, #tpu.memory_space<semaphore_mem>>) src(%dma_wait3A_69 : memref<625x128xf32, #tpu.memory_space<hbm>>) dst(%dma_wait3A_65 : memref<625x128xf32, #tpu.memory_space<vmem_shared>>)
      tpu.yield
    }) : () -> ()
    %barrier3A_18 = arith.constant 0 : index
    tpu.barrier barrier_id(%barrier3A_18)
    %scan3A_19 = arith.constant 0 : i32
    %scan3A_20 = arith.constant 5 : i32
    %scan3A_21 = arith.addi %scan3A_19, %scan3A_20 : i32
    %scan3A_22 = arith.constant 1 : i32
    scf.for %scan3A_60 = %scan3A_19 to %scan3A_21 step %scan3A_22  : i32 {
      %mul3A_61 = arith.constant 1 : i32
      %mul3A_62 = arith.muli %scan3A_60, %mul3A_61 : i32
      %add3A_63 = arith.constant 0 : i32
      %add3A_64 = arith.addi %add3A_63, %mul3A_62 : i32
      "tpu.region"() ({
        %run_scoped3A = tpu.sem_alloc : memref<!tpu.dma_semaphore, #tpu.memory_space<semaphore_mem>>
        %dma_start3A_91 = arith.constant 0 : i32
        %dma_start3A_92 = arith.constant 0 : i32
        %dma_start3A_93 = tpu.memref_slice %arg4[%arg1, %add3A_64, %dma_start3A_91, %dma_start3A_92] : memref<16x5x50x80xi32, #tpu.memory_space<hbm>> -> memref<1x1x50x80xi32, #tpu.memory_space<hbm>>
        %dma_start3A_94 = tpu.memref_squeeze %dma_start3A_93 : memref<1x1x50x80xi32, #tpu.memory_space<hbm>> -> memref<50x80xi32, #tpu.memory_space<hbm>>
        %dma_start3A_95 = arith.constant 0 : i32
        %dma_start3A_96 = arith.constant 0 : i32
        %dma_start3A_97 = tpu.memref_slice %arg4[%arg1, %add3A_64, %dma_start3A_95, %dma_start3A_96] : memref<16x5x50x80xi32, #tpu.memory_space<hbm>> -> memref<1x1x50x80xi32, #tpu.memory_space<hbm>>
        %dma_start3A_98 = tpu.memref_squeeze %dma_start3A_97 : memref<1x1x50x80xi32, #tpu.memory_space<hbm>> -> memref<50x80xi32, #tpu.memory_space<hbm>>
        tpu.enqueue_dma source(%dma_start3A_98 : memref<50x80xi32, #tpu.memory_space<hbm>>) target(%arg8 : memref<50x80xi32, #tpu.memory_space<vmem>>) target_semaphore(%run_scoped3A : memref<!tpu.dma_semaphore, #tpu.memory_space<semaphore_mem>>)
        %dma_wait3A = arith.constant 0 : i32
        %dma_wait3A_99 = arith.constant 0 : i32
        %dma_wait3A_100 = tpu.memref_slice %arg4[%arg1, %add3A_64, %dma_wait3A, %dma_wait3A_99] : memref<16x5x50x80xi32, #tpu.memory_space<hbm>> -> memref<1x1x50x80xi32, #tpu.memory_space<hbm>>
        %dma_wait3A_101 = tpu.memref_squeeze %dma_wait3A_100 : memref<1x1x50x80xi32, #tpu.memory_space<hbm>> -> memref<50x80xi32, #tpu.memory_space<hbm>>
        %dma_wait3A_102 = arith.constant 0 : i32
        %dma_wait3A_103 = arith.constant 0 : i32
        %dma_wait3A_104 = tpu.memref_slice %arg4[%arg1, %add3A_64, %dma_wait3A_102, %dma_wait3A_103] : memref<16x5x50x80xi32, #tpu.memory_space<hbm>> -> memref<1x1x50x80xi32, #tpu.memory_space<hbm>>
        %dma_wait3A_105 = tpu.memref_squeeze %dma_wait3A_104 : memref<1x1x50x80xi32, #tpu.memory_space<hbm>> -> memref<50x80xi32, #tpu.memory_space<hbm>>
        tpu.wait_dma2 semaphore(%run_scoped3A : memref<!tpu.dma_semaphore, #tpu.memory_space<semaphore_mem>>) src(%dma_wait3A_105 : memref<50x80xi32, #tpu.memory_space<hbm>>) dst(%arg8 : memref<50x80xi32, #tpu.memory_space<vmem>>)
        tpu.yield
      }) : () -> ()
      "tpu.region"() ({
        %run_scoped3A = tpu.sem_alloc : memref<!tpu.dma_semaphore, #tpu.memory_space<semaphore_mem>>
        %dma_start3A_91 = arith.constant 0 : i32
        %dma_start3A_92 = arith.constant 0 : i32
        %dma_start3A_93 = tpu.memref_slice %arg5[%arg1, %add3A_64, %dma_start3A_91, %dma_start3A_92] : memref<16x5x50x80xi32, #tpu.memory_space<hbm>> -> memref<1x1x50x80xi32, #tpu.memory_space<hbm>>
        %dma_start3A_94 = tpu.memref_squeeze %dma_start3A_93 : memref<1x1x50x80xi32, #tpu.memory_space<hbm>> -> memref<50x80xi32, #tpu.memory_space<hbm>>
        %dma_start3A_95 = arith.constant 0 : i32
        %dma_start3A_96 = arith.constant 0 : i32
        %dma_start3A_97 = tpu.memref_slice %arg5[%arg1, %add3A_64, %dma_start3A_95, %dma_start3A_96] : memref<16x5x50x80xi32, #tpu.memory_space<hbm>> -> memref<1x1x50x80xi32, #tpu.memory_space<hbm>>
        %dma_start3A_98 = tpu.memref_squeeze %dma_start3A_97 : memref<1x1x50x80xi32, #tpu.memory_space<hbm>> -> memref<50x80xi32, #tpu.memory_space<hbm>>
        tpu.enqueue_dma source(%dma_start3A_98 : memref<50x80xi32, #tpu.memory_space<hbm>>) target(%arg9 : memref<50x80xi32, #tpu.memory_space<vmem>>) target_semaphore(%run_scoped3A : memref<!tpu.dma_semaphore, #tpu.memory_space<semaphore_mem>>)
        %dma_wait3A = arith.constant 0 : i32
        %dma_wait3A_99 = arith.constant 0 : i32
        %dma_wait3A_100 = tpu.memref_slice %arg5[%arg1, %add3A_64, %dma_wait3A, %dma_wait3A_99] : memref<16x5x50x80xi32, #tpu.memory_space<hbm>> -> memref<1x1x50x80xi32, #tpu.memory_space<hbm>>
        %dma_wait3A_101 = tpu.memref_squeeze %dma_wait3A_100 : memref<1x1x50x80xi32, #tpu.memory_space<hbm>> -> memref<50x80xi32, #tpu.memory_space<hbm>>
        %dma_wait3A_102 = arith.constant 0 : i32
        %dma_wait3A_103 = arith.constant 0 : i32
        %dma_wait3A_104 = tpu.memref_slice %arg5[%arg1, %add3A_64, %dma_wait3A_102, %dma_wait3A_103] : memref<16x5x50x80xi32, #tpu.memory_space<hbm>> -> memref<1x1x50x80xi32, #tpu.memory_space<hbm>>
        %dma_wait3A_105 = tpu.memref_squeeze %dma_wait3A_104 : memref<1x1x50x80xi32, #tpu.memory_space<hbm>> -> memref<50x80xi32, #tpu.memory_space<hbm>>
        tpu.wait_dma2 semaphore(%run_scoped3A : memref<!tpu.dma_semaphore, #tpu.memory_space<semaphore_mem>>) src(%dma_wait3A_105 : memref<50x80xi32, #tpu.memory_space<hbm>>) dst(%arg9 : memref<50x80xi32, #tpu.memory_space<vmem>>)
        tpu.yield
      }) : () -> ()
      "tpu.region"() ({
        %run_scoped3A = tpu.sem_alloc : memref<!tpu.dma_semaphore, #tpu.memory_space<semaphore_mem>>
        %dma_start3A_91 = arith.constant 0 : i32
        %dma_start3A_92 = arith.constant 0 : i32
        %dma_start3A_93 = tpu.memref_slice %arg6[%arg1, %add3A_64, %dma_start3A_91, %dma_start3A_92] : memref<16x5x50x80xf32, #tpu.memory_space<hbm>> -> memref<1x1x50x80xf32, #tpu.memory_space<hbm>>
        %dma_start3A_94 = tpu.memref_squeeze %dma_start3A_93 : memref<1x1x50x80xf32, #tpu.memory_space<hbm>> -> memref<50x80xf32, #tpu.memory_space<hbm>>
        %dma_start3A_95 = arith.constant 0 : i32
        %dma_start3A_96 = arith.constant 0 : i32
        %dma_start3A_97 = tpu.memref_slice %arg6[%arg1, %add3A_64, %dma_start3A_95, %dma_start3A_96] : memref<16x5x50x80xf32, #tpu.memory_space<hbm>> -> memref<1x1x50x80xf32, #tpu.memory_space<hbm>>
        %dma_start3A_98 = tpu.memref_squeeze %dma_start3A_97 : memref<1x1x50x80xf32, #tpu.memory_space<hbm>> -> memref<50x80xf32, #tpu.memory_space<hbm>>
        tpu.enqueue_dma source(%dma_start3A_98 : memref<50x80xf32, #tpu.memory_space<hbm>>) target(%arg10 : memref<50x80xf32, #tpu.memory_space<vmem>>) target_semaphore(%run_scoped3A : memref<!tpu.dma_semaphore, #tpu.memory_space<semaphore_mem>>)
        %dma_wait3A = arith.constant 0 : i32
        %dma_wait3A_99 = arith.constant 0 : i32
        %dma_wait3A_100 = tpu.memref_slice %arg6[%arg1, %add3A_64, %dma_wait3A, %dma_wait3A_99] : memref<16x5x50x80xf32, #tpu.memory_space<hbm>> -> memref<1x1x50x80xf32, #tpu.memory_space<hbm>>
        %dma_wait3A_101 = tpu.memref_squeeze %dma_wait3A_100 : memref<1x1x50x80xf32, #tpu.memory_space<hbm>> -> memref<50x80xf32, #tpu.memory_space<hbm>>
        %dma_wait3A_102 = arith.constant 0 : i32
        %dma_wait3A_103 = arith.constant 0 : i32
        %dma_wait3A_104 = tpu.memref_slice %arg6[%arg1, %add3A_64, %dma_wait3A_102, %dma_wait3A_103] : memref<16x5x50x80xf32, #tpu.memory_space<hbm>> -> memref<1x1x50x80xf32, #tpu.memory_space<hbm>>
        %dma_wait3A_105 = tpu.memref_squeeze %dma_wait3A_104 : memref<1x1x50x80xf32, #tpu.memory_space<hbm>> -> memref<50x80xf32, #tpu.memory_space<hbm>>
        tpu.wait_dma2 semaphore(%run_scoped3A : memref<!tpu.dma_semaphore, #tpu.memory_space<semaphore_mem>>) src(%dma_wait3A_105 : memref<50x80xf32, #tpu.memory_space<hbm>>) dst(%arg10 : memref<50x80xf32, #tpu.memory_space<vmem>>)
        tpu.yield
      }) : () -> ()
      %dma_start3A = arith.constant 0 : i32
      %dma_start3A_65 = arith.constant 0 : i32
      %dma_start3A_66 = tpu.memref_slice %arg8[%dma_start3A, %dma_start3A_65] : memref<50x80xi32, #tpu.memory_space<vmem>> -> memref<1x80xi32, #tpu.memory_space<vmem>>
      %dma_start3A_67 = tpu.memref_squeeze %dma_start3A_66 : memref<1x80xi32, #tpu.memory_space<vmem>> -> memref<80xi32, #tpu.memory_space<vmem>>
      %dma_start3A_68 = arith.constant 0 : i32
      %dma_start3A_69 = arith.constant 0 : i32
      %dma_start3A_70 = tpu.memref_slice %arg2[%add3A_15, %dma_start3A_68, %dma_start3A_69] : memref<8x10000x128xf32, #tpu.memory_space<hbm>> -> memref<1x10000x128xf32, #tpu.memory_space<hbm>>
      %dma_start3A_71 = tpu.memref_squeeze %dma_start3A_70 : memref<1x10000x128xf32, #tpu.memory_space<hbm>> -> memref<10000x128xf32, #tpu.memory_space<hbm>>
      %dma_start3A_72 = arith.constant 0 : i32
      %dma_start3A_73 = arith.constant 0 : i32
      %dma_start3A_74 = tpu.memref_slice %dma_start3A_71[%dma_start3A_72, %dma_start3A_73] : memref<10000x128xf32, #tpu.memory_space<hbm>> -> memref<10000x128xf32, #tpu.memory_space<hbm>>
      tpu.enqueue_indirect_dma source(%dma_start3A_74 : memref<10000x128xf32, #tpu.memory_space<hbm>>) target(%arg11 : memref<80x128xf32, #tpu.memory_space<vmem>>) offsets(%dma_start3A_67 : memref<80xi32, #tpu.memory_space<vmem>>) semaphore(%arg13 : memref<!tpu.dma_semaphore, #tpu.memory_space<semaphore_mem>>)
      %dma_start3A_75 = arith.constant 1 : i32
      %dma_start3A_76 = arith.constant 0 : i32
      %dma_start3A_77 = tpu.memref_slice %arg8[%dma_start3A_75, %dma_start3A_76] : memref<50x80xi32, #tpu.memory_space<vmem>> -> memref<1x80xi32, #tpu.memory_space<vmem>>
      %dma_start3A_78 = tpu.memref_squeeze %dma_start3A_77 : memref<1x80xi32, #tpu.memory_space<vmem>> -> memref<80xi32, #tpu.memory_space<vmem>>
      %dma_start3A_79 = arith.constant 0 : i32
      %dma_start3A_80 = arith.constant 0 : i32
      %dma_start3A_81 = tpu.memref_slice %arg2[%add3A_15, %dma_start3A_79, %dma_start3A_80] : memref<8x10000x128xf32, #tpu.memory_space<hbm>> -> memref<1x10000x128xf32, #tpu.memory_space<hbm>>
      %dma_start3A_82 = tpu.memref_squeeze %dma_start3A_81 : memref<1x10000x128xf32, #tpu.memory_space<hbm>> -> memref<10000x128xf32, #tpu.memory_space<hbm>>
      %dma_start3A_83 = arith.constant 0 : i32
      %dma_start3A_84 = arith.constant 0 : i32
      %dma_start3A_85 = tpu.memref_slice %dma_start3A_82[%dma_start3A_83, %dma_start3A_84] : memref<10000x128xf32, #tpu.memory_space<hbm>> -> memref<10000x128xf32, #tpu.memory_space<hbm>>
      tpu.enqueue_indirect_dma source(%dma_start3A_85 : memref<10000x128xf32, #tpu.memory_space<hbm>>) target(%arg12 : memref<80x128xf32, #tpu.memory_space<vmem>>) offsets(%dma_start3A_78 : memref<80xi32, #tpu.memory_space<vmem>>) semaphore(%arg14 : memref<!tpu.dma_semaphore, #tpu.memory_space<semaphore_mem>>)
      %scan3A_86 = arith.constant 0 : i32
      %scan3A_87 = arith.constant 25 : i32
      %scan3A_88 = arith.addi %scan3A_86, %scan3A_87 : i32
      %scan3A_89 = arith.constant 1 : i32
      scf.for %scan3A_91 = %scan3A_86 to %scan3A_88 step %scan3A_89  : i32 {
        %mul3A_92 = arith.constant 1 : i32
        %mul3A_93 = arith.muli %scan3A_91, %mul3A_92 : i32
        %add3A_94 = arith.constant 0 : i32
        %add3A_95 = arith.addi %add3A_94, %mul3A_93 : i32
        %mul3A_96 = arith.constant 2 : i32
        %mul3A_97 = arith.muli %mul3A_96, %add3A_95 : i32
        %dma_wait3A = arith.constant 0 : i32
        %dma_wait3A_98 = arith.constant 0 : i32
        %dma_wait3A_99 = arith.constant 0 : i32
        %dma_wait3A_100 = tpu.memref_slice %arg8[%dma_wait3A_98, %dma_wait3A_99] : memref<50x80xi32, #tpu.memory_space<vmem>> -> memref<1x80xi32, #tpu.memory_space<vmem>>
        %dma_wait3A_101 = tpu.memref_squeeze %dma_wait3A_100 : memref<1x80xi32, #tpu.memory_space<vmem>> -> memref<80xi32, #tpu.memory_space<vmem>>
        %dma_wait3A_102 = arith.constant 0 : i32
        %dma_wait3A_103 = arith.constant 0 : i32
        %dma_wait3A_104 = tpu.memref_slice %arg2[%dma_wait3A, %dma_wait3A_102, %dma_wait3A_103] : memref<8x10000x128xf32, #tpu.memory_space<hbm>> -> memref<1x10000x128xf32, #tpu.memory_space<hbm>>
        %dma_wait3A_105 = tpu.memref_squeeze %dma_wait3A_104 : memref<1x10000x128xf32, #tpu.memory_space<hbm>> -> memref<10000x128xf32, #tpu.memory_space<hbm>>
        %dma_wait3A_106 = arith.constant 0 : i32
        %dma_wait3A_107 = arith.constant 0 : i32
        %dma_wait3A_108 = tpu.memref_slice %dma_wait3A_105[%dma_wait3A_106, %dma_wait3A_107] : memref<10000x128xf32, #tpu.memory_space<hbm>> -> memref<10000x128xf32, #tpu.memory_space<hbm>>
        tpu.wait_indirect_dma semaphore(%arg13 : memref<!tpu.dma_semaphore, #tpu.memory_space<semaphore_mem>>) src(%dma_wait3A_108 : memref<10000x128xf32, #tpu.memory_space<hbm>>) dst(%arg11 : memref<80x128xf32, #tpu.memory_space<vmem>>)
        %parallel_loop3A = arith.constant 0 : i32
        %parallel_loop3A_109 = arith.constant 80 : i32
        %parallel_loop3A_110 = arith.constant 1 : i32
        scf.for %parallel_loop3A_139 = %parallel_loop3A to %parallel_loop3A_109 step %parallel_loop3A_110  : i32 {
          %parallel_loop3A_140 = vector.broadcast %mul3A_97 : i32 to vector<16xi32>
          %parallel_loop3A_141 = vector.broadcast %parallel_loop3A_139 : i32 to vector<16xi32>
          %parallel_loop3A_142 = tpu.vector_load_idx %arg10[%parallel_loop3A_140, %parallel_loop3A_141] : memref<50x80xf32, #tpu.memory_space<vmem>>[vector<16xi32>, vector<16xi32>], vector<16xf32>,
          %parallel_loop3A_143 = arith.index_cast %parallel_loop3A_139 : i32 to index
          %parallel_loop3A_144 = arith.constant 0 : index
          %parallel_loop3A_145 = tpu.vector_load %arg11[%parallel_loop3A_143, %parallel_loop3A_144] {strides = array<i32>} : memref<80x128xf32, #tpu.memory_space<vmem>>, vector<16xf32>,
          %parallel_loop3A_146 = arith.mulf %parallel_loop3A_145, %parallel_loop3A_142 : vector<16xf32>
          %parallel_loop3A_147 = arith.index_cast %parallel_loop3A_139 : i32 to index
          %parallel_loop3A_148 = arith.constant 0 : index
          %parallel_loop3A_149 = tpu.vector_load %arg11[%parallel_loop3A_147, %parallel_loop3A_148] {strides = array<i32>} : memref<80x128xf32, #tpu.memory_space<vmem>>, vector<16xf32>,
          tpu.vector_store %arg11[%parallel_loop3A_147, %parallel_loop3A_148], %parallel_loop3A_146 {strides = array<i32>} : memref<80x128xf32, #tpu.memory_space<vmem>>, vector<16xf32>,
          %parallel_loop3A_150 = arith.index_cast %parallel_loop3A_139 : i32 to index
          %parallel_loop3A_151 = arith.constant 16 : index
          %parallel_loop3A_152 = tpu.vector_load %arg11[%parallel_loop3A_150, %parallel_loop3A_151] {strides = array<i32>} : memref<80x128xf32, #tpu.memory_space<vmem>>, vector<16xf32>,
          %parallel_loop3A_153 = arith.mulf %parallel_loop3A_152, %parallel_loop3A_142 : vector<16xf32>
          %parallel_loop3A_154 = arith.index_cast %parallel_loop3A_139 : i32 to index
          %parallel_loop3A_155 = arith.constant 16 : index
          %parallel_loop3A_156 = tpu.vector_load %arg11[%parallel_loop3A_154, %parallel_loop3A_155] {strides = array<i32>} : memref<80x128xf32, #tpu.memory_space<vmem>>, vector<16xf32>,
          tpu.vector_store %arg11[%parallel_loop3A_154, %parallel_loop3A_155], %parallel_loop3A_153 {strides = array<i32>} : memref<80x128xf32, #tpu.memory_space<vmem>>, vector<16xf32>,
          %parallel_loop3A_157 = arith.index_cast %parallel_loop3A_139 : i32 to index
          %parallel_loop3A_158 = arith.constant 32 : index
          %parallel_loop3A_159 = tpu.vector_load %arg11[%parallel_loop3A_157, %parallel_loop3A_158] {strides = array<i32>} : memref<80x128xf32, #tpu.memory_space<vmem>>, vector<16xf32>,
          %parallel_loop3A_160 = arith.mulf %parallel_loop3A_159, %parallel_loop3A_142 : vector<16xf32>
          %parallel_loop3A_161 = arith.index_cast %parallel_loop3A_139 : i32 to index
          %parallel_loop3A_162 = arith.constant 32 : index
          %parallel_loop3A_163 = tpu.vector_load %arg11[%parallel_loop3A_161, %parallel_loop3A_162] {strides = array<i32>} : memref<80x128xf32, #tpu.memory_space<vmem>>, vector<16xf32>,
          tpu.vector_store %arg11[%parallel_loop3A_161, %parallel_loop3A_162], %parallel_loop3A_160 {strides = array<i32>} : memref<80x128xf32, #tpu.memory_space<vmem>>, vector<16xf32>,
          %parallel_loop3A_164 = arith.index_cast %parallel_loop3A_139 : i32 to index
          %parallel_loop3A_165 = arith.constant 48 : index
          %parallel_loop3A_166 = tpu.vector_load %arg11[%parallel_loop3A_164, %parallel_loop3A_165] {strides = array<i32>} : memref<80x128xf32, #tpu.memory_space<vmem>>, vector<16xf32>,
          %parallel_loop3A_167 = arith.mulf %parallel_loop3A_166, %parallel_loop3A_142 : vector<16xf32>
          %parallel_loop3A_168 = arith.index_cast %parallel_loop3A_139 : i32 to index
          %parallel_loop3A_169 = arith.constant 48 : index
          %parallel_loop3A_170 = tpu.vector_load %arg11[%parallel_loop3A_168, %parallel_loop3A_169] {strides = array<i32>} : memref<80x128xf32, #tpu.memory_space<vmem>>, vector<16xf32>,
          tpu.vector_store %arg11[%parallel_loop3A_168, %parallel_loop3A_169], %parallel_loop3A_167 {strides = array<i32>} : memref<80x128xf32, #tpu.memory_space<vmem>>, vector<16xf32>,
          %parallel_loop3A_171 = arith.index_cast %parallel_loop3A_139 : i32 to index
          %parallel_loop3A_172 = arith.constant 64 : index
          %parallel_loop3A_173 = tpu.vector_load %arg11[%parallel_loop3A_171, %parallel_loop3A_172] {strides = array<i32>} : memref<80x128xf32, #tpu.memory_space<vmem>>, vector<16xf32>,
          %parallel_loop3A_174 = arith.mulf %parallel_loop3A_173, %parallel_loop3A_142 : vector<16xf32>
          %parallel_loop3A_175 = arith.index_cast %parallel_loop3A_139 : i32 to index
          %parallel_loop3A_176 = arith.constant 64 : index
          %parallel_loop3A_177 = tpu.vector_load %arg11[%parallel_loop3A_175, %parallel_loop3A_176] {strides = array<i32>} : memref<80x128xf32, #tpu.memory_space<vmem>>, vector<16xf32>,
          tpu.vector_store %arg11[%parallel_loop3A_175, %parallel_loop3A_176], %parallel_loop3A_174 {strides = array<i32>} : memref<80x128xf32, #tpu.memory_space<vmem>>, vector<16xf32>,
          %parallel_loop3A_178 = arith.index_cast %parallel_loop3A_139 : i32 to index
          %parallel_loop3A_179 = arith.constant 80 : index
          %parallel_loop3A_180 = tpu.vector_load %arg11[%parallel_loop3A_178, %parallel_loop3A_179] {strides = array<i32>} : memref<80x128xf32, #tpu.memory_space<vmem>>, vector<16xf32>,
          %parallel_loop3A_181 = arith.mulf %parallel_loop3A_180, %parallel_loop3A_142 : vector<16xf32>
          %parallel_loop3A_182 = arith.index_cast %parallel_loop3A_139 : i32 to index
          %parallel_loop3A_183 = arith.constant 80 : index
          %parallel_loop3A_184 = tpu.vector_load %arg11[%parallel_loop3A_182, %parallel_loop3A_183] {strides = array<i32>} : memref<80x128xf32, #tpu.memory_space<vmem>>, vector<16xf32>,
          tpu.vector_store %arg11[%parallel_loop3A_182, %parallel_loop3A_183], %parallel_loop3A_181 {strides = array<i32>} : memref<80x128xf32, #tpu.memory_space<vmem>>, vector<16xf32>,
          %parallel_loop3A_185 = arith.index_cast %parallel_loop3A_139 : i32 to index
          %parallel_loop3A_186 = arith.constant 96 : index
          %parallel_loop3A_187 = tpu.vector_load %arg11[%parallel_loop3A_185, %parallel_loop3A_186] {strides = array<i32>} : memref<80x128xf32, #tpu.memory_space<vmem>>, vector<16xf32>,
          %parallel_loop3A_188 = arith.mulf %parallel_loop3A_187, %parallel_loop3A_142 : vector<16xf32>
          %parallel_loop3A_189 = arith.index_cast %parallel_loop3A_139 : i32 to index
          %parallel_loop3A_190 = arith.constant 96 : index
          %parallel_loop3A_191 = tpu.vector_load %arg11[%parallel_loop3A_189, %parallel_loop3A_190] {strides = array<i32>} : memref<80x128xf32, #tpu.memory_space<vmem>>, vector<16xf32>,
          tpu.vector_store %arg11[%parallel_loop3A_189, %parallel_loop3A_190], %parallel_loop3A_188 {strides = array<i32>} : memref<80x128xf32, #tpu.memory_space<vmem>>, vector<16xf32>,
          %parallel_loop3A_192 = arith.index_cast %parallel_loop3A_139 : i32 to index
          %parallel_loop3A_193 = arith.constant 112 : index
          %parallel_loop3A_194 = tpu.vector_load %arg11[%parallel_loop3A_192, %parallel_loop3A_193] {strides = array<i32>} : memref<80x128xf32, #tpu.memory_space<vmem>>, vector<16xf32>,
          %parallel_loop3A_195 = arith.mulf %parallel_loop3A_194, %parallel_loop3A_142 : vector<16xf32>
          %parallel_loop3A_196 = arith.index_cast %parallel_loop3A_139 : i32 to index
          %parallel_loop3A_197 = arith.constant 112 : index
          %parallel_loop3A_198 = tpu.vector_load %arg11[%parallel_loop3A_196, %parallel_loop3A_197] {strides = array<i32>} : memref<80x128xf32, #tpu.memory_space<vmem>>, vector<16xf32>,
          tpu.vector_store %arg11[%parallel_loop3A_196, %parallel_loop3A_197], %parallel_loop3A_195 {strides = array<i32>} : memref<80x128xf32, #tpu.memory_space<vmem>>, vector<16xf32>,
        } {sc.loop_unroll_factor = 4 : i64, sc.parallel_access}
        "tpu.region"() ({
          %run_scoped3A = tpu.sem_alloc : memref<!tpu.dma_semaphore, #tpu.memory_space<semaphore_mem>>
          %dma_start3A_139 = arith.constant 0 : i32
          %dma_start3A_140 = tpu.memref_slice %arg9[%mul3A_97, %dma_start3A_139] : memref<50x80xi32, #tpu.memory_space<vmem>> -> memref<1x80xi32, #tpu.memory_space<vmem>>
          %dma_start3A_141 = tpu.memref_squeeze %dma_start3A_140 : memref<1x80xi32, #tpu.memory_space<vmem>> -> memref<80xi32, #tpu.memory_space<vmem>>
          %dma_start3A_142 = arith.constant 0 : i32
          %dma_start3A_143 = arith.constant 0 : i32
          %dma_start3A_144 = tpu.memref_slice %arg15[%dma_start3A_142, %dma_start3A_143] : memref<10000x128xf32, #tpu.memory_space<vmem_shared>> -> memref<10000x128xf32, #tpu.memory_space<vmem_shared>>
          tpu.enqueue_indirect_dma source(%arg11 : memref<80x128xf32, #tpu.memory_space<vmem>>) target(%dma_start3A_144 : memref<10000x128xf32, #tpu.memory_space<vmem_shared>>) offsets(%dma_start3A_141 : memref<80xi32, #tpu.memory_space<vmem>>) semaphore(%run_scoped3A : memref<!tpu.dma_semaphore, #tpu.memory_space<semaphore_mem>>) {add = true}
          %dma_wait3A_145 = arith.constant 0 : i32
          %dma_wait3A_146 = tpu.memref_slice %arg9[%mul3A_97, %dma_wait3A_145] : memref<50x80xi32, #tpu.memory_space<vmem>> -> memref<1x80xi32, #tpu.memory_space<vmem>>
          %dma_wait3A_147 = tpu.memref_squeeze %dma_wait3A_146 : memref<1x80xi32, #tpu.memory_space<vmem>> -> memref<80xi32, #tpu.memory_space<vmem>>
          %dma_wait3A_148 = arith.constant 0 : i32
          %dma_wait3A_149 = arith.constant 0 : i32
          %dma_wait3A_150 = tpu.memref_slice %arg15[%dma_wait3A_148, %dma_wait3A_149] : memref<10000x128xf32, #tpu.memory_space<vmem_shared>> -> memref<10000x128xf32, #tpu.memory_space<vmem_shared>>
          tpu.wait_indirect_dma semaphore(%run_scoped3A : memref<!tpu.dma_semaphore, #tpu.memory_space<semaphore_mem>>) src(%arg11 : memref<80x128xf32, #tpu.memory_space<vmem>>) dst(%dma_wait3A_150 : memref<10000x128xf32, #tpu.memory_space<vmem_shared>>)
          tpu.yield
        }) : () -> ()
        %add3A_111 = arith.constant 2 : i32
        %add3A_112 = arith.addi %mul3A_97, %add3A_111 : i32
        %lt3A = arith.constant 50 : i32
        %lt3A_113 = arith.cmpi slt, %add3A_112, %lt3A : i32
        %convert_element_type3A = arith.extui %lt3A_113 : i1 to i32
        %cond3A = arith.constant 0 : i32
        %cond3A_114 = arith.cmpi ne, %convert_element_type3A, %cond3A : i32
        scf.if %cond3A_114 {
          %add3A_139 = arith.constant 2 : i32
          %add3A_140 = arith.addi %mul3A_97, %add3A_139 : i32
          %dma_start3A_141 = arith.constant 0 : i32
          %dma_start3A_142 = tpu.memref_slice %arg8[%add3A_140, %dma_start3A_141] : memref<50x80xi32, #tpu.memory_space<vmem>> -> memref<1x80xi32, #tpu.memory_space<vmem>>
          %dma_start3A_143 = tpu.memref_squeeze %dma_start3A_142 : memref<1x80xi32, #tpu.memory_space<vmem>> -> memref<80xi32, #tpu.memory_space<vmem>>
          %dma_start3A_144 = arith.constant 0 : i32
          %dma_start3A_145 = arith.constant 0 : i32
          %dma_start3A_146 = tpu.memref_slice %arg2[%add3A_15, %dma_start3A_144, %dma_start3A_145] : memref<8x10000x128xf32, #tpu.memory_space<hbm>> -> memref<1x10000x128xf32, #tpu.memory_space<hbm>>
          %dma_start3A_147 = tpu.memref_squeeze %dma_start3A_146 : memref<1x10000x128xf32, #tpu.memory_space<hbm>> -> memref<10000x128xf32, #tpu.memory_space<hbm>>
          %dma_start3A_148 = arith.constant 0 : i32
          %dma_start3A_149 = arith.constant 0 : i32
          %dma_start3A_150 = tpu.memref_slice %dma_start3A_147[%dma_start3A_148, %dma_start3A_149] : memref<10000x128xf32, #tpu.memory_space<hbm>> -> memref<10000x128xf32, #tpu.memory_space<hbm>>
          tpu.enqueue_indirect_dma source(%dma_start3A_150 : memref<10000x128xf32, #tpu.memory_space<hbm>>) target(%arg11 : memref<80x128xf32, #tpu.memory_space<vmem>>) offsets(%dma_start3A_143 : memref<80xi32, #tpu.memory_space<vmem>>) semaphore(%arg13 : memref<!tpu.dma_semaphore, #tpu.memory_space<semaphore_mem>>)
        } else {
        }
        %dma_wait3A_115 = arith.constant 0 : i32
        %dma_wait3A_116 = arith.constant 0 : i32
        %dma_wait3A_117 = arith.constant 0 : i32
        %dma_wait3A_118 = tpu.memref_slice %arg8[%dma_wait3A_116, %dma_wait3A_117] : memref<50x80xi32, #tpu.memory_space<vmem>> -> memref<1x80xi32, #tpu.memory_space<vmem>>
        %dma_wait3A_119 = tpu.memref_squeeze %dma_wait3A_118 : memref<1x80xi32, #tpu.memory_space<vmem>> -> memref<80xi32, #tpu.memory_space<vmem>>
        %dma_wait3A_120 = arith.constant 0 : i32
        %dma_wait3A_121 = arith.constant 0 : i32
        %dma_wait3A_122 = tpu.memref_slice %arg2[%dma_wait3A_115, %dma_wait3A_120, %dma_wait3A_121] : memref<8x10000x128xf32, #tpu.memory_space<hbm>> -> memref<1x10000x128xf32, #tpu.memory_space<hbm>>
        %dma_wait3A_123 = tpu.memref_squeeze %dma_wait3A_122 : memref<1x10000x128xf32, #tpu.memory_space<hbm>> -> memref<10000x128xf32, #tpu.memory_space<hbm>>
        %dma_wait3A_124 = arith.constant 0 : i32
        %dma_wait3A_125 = arith.constant 0 : i32
        %dma_wait3A_126 = tpu.memref_slice %dma_wait3A_123[%dma_wait3A_124, %dma_wait3A_125] : memref<10000x128xf32, #tpu.memory_space<hbm>> -> memref<10000x128xf32, #tpu.memory_space<hbm>>
        tpu.wait_indirect_dma semaphore(%arg14 : memref<!tpu.dma_semaphore, #tpu.memory_space<semaphore_mem>>) src(%dma_wait3A_126 : memref<10000x128xf32, #tpu.memory_space<hbm>>) dst(%arg12 : memref<80x128xf32, #tpu.memory_space<vmem>>)
        %add3A_127 = arith.constant 1 : i32
        %add3A_128 = arith.addi %mul3A_97, %add3A_127 : i32
        %parallel_loop3A_129 = arith.constant 0 : i32
        %parallel_loop3A_130 = arith.constant 80 : i32
        %parallel_loop3A_131 = arith.constant 1 : i32
        scf.for %parallel_loop3A_139 = %parallel_loop3A_129 to %parallel_loop3A_130 step %parallel_loop3A_131  : i32 {
          %parallel_loop3A_140 = vector.broadcast %add3A_128 : i32 to vector<16xi32>
          %parallel_loop3A_141 = vector.broadcast %parallel_loop3A_139 : i32 to vector<16xi32>
          %parallel_loop3A_142 = tpu.vector_load_idx %arg10[%parallel_loop3A_140, %parallel_loop3A_141] : memref<50x80xf32, #tpu.memory_space<vmem>>[vector<16xi32>, vector<16xi32>], vector<16xf32>,
          %parallel_loop3A_143 = arith.index_cast %parallel_loop3A_139 : i32 to index
          %parallel_loop3A_144 = arith.constant 0 : index
          %parallel_loop3A_145 = tpu.vector_load %arg12[%parallel_loop3A_143, %parallel_loop3A_144] {strides = array<i32>} : memref<80x128xf32, #tpu.memory_space<vmem>>, vector<16xf32>,
          %parallel_loop3A_146 = arith.mulf %parallel_loop3A_145, %parallel_loop3A_142 : vector<16xf32>
          %parallel_loop3A_147 = arith.index_cast %parallel_loop3A_139 : i32 to index
          %parallel_loop3A_148 = arith.constant 0 : index
          %parallel_loop3A_149 = tpu.vector_load %arg12[%parallel_loop3A_147, %parallel_loop3A_148] {strides = array<i32>} : memref<80x128xf32, #tpu.memory_space<vmem>>, vector<16xf32>,
          tpu.vector_store %arg12[%parallel_loop3A_147, %parallel_loop3A_148], %parallel_loop3A_146 {strides = array<i32>} : memref<80x128xf32, #tpu.memory_space<vmem>>, vector<16xf32>,
          %parallel_loop3A_150 = arith.index_cast %parallel_loop3A_139 : i32 to index
          %parallel_loop3A_151 = arith.constant 16 : index
          %parallel_loop3A_152 = tpu.vector_load %arg12[%parallel_loop3A_150, %parallel_loop3A_151] {strides = array<i32>} : memref<80x128xf32, #tpu.memory_space<vmem>>, vector<16xf32>,
          %parallel_loop3A_153 = arith.mulf %parallel_loop3A_152, %parallel_loop3A_142 : vector<16xf32>
          %parallel_loop3A_154 = arith.index_cast %parallel_loop3A_139 : i32 to index
          %parallel_loop3A_155 = arith.constant 16 : index
          %parallel_loop3A_156 = tpu.vector_load %arg12[%parallel_loop3A_154, %parallel_loop3A_155] {strides = array<i32>} : memref<80x128xf32, #tpu.memory_space<vmem>>, vector<16xf32>,
          tpu.vector_store %arg12[%parallel_loop3A_154, %parallel_loop3A_155], %parallel_loop3A_153 {strides = array<i32>} : memref<80x128xf32, #tpu.memory_space<vmem>>, vector<16xf32>,
          %parallel_loop3A_157 = arith.index_cast %parallel_loop3A_139 : i32 to index
          %parallel_loop3A_158 = arith.constant 32 : index
          %parallel_loop3A_159 = tpu.vector_load %arg12[%parallel_loop3A_157, %parallel_loop3A_158] {strides = array<i32>} : memref<80x128xf32, #tpu.memory_space<vmem>>, vector<16xf32>,
          %parallel_loop3A_160 = arith.mulf %parallel_loop3A_159, %parallel_loop3A_142 : vector<16xf32>
          %parallel_loop3A_161 = arith.index_cast %parallel_loop3A_139 : i32 to index
          %parallel_loop3A_162 = arith.constant 32 : index
          %parallel_loop3A_163 = tpu.vector_load %arg12[%parallel_loop3A_161, %parallel_loop3A_162] {strides = array<i32>} : memref<80x128xf32, #tpu.memory_space<vmem>>, vector<16xf32>,
          tpu.vector_store %arg12[%parallel_loop3A_161, %parallel_loop3A_162], %parallel_loop3A_160 {strides = array<i32>} : memref<80x128xf32, #tpu.memory_space<vmem>>, vector<16xf32>,
          %parallel_loop3A_164 = arith.index_cast %parallel_loop3A_139 : i32 to index
          %parallel_loop3A_165 = arith.constant 48 : index
          %parallel_loop3A_166 = tpu.vector_load %arg12[%parallel_loop3A_164, %parallel_loop3A_165] {strides = array<i32>} : memref<80x128xf32, #tpu.memory_space<vmem>>, vector<16xf32>,
          %parallel_loop3A_167 = arith.mulf %parallel_loop3A_166, %parallel_loop3A_142 : vector<16xf32>
          %parallel_loop3A_168 = arith.index_cast %parallel_loop3A_139 : i32 to index
          %parallel_loop3A_169 = arith.constant 48 : index
          %parallel_loop3A_170 = tpu.vector_load %arg12[%parallel_loop3A_168, %parallel_loop3A_169] {strides = array<i32>} : memref<80x128xf32, #tpu.memory_space<vmem>>, vector<16xf32>,
          tpu.vector_store %arg12[%parallel_loop3A_168, %parallel_loop3A_169], %parallel_loop3A_167 {strides = array<i32>} : memref<80x128xf32, #tpu.memory_space<vmem>>, vector<16xf32>,
          %parallel_loop3A_171 = arith.index_cast %parallel_loop3A_139 : i32 to index
          %parallel_loop3A_172 = arith.constant 64 : index
          %parallel_loop3A_173 = tpu.vector_load %arg12[%parallel_loop3A_171, %parallel_loop3A_172] {strides = array<i32>} : memref<80x128xf32, #tpu.memory_space<vmem>>, vector<16xf32>,
          %parallel_loop3A_174 = arith.mulf %parallel_loop3A_173, %parallel_loop3A_142 : vector<16xf32>
          %parallel_loop3A_175 = arith.index_cast %parallel_loop3A_139 : i32 to index
          %parallel_loop3A_176 = arith.constant 64 : index
          %parallel_loop3A_177 = tpu.vector_load %arg12[%parallel_loop3A_175, %parallel_loop3A_176] {strides = array<i32>} : memref<80x128xf32, #tpu.memory_space<vmem>>, vector<16xf32>,
          tpu.vector_store %arg12[%parallel_loop3A_175, %parallel_loop3A_176], %parallel_loop3A_174 {strides = array<i32>} : memref<80x128xf32, #tpu.memory_space<vmem>>, vector<16xf32>,
          %parallel_loop3A_178 = arith.index_cast %parallel_loop3A_139 : i32 to index
          %parallel_loop3A_179 = arith.constant 80 : index
          %parallel_loop3A_180 = tpu.vector_load %arg12[%parallel_loop3A_178, %parallel_loop3A_179] {strides = array<i32>} : memref<80x128xf32, #tpu.memory_space<vmem>>, vector<16xf32>,
          %parallel_loop3A_181 = arith.mulf %parallel_loop3A_180, %parallel_loop3A_142 : vector<16xf32>
          %parallel_loop3A_182 = arith.index_cast %parallel_loop3A_139 : i32 to index
          %parallel_loop3A_183 = arith.constant 80 : index
          %parallel_loop3A_184 = tpu.vector_load %arg12[%parallel_loop3A_182, %parallel_loop3A_183] {strides = array<i32>} : memref<80x128xf32, #tpu.memory_space<vmem>>, vector<16xf32>,
          tpu.vector_store %arg12[%parallel_loop3A_182, %parallel_loop3A_183], %parallel_loop3A_181 {strides = array<i32>} : memref<80x128xf32, #tpu.memory_space<vmem>>, vector<16xf32>,
          %parallel_loop3A_185 = arith.index_cast %parallel_loop3A_139 : i32 to index
          %parallel_loop3A_186 = arith.constant 96 : index
          %parallel_loop3A_187 = tpu.vector_load %arg12[%parallel_loop3A_185, %parallel_loop3A_186] {strides = array<i32>} : memref<80x128xf32, #tpu.memory_space<vmem>>, vector<16xf32>,
          %parallel_loop3A_188 = arith.mulf %parallel_loop3A_187, %parallel_loop3A_142 : vector<16xf32>
          %parallel_loop3A_189 = arith.index_cast %parallel_loop3A_139 : i32 to index
          %parallel_loop3A_190 = arith.constant 96 : index
          %parallel_loop3A_191 = tpu.vector_load %arg12[%parallel_loop3A_189, %parallel_loop3A_190] {strides = array<i32>} : memref<80x128xf32, #tpu.memory_space<vmem>>, vector<16xf32>,
          tpu.vector_store %arg12[%parallel_loop3A_189, %parallel_loop3A_190], %parallel_loop3A_188 {strides = array<i32>} : memref<80x128xf32, #tpu.memory_space<vmem>>, vector<16xf32>,
          %parallel_loop3A_192 = arith.index_cast %parallel_loop3A_139 : i32 to index
          %parallel_loop3A_193 = arith.constant 112 : index
          %parallel_loop3A_194 = tpu.vector_load %arg12[%parallel_loop3A_192, %parallel_loop3A_193] {strides = array<i32>} : memref<80x128xf32, #tpu.memory_space<vmem>>, vector<16xf32>,
          %parallel_loop3A_195 = arith.mulf %parallel_loop3A_194, %parallel_loop3A_142 : vector<16xf32>
          %parallel_loop3A_196 = arith.index_cast %parallel_loop3A_139 : i32 to index
          %parallel_loop3A_197 = arith.constant 112 : index
          %parallel_loop3A_198 = tpu.vector_load %arg12[%parallel_loop3A_196, %parallel_loop3A_197] {strides = array<i32>} : memref<80x128xf32, #tpu.memory_space<vmem>>, vector<16xf32>,
          tpu.vector_store %arg12[%parallel_loop3A_196, %parallel_loop3A_197], %parallel_loop3A_195 {strides = array<i32>} : memref<80x128xf32, #tpu.memory_space<vmem>>, vector<16xf32>,
        } {sc.loop_unroll_factor = 4 : i64, sc.parallel_access}
        "tpu.region"() ({
          %run_scoped3A = tpu.sem_alloc : memref<!tpu.dma_semaphore, #tpu.memory_space<semaphore_mem>>
          %dma_start3A_139 = arith.constant 0 : i32
          %dma_start3A_140 = tpu.memref_slice %arg9[%add3A_128, %dma_start3A_139] : memref<50x80xi32, #tpu.memory_space<vmem>> -> memref<1x80xi32, #tpu.memory_space<vmem>>
          %dma_start3A_141 = tpu.memref_squeeze %dma_start3A_140 : memref<1x80xi32, #tpu.memory_space<vmem>> -> memref<80xi32, #tpu.memory_space<vmem>>
          %dma_start3A_142 = arith.constant 0 : i32
          %dma_start3A_143 = arith.constant 0 : i32
          %dma_start3A_144 = tpu.memref_slice %arg15[%dma_start3A_142, %dma_start3A_143] : memref<10000x128xf32, #tpu.memory_space<vmem_shared>> -> memref<10000x128xf32, #tpu.memory_space<vmem_shared>>
          tpu.enqueue_indirect_dma source(%arg12 : memref<80x128xf32, #tpu.memory_space<vmem>>) target(%dma_start3A_144 : memref<10000x128xf32, #tpu.memory_space<vmem_shared>>) offsets(%dma_start3A_141 : memref<80xi32, #tpu.memory_space<vmem>>) semaphore(%run_scoped3A : memref<!tpu.dma_semaphore, #tpu.memory_space<semaphore_mem>>) {add = true}
          %dma_wait3A_145 = arith.constant 0 : i32
          %dma_wait3A_146 = tpu.memref_slice %arg9[%add3A_128, %dma_wait3A_145] : memref<50x80xi32, #tpu.memory_space<vmem>> -> memref<1x80xi32, #tpu.memory_space<vmem>>
          %dma_wait3A_147 = tpu.memref_squeeze %dma_wait3A_146 : memref<1x80xi32, #tpu.memory_space<vmem>> -> memref<80xi32, #tpu.memory_space<vmem>>
          %dma_wait3A_148 = arith.constant 0 : i32
          %dma_wait3A_149 = arith.constant 0 : i32
          %dma_wait3A_150 = tpu.memref_slice %arg15[%dma_wait3A_148, %dma_wait3A_149] : memref<10000x128xf32, #tpu.memory_space<vmem_shared>> -> memref<10000x128xf32, #tpu.memory_space<vmem_shared>>
          tpu.wait_indirect_dma semaphore(%run_scoped3A : memref<!tpu.dma_semaphore, #tpu.memory_space<semaphore_mem>>) src(%arg12 : memref<80x128xf32, #tpu.memory_space<vmem>>) dst(%dma_wait3A_150 : memref<10000x128xf32, #tpu.memory_space<vmem_shared>>)
          tpu.yield
        }) : () -> ()
        %add3A_132 = arith.constant 3 : i32
        %add3A_133 = arith.addi %mul3A_97, %add3A_132 : i32
        %lt3A_134 = arith.constant 50 : i32
        %lt3A_135 = arith.cmpi slt, %add3A_133, %lt3A_134 : i32
        %convert_element_type3A_136 = arith.extui %lt3A_135 : i1 to i32
        %cond3A_137 = arith.constant 0 : i32
        %cond3A_138 = arith.cmpi ne, %convert_element_type3A_136, %cond3A_137 : i32
        scf.if %cond3A_138 {
          %add3A_139 = arith.constant 3 : i32
          %add3A_140 = arith.addi %mul3A_97, %add3A_139 : i32
          %dma_start3A_141 = arith.constant 0 : i32
          %dma_start3A_142 = tpu.memref_slice %arg8[%add3A_140, %dma_start3A_141] : memref<50x80xi32, #tpu.memory_space<vmem>> -> memref<1x80xi32, #tpu.memory_space<vmem>>
          %dma_start3A_143 = tpu.memref_squeeze %dma_start3A_142 : memref<1x80xi32, #tpu.memory_space<vmem>> -> memref<80xi32, #tpu.memory_space<vmem>>
          %dma_start3A_144 = arith.constant 0 : i32
          %dma_start3A_145 = arith.constant 0 : i32
          %dma_start3A_146 = tpu.memref_slice %arg2[%add3A_15, %dma_start3A_144, %dma_start3A_145] : memref<8x10000x128xf32, #tpu.memory_space<hbm>> -> memref<1x10000x128xf32, #tpu.memory_space<hbm>>
          %dma_start3A_147 = tpu.memref_squeeze %dma_start3A_146 : memref<1x10000x128xf32, #tpu.memory_space<hbm>> -> memref<10000x128xf32, #tpu.memory_space<hbm>>
          %dma_start3A_148 = arith.constant 0 : i32
          %dma_start3A_149 = arith.constant 0 : i32
          %dma_start3A_150 = tpu.memref_slice %dma_start3A_147[%dma_start3A_148, %dma_start3A_149] : memref<10000x128xf32, #tpu.memory_space<hbm>> -> memref<10000x128xf32, #tpu.memory_space<hbm>>
          tpu.enqueue_indirect_dma source(%dma_start3A_150 : memref<10000x128xf32, #tpu.memory_space<hbm>>) target(%arg12 : memref<80x128xf32, #tpu.memory_space<vmem>>) offsets(%dma_start3A_143 : memref<80xi32, #tpu.memory_space<vmem>>) semaphore(%arg14 : memref<!tpu.dma_semaphore, #tpu.memory_space<semaphore_mem>>)
        } else {
        }
      }
      %scan3A_90 = arith.constant 25 : i32
    }
    %scan3A_23 = arith.constant 5 : i32
    %barrier3A_24 = arith.constant 0 : index
    tpu.barrier barrier_id(%barrier3A_24)
    %mul3A_25 = arith.constant 625 : i32
    %mul3A_26 = arith.muli %arg1, %mul3A_25 : i32
    "tpu.region"() ({
      %run_scoped3A = tpu.sem_alloc : memref<!tpu.dma_semaphore, #tpu.memory_space<semaphore_mem>>
      %dma_start3A = arith.constant 0 : i32
      %dma_start3A_60 = arith.constant 0 : i32
      %dma_start3A_61 = tpu.memref_slice %arg7[%add3A_15, %arg1, %dma_start3A, %dma_start3A_60] : memref<8x16x625x128xf32, #tpu.memory_space<hbm>> -> memref<1x1x625x128xf32, #tpu.memory_space<hbm>>
      %dma_start3A_62 = tpu.memref_squeeze %dma_start3A_61 : memref<1x1x625x128xf32, #tpu.memory_space<hbm>> -> memref<625x128xf32, #tpu.memory_space<hbm>>
      %dma_start3A_63 = arith.constant 0 : i32
      %dma_start3A_64 = tpu.memref_slice %arg15[%mul3A_26, %dma_start3A_63] : memref<10000x128xf32, #tpu.memory_space<vmem_shared>> -> memref<625x128xf32, #tpu.memory_space<vmem_shared>>
      tpu.enqueue_dma source(%dma_start3A_64 : memref<625x128xf32, #tpu.memory_space<vmem_shared>>) target(%dma_start3A_62 : memref<625x128xf32, #tpu.memory_space<hbm>>) target_semaphore(%run_scoped3A : memref<!tpu.dma_semaphore, #tpu.memory_space<semaphore_mem>>)
      %dma_wait3A = arith.constant 0 : i32
      %dma_wait3A_65 = arith.constant 0 : i32
      %dma_wait3A_66 = tpu.memref_slice %arg7[%add3A_15, %arg1, %dma_wait3A, %dma_wait3A_65] : memref<8x16x625x128xf32, #tpu.memory_space<hbm>> -> memref<1x1x625x128xf32, #tpu.memory_space<hbm>>
      %dma_wait3A_67 = tpu.memref_squeeze %dma_wait3A_66 : memref<1x1x625x128xf32, #tpu.memory_space<hbm>> -> memref<625x128xf32, #tpu.memory_space<hbm>>
      %dma_wait3A_68 = arith.constant 0 : i32
      %dma_wait3A_69 = tpu.memref_slice %arg15[%mul3A_26, %dma_wait3A_68] : memref<10000x128xf32, #tpu.memory_space<vmem_shared>> -> memref<625x128xf32, #tpu.memory_space<vmem_shared>>
      tpu.wait_dma2 semaphore(%run_scoped3A : memref<!tpu.dma_semaphore, #tpu.memory_space<semaphore_mem>>) src(%dma_wait3A_69 : memref<625x128xf32, #tpu.memory_space<vmem_shared>>) dst(%dma_wait3A_67 : memref<625x128xf32, #tpu.memory_space<hbm>>)
      tpu.yield
    }) : () -> ()
    %barrier3A_27 = arith.constant 0 : index
    tpu.barrier barrier_id(%barrier3A_27)
    %mul3A_28 = arith.constant 4 : i32
    %mul3A_29 = arith.muli %arg0, %mul3A_28 : i32
    %add3A_30 = arith.constant 2 : i32
    %add3A_31 = arith.addi %mul3A_29, %add3A_30 : i32
    %mul3A_32 = arith.constant 625 : i32
    %mul3A_33 = arith.muli %arg1, %mul3A_32 : i32
    "tpu.region"() ({
      %run_scoped3A = tpu.sem_alloc : memref<!tpu.dma_semaphore, #tpu.memory_space<semaphore_mem>>
      %dma_start3A = arith.constant 0 : i32
      %dma_start3A_60 = tpu.memref_slice %arg15[%mul3A_33, %dma_start3A] : memref<10000x128xf32, #tpu.memory_space<vmem_shared>> -> memref<625x128xf32, #tpu.memory_space<vmem_shared>>
      %dma_start3A_61 = arith.constant 0 : i32
      %dma_start3A_62 = arith.constant 0 : i32
      %dma_start3A_63 = tpu.memref_slice %arg3[%add3A_31, %arg1, %dma_start3A_61, %dma_start3A_62] : memref<8x16x625x128xf32, #tpu.memory_space<hbm>> -> memref<1x1x625x128xf32, #tpu.memory_space<hbm>>
      %dma_start3A_64 = tpu.memref_squeeze %dma_start3A_63 : memref<1x1x625x128xf32, #tpu.memory_space<hbm>> -> memref<625x128xf32, #tpu.memory_space<hbm>>
      tpu.enqueue_dma source(%dma_start3A_64 : memref<625x128xf32, #tpu.memory_space<hbm>>) target(%dma_start3A_60 : memref<625x128xf32, #tpu.memory_space<vmem_shared>>) target_semaphore(%run_scoped3A : memref<!tpu.dma_semaphore, #tpu.memory_space<semaphore_mem>>)
      %dma_wait3A = arith.constant 0 : i32
      %dma_wait3A_65 = tpu.memref_slice %arg15[%mul3A_33, %dma_wait3A] : memref<10000x128xf32, #tpu.memory_space<vmem_shared>> -> memref<625x128xf32, #tpu.memory_space<vmem_shared>>
      %dma_wait3A_66 = arith.constant 0 : i32
      %dma_wait3A_67 = arith.constant 0 : i32
      %dma_wait3A_68 = tpu.memref_slice %arg3[%add3A_31, %arg1, %dma_wait3A_66, %dma_wait3A_67] : memref<8x16x625x128xf32, #tpu.memory_space<hbm>> -> memref<1x1x625x128xf32, #tpu.memory_space<hbm>>
      %dma_wait3A_69 = tpu.memref_squeeze %dma_wait3A_68 : memref<1x1x625x128xf32, #tpu.memory_space<hbm>> -> memref<625x128xf32, #tpu.memory_space<hbm>>
      tpu.wait_dma2 semaphore(%run_scoped3A : memref<!tpu.dma_semaphore, #tpu.memory_space<semaphore_mem>>) src(%dma_wait3A_69 : memref<625x128xf32, #tpu.memory_space<hbm>>) dst(%dma_wait3A_65 : memref<625x128xf32, #tpu.memory_space<vmem_shared>>)
      tpu.yield
    }) : () -> ()
    %barrier3A_34 = arith.constant 0 : index
    tpu.barrier barrier_id(%barrier3A_34)
    %scan3A_35 = arith.constant 0 : i32
    %scan3A_36 = arith.constant 5 : i32
    %scan3A_37 = arith.addi %scan3A_35, %scan3A_36 : i32
    %scan3A_38 = arith.constant 1 : i32
    scf.for %scan3A_60 = %scan3A_35 to %scan3A_37 step %scan3A_38  : i32 {
      %mul3A_61 = arith.constant 1 : i32
      %mul3A_62 = arith.muli %scan3A_60, %mul3A_61 : i32
      %add3A_63 = arith.constant 0 : i32
      %add3A_64 = arith.addi %add3A_63, %mul3A_62 : i32
      "tpu.region"() ({
        %run_scoped3A = tpu.sem_alloc : memref<!tpu.dma_semaphore, #tpu.memory_space<semaphore_mem>>
        %dma_start3A_91 = arith.constant 0 : i32
        %dma_start3A_92 = arith.constant 0 : i32
        %dma_start3A_93 = tpu.memref_slice %arg4[%arg1, %add3A_64, %dma_start3A_91, %dma_start3A_92] : memref<16x5x50x80xi32, #tpu.memory_space<hbm>> -> memref<1x1x50x80xi32, #tpu.memory_space<hbm>>
        %dma_start3A_94 = tpu.memref_squeeze %dma_start3A_93 : memref<1x1x50x80xi32, #tpu.memory_space<hbm>> -> memref<50x80xi32, #tpu.memory_space<hbm>>
        %dma_start3A_95 = arith.constant 0 : i32
        %dma_start3A_96 = arith.constant 0 : i32
        %dma_start3A_97 = tpu.memref_slice %arg4[%arg1, %add3A_64, %dma_start3A_95, %dma_start3A_96] : memref<16x5x50x80xi32, #tpu.memory_space<hbm>> -> memref<1x1x50x80xi32, #tpu.memory_space<hbm>>
        %dma_start3A_98 = tpu.memref_squeeze %dma_start3A_97 : memref<1x1x50x80xi32, #tpu.memory_space<hbm>> -> memref<50x80xi32, #tpu.memory_space<hbm>>
        tpu.enqueue_dma source(%dma_start3A_98 : memref<50x80xi32, #tpu.memory_space<hbm>>) target(%arg8 : memref<50x80xi32, #tpu.memory_space<vmem>>) target_semaphore(%run_scoped3A : memref<!tpu.dma_semaphore, #tpu.memory_space<semaphore_mem>>)
        %dma_wait3A = arith.constant 0 : i32
        %dma_wait3A_99 = arith.constant 0 : i32
        %dma_wait3A_100 = tpu.memref_slice %arg4[%arg1, %add3A_64, %dma_wait3A, %dma_wait3A_99] : memref<16x5x50x80xi32, #tpu.memory_space<hbm>> -> memref<1x1x50x80xi32, #tpu.memory_space<hbm>>
        %dma_wait3A_101 = tpu.memref_squeeze %dma_wait3A_100 : memref<1x1x50x80xi32, #tpu.memory_space<hbm>> -> memref<50x80xi32, #tpu.memory_space<hbm>>
        %dma_wait3A_102 = arith.constant 0 : i32
        %dma_wait3A_103 = arith.constant 0 : i32
        %dma_wait3A_104 = tpu.memref_slice %arg4[%arg1, %add3A_64, %dma_wait3A_102, %dma_wait3A_103] : memref<16x5x50x80xi32, #tpu.memory_space<hbm>> -> memref<1x1x50x80xi32, #tpu.memory_space<hbm>>
        %dma_wait3A_105 = tpu.memref_squeeze %dma_wait3A_104 : memref<1x1x50x80xi32, #tpu.memory_space<hbm>> -> memref<50x80xi32, #tpu.memory_space<hbm>>
        tpu.wait_dma2 semaphore(%run_scoped3A : memref<!tpu.dma_semaphore, #tpu.memory_space<semaphore_mem>>) src(%dma_wait3A_105 : memref<50x80xi32, #tpu.memory_space<hbm>>) dst(%arg8 : memref<50x80xi32, #tpu.memory_space<vmem>>)
        tpu.yield
      }) : () -> ()
      "tpu.region"() ({
        %run_scoped3A = tpu.sem_alloc : memref<!tpu.dma_semaphore, #tpu.memory_space<semaphore_mem>>
        %dma_start3A_91 = arith.constant 0 : i32
        %dma_start3A_92 = arith.constant 0 : i32
        %dma_start3A_93 = tpu.memref_slice %arg5[%arg1, %add3A_64, %dma_start3A_91, %dma_start3A_92] : memref<16x5x50x80xi32, #tpu.memory_space<hbm>> -> memref<1x1x50x80xi32, #tpu.memory_space<hbm>>
        %dma_start3A_94 = tpu.memref_squeeze %dma_start3A_93 : memref<1x1x50x80xi32, #tpu.memory_space<hbm>> -> memref<50x80xi32, #tpu.memory_space<hbm>>
        %dma_start3A_95 = arith.constant 0 : i32
        %dma_start3A_96 = arith.constant 0 : i32
        %dma_start3A_97 = tpu.memref_slice %arg5[%arg1, %add3A_64, %dma_start3A_95, %dma_start3A_96] : memref<16x5x50x80xi32, #tpu.memory_space<hbm>> -> memref<1x1x50x80xi32, #tpu.memory_space<hbm>>
        %dma_start3A_98 = tpu.memref_squeeze %dma_start3A_97 : memref<1x1x50x80xi32, #tpu.memory_space<hbm>> -> memref<50x80xi32, #tpu.memory_space<hbm>>
        tpu.enqueue_dma source(%dma_start3A_98 : memref<50x80xi32, #tpu.memory_space<hbm>>) target(%arg9 : memref<50x80xi32, #tpu.memory_space<vmem>>) target_semaphore(%run_scoped3A : memref<!tpu.dma_semaphore, #tpu.memory_space<semaphore_mem>>)
        %dma_wait3A = arith.constant 0 : i32
        %dma_wait3A_99 = arith.constant 0 : i32
        %dma_wait3A_100 = tpu.memref_slice %arg5[%arg1, %add3A_64, %dma_wait3A, %dma_wait3A_99] : memref<16x5x50x80xi32, #tpu.memory_space<hbm>> -> memref<1x1x50x80xi32, #tpu.memory_space<hbm>>
        %dma_wait3A_101 = tpu.memref_squeeze %dma_wait3A_100 : memref<1x1x50x80xi32, #tpu.memory_space<hbm>> -> memref<50x80xi32, #tpu.memory_space<hbm>>
        %dma_wait3A_102 = arith.constant 0 : i32
        %dma_wait3A_103 = arith.constant 0 : i32
        %dma_wait3A_104 = tpu.memref_slice %arg5[%arg1, %add3A_64, %dma_wait3A_102, %dma_wait3A_103] : memref<16x5x50x80xi32, #tpu.memory_space<hbm>> -> memref<1x1x50x80xi32, #tpu.memory_space<hbm>>
        %dma_wait3A_105 = tpu.memref_squeeze %dma_wait3A_104 : memref<1x1x50x80xi32, #tpu.memory_space<hbm>> -> memref<50x80xi32, #tpu.memory_space<hbm>>
        tpu.wait_dma2 semaphore(%run_scoped3A : memref<!tpu.dma_semaphore, #tpu.memory_space<semaphore_mem>>) src(%dma_wait3A_105 : memref<50x80xi32, #tpu.memory_space<hbm>>) dst(%arg9 : memref<50x80xi32, #tpu.memory_space<vmem>>)
        tpu.yield
      }) : () -> ()
      "tpu.region"() ({
        %run_scoped3A = tpu.sem_alloc : memref<!tpu.dma_semaphore, #tpu.memory_space<semaphore_mem>>
        %dma_start3A_91 = arith.constant 0 : i32
        %dma_start3A_92 = arith.constant 0 : i32
        %dma_start3A_93 = tpu.memref_slice %arg6[%arg1, %add3A_64, %dma_start3A_91, %dma_start3A_92] : memref<16x5x50x80xf32, #tpu.memory_space<hbm>> -> memref<1x1x50x80xf32, #tpu.memory_space<hbm>>
        %dma_start3A_94 = tpu.memref_squeeze %dma_start3A_93 : memref<1x1x50x80xf32, #tpu.memory_space<hbm>> -> memref<50x80xf32, #tpu.memory_space<hbm>>
        %dma_start3A_95 = arith.constant 0 : i32
        %dma_start3A_96 = arith.constant 0 : i32
        %dma_start3A_97 = tpu.memref_slice %arg6[%arg1, %add3A_64, %dma_start3A_95, %dma_start3A_96] : memref<16x5x50x80xf32, #tpu.memory_space<hbm>> -> memref<1x1x50x80xf32, #tpu.memory_space<hbm>>
        %dma_start3A_98 = tpu.memref_squeeze %dma_start3A_97 : memref<1x1x50x80xf32, #tpu.memory_space<hbm>> -> memref<50x80xf32, #tpu.memory_space<hbm>>
        tpu.enqueue_dma source(%dma_start3A_98 : memref<50x80xf32, #tpu.memory_space<hbm>>) target(%arg10 : memref<50x80xf32, #tpu.memory_space<vmem>>) target_semaphore(%run_scoped3A : memref<!tpu.dma_semaphore, #tpu.memory_space<semaphore_mem>>)
        %dma_wait3A = arith.constant 0 : i32
        %dma_wait3A_99 = arith.constant 0 : i32
        %dma_wait3A_100 = tpu.memref_slice %arg6[%arg1, %add3A_64, %dma_wait3A, %dma_wait3A_99] : memref<16x5x50x80xf32, #tpu.memory_space<hbm>> -> memref<1x1x50x80xf32, #tpu.memory_space<hbm>>
        %dma_wait3A_101 = tpu.memref_squeeze %dma_wait3A_100 : memref<1x1x50x80xf32, #tpu.memory_space<hbm>> -> memref<50x80xf32, #tpu.memory_space<hbm>>
        %dma_wait3A_102 = arith.constant 0 : i32
        %dma_wait3A_103 = arith.constant 0 : i32
        %dma_wait3A_104 = tpu.memref_slice %arg6[%arg1, %add3A_64, %dma_wait3A_102, %dma_wait3A_103] : memref<16x5x50x80xf32, #tpu.memory_space<hbm>> -> memref<1x1x50x80xf32, #tpu.memory_space<hbm>>
        %dma_wait3A_105 = tpu.memref_squeeze %dma_wait3A_104 : memref<1x1x50x80xf32, #tpu.memory_space<hbm>> -> memref<50x80xf32, #tpu.memory_space<hbm>>
        tpu.wait_dma2 semaphore(%run_scoped3A : memref<!tpu.dma_semaphore, #tpu.memory_space<semaphore_mem>>) src(%dma_wait3A_105 : memref<50x80xf32, #tpu.memory_space<hbm>>) dst(%arg10 : memref<50x80xf32, #tpu.memory_space<vmem>>)
        tpu.yield
      }) : () -> ()
      %dma_start3A = arith.constant 0 : i32
      %dma_start3A_65 = arith.constant 0 : i32
      %dma_start3A_66 = tpu.memref_slice %arg8[%dma_start3A, %dma_start3A_65] : memref<50x80xi32, #tpu.memory_space<vmem>> -> memref<1x80xi32, #tpu.memory_space<vmem>>
      %dma_start3A_67 = tpu.memref_squeeze %dma_start3A_66 : memref<1x80xi32, #tpu.memory_space<vmem>> -> memref<80xi32, #tpu.memory_space<vmem>>
      %dma_start3A_68 = arith.constant 0 : i32
      %dma_start3A_69 = arith.constant 0 : i32
      %dma_start3A_70 = tpu.memref_slice %arg2[%add3A_31, %dma_start3A_68, %dma_start3A_69] : memref<8x10000x128xf32, #tpu.memory_space<hbm>> -> memref<1x10000x128xf32, #tpu.memory_space<hbm>>
      %dma_start3A_71 = tpu.memref_squeeze %dma_start3A_70 : memref<1x10000x128xf32, #tpu.memory_space<hbm>> -> memref<10000x128xf32, #tpu.memory_space<hbm>>
      %dma_start3A_72 = arith.constant 0 : i32
      %dma_start3A_73 = arith.constant 0 : i32
      %dma_start3A_74 = tpu.memref_slice %dma_start3A_71[%dma_start3A_72, %dma_start3A_73] : memref<10000x128xf32, #tpu.memory_space<hbm>> -> memref<10000x128xf32, #tpu.memory_space<hbm>>
      tpu.enqueue_indirect_dma source(%dma_start3A_74 : memref<10000x128xf32, #tpu.memory_space<hbm>>) target(%arg11 : memref<80x128xf32, #tpu.memory_space<vmem>>) offsets(%dma_start3A_67 : memref<80xi32, #tpu.memory_space<vmem>>) semaphore(%arg13 : memref<!tpu.dma_semaphore, #tpu.memory_space<semaphore_mem>>)
      %dma_start3A_75 = arith.constant 1 : i32
      %dma_start3A_76 = arith.constant 0 : i32
      %dma_start3A_77 = tpu.memref_slice %arg8[%dma_start3A_75, %dma_start3A_76] : memref<50x80xi32, #tpu.memory_space<vmem>> -> memref<1x80xi32, #tpu.memory_space<vmem>>
      %dma_start3A_78 = tpu.memref_squeeze %dma_start3A_77 : memref<1x80xi32, #tpu.memory_space<vmem>> -> memref<80xi32, #tpu.memory_space<vmem>>
      %dma_start3A_79 = arith.constant 0 : i32
      %dma_start3A_80 = arith.constant 0 : i32
      %dma_start3A_81 = tpu.memref_slice %arg2[%add3A_31, %dma_start3A_79, %dma_start3A_80] : memref<8x10000x128xf32, #tpu.memory_space<hbm>> -> memref<1x10000x128xf32, #tpu.memory_space<hbm>>
      %dma_start3A_82 = tpu.memref_squeeze %dma_start3A_81 : memref<1x10000x128xf32, #tpu.memory_space<hbm>> -> memref<10000x128xf32, #tpu.memory_space<hbm>>
      %dma_start3A_83 = arith.constant 0 : i32
      %dma_start3A_84 = arith.constant 0 : i32
      %dma_start3A_85 = tpu.memref_slice %dma_start3A_82[%dma_start3A_83, %dma_start3A_84] : memref<10000x128xf32, #tpu.memory_space<hbm>> -> memref<10000x128xf32, #tpu.memory_space<hbm>>
      tpu.enqueue_indirect_dma source(%dma_start3A_85 : memref<10000x128xf32, #tpu.memory_space<hbm>>) target(%arg12 : memref<80x128xf32, #tpu.memory_space<vmem>>) offsets(%dma_start3A_78 : memref<80xi32, #tpu.memory_space<vmem>>) semaphore(%arg14 : memref<!tpu.dma_semaphore, #tpu.memory_space<semaphore_mem>>)
      %scan3A_86 = arith.constant 0 : i32
      %scan3A_87 = arith.constant 25 : i32
      %scan3A_88 = arith.addi %scan3A_86, %scan3A_87 : i32
      %scan3A_89 = arith.constant 1 : i32
      scf.for %scan3A_91 = %scan3A_86 to %scan3A_88 step %scan3A_89  : i32 {
        %mul3A_92 = arith.constant 1 : i32
        %mul3A_93 = arith.muli %scan3A_91, %mul3A_92 : i32
        %add3A_94 = arith.constant 0 : i32
        %add3A_95 = arith.addi %add3A_94, %mul3A_93 : i32
        %mul3A_96 = arith.constant 2 : i32
        %mul3A_97 = arith.muli %mul3A_96, %add3A_95 : i32
        %dma_wait3A = arith.constant 0 : i32
        %dma_wait3A_98 = arith.constant 0 : i32
        %dma_wait3A_99 = arith.constant 0 : i32
        %dma_wait3A_100 = tpu.memref_slice %arg8[%dma_wait3A_98, %dma_wait3A_99] : memref<50x80xi32, #tpu.memory_space<vmem>> -> memref<1x80xi32, #tpu.memory_space<vmem>>
        %dma_wait3A_101 = tpu.memref_squeeze %dma_wait3A_100 : memref<1x80xi32, #tpu.memory_space<vmem>> -> memref<80xi32, #tpu.memory_space<vmem>>
        %dma_wait3A_102 = arith.constant 0 : i32
        %dma_wait3A_103 = arith.constant 0 : i32
        %dma_wait3A_104 = tpu.memref_slice %arg2[%dma_wait3A, %dma_wait3A_102, %dma_wait3A_103] : memref<8x10000x128xf32, #tpu.memory_space<hbm>> -> memref<1x10000x128xf32, #tpu.memory_space<hbm>>
        %dma_wait3A_105 = tpu.memref_squeeze %dma_wait3A_104 : memref<1x10000x128xf32, #tpu.memory_space<hbm>> -> memref<10000x128xf32, #tpu.memory_space<hbm>>
        %dma_wait3A_106 = arith.constant 0 : i32
        %dma_wait3A_107 = arith.constant 0 : i32
        %dma_wait3A_108 = tpu.memref_slice %dma_wait3A_105[%dma_wait3A_106, %dma_wait3A_107] : memref<10000x128xf32, #tpu.memory_space<hbm>> -> memref<10000x128xf32, #tpu.memory_space<hbm>>
        tpu.wait_indirect_dma semaphore(%arg13 : memref<!tpu.dma_semaphore, #tpu.memory_space<semaphore_mem>>) src(%dma_wait3A_108 : memref<10000x128xf32, #tpu.memory_space<hbm>>) dst(%arg11 : memref<80x128xf32, #tpu.memory_space<vmem>>)
        %parallel_loop3A = arith.constant 0 : i32
        %parallel_loop3A_109 = arith.constant 80 : i32
        %parallel_loop3A_110 = arith.constant 1 : i32
        scf.for %parallel_loop3A_139 = %parallel_loop3A to %parallel_loop3A_109 step %parallel_loop3A_110  : i32 {
          %parallel_loop3A_140 = vector.broadcast %mul3A_97 : i32 to vector<16xi32>
          %parallel_loop3A_141 = vector.broadcast %parallel_loop3A_139 : i32 to vector<16xi32>
          %parallel_loop3A_142 = tpu.vector_load_idx %arg10[%parallel_loop3A_140, %parallel_loop3A_141] : memref<50x80xf32, #tpu.memory_space<vmem>>[vector<16xi32>, vector<16xi32>], vector<16xf32>,
          %parallel_loop3A_143 = arith.index_cast %parallel_loop3A_139 : i32 to index
          %parallel_loop3A_144 = arith.constant 0 : index
          %parallel_loop3A_145 = tpu.vector_load %arg11[%parallel_loop3A_143, %parallel_loop3A_144] {strides = array<i32>} : memref<80x128xf32, #tpu.memory_space<vmem>>, vector<16xf32>,
          %parallel_loop3A_146 = arith.mulf %parallel_loop3A_145, %parallel_loop3A_142 : vector<16xf32>
          %parallel_loop3A_147 = arith.index_cast %parallel_loop3A_139 : i32 to index
          %parallel_loop3A_148 = arith.constant 0 : index
          %parallel_loop3A_149 = tpu.vector_load %arg11[%parallel_loop3A_147, %parallel_loop3A_148] {strides = array<i32>} : memref<80x128xf32, #tpu.memory_space<vmem>>, vector<16xf32>,
          tpu.vector_store %arg11[%parallel_loop3A_147, %parallel_loop3A_148], %parallel_loop3A_146 {strides = array<i32>} : memref<80x128xf32, #tpu.memory_space<vmem>>, vector<16xf32>,
          %parallel_loop3A_150 = arith.index_cast %parallel_loop3A_139 : i32 to index
          %parallel_loop3A_151 = arith.constant 16 : index
          %parallel_loop3A_152 = tpu.vector_load %arg11[%parallel_loop3A_150, %parallel_loop3A_151] {strides = array<i32>} : memref<80x128xf32, #tpu.memory_space<vmem>>, vector<16xf32>,
          %parallel_loop3A_153 = arith.mulf %parallel_loop3A_152, %parallel_loop3A_142 : vector<16xf32>
          %parallel_loop3A_154 = arith.index_cast %parallel_loop3A_139 : i32 to index
          %parallel_loop3A_155 = arith.constant 16 : index
          %parallel_loop3A_156 = tpu.vector_load %arg11[%parallel_loop3A_154, %parallel_loop3A_155] {strides = array<i32>} : memref<80x128xf32, #tpu.memory_space<vmem>>, vector<16xf32>,
          tpu.vector_store %arg11[%parallel_loop3A_154, %parallel_loop3A_155], %parallel_loop3A_153 {strides = array<i32>} : memref<80x128xf32, #tpu.memory_space<vmem>>, vector<16xf32>,
          %parallel_loop3A_157 = arith.index_cast %parallel_loop3A_139 : i32 to index
          %parallel_loop3A_158 = arith.constant 32 : index
          %parallel_loop3A_159 = tpu.vector_load %arg11[%parallel_loop3A_157, %parallel_loop3A_158] {strides = array<i32>} : memref<80x128xf32, #tpu.memory_space<vmem>>, vector<16xf32>,
          %parallel_loop3A_160 = arith.mulf %parallel_loop3A_159, %parallel_loop3A_142 : vector<16xf32>
          %parallel_loop3A_161 = arith.index_cast %parallel_loop3A_139 : i32 to index
          %parallel_loop3A_162 = arith.constant 32 : index
          %parallel_loop3A_163 = tpu.vector_load %arg11[%parallel_loop3A_161, %parallel_loop3A_162] {strides = array<i32>} : memref<80x128xf32, #tpu.memory_space<vmem>>, vector<16xf32>,
          tpu.vector_store %arg11[%parallel_loop3A_161, %parallel_loop3A_162], %parallel_loop3A_160 {strides = array<i32>} : memref<80x128xf32, #tpu.memory_space<vmem>>, vector<16xf32>,
          %parallel_loop3A_164 = arith.index_cast %parallel_loop3A_139 : i32 to index
          %parallel_loop3A_165 = arith.constant 48 : index
          %parallel_loop3A_166 = tpu.vector_load %arg11[%parallel_loop3A_164, %parallel_loop3A_165] {strides = array<i32>} : memref<80x128xf32, #tpu.memory_space<vmem>>, vector<16xf32>,
          %parallel_loop3A_167 = arith.mulf %parallel_loop3A_166, %parallel_loop3A_142 : vector<16xf32>
          %parallel_loop3A_168 = arith.index_cast %parallel_loop3A_139 : i32 to index
          %parallel_loop3A_169 = arith.constant 48 : index
          %parallel_loop3A_170 = tpu.vector_load %arg11[%parallel_loop3A_168, %parallel_loop3A_169] {strides = array<i32>} : memref<80x128xf32, #tpu.memory_space<vmem>>, vector<16xf32>,
          tpu.vector_store %arg11[%parallel_loop3A_168, %parallel_loop3A_169], %parallel_loop3A_167 {strides = array<i32>} : memref<80x128xf32, #tpu.memory_space<vmem>>, vector<16xf32>,
          %parallel_loop3A_171 = arith.index_cast %parallel_loop3A_139 : i32 to index
          %parallel_loop3A_172 = arith.constant 64 : index
          %parallel_loop3A_173 = tpu.vector_load %arg11[%parallel_loop3A_171, %parallel_loop3A_172] {strides = array<i32>} : memref<80x128xf32, #tpu.memory_space<vmem>>, vector<16xf32>,
          %parallel_loop3A_174 = arith.mulf %parallel_loop3A_173, %parallel_loop3A_142 : vector<16xf32>
          %parallel_loop3A_175 = arith.index_cast %parallel_loop3A_139 : i32 to index
          %parallel_loop3A_176 = arith.constant 64 : index
          %parallel_loop3A_177 = tpu.vector_load %arg11[%parallel_loop3A_175, %parallel_loop3A_176] {strides = array<i32>} : memref<80x128xf32, #tpu.memory_space<vmem>>, vector<16xf32>,
          tpu.vector_store %arg11[%parallel_loop3A_175, %parallel_loop3A_176], %parallel_loop3A_174 {strides = array<i32>} : memref<80x128xf32, #tpu.memory_space<vmem>>, vector<16xf32>,
          %parallel_loop3A_178 = arith.index_cast %parallel_loop3A_139 : i32 to index
          %parallel_loop3A_179 = arith.constant 80 : index
          %parallel_loop3A_180 = tpu.vector_load %arg11[%parallel_loop3A_178, %parallel_loop3A_179] {strides = array<i32>} : memref<80x128xf32, #tpu.memory_space<vmem>>, vector<16xf32>,
          %parallel_loop3A_181 = arith.mulf %parallel_loop3A_180, %parallel_loop3A_142 : vector<16xf32>
          %parallel_loop3A_182 = arith.index_cast %parallel_loop3A_139 : i32 to index
          %parallel_loop3A_183 = arith.constant 80 : index
          %parallel_loop3A_184 = tpu.vector_load %arg11[%parallel_loop3A_182, %parallel_loop3A_183] {strides = array<i32>} : memref<80x128xf32, #tpu.memory_space<vmem>>, vector<16xf32>,
          tpu.vector_store %arg11[%parallel_loop3A_182, %parallel_loop3A_183], %parallel_loop3A_181 {strides = array<i32>} : memref<80x128xf32, #tpu.memory_space<vmem>>, vector<16xf32>,
          %parallel_loop3A_185 = arith.index_cast %parallel_loop3A_139 : i32 to index
          %parallel_loop3A_186 = arith.constant 96 : index
          %parallel_loop3A_187 = tpu.vector_load %arg11[%parallel_loop3A_185, %parallel_loop3A_186] {strides = array<i32>} : memref<80x128xf32, #tpu.memory_space<vmem>>, vector<16xf32>,
          %parallel_loop3A_188 = arith.mulf %parallel_loop3A_187, %parallel_loop3A_142 : vector<16xf32>
          %parallel_loop3A_189 = arith.index_cast %parallel_loop3A_139 : i32 to index
          %parallel_loop3A_190 = arith.constant 96 : index
          %parallel_loop3A_191 = tpu.vector_load %arg11[%parallel_loop3A_189, %parallel_loop3A_190] {strides = array<i32>} : memref<80x128xf32, #tpu.memory_space<vmem>>, vector<16xf32>,
          tpu.vector_store %arg11[%parallel_loop3A_189, %parallel_loop3A_190], %parallel_loop3A_188 {strides = array<i32>} : memref<80x128xf32, #tpu.memory_space<vmem>>, vector<16xf32>,
          %parallel_loop3A_192 = arith.index_cast %parallel_loop3A_139 : i32 to index
          %parallel_loop3A_193 = arith.constant 112 : index
          %parallel_loop3A_194 = tpu.vector_load %arg11[%parallel_loop3A_192, %parallel_loop3A_193] {strides = array<i32>} : memref<80x128xf32, #tpu.memory_space<vmem>>, vector<16xf32>,
          %parallel_loop3A_195 = arith.mulf %parallel_loop3A_194, %parallel_loop3A_142 : vector<16xf32>
          %parallel_loop3A_196 = arith.index_cast %parallel_loop3A_139 : i32 to index
          %parallel_loop3A_197 = arith.constant 112 : index
          %parallel_loop3A_198 = tpu.vector_load %arg11[%parallel_loop3A_196, %parallel_loop3A_197] {strides = array<i32>} : memref<80x128xf32, #tpu.memory_space<vmem>>, vector<16xf32>,
          tpu.vector_store %arg11[%parallel_loop3A_196, %parallel_loop3A_197], %parallel_loop3A_195 {strides = array<i32>} : memref<80x128xf32, #tpu.memory_space<vmem>>, vector<16xf32>,
        } {sc.loop_unroll_factor = 4 : i64, sc.parallel_access}
        "tpu.region"() ({
          %run_scoped3A = tpu.sem_alloc : memref<!tpu.dma_semaphore, #tpu.memory_space<semaphore_mem>>
          %dma_start3A_139 = arith.constant 0 : i32
          %dma_start3A_140 = tpu.memref_slice %arg9[%mul3A_97, %dma_start3A_139] : memref<50x80xi32, #tpu.memory_space<vmem>> -> memref<1x80xi32, #tpu.memory_space<vmem>>
          %dma_start3A_141 = tpu.memref_squeeze %dma_start3A_140 : memref<1x80xi32, #tpu.memory_space<vmem>> -> memref<80xi32, #tpu.memory_space<vmem>>
          %dma_start3A_142 = arith.constant 0 : i32
          %dma_start3A_143 = arith.constant 0 : i32
          %dma_start3A_144 = tpu.memref_slice %arg15[%dma_start3A_142, %dma_start3A_143] : memref<10000x128xf32, #tpu.memory_space<vmem_shared>> -> memref<10000x128xf32, #tpu.memory_space<vmem_shared>>
          tpu.enqueue_indirect_dma source(%arg11 : memref<80x128xf32, #tpu.memory_space<vmem>>) target(%dma_start3A_144 : memref<10000x128xf32, #tpu.memory_space<vmem_shared>>) offsets(%dma_start3A_141 : memref<80xi32, #tpu.memory_space<vmem>>) semaphore(%run_scoped3A : memref<!tpu.dma_semaphore, #tpu.memory_space<semaphore_mem>>) {add = true}
          %dma_wait3A_145 = arith.constant 0 : i32
          %dma_wait3A_146 = tpu.memref_slice %arg9[%mul3A_97, %dma_wait3A_145] : memref<50x80xi32, #tpu.memory_space<vmem>> -> memref<1x80xi32, #tpu.memory_space<vmem>>
          %dma_wait3A_147 = tpu.memref_squeeze %dma_wait3A_146 : memref<1x80xi32, #tpu.memory_space<vmem>> -> memref<80xi32, #tpu.memory_space<vmem>>
          %dma_wait3A_148 = arith.constant 0 : i32
          %dma_wait3A_149 = arith.constant 0 : i32
          %dma_wait3A_150 = tpu.memref_slice %arg15[%dma_wait3A_148, %dma_wait3A_149] : memref<10000x128xf32, #tpu.memory_space<vmem_shared>> -> memref<10000x128xf32, #tpu.memory_space<vmem_shared>>
          tpu.wait_indirect_dma semaphore(%run_scoped3A : memref<!tpu.dma_semaphore, #tpu.memory_space<semaphore_mem>>) src(%arg11 : memref<80x128xf32, #tpu.memory_space<vmem>>) dst(%dma_wait3A_150 : memref<10000x128xf32, #tpu.memory_space<vmem_shared>>)
          tpu.yield
        }) : () -> ()
        %add3A_111 = arith.constant 2 : i32
        %add3A_112 = arith.addi %mul3A_97, %add3A_111 : i32
        %lt3A = arith.constant 50 : i32
        %lt3A_113 = arith.cmpi slt, %add3A_112, %lt3A : i32
        %convert_element_type3A = arith.extui %lt3A_113 : i1 to i32
        %cond3A = arith.constant 0 : i32
        %cond3A_114 = arith.cmpi ne, %convert_element_type3A, %cond3A : i32
        scf.if %cond3A_114 {
          %add3A_139 = arith.constant 2 : i32
          %add3A_140 = arith.addi %mul3A_97, %add3A_139 : i32
          %dma_start3A_141 = arith.constant 0 : i32
          %dma_start3A_142 = tpu.memref_slice %arg8[%add3A_140, %dma_start3A_141] : memref<50x80xi32, #tpu.memory_space<vmem>> -> memref<1x80xi32, #tpu.memory_space<vmem>>
          %dma_start3A_143 = tpu.memref_squeeze %dma_start3A_142 : memref<1x80xi32, #tpu.memory_space<vmem>> -> memref<80xi32, #tpu.memory_space<vmem>>
          %dma_start3A_144 = arith.constant 0 : i32
          %dma_start3A_145 = arith.constant 0 : i32
          %dma_start3A_146 = tpu.memref_slice %arg2[%add3A_31, %dma_start3A_144, %dma_start3A_145] : memref<8x10000x128xf32, #tpu.memory_space<hbm>> -> memref<1x10000x128xf32, #tpu.memory_space<hbm>>
          %dma_start3A_147 = tpu.memref_squeeze %dma_start3A_146 : memref<1x10000x128xf32, #tpu.memory_space<hbm>> -> memref<10000x128xf32, #tpu.memory_space<hbm>>
          %dma_start3A_148 = arith.constant 0 : i32
          %dma_start3A_149 = arith.constant 0 : i32
          %dma_start3A_150 = tpu.memref_slice %dma_start3A_147[%dma_start3A_148, %dma_start3A_149] : memref<10000x128xf32, #tpu.memory_space<hbm>> -> memref<10000x128xf32, #tpu.memory_space<hbm>>
          tpu.enqueue_indirect_dma source(%dma_start3A_150 : memref<10000x128xf32, #tpu.memory_space<hbm>>) target(%arg11 : memref<80x128xf32, #tpu.memory_space<vmem>>) offsets(%dma_start3A_143 : memref<80xi32, #tpu.memory_space<vmem>>) semaphore(%arg13 : memref<!tpu.dma_semaphore, #tpu.memory_space<semaphore_mem>>)
        } else {
        }
        %dma_wait3A_115 = arith.constant 0 : i32
        %dma_wait3A_116 = arith.constant 0 : i32
        %dma_wait3A_117 = arith.constant 0 : i32
        %dma_wait3A_118 = tpu.memref_slice %arg8[%dma_wait3A_116, %dma_wait3A_117] : memref<50x80xi32, #tpu.memory_space<vmem>> -> memref<1x80xi32, #tpu.memory_space<vmem>>
        %dma_wait3A_119 = tpu.memref_squeeze %dma_wait3A_118 : memref<1x80xi32, #tpu.memory_space<vmem>> -> memref<80xi32, #tpu.memory_space<vmem>>
        %dma_wait3A_120 = arith.constant 0 : i32
        %dma_wait3A_121 = arith.constant 0 : i32
        %dma_wait3A_122 = tpu.memref_slice %arg2[%dma_wait3A_115, %dma_wait3A_120, %dma_wait3A_121] : memref<8x10000x128xf32, #tpu.memory_space<hbm>> -> memref<1x10000x128xf32, #tpu.memory_space<hbm>>
        %dma_wait3A_123 = tpu.memref_squeeze %dma_wait3A_122 : memref<1x10000x128xf32, #tpu.memory_space<hbm>> -> memref<10000x128xf32, #tpu.memory_space<hbm>>
        %dma_wait3A_124 = arith.constant 0 : i32
        %dma_wait3A_125 = arith.constant 0 : i32
        %dma_wait3A_126 = tpu.memref_slice %dma_wait3A_123[%dma_wait3A_124, %dma_wait3A_125] : memref<10000x128xf32, #tpu.memory_space<hbm>> -> memref<10000x128xf32, #tpu.memory_space<hbm>>
        tpu.wait_indirect_dma semaphore(%arg14 : memref<!tpu.dma_semaphore, #tpu.memory_space<semaphore_mem>>) src(%dma_wait3A_126 : memref<10000x128xf32, #tpu.memory_space<hbm>>) dst(%arg12 : memref<80x128xf32, #tpu.memory_space<vmem>>)
        %add3A_127 = arith.constant 1 : i32
        %add3A_128 = arith.addi %mul3A_97, %add3A_127 : i32
        %parallel_loop3A_129 = arith.constant 0 : i32
        %parallel_loop3A_130 = arith.constant 80 : i32
        %parallel_loop3A_131 = arith.constant 1 : i32
        scf.for %parallel_loop3A_139 = %parallel_loop3A_129 to %parallel_loop3A_130 step %parallel_loop3A_131  : i32 {
          %parallel_loop3A_140 = vector.broadcast %add3A_128 : i32 to vector<16xi32>
          %parallel_loop3A_141 = vector.broadcast %parallel_loop3A_139 : i32 to vector<16xi32>
          %parallel_loop3A_142 = tpu.vector_load_idx %arg10[%parallel_loop3A_140, %parallel_loop3A_141] : memref<50x80xf32, #tpu.memory_space<vmem>>[vector<16xi32>, vector<16xi32>], vector<16xf32>,
          %parallel_loop3A_143 = arith.index_cast %parallel_loop3A_139 : i32 to index
          %parallel_loop3A_144 = arith.constant 0 : index
          %parallel_loop3A_145 = tpu.vector_load %arg12[%parallel_loop3A_143, %parallel_loop3A_144] {strides = array<i32>} : memref<80x128xf32, #tpu.memory_space<vmem>>, vector<16xf32>,
          %parallel_loop3A_146 = arith.mulf %parallel_loop3A_145, %parallel_loop3A_142 : vector<16xf32>
          %parallel_loop3A_147 = arith.index_cast %parallel_loop3A_139 : i32 to index
          %parallel_loop3A_148 = arith.constant 0 : index
          %parallel_loop3A_149 = tpu.vector_load %arg12[%parallel_loop3A_147, %parallel_loop3A_148] {strides = array<i32>} : memref<80x128xf32, #tpu.memory_space<vmem>>, vector<16xf32>,
          tpu.vector_store %arg12[%parallel_loop3A_147, %parallel_loop3A_148], %parallel_loop3A_146 {strides = array<i32>} : memref<80x128xf32, #tpu.memory_space<vmem>>, vector<16xf32>,
          %parallel_loop3A_150 = arith.index_cast %parallel_loop3A_139 : i32 to index
          %parallel_loop3A_151 = arith.constant 16 : index
          %parallel_loop3A_152 = tpu.vector_load %arg12[%parallel_loop3A_150, %parallel_loop3A_151] {strides = array<i32>} : memref<80x128xf32, #tpu.memory_space<vmem>>, vector<16xf32>,
          %parallel_loop3A_153 = arith.mulf %parallel_loop3A_152, %parallel_loop3A_142 : vector<16xf32>
          %parallel_loop3A_154 = arith.index_cast %parallel_loop3A_139 : i32 to index
          %parallel_loop3A_155 = arith.constant 16 : index
          %parallel_loop3A_156 = tpu.vector_load %arg12[%parallel_loop3A_154, %parallel_loop3A_155] {strides = array<i32>} : memref<80x128xf32, #tpu.memory_space<vmem>>, vector<16xf32>,
          tpu.vector_store %arg12[%parallel_loop3A_154, %parallel_loop3A_155], %parallel_loop3A_153 {strides = array<i32>} : memref<80x128xf32, #tpu.memory_space<vmem>>, vector<16xf32>,
          %parallel_loop3A_157 = arith.index_cast %parallel_loop3A_139 : i32 to index
          %parallel_loop3A_158 = arith.constant 32 : index
          %parallel_loop3A_159 = tpu.vector_load %arg12[%parallel_loop3A_157, %parallel_loop3A_158] {strides = array<i32>} : memref<80x128xf32, #tpu.memory_space<vmem>>, vector<16xf32>,
          %parallel_loop3A_160 = arith.mulf %parallel_loop3A_159, %parallel_loop3A_142 : vector<16xf32>
          %parallel_loop3A_161 = arith.index_cast %parallel_loop3A_139 : i32 to index
          %parallel_loop3A_162 = arith.constant 32 : index
          %parallel_loop3A_163 = tpu.vector_load %arg12[%parallel_loop3A_161, %parallel_loop3A_162] {strides = array<i32>} : memref<80x128xf32, #tpu.memory_space<vmem>>, vector<16xf32>,
          tpu.vector_store %arg12[%parallel_loop3A_161, %parallel_loop3A_162], %parallel_loop3A_160 {strides = array<i32>} : memref<80x128xf32, #tpu.memory_space<vmem>>, vector<16xf32>,
          %parallel_loop3A_164 = arith.index_cast %parallel_loop3A_139 : i32 to index
          %parallel_loop3A_165 = arith.constant 48 : index
          %parallel_loop3A_166 = tpu.vector_load %arg12[%parallel_loop3A_164, %parallel_loop3A_165] {strides = array<i32>} : memref<80x128xf32, #tpu.memory_space<vmem>>, vector<16xf32>,
          %parallel_loop3A_167 = arith.mulf %parallel_loop3A_166, %parallel_loop3A_142 : vector<16xf32>
          %parallel_loop3A_168 = arith.index_cast %parallel_loop3A_139 : i32 to index
          %parallel_loop3A_169 = arith.constant 48 : index
          %parallel_loop3A_170 = tpu.vector_load %arg12[%parallel_loop3A_168, %parallel_loop3A_169] {strides = array<i32>} : memref<80x128xf32, #tpu.memory_space<vmem>>, vector<16xf32>,
          tpu.vector_store %arg12[%parallel_loop3A_168, %parallel_loop3A_169], %parallel_loop3A_167 {strides = array<i32>} : memref<80x128xf32, #tpu.memory_space<vmem>>, vector<16xf32>,
          %parallel_loop3A_171 = arith.index_cast %parallel_loop3A_139 : i32 to index
          %parallel_loop3A_172 = arith.constant 64 : index
          %parallel_loop3A_173 = tpu.vector_load %arg12[%parallel_loop3A_171, %parallel_loop3A_172] {strides = array<i32>} : memref<80x128xf32, #tpu.memory_space<vmem>>, vector<16xf32>,
          %parallel_loop3A_174 = arith.mulf %parallel_loop3A_173, %parallel_loop3A_142 : vector<16xf32>
          %parallel_loop3A_175 = arith.index_cast %parallel_loop3A_139 : i32 to index
          %parallel_loop3A_176 = arith.constant 64 : index
          %parallel_loop3A_177 = tpu.vector_load %arg12[%parallel_loop3A_175, %parallel_loop3A_176] {strides = array<i32>} : memref<80x128xf32, #tpu.memory_space<vmem>>, vector<16xf32>,
          tpu.vector_store %arg12[%parallel_loop3A_175, %parallel_loop3A_176], %parallel_loop3A_174 {strides = array<i32>} : memref<80x128xf32, #tpu.memory_space<vmem>>, vector<16xf32>,
          %parallel_loop3A_178 = arith.index_cast %parallel_loop3A_139 : i32 to index
          %parallel_loop3A_179 = arith.constant 80 : index
          %parallel_loop3A_180 = tpu.vector_load %arg12[%parallel_loop3A_178, %parallel_loop3A_179] {strides = array<i32>} : memref<80x128xf32, #tpu.memory_space<vmem>>, vector<16xf32>,
          %parallel_loop3A_181 = arith.mulf %parallel_loop3A_180, %parallel_loop3A_142 : vector<16xf32>
          %parallel_loop3A_182 = arith.index_cast %parallel_loop3A_139 : i32 to index
          %parallel_loop3A_183 = arith.constant 80 : index
          %parallel_loop3A_184 = tpu.vector_load %arg12[%parallel_loop3A_182, %parallel_loop3A_183] {strides = array<i32>} : memref<80x128xf32, #tpu.memory_space<vmem>>, vector<16xf32>,
          tpu.vector_store %arg12[%parallel_loop3A_182, %parallel_loop3A_183], %parallel_loop3A_181 {strides = array<i32>} : memref<80x128xf32, #tpu.memory_space<vmem>>, vector<16xf32>,
          %parallel_loop3A_185 = arith.index_cast %parallel_loop3A_139 : i32 to index
          %parallel_loop3A_186 = arith.constant 96 : index
          %parallel_loop3A_187 = tpu.vector_load %arg12[%parallel_loop3A_185, %parallel_loop3A_186] {strides = array<i32>} : memref<80x128xf32, #tpu.memory_space<vmem>>, vector<16xf32>,
          %parallel_loop3A_188 = arith.mulf %parallel_loop3A_187, %parallel_loop3A_142 : vector<16xf32>
          %parallel_loop3A_189 = arith.index_cast %parallel_loop3A_139 : i32 to index
          %parallel_loop3A_190 = arith.constant 96 : index
          %parallel_loop3A_191 = tpu.vector_load %arg12[%parallel_loop3A_189, %parallel_loop3A_190] {strides = array<i32>} : memref<80x128xf32, #tpu.memory_space<vmem>>, vector<16xf32>,
          tpu.vector_store %arg12[%parallel_loop3A_189, %parallel_loop3A_190], %parallel_loop3A_188 {strides = array<i32>} : memref<80x128xf32, #tpu.memory_space<vmem>>, vector<16xf32>,
          %parallel_loop3A_192 = arith.index_cast %parallel_loop3A_139 : i32 to index
          %parallel_loop3A_193 = arith.constant 112 : index
          %parallel_loop3A_194 = tpu.vector_load %arg12[%parallel_loop3A_192, %parallel_loop3A_193] {strides = array<i32>} : memref<80x128xf32, #tpu.memory_space<vmem>>, vector<16xf32>,
          %parallel_loop3A_195 = arith.mulf %parallel_loop3A_194, %parallel_loop3A_142 : vector<16xf32>
          %parallel_loop3A_196 = arith.index_cast %parallel_loop3A_139 : i32 to index
          %parallel_loop3A_197 = arith.constant 112 : index
          %parallel_loop3A_198 = tpu.vector_load %arg12[%parallel_loop3A_196, %parallel_loop3A_197] {strides = array<i32>} : memref<80x128xf32, #tpu.memory_space<vmem>>, vector<16xf32>,
          tpu.vector_store %arg12[%parallel_loop3A_196, %parallel_loop3A_197], %parallel_loop3A_195 {strides = array<i32>} : memref<80x128xf32, #tpu.memory_space<vmem>>, vector<16xf32>,
        } {sc.loop_unroll_factor = 4 : i64, sc.parallel_access}
        "tpu.region"() ({
          %run_scoped3A = tpu.sem_alloc : memref<!tpu.dma_semaphore, #tpu.memory_space<semaphore_mem>>
          %dma_start3A_139 = arith.constant 0 : i32
          %dma_start3A_140 = tpu.memref_slice %arg9[%add3A_128, %dma_start3A_139] : memref<50x80xi32, #tpu.memory_space<vmem>> -> memref<1x80xi32, #tpu.memory_space<vmem>>
          %dma_start3A_141 = tpu.memref_squeeze %dma_start3A_140 : memref<1x80xi32, #tpu.memory_space<vmem>> -> memref<80xi32, #tpu.memory_space<vmem>>
          %dma_start3A_142 = arith.constant 0 : i32
          %dma_start3A_143 = arith.constant 0 : i32
          %dma_start3A_144 = tpu.memref_slice %arg15[%dma_start3A_142, %dma_start3A_143] : memref<10000x128xf32, #tpu.memory_space<vmem_shared>> -> memref<10000x128xf32, #tpu.memory_space<vmem_shared>>
          tpu.enqueue_indirect_dma source(%arg12 : memref<80x128xf32, #tpu.memory_space<vmem>>) target(%dma_start3A_144 : memref<10000x128xf32, #tpu.memory_space<vmem_shared>>) offsets(%dma_start3A_141 : memref<80xi32, #tpu.memory_space<vmem>>) semaphore(%run_scoped3A : memref<!tpu.dma_semaphore, #tpu.memory_space<semaphore_mem>>) {add = true}
          %dma_wait3A_145 = arith.constant 0 : i32
          %dma_wait3A_146 = tpu.memref_slice %arg9[%add3A_128, %dma_wait3A_145] : memref<50x80xi32, #tpu.memory_space<vmem>> -> memref<1x80xi32, #tpu.memory_space<vmem>>
          %dma_wait3A_147 = tpu.memref_squeeze %dma_wait3A_146 : memref<1x80xi32, #tpu.memory_space<vmem>> -> memref<80xi32, #tpu.memory_space<vmem>>
          %dma_wait3A_148 = arith.constant 0 : i32
          %dma_wait3A_149 = arith.constant 0 : i32
          %dma_wait3A_150 = tpu.memref_slice %arg15[%dma_wait3A_148, %dma_wait3A_149] : memref<10000x128xf32, #tpu.memory_space<vmem_shared>> -> memref<10000x128xf32, #tpu.memory_space<vmem_shared>>
          tpu.wait_indirect_dma semaphore(%run_scoped3A : memref<!tpu.dma_semaphore, #tpu.memory_space<semaphore_mem>>) src(%arg12 : memref<80x128xf32, #tpu.memory_space<vmem>>) dst(%dma_wait3A_150 : memref<10000x128xf32, #tpu.memory_space<vmem_shared>>)
          tpu.yield
        }) : () -> ()
        %add3A_132 = arith.constant 3 : i32
        %add3A_133 = arith.addi %mul3A_97, %add3A_132 : i32
        %lt3A_134 = arith.constant 50 : i32
        %lt3A_135 = arith.cmpi slt, %add3A_133, %lt3A_134 : i32
        %convert_element_type3A_136 = arith.extui %lt3A_135 : i1 to i32
        %cond3A_137 = arith.constant 0 : i32
        %cond3A_138 = arith.cmpi ne, %convert_element_type3A_136, %cond3A_137 : i32
        scf.if %cond3A_138 {
          %add3A_139 = arith.constant 3 : i32
          %add3A_140 = arith.addi %mul3A_97, %add3A_139 : i32
          %dma_start3A_141 = arith.constant 0 : i32
          %dma_start3A_142 = tpu.memref_slice %arg8[%add3A_140, %dma_start3A_141] : memref<50x80xi32, #tpu.memory_space<vmem>> -> memref<1x80xi32, #tpu.memory_space<vmem>>
          %dma_start3A_143 = tpu.memref_squeeze %dma_start3A_142 : memref<1x80xi32, #tpu.memory_space<vmem>> -> memref<80xi32, #tpu.memory_space<vmem>>
          %dma_start3A_144 = arith.constant 0 : i32
          %dma_start3A_145 = arith.constant 0 : i32
          %dma_start3A_146 = tpu.memref_slice %arg2[%add3A_31, %dma_start3A_144, %dma_start3A_145] : memref<8x10000x128xf32, #tpu.memory_space<hbm>> -> memref<1x10000x128xf32, #tpu.memory_space<hbm>>
          %dma_start3A_147 = tpu.memref_squeeze %dma_start3A_146 : memref<1x10000x128xf32, #tpu.memory_space<hbm>> -> memref<10000x128xf32, #tpu.memory_space<hbm>>
          %dma_start3A_148 = arith.constant 0 : i32
          %dma_start3A_149 = arith.constant 0 : i32
          %dma_start3A_150 = tpu.memref_slice %dma_start3A_147[%dma_start3A_148, %dma_start3A_149] : memref<10000x128xf32, #tpu.memory_space<hbm>> -> memref<10000x128xf32, #tpu.memory_space<hbm>>
          tpu.enqueue_indirect_dma source(%dma_start3A_150 : memref<10000x128xf32, #tpu.memory_space<hbm>>) target(%arg12 : memref<80x128xf32, #tpu.memory_space<vmem>>) offsets(%dma_start3A_143 : memref<80xi32, #tpu.memory_space<vmem>>) semaphore(%arg14 : memref<!tpu.dma_semaphore, #tpu.memory_space<semaphore_mem>>)
        } else {
        }
      }
      %scan3A_90 = arith.constant 25 : i32
    }
    %scan3A_39 = arith.constant 5 : i32
    %barrier3A_40 = arith.constant 0 : index
    tpu.barrier barrier_id(%barrier3A_40)
    %mul3A_41 = arith.constant 625 : i32
    %mul3A_42 = arith.muli %arg1, %mul3A_41 : i32
    "tpu.region"() ({
      %run_scoped3A = tpu.sem_alloc : memref<!tpu.dma_semaphore, #tpu.memory_space<semaphore_mem>>
      %dma_start3A = arith.constant 0 : i32
      %dma_start3A_60 = arith.constant 0 : i32
      %dma_start3A_61 = tpu.memref_slice %arg7[%add3A_31, %arg1, %dma_start3A, %dma_start3A_60] : memref<8x16x625x128xf32, #tpu.memory_space<hbm>> -> memref<1x1x625x128xf32, #tpu.memory_space<hbm>>
      %dma_start3A_62 = tpu.memref_squeeze %dma_start3A_61 : memref<1x1x625x128xf32, #tpu.memory_space<hbm>> -> memref<625x128xf32, #tpu.memory_space<hbm>>
      %dma_start3A_63 = arith.constant 0 : i32
      %dma_start3A_64 = tpu.memref_slice %arg15[%mul3A_42, %dma_start3A_63] : memref<10000x128xf32, #tpu.memory_space<vmem_shared>> -> memref<625x128xf32, #tpu.memory_space<vmem_shared>>
      tpu.enqueue_dma source(%dma_start3A_64 : memref<625x128xf32, #tpu.memory_space<vmem_shared>>) target(%dma_start3A_62 : memref<625x128xf32, #tpu.memory_space<hbm>>) target_semaphore(%run_scoped3A : memref<!tpu.dma_semaphore, #tpu.memory_space<semaphore_mem>>)
      %dma_wait3A = arith.constant 0 : i32
      %dma_wait3A_65 = arith.constant 0 : i32
      %dma_wait3A_66 = tpu.memref_slice %arg7[%add3A_31, %arg1, %dma_wait3A, %dma_wait3A_65] : memref<8x16x625x128xf32, #tpu.memory_space<hbm>> -> memref<1x1x625x128xf32, #tpu.memory_space<hbm>>
      %dma_wait3A_67 = tpu.memref_squeeze %dma_wait3A_66 : memref<1x1x625x128xf32, #tpu.memory_space<hbm>> -> memref<625x128xf32, #tpu.memory_space<hbm>>
      %dma_wait3A_68 = arith.constant 0 : i32
      %dma_wait3A_69 = tpu.memref_slice %arg15[%mul3A_42, %dma_wait3A_68] : memref<10000x128xf32, #tpu.memory_space<vmem_shared>> -> memref<625x128xf32, #tpu.memory_space<vmem_shared>>
      tpu.wait_dma2 semaphore(%run_scoped3A : memref<!tpu.dma_semaphore, #tpu.memory_space<semaphore_mem>>) src(%dma_wait3A_69 : memref<625x128xf32, #tpu.memory_space<vmem_shared>>) dst(%dma_wait3A_67 : memref<625x128xf32, #tpu.memory_space<hbm>>)
      tpu.yield
    }) : () -> ()
    %barrier3A_43 = arith.constant 0 : index
    tpu.barrier barrier_id(%barrier3A_43)
    %mul3A_44 = arith.constant 4 : i32
    %mul3A_45 = arith.muli %arg0, %mul3A_44 : i32
    %add3A_46 = arith.constant 3 : i32
    %add3A_47 = arith.addi %mul3A_45, %add3A_46 : i32
    %mul3A_48 = arith.constant 625 : i32
    %mul3A_49 = arith.muli %arg1, %mul3A_48 : i32
    "tpu.region"() ({
      %run_scoped3A = tpu.sem_alloc : memref<!tpu.dma_semaphore, #tpu.memory_space<semaphore_mem>>
      %dma_start3A = arith.constant 0 : i32
      %dma_start3A_60 = tpu.memref_slice %arg15[%mul3A_49, %dma_start3A] : memref<10000x128xf32, #tpu.memory_space<vmem_shared>> -> memref<625x128xf32, #tpu.memory_space<vmem_shared>>
      %dma_start3A_61 = arith.constant 0 : i32
      %dma_start3A_62 = arith.constant 0 : i32
      %dma_start3A_63 = tpu.memref_slice %arg3[%add3A_47, %arg1, %dma_start3A_61, %dma_start3A_62] : memref<8x16x625x128xf32, #tpu.memory_space<hbm>> -> memref<1x1x625x128xf32, #tpu.memory_space<hbm>>
      %dma_start3A_64 = tpu.memref_squeeze %dma_start3A_63 : memref<1x1x625x128xf32, #tpu.memory_space<hbm>> -> memref<625x128xf32, #tpu.memory_space<hbm>>
      tpu.enqueue_dma source(%dma_start3A_64 : memref<625x128xf32, #tpu.memory_space<hbm>>) target(%dma_start3A_60 : memref<625x128xf32, #tpu.memory_space<vmem_shared>>) target_semaphore(%run_scoped3A : memref<!tpu.dma_semaphore, #tpu.memory_space<semaphore_mem>>)
      %dma_wait3A = arith.constant 0 : i32
      %dma_wait3A_65 = tpu.memref_slice %arg15[%mul3A_49, %dma_wait3A] : memref<10000x128xf32, #tpu.memory_space<vmem_shared>> -> memref<625x128xf32, #tpu.memory_space<vmem_shared>>
      %dma_wait3A_66 = arith.constant 0 : i32
      %dma_wait3A_67 = arith.constant 0 : i32
      %dma_wait3A_68 = tpu.memref_slice %arg3[%add3A_47, %arg1, %dma_wait3A_66, %dma_wait3A_67] : memref<8x16x625x128xf32, #tpu.memory_space<hbm>> -> memref<1x1x625x128xf32, #tpu.memory_space<hbm>>
      %dma_wait3A_69 = tpu.memref_squeeze %dma_wait3A_68 : memref<1x1x625x128xf32, #tpu.memory_space<hbm>> -> memref<625x128xf32, #tpu.memory_space<hbm>>
      tpu.wait_dma2 semaphore(%run_scoped3A : memref<!tpu.dma_semaphore, #tpu.memory_space<semaphore_mem>>) src(%dma_wait3A_69 : memref<625x128xf32, #tpu.memory_space<hbm>>) dst(%dma_wait3A_65 : memref<625x128xf32, #tpu.memory_space<vmem_shared>>)
      tpu.yield
    }) : () -> ()
    %barrier3A_50 = arith.constant 0 : index
    tpu.barrier barrier_id(%barrier3A_50)
    %scan3A_51 = arith.constant 0 : i32
    %scan3A_52 = arith.constant 5 : i32
    %scan3A_53 = arith.addi %scan3A_51, %scan3A_52 : i32
    %scan3A_54 = arith.constant 1 : i32
    scf.for %scan3A_60 = %scan3A_51 to %scan3A_53 step %scan3A_54  : i32 {
      %mul3A_61 = arith.constant 1 : i32
      %mul3A_62 = arith.muli %scan3A_60, %mul3A_61 : i32
      %add3A_63 = arith.constant 0 : i32
      %add3A_64 = arith.addi %add3A_63, %mul3A_62 : i32
      "tpu.region"() ({
        %run_scoped3A = tpu.sem_alloc : memref<!tpu.dma_semaphore, #tpu.memory_space<semaphore_mem>>
        %dma_start3A_91 = arith.constant 0 : i32
        %dma_start3A_92 = arith.constant 0 : i32
        %dma_start3A_93 = tpu.memref_slice %arg4[%arg1, %add3A_64, %dma_start3A_91, %dma_start3A_92] : memref<16x5x50x80xi32, #tpu.memory_space<hbm>> -> memref<1x1x50x80xi32, #tpu.memory_space<hbm>>
        %dma_start3A_94 = tpu.memref_squeeze %dma_start3A_93 : memref<1x1x50x80xi32, #tpu.memory_space<hbm>> -> memref<50x80xi32, #tpu.memory_space<hbm>>
        %dma_start3A_95 = arith.constant 0 : i32
        %dma_start3A_96 = arith.constant 0 : i32
        %dma_start3A_97 = tpu.memref_slice %arg4[%arg1, %add3A_64, %dma_start3A_95, %dma_start3A_96] : memref<16x5x50x80xi32, #tpu.memory_space<hbm>> -> memref<1x1x50x80xi32, #tpu.memory_space<hbm>>
        %dma_start3A_98 = tpu.memref_squeeze %dma_start3A_97 : memref<1x1x50x80xi32, #tpu.memory_space<hbm>> -> memref<50x80xi32, #tpu.memory_space<hbm>>
        tpu.enqueue_dma source(%dma_start3A_98 : memref<50x80xi32, #tpu.memory_space<hbm>>) target(%arg8 : memref<50x80xi32, #tpu.memory_space<vmem>>) target_semaphore(%run_scoped3A : memref<!tpu.dma_semaphore, #tpu.memory_space<semaphore_mem>>)
        %dma_wait3A = arith.constant 0 : i32
        %dma_wait3A_99 = arith.constant 0 : i32
        %dma_wait3A_100 = tpu.memref_slice %arg4[%arg1, %add3A_64, %dma_wait3A, %dma_wait3A_99] : memref<16x5x50x80xi32, #tpu.memory_space<hbm>> -> memref<1x1x50x80xi32, #tpu.memory_space<hbm>>
        %dma_wait3A_101 = tpu.memref_squeeze %dma_wait3A_100 : memref<1x1x50x80xi32, #tpu.memory_space<hbm>> -> memref<50x80xi32, #tpu.memory_space<hbm>>
        %dma_wait3A_102 = arith.constant 0 : i32
        %dma_wait3A_103 = arith.constant 0 : i32
        %dma_wait3A_104 = tpu.memref_slice %arg4[%arg1, %add3A_64, %dma_wait3A_102, %dma_wait3A_103] : memref<16x5x50x80xi32, #tpu.memory_space<hbm>> -> memref<1x1x50x80xi32, #tpu.memory_space<hbm>>
        %dma_wait3A_105 = tpu.memref_squeeze %dma_wait3A_104 : memref<1x1x50x80xi32, #tpu.memory_space<hbm>> -> memref<50x80xi32, #tpu.memory_space<hbm>>
        tpu.wait_dma2 semaphore(%run_scoped3A : memref<!tpu.dma_semaphore, #tpu.memory_space<semaphore_mem>>) src(%dma_wait3A_105 : memref<50x80xi32, #tpu.memory_space<hbm>>) dst(%arg8 : memref<50x80xi32, #tpu.memory_space<vmem>>)
        tpu.yield
      }) : () -> ()
      "tpu.region"() ({
        %run_scoped3A = tpu.sem_alloc : memref<!tpu.dma_semaphore, #tpu.memory_space<semaphore_mem>>
        %dma_start3A_91 = arith.constant 0 : i32
        %dma_start3A_92 = arith.constant 0 : i32
        %dma_start3A_93 = tpu.memref_slice %arg5[%arg1, %add3A_64, %dma_start3A_91, %dma_start3A_92] : memref<16x5x50x80xi32, #tpu.memory_space<hbm>> -> memref<1x1x50x80xi32, #tpu.memory_space<hbm>>
        %dma_start3A_94 = tpu.memref_squeeze %dma_start3A_93 : memref<1x1x50x80xi32, #tpu.memory_space<hbm>> -> memref<50x80xi32, #tpu.memory_space<hbm>>
        %dma_start3A_95 = arith.constant 0 : i32
        %dma_start3A_96 = arith.constant 0 : i32
        %dma_start3A_97 = tpu.memref_slice %arg5[%arg1, %add3A_64, %dma_start3A_95, %dma_start3A_96] : memref<16x5x50x80xi32, #tpu.memory_space<hbm>> -> memref<1x1x50x80xi32, #tpu.memory_space<hbm>>
        %dma_start3A_98 = tpu.memref_squeeze %dma_start3A_97 : memref<1x1x50x80xi32, #tpu.memory_space<hbm>> -> memref<50x80xi32, #tpu.memory_space<hbm>>
        tpu.enqueue_dma source(%dma_start3A_98 : memref<50x80xi32, #tpu.memory_space<hbm>>) target(%arg9 : memref<50x80xi32, #tpu.memory_space<vmem>>) target_semaphore(%run_scoped3A : memref<!tpu.dma_semaphore, #tpu.memory_space<semaphore_mem>>)
        %dma_wait3A = arith.constant 0 : i32
        %dma_wait3A_99 = arith.constant 0 : i32
        %dma_wait3A_100 = tpu.memref_slice %arg5[%arg1, %add3A_64, %dma_wait3A, %dma_wait3A_99] : memref<16x5x50x80xi32, #tpu.memory_space<hbm>> -> memref<1x1x50x80xi32, #tpu.memory_space<hbm>>
        %dma_wait3A_101 = tpu.memref_squeeze %dma_wait3A_100 : memref<1x1x50x80xi32, #tpu.memory_space<hbm>> -> memref<50x80xi32, #tpu.memory_space<hbm>>
        %dma_wait3A_102 = arith.constant 0 : i32
        %dma_wait3A_103 = arith.constant 0 : i32
        %dma_wait3A_104 = tpu.memref_slice %arg5[%arg1, %add3A_64, %dma_wait3A_102, %dma_wait3A_103] : memref<16x5x50x80xi32, #tpu.memory_space<hbm>> -> memref<1x1x50x80xi32, #tpu.memory_space<hbm>>
        %dma_wait3A_105 = tpu.memref_squeeze %dma_wait3A_104 : memref<1x1x50x80xi32, #tpu.memory_space<hbm>> -> memref<50x80xi32, #tpu.memory_space<hbm>>
        tpu.wait_dma2 semaphore(%run_scoped3A : memref<!tpu.dma_semaphore, #tpu.memory_space<semaphore_mem>>) src(%dma_wait3A_105 : memref<50x80xi32, #tpu.memory_space<hbm>>) dst(%arg9 : memref<50x80xi32, #tpu.memory_space<vmem>>)
        tpu.yield
      }) : () -> ()
      "tpu.region"() ({
        %run_scoped3A = tpu.sem_alloc : memref<!tpu.dma_semaphore, #tpu.memory_space<semaphore_mem>>
        %dma_start3A_91 = arith.constant 0 : i32
        %dma_start3A_92 = arith.constant 0 : i32
        %dma_start3A_93 = tpu.memref_slice %arg6[%arg1, %add3A_64, %dma_start3A_91, %dma_start3A_92] : memref<16x5x50x80xf32, #tpu.memory_space<hbm>> -> memref<1x1x50x80xf32, #tpu.memory_space<hbm>>
        %dma_start3A_94 = tpu.memref_squeeze %dma_start3A_93 : memref<1x1x50x80xf32, #tpu.memory_space<hbm>> -> memref<50x80xf32, #tpu.memory_space<hbm>>
        %dma_start3A_95 = arith.constant 0 : i32
        %dma_start3A_96 = arith.constant 0 : i32
        %dma_start3A_97 = tpu.memref_slice %arg6[%arg1, %add3A_64, %dma_start3A_95, %dma_start3A_96] : memref<16x5x50x80xf32, #tpu.memory_space<hbm>> -> memref<1x1x50x80xf32, #tpu.memory_space<hbm>>
        %dma_start3A_98 = tpu.memref_squeeze %dma_start3A_97 : memref<1x1x50x80xf32, #tpu.memory_space<hbm>> -> memref<50x80xf32, #tpu.memory_space<hbm>>
        tpu.enqueue_dma source(%dma_start3A_98 : memref<50x80xf32, #tpu.memory_space<hbm>>) target(%arg10 : memref<50x80xf32, #tpu.memory_space<vmem>>) target_semaphore(%run_scoped3A : memref<!tpu.dma_semaphore, #tpu.memory_space<semaphore_mem>>)
        %dma_wait3A = arith.constant 0 : i32
        %dma_wait3A_99 = arith.constant 0 : i32
        %dma_wait3A_100 = tpu.memref_slice %arg6[%arg1, %add3A_64, %dma_wait3A, %dma_wait3A_99] : memref<16x5x50x80xf32, #tpu.memory_space<hbm>> -> memref<1x1x50x80xf32, #tpu.memory_space<hbm>>
        %dma_wait3A_101 = tpu.memref_squeeze %dma_wait3A_100 : memref<1x1x50x80xf32, #tpu.memory_space<hbm>> -> memref<50x80xf32, #tpu.memory_space<hbm>>
        %dma_wait3A_102 = arith.constant 0 : i32
        %dma_wait3A_103 = arith.constant 0 : i32
        %dma_wait3A_104 = tpu.memref_slice %arg6[%arg1, %add3A_64, %dma_wait3A_102, %dma_wait3A_103] : memref<16x5x50x80xf32, #tpu.memory_space<hbm>> -> memref<1x1x50x80xf32, #tpu.memory_space<hbm>>
        %dma_wait3A_105 = tpu.memref_squeeze %dma_wait3A_104 : memref<1x1x50x80xf32, #tpu.memory_space<hbm>> -> memref<50x80xf32, #tpu.memory_space<hbm>>
        tpu.wait_dma2 semaphore(%run_scoped3A : memref<!tpu.dma_semaphore, #tpu.memory_space<semaphore_mem>>) src(%dma_wait3A_105 : memref<50x80xf32, #tpu.memory_space<hbm>>) dst(%arg10 : memref<50x80xf32, #tpu.memory_space<vmem>>)
        tpu.yield
      }) : () -> ()
      %dma_start3A = arith.constant 0 : i32
      %dma_start3A_65 = arith.constant 0 : i32
      %dma_start3A_66 = tpu.memref_slice %arg8[%dma_start3A, %dma_start3A_65] : memref<50x80xi32, #tpu.memory_space<vmem>> -> memref<1x80xi32, #tpu.memory_space<vmem>>
      %dma_start3A_67 = tpu.memref_squeeze %dma_start3A_66 : memref<1x80xi32, #tpu.memory_space<vmem>> -> memref<80xi32, #tpu.memory_space<vmem>>
      %dma_start3A_68 = arith.constant 0 : i32
      %dma_start3A_69 = arith.constant 0 : i32
      %dma_start3A_70 = tpu.memref_slice %arg2[%add3A_47, %dma_start3A_68, %dma_start3A_69] : memref<8x10000x128xf32, #tpu.memory_space<hbm>> -> memref<1x10000x128xf32, #tpu.memory_space<hbm>>
      %dma_start3A_71 = tpu.memref_squeeze %dma_start3A_70 : memref<1x10000x128xf32, #tpu.memory_space<hbm>> -> memref<10000x128xf32, #tpu.memory_space<hbm>>
      %dma_start3A_72 = arith.constant 0 : i32
      %dma_start3A_73 = arith.constant 0 : i32
      %dma_start3A_74 = tpu.memref_slice %dma_start3A_71[%dma_start3A_72, %dma_start3A_73] : memref<10000x128xf32, #tpu.memory_space<hbm>> -> memref<10000x128xf32, #tpu.memory_space<hbm>>
      tpu.enqueue_indirect_dma source(%dma_start3A_74 : memref<10000x128xf32, #tpu.memory_space<hbm>>) target(%arg11 : memref<80x128xf32, #tpu.memory_space<vmem>>) offsets(%dma_start3A_67 : memref<80xi32, #tpu.memory_space<vmem>>) semaphore(%arg13 : memref<!tpu.dma_semaphore, #tpu.memory_space<semaphore_mem>>)
      %dma_start3A_75 = arith.constant 1 : i32
      %dma_start3A_76 = arith.constant 0 : i32
      %dma_start3A_77 = tpu.memref_slice %arg8[%dma_start3A_75, %dma_start3A_76] : memref<50x80xi32, #tpu.memory_space<vmem>> -> memref<1x80xi32, #tpu.memory_space<vmem>>
      %dma_start3A_78 = tpu.memref_squeeze %dma_start3A_77 : memref<1x80xi32, #tpu.memory_space<vmem>> -> memref<80xi32, #tpu.memory_space<vmem>>
      %dma_start3A_79 = arith.constant 0 : i32
      %dma_start3A_80 = arith.constant 0 : i32
      %dma_start3A_81 = tpu.memref_slice %arg2[%add3A_47, %dma_start3A_79, %dma_start3A_80] : memref<8x10000x128xf32, #tpu.memory_space<hbm>> -> memref<1x10000x128xf32, #tpu.memory_space<hbm>>
      %dma_start3A_82 = tpu.memref_squeeze %dma_start3A_81 : memref<1x10000x128xf32, #tpu.memory_space<hbm>> -> memref<10000x128xf32, #tpu.memory_space<hbm>>
      %dma_start3A_83 = arith.constant 0 : i32
      %dma_start3A_84 = arith.constant 0 : i32
      %dma_start3A_85 = tpu.memref_slice %dma_start3A_82[%dma_start3A_83, %dma_start3A_84] : memref<10000x128xf32, #tpu.memory_space<hbm>> -> memref<10000x128xf32, #tpu.memory_space<hbm>>
      tpu.enqueue_indirect_dma source(%dma_start3A_85 : memref<10000x128xf32, #tpu.memory_space<hbm>>) target(%arg12 : memref<80x128xf32, #tpu.memory_space<vmem>>) offsets(%dma_start3A_78 : memref<80xi32, #tpu.memory_space<vmem>>) semaphore(%arg14 : memref<!tpu.dma_semaphore, #tpu.memory_space<semaphore_mem>>)
      %scan3A_86 = arith.constant 0 : i32
      %scan3A_87 = arith.constant 25 : i32
      %scan3A_88 = arith.addi %scan3A_86, %scan3A_87 : i32
      %scan3A_89 = arith.constant 1 : i32
      scf.for %scan3A_91 = %scan3A_86 to %scan3A_88 step %scan3A_89  : i32 {
        %mul3A_92 = arith.constant 1 : i32
        %mul3A_93 = arith.muli %scan3A_91, %mul3A_92 : i32
        %add3A_94 = arith.constant 0 : i32
        %add3A_95 = arith.addi %add3A_94, %mul3A_93 : i32
        %mul3A_96 = arith.constant 2 : i32
        %mul3A_97 = arith.muli %mul3A_96, %add3A_95 : i32
        %dma_wait3A = arith.constant 0 : i32
        %dma_wait3A_98 = arith.constant 0 : i32
        %dma_wait3A_99 = arith.constant 0 : i32
        %dma_wait3A_100 = tpu.memref_slice %arg8[%dma_wait3A_98, %dma_wait3A_99] : memref<50x80xi32, #tpu.memory_space<vmem>> -> memref<1x80xi32, #tpu.memory_space<vmem>>
        %dma_wait3A_101 = tpu.memref_squeeze %dma_wait3A_100 : memref<1x80xi32, #tpu.memory_space<vmem>> -> memref<80xi32, #tpu.memory_space<vmem>>
        %dma_wait3A_102 = arith.constant 0 : i32
        %dma_wait3A_103 = arith.constant 0 : i32
        %dma_wait3A_104 = tpu.memref_slice %arg2[%dma_wait3A, %dma_wait3A_102, %dma_wait3A_103] : memref<8x10000x128xf32, #tpu.memory_space<hbm>> -> memref<1x10000x128xf32, #tpu.memory_space<hbm>>
        %dma_wait3A_105 = tpu.memref_squeeze %dma_wait3A_104 : memref<1x10000x128xf32, #tpu.memory_space<hbm>> -> memref<10000x128xf32, #tpu.memory_space<hbm>>
        %dma_wait3A_106 = arith.constant 0 : i32
        %dma_wait3A_107 = arith.constant 0 : i32
        %dma_wait3A_108 = tpu.memref_slice %dma_wait3A_105[%dma_wait3A_106, %dma_wait3A_107] : memref<10000x128xf32, #tpu.memory_space<hbm>> -> memref<10000x128xf32, #tpu.memory_space<hbm>>
        tpu.wait_indirect_dma semaphore(%arg13 : memref<!tpu.dma_semaphore, #tpu.memory_space<semaphore_mem>>) src(%dma_wait3A_108 : memref<10000x128xf32, #tpu.memory_space<hbm>>) dst(%arg11 : memref<80x128xf32, #tpu.memory_space<vmem>>)
        %parallel_loop3A = arith.constant 0 : i32
        %parallel_loop3A_109 = arith.constant 80 : i32
        %parallel_loop3A_110 = arith.constant 1 : i32
        scf.for %parallel_loop3A_139 = %parallel_loop3A to %parallel_loop3A_109 step %parallel_loop3A_110  : i32 {
          %parallel_loop3A_140 = vector.broadcast %mul3A_97 : i32 to vector<16xi32>
          %parallel_loop3A_141 = vector.broadcast %parallel_loop3A_139 : i32 to vector<16xi32>
          %parallel_loop3A_142 = tpu.vector_load_idx %arg10[%parallel_loop3A_140, %parallel_loop3A_141] : memref<50x80xf32, #tpu.memory_space<vmem>>[vector<16xi32>, vector<16xi32>], vector<16xf32>,
          %parallel_loop3A_143 = arith.index_cast %parallel_loop3A_139 : i32 to index
          %parallel_loop3A_144 = arith.constant 0 : index
          %parallel_loop3A_145 = tpu.vector_load %arg11[%parallel_loop3A_143, %parallel_loop3A_144] {strides = array<i32>} : memref<80x128xf32, #tpu.memory_space<vmem>>, vector<16xf32>,
          %parallel_loop3A_146 = arith.mulf %parallel_loop3A_145, %parallel_loop3A_142 : vector<16xf32>
          %parallel_loop3A_147 = arith.index_cast %parallel_loop3A_139 : i32 to index
          %parallel_loop3A_148 = arith.constant 0 : index
          %parallel_loop3A_149 = tpu.vector_load %arg11[%parallel_loop3A_147, %parallel_loop3A_148] {strides = array<i32>} : memref<80x128xf32, #tpu.memory_space<vmem>>, vector<16xf32>,
          tpu.vector_store %arg11[%parallel_loop3A_147, %parallel_loop3A_148], %parallel_loop3A_146 {strides = array<i32>} : memref<80x128xf32, #tpu.memory_space<vmem>>, vector<16xf32>,
          %parallel_loop3A_150 = arith.index_cast %parallel_loop3A_139 : i32 to index
          %parallel_loop3A_151 = arith.constant 16 : index
          %parallel_loop3A_152 = tpu.vector_load %arg11[%parallel_loop3A_150, %parallel_loop3A_151] {strides = array<i32>} : memref<80x128xf32, #tpu.memory_space<vmem>>, vector<16xf32>,
          %parallel_loop3A_153 = arith.mulf %parallel_loop3A_152, %parallel_loop3A_142 : vector<16xf32>
          %parallel_loop3A_154 = arith.index_cast %parallel_loop3A_139 : i32 to index
          %parallel_loop3A_155 = arith.constant 16 : index
          %parallel_loop3A_156 = tpu.vector_load %arg11[%parallel_loop3A_154, %parallel_loop3A_155] {strides = array<i32>} : memref<80x128xf32, #tpu.memory_space<vmem>>, vector<16xf32>,
          tpu.vector_store %arg11[%parallel_loop3A_154, %parallel_loop3A_155], %parallel_loop3A_153 {strides = array<i32>} : memref<80x128xf32, #tpu.memory_space<vmem>>, vector<16xf32>,
          %parallel_loop3A_157 = arith.index_cast %parallel_loop3A_139 : i32 to index
          %parallel_loop3A_158 = arith.constant 32 : index
          %parallel_loop3A_159 = tpu.vector_load %arg11[%parallel_loop3A_157, %parallel_loop3A_158] {strides = array<i32>} : memref<80x128xf32, #tpu.memory_space<vmem>>, vector<16xf32>,
          %parallel_loop3A_160 = arith.mulf %parallel_loop3A_159, %parallel_loop3A_142 : vector<16xf32>
          %parallel_loop3A_161 = arith.index_cast %parallel_loop3A_139 : i32 to index
          %parallel_loop3A_162 = arith.constant 32 : index
          %parallel_loop3A_163 = tpu.vector_load %arg11[%parallel_loop3A_161, %parallel_loop3A_162] {strides = array<i32>} : memref<80x128xf32, #tpu.memory_space<vmem>>, vector<16xf32>,
          tpu.vector_store %arg11[%parallel_loop3A_161, %parallel_loop3A_162], %parallel_loop3A_160 {strides = array<i32>} : memref<80x128xf32, #tpu.memory_space<vmem>>, vector<16xf32>,
          %parallel_loop3A_164 = arith.index_cast %parallel_loop3A_139 : i32 to index
          %parallel_loop3A_165 = arith.constant 48 : index
          %parallel_loop3A_166 = tpu.vector_load %arg11[%parallel_loop3A_164, %parallel_loop3A_165] {strides = array<i32>} : memref<80x128xf32, #tpu.memory_space<vmem>>, vector<16xf32>,
          %parallel_loop3A_167 = arith.mulf %parallel_loop3A_166, %parallel_loop3A_142 : vector<16xf32>
          %parallel_loop3A_168 = arith.index_cast %parallel_loop3A_139 : i32 to index
          %parallel_loop3A_169 = arith.constant 48 : index
          %parallel_loop3A_170 = tpu.vector_load %arg11[%parallel_loop3A_168, %parallel_loop3A_169] {strides = array<i32>} : memref<80x128xf32, #tpu.memory_space<vmem>>, vector<16xf32>,
          tpu.vector_store %arg11[%parallel_loop3A_168, %parallel_loop3A_169], %parallel_loop3A_167 {strides = array<i32>} : memref<80x128xf32, #tpu.memory_space<vmem>>, vector<16xf32>,
          %parallel_loop3A_171 = arith.index_cast %parallel_loop3A_139 : i32 to index
          %parallel_loop3A_172 = arith.constant 64 : index
          %parallel_loop3A_173 = tpu.vector_load %arg11[%parallel_loop3A_171, %parallel_loop3A_172] {strides = array<i32>} : memref<80x128xf32, #tpu.memory_space<vmem>>, vector<16xf32>,
          %parallel_loop3A_174 = arith.mulf %parallel_loop3A_173, %parallel_loop3A_142 : vector<16xf32>
          %parallel_loop3A_175 = arith.index_cast %parallel_loop3A_139 : i32 to index
          %parallel_loop3A_176 = arith.constant 64 : index
          %parallel_loop3A_177 = tpu.vector_load %arg11[%parallel_loop3A_175, %parallel_loop3A_176] {strides = array<i32>} : memref<80x128xf32, #tpu.memory_space<vmem>>, vector<16xf32>,
          tpu.vector_store %arg11[%parallel_loop3A_175, %parallel_loop3A_176], %parallel_loop3A_174 {strides = array<i32>} : memref<80x128xf32, #tpu.memory_space<vmem>>, vector<16xf32>,
          %parallel_loop3A_178 = arith.index_cast %parallel_loop3A_139 : i32 to index
          %parallel_loop3A_179 = arith.constant 80 : index
          %parallel_loop3A_180 = tpu.vector_load %arg11[%parallel_loop3A_178, %parallel_loop3A_179] {strides = array<i32>} : memref<80x128xf32, #tpu.memory_space<vmem>>, vector<16xf32>,
          %parallel_loop3A_181 = arith.mulf %parallel_loop3A_180, %parallel_loop3A_142 : vector<16xf32>
          %parallel_loop3A_182 = arith.index_cast %parallel_loop3A_139 : i32 to index
          %parallel_loop3A_183 = arith.constant 80 : index
          %parallel_loop3A_184 = tpu.vector_load %arg11[%parallel_loop3A_182, %parallel_loop3A_183] {strides = array<i32>} : memref<80x128xf32, #tpu.memory_space<vmem>>, vector<16xf32>,
          tpu.vector_store %arg11[%parallel_loop3A_182, %parallel_loop3A_183], %parallel_loop3A_181 {strides = array<i32>} : memref<80x128xf32, #tpu.memory_space<vmem>>, vector<16xf32>,
          %parallel_loop3A_185 = arith.index_cast %parallel_loop3A_139 : i32 to index
          %parallel_loop3A_186 = arith.constant 96 : index
          %parallel_loop3A_187 = tpu.vector_load %arg11[%parallel_loop3A_185, %parallel_loop3A_186] {strides = array<i32>} : memref<80x128xf32, #tpu.memory_space<vmem>>, vector<16xf32>,
          %parallel_loop3A_188 = arith.mulf %parallel_loop3A_187, %parallel_loop3A_142 : vector<16xf32>
          %parallel_loop3A_189 = arith.index_cast %parallel_loop3A_139 : i32 to index
          %parallel_loop3A_190 = arith.constant 96 : index
          %parallel_loop3A_191 = tpu.vector_load %arg11[%parallel_loop3A_189, %parallel_loop3A_190] {strides = array<i32>} : memref<80x128xf32, #tpu.memory_space<vmem>>, vector<16xf32>,
          tpu.vector_store %arg11[%parallel_loop3A_189, %parallel_loop3A_190], %parallel_loop3A_188 {strides = array<i32>} : memref<80x128xf32, #tpu.memory_space<vmem>>, vector<16xf32>,
          %parallel_loop3A_192 = arith.index_cast %parallel_loop3A_139 : i32 to index
          %parallel_loop3A_193 = arith.constant 112 : index
          %parallel_loop3A_194 = tpu.vector_load %arg11[%parallel_loop3A_192, %parallel_loop3A_193] {strides = array<i32>} : memref<80x128xf32, #tpu.memory_space<vmem>>, vector<16xf32>,
          %parallel_loop3A_195 = arith.mulf %parallel_loop3A_194, %parallel_loop3A_142 : vector<16xf32>
          %parallel_loop3A_196 = arith.index_cast %parallel_loop3A_139 : i32 to index
          %parallel_loop3A_197 = arith.constant 112 : index
          %parallel_loop3A_198 = tpu.vector_load %arg11[%parallel_loop3A_196, %parallel_loop3A_197] {strides = array<i32>} : memref<80x128xf32, #tpu.memory_space<vmem>>, vector<16xf32>,
          tpu.vector_store %arg11[%parallel_loop3A_196, %parallel_loop3A_197], %parallel_loop3A_195 {strides = array<i32>} : memref<80x128xf32, #tpu.memory_space<vmem>>, vector<16xf32>,
        } {sc.loop_unroll_factor = 4 : i64, sc.parallel_access}
        "tpu.region"() ({
          %run_scoped3A = tpu.sem_alloc : memref<!tpu.dma_semaphore, #tpu.memory_space<semaphore_mem>>
          %dma_start3A_139 = arith.constant 0 : i32
          %dma_start3A_140 = tpu.memref_slice %arg9[%mul3A_97, %dma_start3A_139] : memref<50x80xi32, #tpu.memory_space<vmem>> -> memref<1x80xi32, #tpu.memory_space<vmem>>
          %dma_start3A_141 = tpu.memref_squeeze %dma_start3A_140 : memref<1x80xi32, #tpu.memory_space<vmem>> -> memref<80xi32, #tpu.memory_space<vmem>>
          %dma_start3A_142 = arith.constant 0 : i32
          %dma_start3A_143 = arith.constant 0 : i32
          %dma_start3A_144 = tpu.memref_slice %arg15[%dma_start3A_142, %dma_start3A_143] : memref<10000x128xf32, #tpu.memory_space<vmem_shared>> -> memref<10000x128xf32, #tpu.memory_space<vmem_shared>>
          tpu.enqueue_indirect_dma source(%arg11 : memref<80x128xf32, #tpu.memory_space<vmem>>) target(%dma_start3A_144 : memref<10000x128xf32, #tpu.memory_space<vmem_shared>>) offsets(%dma_start3A_141 : memref<80xi32, #tpu.memory_space<vmem>>) semaphore(%run_scoped3A : memref<!tpu.dma_semaphore, #tpu.memory_space<semaphore_mem>>) {add = true}
          %dma_wait3A_145 = arith.constant 0 : i32
          %dma_wait3A_146 = tpu.memref_slice %arg9[%mul3A_97, %dma_wait3A_145] : memref<50x80xi32, #tpu.memory_space<vmem>> -> memref<1x80xi32, #tpu.memory_space<vmem>>
          %dma_wait3A_147 = tpu.memref_squeeze %dma_wait3A_146 : memref<1x80xi32, #tpu.memory_space<vmem>> -> memref<80xi32, #tpu.memory_space<vmem>>
          %dma_wait3A_148 = arith.constant 0 : i32
          %dma_wait3A_149 = arith.constant 0 : i32
          %dma_wait3A_150 = tpu.memref_slice %arg15[%dma_wait3A_148, %dma_wait3A_149] : memref<10000x128xf32, #tpu.memory_space<vmem_shared>> -> memref<10000x128xf32, #tpu.memory_space<vmem_shared>>
          tpu.wait_indirect_dma semaphore(%run_scoped3A : memref<!tpu.dma_semaphore, #tpu.memory_space<semaphore_mem>>) src(%arg11 : memref<80x128xf32, #tpu.memory_space<vmem>>) dst(%dma_wait3A_150 : memref<10000x128xf32, #tpu.memory_space<vmem_shared>>)
          tpu.yield
        }) : () -> ()
        %add3A_111 = arith.constant 2 : i32
        %add3A_112 = arith.addi %mul3A_97, %add3A_111 : i32
        %lt3A = arith.constant 50 : i32
        %lt3A_113 = arith.cmpi slt, %add3A_112, %lt3A : i32
        %convert_element_type3A = arith.extui %lt3A_113 : i1 to i32
        %cond3A = arith.constant 0 : i32
        %cond3A_114 = arith.cmpi ne, %convert_element_type3A, %cond3A : i32
        scf.if %cond3A_114 {
          %add3A_139 = arith.constant 2 : i32
          %add3A_140 = arith.addi %mul3A_97, %add3A_139 : i32
          %dma_start3A_141 = arith.constant 0 : i32
          %dma_start3A_142 = tpu.memref_slice %arg8[%add3A_140, %dma_start3A_141] : memref<50x80xi32, #tpu.memory_space<vmem>> -> memref<1x80xi32, #tpu.memory_space<vmem>>
          %dma_start3A_143 = tpu.memref_squeeze %dma_start3A_142 : memref<1x80xi32, #tpu.memory_space<vmem>> -> memref<80xi32, #tpu.memory_space<vmem>>
          %dma_start3A_144 = arith.constant 0 : i32
          %dma_start3A_145 = arith.constant 0 : i32
          %dma_start3A_146 = tpu.memref_slice %arg2[%add3A_47, %dma_start3A_144, %dma_start3A_145] : memref<8x10000x128xf32, #tpu.memory_space<hbm>> -> memref<1x10000x128xf32, #tpu.memory_space<hbm>>
          %dma_start3A_147 = tpu.memref_squeeze %dma_start3A_146 : memref<1x10000x128xf32, #tpu.memory_space<hbm>> -> memref<10000x128xf32, #tpu.memory_space<hbm>>
          %dma_start3A_148 = arith.constant 0 : i32
          %dma_start3A_149 = arith.constant 0 : i32
          %dma_start3A_150 = tpu.memref_slice %dma_start3A_147[%dma_start3A_148, %dma_start3A_149] : memref<10000x128xf32, #tpu.memory_space<hbm>> -> memref<10000x128xf32, #tpu.memory_space<hbm>>
          tpu.enqueue_indirect_dma source(%dma_start3A_150 : memref<10000x128xf32, #tpu.memory_space<hbm>>) target(%arg11 : memref<80x128xf32, #tpu.memory_space<vmem>>) offsets(%dma_start3A_143 : memref<80xi32, #tpu.memory_space<vmem>>) semaphore(%arg13 : memref<!tpu.dma_semaphore, #tpu.memory_space<semaphore_mem>>)
        } else {
        }
        %dma_wait3A_115 = arith.constant 0 : i32
        %dma_wait3A_116 = arith.constant 0 : i32
        %dma_wait3A_117 = arith.constant 0 : i32
        %dma_wait3A_118 = tpu.memref_slice %arg8[%dma_wait3A_116, %dma_wait3A_117] : memref<50x80xi32, #tpu.memory_space<vmem>> -> memref<1x80xi32, #tpu.memory_space<vmem>>
        %dma_wait3A_119 = tpu.memref_squeeze %dma_wait3A_118 : memref<1x80xi32, #tpu.memory_space<vmem>> -> memref<80xi32, #tpu.memory_space<vmem>>
        %dma_wait3A_120 = arith.constant 0 : i32
        %dma_wait3A_121 = arith.constant 0 : i32
        %dma_wait3A_122 = tpu.memref_slice %arg2[%dma_wait3A_115, %dma_wait3A_120, %dma_wait3A_121] : memref<8x10000x128xf32, #tpu.memory_space<hbm>> -> memref<1x10000x128xf32, #tpu.memory_space<hbm>>
        %dma_wait3A_123 = tpu.memref_squeeze %dma_wait3A_122 : memref<1x10000x128xf32, #tpu.memory_space<hbm>> -> memref<10000x128xf32, #tpu.memory_space<hbm>>
        %dma_wait3A_124 = arith.constant 0 : i32
        %dma_wait3A_125 = arith.constant 0 : i32
        %dma_wait3A_126 = tpu.memref_slice %dma_wait3A_123[%dma_wait3A_124, %dma_wait3A_125] : memref<10000x128xf32, #tpu.memory_space<hbm>> -> memref<10000x128xf32, #tpu.memory_space<hbm>>
        tpu.wait_indirect_dma semaphore(%arg14 : memref<!tpu.dma_semaphore, #tpu.memory_space<semaphore_mem>>) src(%dma_wait3A_126 : memref<10000x128xf32, #tpu.memory_space<hbm>>) dst(%arg12 : memref<80x128xf32, #tpu.memory_space<vmem>>)
        %add3A_127 = arith.constant 1 : i32
        %add3A_128 = arith.addi %mul3A_97, %add3A_127 : i32
        %parallel_loop3A_129 = arith.constant 0 : i32
        %parallel_loop3A_130 = arith.constant 80 : i32
        %parallel_loop3A_131 = arith.constant 1 : i32
        scf.for %parallel_loop3A_139 = %parallel_loop3A_129 to %parallel_loop3A_130 step %parallel_loop3A_131  : i32 {
          %parallel_loop3A_140 = vector.broadcast %add3A_128 : i32 to vector<16xi32>
          %parallel_loop3A_141 = vector.broadcast %parallel_loop3A_139 : i32 to vector<16xi32>
          %parallel_loop3A_142 = tpu.vector_load_idx %arg10[%parallel_loop3A_140, %parallel_loop3A_141] : memref<50x80xf32, #tpu.memory_space<vmem>>[vector<16xi32>, vector<16xi32>], vector<16xf32>,
          %parallel_loop3A_143 = arith.index_cast %parallel_loop3A_139 : i32 to index
          %parallel_loop3A_144 = arith.constant 0 : index
          %parallel_loop3A_145 = tpu.vector_load %arg12[%parallel_loop3A_143, %parallel_loop3A_144] {strides = array<i32>} : memref<80x128xf32, #tpu.memory_space<vmem>>, vector<16xf32>,
          %parallel_loop3A_146 = arith.mulf %parallel_loop3A_145, %parallel_loop3A_142 : vector<16xf32>
          %parallel_loop3A_147 = arith.index_cast %parallel_loop3A_139 : i32 to index
          %parallel_loop3A_148 = arith.constant 0 : index
          %parallel_loop3A_149 = tpu.vector_load %arg12[%parallel_loop3A_147, %parallel_loop3A_148] {strides = array<i32>} : memref<80x128xf32, #tpu.memory_space<vmem>>, vector<16xf32>,
          tpu.vector_store %arg12[%parallel_loop3A_147, %parallel_loop3A_148], %parallel_loop3A_146 {strides = array<i32>} : memref<80x128xf32, #tpu.memory_space<vmem>>, vector<16xf32>,
          %parallel_loop3A_150 = arith.index_cast %parallel_loop3A_139 : i32 to index
          %parallel_loop3A_151 = arith.constant 16 : index
          %parallel_loop3A_152 = tpu.vector_load %arg12[%parallel_loop3A_150, %parallel_loop3A_151] {strides = array<i32>} : memref<80x128xf32, #tpu.memory_space<vmem>>, vector<16xf32>,
          %parallel_loop3A_153 = arith.mulf %parallel_loop3A_152, %parallel_loop3A_142 : vector<16xf32>
          %parallel_loop3A_154 = arith.index_cast %parallel_loop3A_139 : i32 to index
          %parallel_loop3A_155 = arith.constant 16 : index
          %parallel_loop3A_156 = tpu.vector_load %arg12[%parallel_loop3A_154, %parallel_loop3A_155] {strides = array<i32>} : memref<80x128xf32, #tpu.memory_space<vmem>>, vector<16xf32>,
          tpu.vector_store %arg12[%parallel_loop3A_154, %parallel_loop3A_155], %parallel_loop3A_153 {strides = array<i32>} : memref<80x128xf32, #tpu.memory_space<vmem>>, vector<16xf32>,
          %parallel_loop3A_157 = arith.index_cast %parallel_loop3A_139 : i32 to index
          %parallel_loop3A_158 = arith.constant 32 : index
          %parallel_loop3A_159 = tpu.vector_load %arg12[%parallel_loop3A_157, %parallel_loop3A_158] {strides = array<i32>} : memref<80x128xf32, #tpu.memory_space<vmem>>, vector<16xf32>,
          %parallel_loop3A_160 = arith.mulf %parallel_loop3A_159, %parallel_loop3A_142 : vector<16xf32>
          %parallel_loop3A_161 = arith.index_cast %parallel_loop3A_139 : i32 to index
          %parallel_loop3A_162 = arith.constant 32 : index
          %parallel_loop3A_163 = tpu.vector_load %arg12[%parallel_loop3A_161, %parallel_loop3A_162] {strides = array<i32>} : memref<80x128xf32, #tpu.memory_space<vmem>>, vector<16xf32>,
          tpu.vector_store %arg12[%parallel_loop3A_161, %parallel_loop3A_162], %parallel_loop3A_160 {strides = array<i32>} : memref<80x128xf32, #tpu.memory_space<vmem>>, vector<16xf32>,
          %parallel_loop3A_164 = arith.index_cast %parallel_loop3A_139 : i32 to index
          %parallel_loop3A_165 = arith.constant 48 : index
          %parallel_loop3A_166 = tpu.vector_load %arg12[%parallel_loop3A_164, %parallel_loop3A_165] {strides = array<i32>} : memref<80x128xf32, #tpu.memory_space<vmem>>, vector<16xf32>,
          %parallel_loop3A_167 = arith.mulf %parallel_loop3A_166, %parallel_loop3A_142 : vector<16xf32>
          %parallel_loop3A_168 = arith.index_cast %parallel_loop3A_139 : i32 to index
          %parallel_loop3A_169 = arith.constant 48 : index
          %parallel_loop3A_170 = tpu.vector_load %arg12[%parallel_loop3A_168, %parallel_loop3A_169] {strides = array<i32>} : memref<80x128xf32, #tpu.memory_space<vmem>>, vector<16xf32>,
          tpu.vector_store %arg12[%parallel_loop3A_168, %parallel_loop3A_169], %parallel_loop3A_167 {strides = array<i32>} : memref<80x128xf32, #tpu.memory_space<vmem>>, vector<16xf32>,
          %parallel_loop3A_171 = arith.index_cast %parallel_loop3A_139 : i32 to index
          %parallel_loop3A_172 = arith.constant 64 : index
          %parallel_loop3A_173 = tpu.vector_load %arg12[%parallel_loop3A_171, %parallel_loop3A_172] {strides = array<i32>} : memref<80x128xf32, #tpu.memory_space<vmem>>, vector<16xf32>,
          %parallel_loop3A_174 = arith.mulf %parallel_loop3A_173, %parallel_loop3A_142 : vector<16xf32>
          %parallel_loop3A_175 = arith.index_cast %parallel_loop3A_139 : i32 to index
          %parallel_loop3A_176 = arith.constant 64 : index
          %parallel_loop3A_177 = tpu.vector_load %arg12[%parallel_loop3A_175, %parallel_loop3A_176] {strides = array<i32>} : memref<80x128xf32, #tpu.memory_space<vmem>>, vector<16xf32>,
          tpu.vector_store %arg12[%parallel_loop3A_175, %parallel_loop3A_176], %parallel_loop3A_174 {strides = array<i32>} : memref<80x128xf32, #tpu.memory_space<vmem>>, vector<16xf32>,
          %parallel_loop3A_178 = arith.index_cast %parallel_loop3A_139 : i32 to index
          %parallel_loop3A_179 = arith.constant 80 : index
          %parallel_loop3A_180 = tpu.vector_load %arg12[%parallel_loop3A_178, %parallel_loop3A_179] {strides = array<i32>} : memref<80x128xf32, #tpu.memory_space<vmem>>, vector<16xf32>,
          %parallel_loop3A_181 = arith.mulf %parallel_loop3A_180, %parallel_loop3A_142 : vector<16xf32>
          %parallel_loop3A_182 = arith.index_cast %parallel_loop3A_139 : i32 to index
          %parallel_loop3A_183 = arith.constant 80 : index
          %parallel_loop3A_184 = tpu.vector_load %arg12[%parallel_loop3A_182, %parallel_loop3A_183] {strides = array<i32>} : memref<80x128xf32, #tpu.memory_space<vmem>>, vector<16xf32>,
          tpu.vector_store %arg12[%parallel_loop3A_182, %parallel_loop3A_183], %parallel_loop3A_181 {strides = array<i32>} : memref<80x128xf32, #tpu.memory_space<vmem>>, vector<16xf32>,
          %parallel_loop3A_185 = arith.index_cast %parallel_loop3A_139 : i32 to index
          %parallel_loop3A_186 = arith.constant 96 : index
          %parallel_loop3A_187 = tpu.vector_load %arg12[%parallel_loop3A_185, %parallel_loop3A_186] {strides = array<i32>} : memref<80x128xf32, #tpu.memory_space<vmem>>, vector<16xf32>,
          %parallel_loop3A_188 = arith.mulf %parallel_loop3A_187, %parallel_loop3A_142 : vector<16xf32>
          %parallel_loop3A_189 = arith.index_cast %parallel_loop3A_139 : i32 to index
          %parallel_loop3A_190 = arith.constant 96 : index
          %parallel_loop3A_191 = tpu.vector_load %arg12[%parallel_loop3A_189, %parallel_loop3A_190] {strides = array<i32>} : memref<80x128xf32, #tpu.memory_space<vmem>>, vector<16xf32>,
          tpu.vector_store %arg12[%parallel_loop3A_189, %parallel_loop3A_190], %parallel_loop3A_188 {strides = array<i32>} : memref<80x128xf32, #tpu.memory_space<vmem>>, vector<16xf32>,
          %parallel_loop3A_192 = arith.index_cast %parallel_loop3A_139 : i32 to index
          %parallel_loop3A_193 = arith.constant 112 : index
          %parallel_loop3A_194 = tpu.vector_load %arg12[%parallel_loop3A_192, %parallel_loop3A_193] {strides = array<i32>} : memref<80x128xf32, #tpu.memory_space<vmem>>, vector<16xf32>,
          %parallel_loop3A_195 = arith.mulf %parallel_loop3A_194, %parallel_loop3A_142 : vector<16xf32>
          %parallel_loop3A_196 = arith.index_cast %parallel_loop3A_139 : i32 to index
          %parallel_loop3A_197 = arith.constant 112 : index
          %parallel_loop3A_198 = tpu.vector_load %arg12[%parallel_loop3A_196, %parallel_loop3A_197] {strides = array<i32>} : memref<80x128xf32, #tpu.memory_space<vmem>>, vector<16xf32>,
          tpu.vector_store %arg12[%parallel_loop3A_196, %parallel_loop3A_197], %parallel_loop3A_195 {strides = array<i32>} : memref<80x128xf32, #tpu.memory_space<vmem>>, vector<16xf32>,
        } {sc.loop_unroll_factor = 4 : i64, sc.parallel_access}
        "tpu.region"() ({
          %run_scoped3A = tpu.sem_alloc : memref<!tpu.dma_semaphore, #tpu.memory_space<semaphore_mem>>
          %dma_start3A_139 = arith.constant 0 : i32
          %dma_start3A_140 = tpu.memref_slice %arg9[%add3A_128, %dma_start3A_139] : memref<50x80xi32, #tpu.memory_space<vmem>> -> memref<1x80xi32, #tpu.memory_space<vmem>>
          %dma_start3A_141 = tpu.memref_squeeze %dma_start3A_140 : memref<1x80xi32, #tpu.memory_space<vmem>> -> memref<80xi32, #tpu.memory_space<vmem>>
          %dma_start3A_142 = arith.constant 0 : i32
          %dma_start3A_143 = arith.constant 0 : i32
          %dma_start3A_144 = tpu.memref_slice %arg15[%dma_start3A_142, %dma_start3A_143] : memref<10000x128xf32, #tpu.memory_space<vmem_shared>> -> memref<10000x128xf32, #tpu.memory_space<vmem_shared>>
          tpu.enqueue_indirect_dma source(%arg12 : memref<80x128xf32, #tpu.memory_space<vmem>>) target(%dma_start3A_144 : memref<10000x128xf32, #tpu.memory_space<vmem_shared>>) offsets(%dma_start3A_141 : memref<80xi32, #tpu.memory_space<vmem>>) semaphore(%run_scoped3A : memref<!tpu.dma_semaphore, #tpu.memory_space<semaphore_mem>>) {add = true}
          %dma_wait3A_145 = arith.constant 0 : i32
          %dma_wait3A_146 = tpu.memref_slice %arg9[%add3A_128, %dma_wait3A_145] : memref<50x80xi32, #tpu.memory_space<vmem>> -> memref<1x80xi32, #tpu.memory_space<vmem>>
          %dma_wait3A_147 = tpu.memref_squeeze %dma_wait3A_146 : memref<1x80xi32, #tpu.memory_space<vmem>> -> memref<80xi32, #tpu.memory_space<vmem>>
          %dma_wait3A_148 = arith.constant 0 : i32
          %dma_wait3A_149 = arith.constant 0 : i32
          %dma_wait3A_150 = tpu.memref_slice %arg15[%dma_wait3A_148, %dma_wait3A_149] : memref<10000x128xf32, #tpu.memory_space<vmem_shared>> -> memref<10000x128xf32, #tpu.memory_space<vmem_shared>>
          tpu.wait_indirect_dma semaphore(%run_scoped3A : memref<!tpu.dma_semaphore, #tpu.memory_space<semaphore_mem>>) src(%arg12 : memref<80x128xf32, #tpu.memory_space<vmem>>) dst(%dma_wait3A_150 : memref<10000x128xf32, #tpu.memory_space<vmem_shared>>)
          tpu.yield
        }) : () -> ()
        %add3A_132 = arith.constant 3 : i32
        %add3A_133 = arith.addi %mul3A_97, %add3A_132 : i32
        %lt3A_134 = arith.constant 50 : i32
        %lt3A_135 = arith.cmpi slt, %add3A_133, %lt3A_134 : i32
        %convert_element_type3A_136 = arith.extui %lt3A_135 : i1 to i32
        %cond3A_137 = arith.constant 0 : i32
        %cond3A_138 = arith.cmpi ne, %convert_element_type3A_136, %cond3A_137 : i32
        scf.if %cond3A_138 {
          %add3A_139 = arith.constant 3 : i32
          %add3A_140 = arith.addi %mul3A_97, %add3A_139 : i32
          %dma_start3A_141 = arith.constant 0 : i32
          %dma_start3A_142 = tpu.memref_slice %arg8[%add3A_140, %dma_start3A_141] : memref<50x80xi32, #tpu.memory_space<vmem>> -> memref<1x80xi32, #tpu.memory_space<vmem>>
          %dma_start3A_143 = tpu.memref_squeeze %dma_start3A_142 : memref<1x80xi32, #tpu.memory_space<vmem>> -> memref<80xi32, #tpu.memory_space<vmem>>
          %dma_start3A_144 = arith.constant 0 : i32
          %dma_start3A_145 = arith.constant 0 : i32
          %dma_start3A_146 = tpu.memref_slice %arg2[%add3A_47, %dma_start3A_144, %dma_start3A_145] : memref<8x10000x128xf32, #tpu.memory_space<hbm>> -> memref<1x10000x128xf32, #tpu.memory_space<hbm>>
          %dma_start3A_147 = tpu.memref_squeeze %dma_start3A_146 : memref<1x10000x128xf32, #tpu.memory_space<hbm>> -> memref<10000x128xf32, #tpu.memory_space<hbm>>
          %dma_start3A_148 = arith.constant 0 : i32
          %dma_start3A_149 = arith.constant 0 : i32
          %dma_start3A_150 = tpu.memref_slice %dma_start3A_147[%dma_start3A_148, %dma_start3A_149] : memref<10000x128xf32, #tpu.memory_space<hbm>> -> memref<10000x128xf32, #tpu.memory_space<hbm>>
          tpu.enqueue_indirect_dma source(%dma_start3A_150 : memref<10000x128xf32, #tpu.memory_space<hbm>>) target(%arg12 : memref<80x128xf32, #tpu.memory_space<vmem>>) offsets(%dma_start3A_143 : memref<80xi32, #tpu.memory_space<vmem>>) semaphore(%arg14 : memref<!tpu.dma_semaphore, #tpu.memory_space<semaphore_mem>>)
        } else {
        }
      }
      %scan3A_90 = arith.constant 25 : i32
    }
    %scan3A_55 = arith.constant 5 : i32
    %barrier3A_56 = arith.constant 0 : index
    tpu.barrier barrier_id(%barrier3A_56)
    %mul3A_57 = arith.constant 625 : i32
    %mul3A_58 = arith.muli %arg1, %mul3A_57 : i32
    "tpu.region"() ({
      %run_scoped3A = tpu.sem_alloc : memref<!tpu.dma_semaphore, #tpu.memory_space<semaphore_mem>>
      %dma_start3A = arith.constant 0 : i32
      %dma_start3A_60 = arith.constant 0 : i32
      %dma_start3A_61 = tpu.memref_slice %arg7[%add3A_47, %arg1, %dma_start3A, %dma_start3A_60] : memref<8x16x625x128xf32, #tpu.memory_space<hbm>> -> memref<1x1x625x128xf32, #tpu.memory_space<hbm>>
      %dma_start3A_62 = tpu.memref_squeeze %dma_start3A_61 : memref<1x1x625x128xf32, #tpu.memory_space<hbm>> -> memref<625x128xf32, #tpu.memory_space<hbm>>
      %dma_start3A_63 = arith.constant 0 : i32
      %dma_start3A_64 = tpu.memref_slice %arg15[%mul3A_58, %dma_start3A_63] : memref<10000x128xf32, #tpu.memory_space<vmem_shared>> -> memref<625x128xf32, #tpu.memory_space<vmem_shared>>
      tpu.enqueue_dma source(%dma_start3A_64 : memref<625x128xf32, #tpu.memory_space<vmem_shared>>) target(%dma_start3A_62 : memref<625x128xf32, #tpu.memory_space<hbm>>) target_semaphore(%run_scoped3A : memref<!tpu.dma_semaphore, #tpu.memory_space<semaphore_mem>>)
      %dma_wait3A = arith.constant 0 : i32
      %dma_wait3A_65 = arith.constant 0 : i32
      %dma_wait3A_66 = tpu.memref_slice %arg7[%add3A_47, %arg1, %dma_wait3A, %dma_wait3A_65] : memref<8x16x625x128xf32, #tpu.memory_space<hbm>> -> memref<1x1x625x128xf32, #tpu.memory_space<hbm>>
      %dma_wait3A_67 = tpu.memref_squeeze %dma_wait3A_66 : memref<1x1x625x128xf32, #tpu.memory_space<hbm>> -> memref<625x128xf32, #tpu.memory_space<hbm>>
      %dma_wait3A_68 = arith.constant 0 : i32
      %dma_wait3A_69 = tpu.memref_slice %arg15[%mul3A_58, %dma_wait3A_68] : memref<10000x128xf32, #tpu.memory_space<vmem_shared>> -> memref<625x128xf32, #tpu.memory_space<vmem_shared>>
      tpu.wait_dma2 semaphore(%run_scoped3A : memref<!tpu.dma_semaphore, #tpu.memory_space<semaphore_mem>>) src(%dma_wait3A_69 : memref<625x128xf32, #tpu.memory_space<vmem_shared>>) dst(%dma_wait3A_67 : memref<625x128xf32, #tpu.memory_space<hbm>>)
      tpu.yield
    }) : () -> ()
    %barrier3A_59 = arith.constant 0 : index
    tpu.barrier barrier_id(%barrier3A_59)
    return
  }
}

#map = affine_map<(d0, d1) -> (0, 0, 0)>
#map1 = affine_map<(d0, d1) -> (0, 0)>
module attributes {stable_mosaic.version = 14 : i64} {
  func.func @_deg_body(%arg0: i32, %arg1: i32, %arg2: memref<32x5x2000xi32, #tpu.memory_space<hbm>>, %arg3: memref<32x5x2000xf32, #tpu.memory_space<hbm>>, %arg4: memref<32x10000xf32, #tpu.memory_space<hbm>>, %arg5: memref<2000xi32, #tpu.memory_space<vmem>>, %arg6: memref<2000xf32, #tpu.memory_space<vmem>>, %arg7: memref<10000xf32, #tpu.memory_space<vmem>>) attributes {dimension_semantics = [#tpu.dimension_semantics<core_parallel>, #tpu.dimension_semantics<subcore_parallel>], iteration_bounds = array<i64: 2, 16>, scalar_prefetch = 0 : i64, scratch_operands = 3 : i64, tpu.core_type = #tpu.core_type<sc_vector_subcore>, window_params = [{transform_indices = #map}, {transform_indices = #map}, {transform_indices = #map1}]} {
    %mul3A = arith.constant 16 : i32
    %mul3A_0 = arith.muli %arg0, %mul3A : i32
    %add3A = arith.addi %mul3A_0, %arg1 : i32
    %broadcast_in_dim3A = arith.constant 0.000000e+00 : f32
    %broadcast_in_dim3A_1 = vector.broadcast %broadcast_in_dim3A : f32 to vector<16xf32>
    %scan3A = arith.constant 0 : i32
    %scan3A_2 = arith.constant 625 : i32
    %scan3A_3 = arith.addi %scan3A, %scan3A_2 : i32
    %scan3A_4 = arith.constant 1 : i32
    scf.for %scan3A_11 = %scan3A to %scan3A_3 step %scan3A_4  : i32 {
      %mul3A_12 = arith.constant 1 : i32
      %mul3A_13 = arith.muli %scan3A_11, %mul3A_12 : i32
      %add3A_14 = arith.constant 0 : i32
      %add3A_15 = arith.addi %add3A_14, %mul3A_13 : i32
      %mul3A_16 = arith.constant 16 : i32
      %mul3A_17 = arith.muli %add3A_15, %mul3A_16 : i32
      %swap3A = arith.index_cast %mul3A_17 : i32 to index
      %swap3A_18 = tpu.vector_load %arg7[%swap3A] {strides = array<i32>} : memref<10000xf32, #tpu.memory_space<vmem>>, vector<16xf32>,
      tpu.vector_store %arg7[%swap3A], %broadcast_in_dim3A_1 {strides = array<i32>} : memref<10000xf32, #tpu.memory_space<vmem>>, vector<16xf32>,
    }
    %scan3A_5 = arith.constant 625 : i32
    %scan3A_6 = arith.constant 0 : i32
    %scan3A_7 = arith.constant 5 : i32
    %scan3A_8 = arith.addi %scan3A_6, %scan3A_7 : i32
    %scan3A_9 = arith.constant 1 : i32
    scf.for %scan3A_11 = %scan3A_6 to %scan3A_8 step %scan3A_9  : i32 {
      %mul3A_12 = arith.constant 1 : i32
      %mul3A_13 = arith.muli %scan3A_11, %mul3A_12 : i32
      %add3A_14 = arith.constant 0 : i32
      %add3A_15 = arith.addi %add3A_14, %mul3A_13 : i32
      "tpu.region"() ({
        %run_scoped3A = tpu.sem_alloc : memref<!tpu.dma_semaphore, #tpu.memory_space<semaphore_mem>>
        %dma_start3A = arith.constant 0 : i32
        %dma_start3A_21 = tpu.memref_slice %arg2[%add3A, %add3A_15, %dma_start3A] : memref<32x5x2000xi32, #tpu.memory_space<hbm>> -> memref<1x1x2000xi32, #tpu.memory_space<hbm>>
        %dma_start3A_22 = tpu.memref_squeeze %dma_start3A_21 : memref<1x1x2000xi32, #tpu.memory_space<hbm>> -> memref<2000xi32, #tpu.memory_space<hbm>>
        %dma_start3A_23 = arith.constant 0 : i32
        %dma_start3A_24 = tpu.memref_slice %arg2[%add3A, %add3A_15, %dma_start3A_23] : memref<32x5x2000xi32, #tpu.memory_space<hbm>> -> memref<1x1x2000xi32, #tpu.memory_space<hbm>>
        %dma_start3A_25 = tpu.memref_squeeze %dma_start3A_24 : memref<1x1x2000xi32, #tpu.memory_space<hbm>> -> memref<2000xi32, #tpu.memory_space<hbm>>
        tpu.enqueue_dma source(%dma_start3A_25 : memref<2000xi32, #tpu.memory_space<hbm>>) target(%arg5 : memref<2000xi32, #tpu.memory_space<vmem>>) target_semaphore(%run_scoped3A : memref<!tpu.dma_semaphore, #tpu.memory_space<semaphore_mem>>)
        %dma_wait3A = arith.constant 0 : i32
        %dma_wait3A_26 = tpu.memref_slice %arg2[%add3A, %add3A_15, %dma_wait3A] : memref<32x5x2000xi32, #tpu.memory_space<hbm>> -> memref<1x1x2000xi32, #tpu.memory_space<hbm>>
        %dma_wait3A_27 = tpu.memref_squeeze %dma_wait3A_26 : memref<1x1x2000xi32, #tpu.memory_space<hbm>> -> memref<2000xi32, #tpu.memory_space<hbm>>
        %dma_wait3A_28 = arith.constant 0 : i32
        %dma_wait3A_29 = tpu.memref_slice %arg2[%add3A, %add3A_15, %dma_wait3A_28] : memref<32x5x2000xi32, #tpu.memory_space<hbm>> -> memref<1x1x2000xi32, #tpu.memory_space<hbm>>
        %dma_wait3A_30 = tpu.memref_squeeze %dma_wait3A_29 : memref<1x1x2000xi32, #tpu.memory_space<hbm>> -> memref<2000xi32, #tpu.memory_space<hbm>>
        tpu.wait_dma2 semaphore(%run_scoped3A : memref<!tpu.dma_semaphore, #tpu.memory_space<semaphore_mem>>) src(%dma_wait3A_30 : memref<2000xi32, #tpu.memory_space<hbm>>) dst(%arg5 : memref<2000xi32, #tpu.memory_space<vmem>>)
        tpu.yield
      }) : () -> ()
      "tpu.region"() ({
        %run_scoped3A = tpu.sem_alloc : memref<!tpu.dma_semaphore, #tpu.memory_space<semaphore_mem>>
        %dma_start3A = arith.constant 0 : i32
        %dma_start3A_21 = tpu.memref_slice %arg3[%add3A, %add3A_15, %dma_start3A] : memref<32x5x2000xf32, #tpu.memory_space<hbm>> -> memref<1x1x2000xf32, #tpu.memory_space<hbm>>
        %dma_start3A_22 = tpu.memref_squeeze %dma_start3A_21 : memref<1x1x2000xf32, #tpu.memory_space<hbm>> -> memref<2000xf32, #tpu.memory_space<hbm>>
        %dma_start3A_23 = arith.constant 0 : i32
        %dma_start3A_24 = tpu.memref_slice %arg3[%add3A, %add3A_15, %dma_start3A_23] : memref<32x5x2000xf32, #tpu.memory_space<hbm>> -> memref<1x1x2000xf32, #tpu.memory_space<hbm>>
        %dma_start3A_25 = tpu.memref_squeeze %dma_start3A_24 : memref<1x1x2000xf32, #tpu.memory_space<hbm>> -> memref<2000xf32, #tpu.memory_space<hbm>>
        tpu.enqueue_dma source(%dma_start3A_25 : memref<2000xf32, #tpu.memory_space<hbm>>) target(%arg6 : memref<2000xf32, #tpu.memory_space<vmem>>) target_semaphore(%run_scoped3A : memref<!tpu.dma_semaphore, #tpu.memory_space<semaphore_mem>>)
        %dma_wait3A = arith.constant 0 : i32
        %dma_wait3A_26 = tpu.memref_slice %arg3[%add3A, %add3A_15, %dma_wait3A] : memref<32x5x2000xf32, #tpu.memory_space<hbm>> -> memref<1x1x2000xf32, #tpu.memory_space<hbm>>
        %dma_wait3A_27 = tpu.memref_squeeze %dma_wait3A_26 : memref<1x1x2000xf32, #tpu.memory_space<hbm>> -> memref<2000xf32, #tpu.memory_space<hbm>>
        %dma_wait3A_28 = arith.constant 0 : i32
        %dma_wait3A_29 = tpu.memref_slice %arg3[%add3A, %add3A_15, %dma_wait3A_28] : memref<32x5x2000xf32, #tpu.memory_space<hbm>> -> memref<1x1x2000xf32, #tpu.memory_space<hbm>>
        %dma_wait3A_30 = tpu.memref_squeeze %dma_wait3A_29 : memref<1x1x2000xf32, #tpu.memory_space<hbm>> -> memref<2000xf32, #tpu.memory_space<hbm>>
        tpu.wait_dma2 semaphore(%run_scoped3A : memref<!tpu.dma_semaphore, #tpu.memory_space<semaphore_mem>>) src(%dma_wait3A_30 : memref<2000xf32, #tpu.memory_space<hbm>>) dst(%arg6 : memref<2000xf32, #tpu.memory_space<vmem>>)
        tpu.yield
      }) : () -> ()
      %scan3A_16 = arith.constant 0 : i32
      %scan3A_17 = arith.constant 125 : i32
      %scan3A_18 = arith.addi %scan3A_16, %scan3A_17 : i32
      %scan3A_19 = arith.constant 1 : i32
      scf.for %scan3A_21 = %scan3A_16 to %scan3A_18 step %scan3A_19  : i32 {
        %mul3A_22 = arith.constant 1 : i32
        %mul3A_23 = arith.muli %scan3A_21, %mul3A_22 : i32
        %add3A_24 = arith.constant 0 : i32
        %add3A_25 = arith.addi %add3A_24, %mul3A_23 : i32
        %mul3A_26 = arith.constant 16 : i32
        %mul3A_27 = arith.muli %add3A_25, %mul3A_26 : i32
        %get3A = arith.index_cast %mul3A_27 : i32 to index
        %get3A_28 = tpu.vector_load %arg5[%get3A] {strides = array<i32>} : memref<2000xi32, #tpu.memory_space<vmem>>, vector<16xi32>,
        %mul3A_29 = arith.constant 16 : i32
        %mul3A_30 = arith.muli %add3A_25, %mul3A_29 : i32
        %get3A_31 = arith.index_cast %mul3A_30 : i32 to index
        %get3A_32 = tpu.vector_load %arg6[%get3A_31] {strides = array<i32>} : memref<2000xf32, #tpu.memory_space<vmem>>, vector<16xf32>,
        tpu.vector_store_idx %arg7[%get3A_28], %get3A_32 {add = true} : memref<10000xf32, #tpu.memory_space<vmem>>[vector<16xi32>], vector<16xf32>,
      }
      %scan3A_20 = arith.constant 125 : i32
    }
    %scan3A_10 = arith.constant 5 : i32
    "tpu.region"() ({
      %run_scoped3A = tpu.sem_alloc : memref<!tpu.dma_semaphore, #tpu.memory_space<semaphore_mem>>
      %dma_start3A = arith.constant 0 : i32
      %dma_start3A_11 = tpu.memref_slice %arg4[%add3A, %dma_start3A] : memref<32x10000xf32, #tpu.memory_space<hbm>> -> memref<1x10000xf32, #tpu.memory_space<hbm>>
      %dma_start3A_12 = tpu.memref_squeeze %dma_start3A_11 : memref<1x10000xf32, #tpu.memory_space<hbm>> -> memref<10000xf32, #tpu.memory_space<hbm>>
      %dma_start3A_13 = arith.constant 0 : i32
      %dma_start3A_14 = tpu.memref_slice %arg4[%add3A, %dma_start3A_13] : memref<32x10000xf32, #tpu.memory_space<hbm>> -> memref<1x10000xf32, #tpu.memory_space<hbm>>
      %dma_start3A_15 = tpu.memref_squeeze %dma_start3A_14 : memref<1x10000xf32, #tpu.memory_space<hbm>> -> memref<10000xf32, #tpu.memory_space<hbm>>
      tpu.enqueue_dma source(%arg7 : memref<10000xf32, #tpu.memory_space<vmem>>) target(%dma_start3A_15 : memref<10000xf32, #tpu.memory_space<hbm>>) target_semaphore(%run_scoped3A : memref<!tpu.dma_semaphore, #tpu.memory_space<semaphore_mem>>)
      %dma_wait3A = arith.constant 0 : i32
      %dma_wait3A_16 = tpu.memref_slice %arg4[%add3A, %dma_wait3A] : memref<32x10000xf32, #tpu.memory_space<hbm>> -> memref<1x10000xf32, #tpu.memory_space<hbm>>
      %dma_wait3A_17 = tpu.memref_squeeze %dma_wait3A_16 : memref<1x10000xf32, #tpu.memory_space<hbm>> -> memref<10000xf32, #tpu.memory_space<hbm>>
      %dma_wait3A_18 = arith.constant 0 : i32
      %dma_wait3A_19 = tpu.memref_slice %arg4[%add3A, %dma_wait3A_18] : memref<32x10000xf32, #tpu.memory_space<hbm>> -> memref<1x10000xf32, #tpu.memory_space<hbm>>
      %dma_wait3A_20 = tpu.memref_squeeze %dma_wait3A_19 : memref<1x10000xf32, #tpu.memory_space<hbm>> -> memref<10000xf32, #tpu.memory_space<hbm>>
      tpu.wait_dma2 semaphore(%run_scoped3A : memref<!tpu.dma_semaphore, #tpu.memory_space<semaphore_mem>>) src(%arg7 : memref<10000xf32, #tpu.memory_space<vmem>>) dst(%dma_wait3A_20 : memref<10000xf32, #tpu.memory_space<hbm>>)
      tpu.yield
    }) : () -> ()
    return
  }
}

module attributes {stable_mosaic.version = 14 : i64} {
  func.func @_y_body(%arg0: i32, %arg1: i32, %arg2: memref<1x1000x128xf32, #tpu.memory_space<vmem>>, %arg3: memref<128x128xf32, #tpu.memory_space<vmem>>, %arg4: memref<1x1000x32xf32, #tpu.memory_space<vmem>>, %arg5: memref<1x1000x128xf32, #tpu.memory_space<vmem>>) attributes {dimension_semantics = [#tpu.dimension_semantics<arbitrary>, #tpu.dimension_semantics<arbitrary>], iteration_bounds = array<i64: 8, 10>, scalar_prefetch = 0 : i64, scratch_operands = 0 : i64, tpu.core_type = #tpu.core_type<tc>, window_params = [{transform_indices = @transform_0, window_bounds = array<i64: 1, 1000, 128>}, {pipeline_mode = #tpu.pipeline_mode<synchronous>, transform_indices = @transform_1, window_bounds = array<i64: 128, 128>}, {transform_indices = @transform_2, window_bounds = array<i64: 1, 1000, 32>}, {transform_indices = @transform_3, window_bounds = array<i64: 1, 1000, 128>}]} {
    %get3A = arith.constant 0 : index
    %get3A_0 = arith.constant 0 : index
    %get3A_1 = arith.constant 0 : index
    %get3A_2 = vector.load %arg4[%get3A, %get3A_0, %get3A_1] : memref<1x1000x32xf32, #tpu.memory_space<vmem>>, vector<1x1000x32xf32>
    %get3A_3 = vector.shape_cast %get3A_2 : vector<1x1000x32xf32> to vector<1000x32xf32>
    %reduce_sum3A = arith.constant dense<0.000000e+00> : vector<1000xf32>
    %reduce_sum3A_4 = vector.multi_reduction <add>, %get3A_3, %reduce_sum3A [1] : vector<1000x32xf32> to vector<1000xf32>
    %add3A = arith.constant 1.000000e+00 : f32
    %add3A_5 = vector.broadcast %add3A : f32 to vector<1000xf32>
    %add3A_6 = arith.addf %reduce_sum3A_4, %add3A_5 : vector<1000xf32>
    %rsqrt3A = math.rsqrt %add3A_6 : vector<1000xf32>
    %get3A_7 = arith.constant 0 : index
    %get3A_8 = arith.constant 0 : index
    %get3A_9 = arith.constant 0 : index
    %get3A_10 = vector.load %arg2[%get3A_7, %get3A_8, %get3A_9] : memref<1x1000x128xf32, #tpu.memory_space<vmem>>, vector<1x1000x128xf32>
    %get3A_11 = vector.shape_cast %get3A_10 : vector<1x1000x128xf32> to vector<1000x128xf32>
    %get3A_12 = arith.constant 0 : index
    %get3A_13 = arith.constant 0 : index
    %get3A_14 = vector.load %arg3[%get3A_12, %get3A_13] : memref<128x128xf32, #tpu.memory_space<vmem>>, vector<128x128xf32>
    %dot_general3A = arith.constant dense<0.000000e+00> : vector<1000x128xf32>
    %dot_general3A_15 = tpu.matmul %get3A_11, %get3A_14, %dot_general3A {dimension_numbers = #tpu.dot_dimension_numbers<[1], [0], [0], [1], [0, 0, 1, 1], [], []>, transpose_lhs_hint = false} : vector<1000x128xf32>, vector<128x128xf32>, vector<1000x128xf32> -> vector<1000x128xf32>
    %broadcast_in_dim3A = vector.shape_cast %rsqrt3A : vector<1000xf32> to vector<1000x1xf32>
    %mul3A = vector.broadcast %broadcast_in_dim3A : vector<1000x1xf32> to vector<1000x128xf32>
    %mul3A_16 = arith.mulf %mul3A, %dot_general3A_15 : vector<1000x128xf32>
    %swap3A = arith.constant 0 : index
    %swap3A_17 = arith.constant 0 : index
    %swap3A_18 = arith.constant 0 : index
    %swap3A_19 = vector.load %arg5[%swap3A, %swap3A_17, %swap3A_18] : memref<1x1000x128xf32, #tpu.memory_space<vmem>>, vector<1x1000x128xf32>
    %swap3A_20 = vector.shape_cast %swap3A_19 : vector<1x1000x128xf32> to vector<1000x128xf32>
    %swap3A_21 = vector.shape_cast %mul3A_16 : vector<1000x128xf32> to vector<1x1000x128xf32>
    tpu.vector_store %arg5[%swap3A, %swap3A_17, %swap3A_18], %swap3A_21 {strides = array<i32>} : memref<1x1000x128xf32, #tpu.memory_space<vmem>>, vector<1x1000x128xf32>,
    return
  }
  func.func @transform_0(%arg0: i32, %arg1: i32) -> (i32, i32, i32) {
    %c0_i32 = arith.constant 0 : i32
    %c0_i32_0 = arith.constant 0 : i32
    return %arg0, %arg1, %c0_i32 : i32, i32, i32
  }
  func.func @transform_1(%arg0: i32, %arg1: i32) -> (i32, i32) {
    %c0_i32 = arith.constant 0 : i32
    %c0_i32_0 = arith.constant 0 : i32
    %c0_i32_1 = arith.constant 0 : i32
    return %c0_i32, %c0_i32_0 : i32, i32
  }
  func.func @transform_2(%arg0: i32, %arg1: i32) -> (i32, i32, i32) {
    %c0_i32 = arith.constant 0 : i32
    %c0_i32_0 = arith.constant 0 : i32
    %c0_i32_1 = arith.constant 0 : i32
    return %arg1, %c0_i32, %c0_i32_0 : i32, i32, i32
  }
  func.func @transform_3(%arg0: i32, %arg1: i32) -> (i32, i32, i32) {
    %c0_i32 = arith.constant 0 : i32
    %c0_i32_0 = arith.constant 0 : i32
    return %arg0, %arg1, %c0_i32 : i32, i32, i32
  }
}

module attributes {stable_mosaic.version = 14 : i64} {
  func.func @_out_body(%arg0: i32, %arg1: i32, %arg2: memref<1x1000x128xf32, #tpu.memory_space<vmem>>, %arg3: memref<1x1000x32xf32, #tpu.memory_space<vmem>>, %arg4: memref<1x128xf32, #tpu.memory_space<vmem>>, %arg5: memref<1x1000x128xf32, #tpu.memory_space<vmem>>) attributes {dimension_semantics = [#tpu.dimension_semantics<arbitrary>, #tpu.dimension_semantics<arbitrary>], iteration_bounds = array<i64: 8, 10>, scalar_prefetch = 0 : i64, scratch_operands = 0 : i64, tpu.core_type = #tpu.core_type<tc>, window_params = [{transform_indices = @transform_0, window_bounds = array<i64: 1, 1000, 128>}, {transform_indices = @transform_1, window_bounds = array<i64: 1, 1000, 32>}, {pipeline_mode = #tpu.pipeline_mode<synchronous>, transform_indices = @transform_2, window_bounds = array<i64: 1, 128>}, {transform_indices = @transform_3, window_bounds = array<i64: 1, 1000, 128>}]} {
    %get3A = arith.constant 0 : index
    %get3A_0 = arith.constant 0 : index
    %get3A_1 = arith.constant 0 : index
    %get3A_2 = vector.load %arg3[%get3A, %get3A_0, %get3A_1] : memref<1x1000x32xf32, #tpu.memory_space<vmem>>, vector<1x1000x32xf32>
    %get3A_3 = vector.shape_cast %get3A_2 : vector<1x1000x32xf32> to vector<1000x32xf32>
    %reduce_sum3A = arith.constant dense<0.000000e+00> : vector<1000xf32>
    %reduce_sum3A_4 = vector.multi_reduction <add>, %get3A_3, %reduce_sum3A [1] : vector<1000x32xf32> to vector<1000xf32>
    %add3A = arith.constant 1.000000e+00 : f32
    %add3A_5 = vector.broadcast %add3A : f32 to vector<1000xf32>
    %add3A_6 = arith.addf %reduce_sum3A_4, %add3A_5 : vector<1000xf32>
    %rsqrt3A = math.rsqrt %add3A_6 : vector<1000xf32>
    %broadcast_in_dim3A = vector.shape_cast %rsqrt3A : vector<1000xf32> to vector<1000x1xf32>
    %get3A_7 = arith.constant 0 : index
    %get3A_8 = arith.constant 0 : index
    %get3A_9 = arith.constant 0 : index
    %get3A_10 = vector.load %arg2[%get3A_7, %get3A_8, %get3A_9] : memref<1x1000x128xf32, #tpu.memory_space<vmem>>, vector<1x1000x128xf32>
    %get3A_11 = vector.shape_cast %get3A_10 : vector<1x1000x128xf32> to vector<1000x128xf32>
    %mul3A = vector.broadcast %broadcast_in_dim3A : vector<1000x1xf32> to vector<1000x128xf32>
    %mul3A_12 = arith.mulf %mul3A, %get3A_11 : vector<1000x128xf32>
    %get3A_13 = arith.constant 0 : index
    %get3A_14 = arith.constant 0 : index
    %get3A_15 = vector.load %arg4[%get3A_13, %get3A_14] : memref<1x128xf32, #tpu.memory_space<vmem>>, vector<1x128xf32>
    %add3A_16 = vector.broadcast %get3A_15 : vector<1x128xf32> to vector<1000x128xf32>
    %add3A_17 = arith.addf %mul3A_12, %add3A_16 : vector<1000x128xf32>
    %swap3A = arith.constant 0 : index
    %swap3A_18 = arith.constant 0 : index
    %swap3A_19 = arith.constant 0 : index
    %swap3A_20 = vector.load %arg5[%swap3A, %swap3A_18, %swap3A_19] : memref<1x1000x128xf32, #tpu.memory_space<vmem>>, vector<1x1000x128xf32>
    %swap3A_21 = vector.shape_cast %swap3A_20 : vector<1x1000x128xf32> to vector<1000x128xf32>
    %swap3A_22 = vector.shape_cast %add3A_17 : vector<1000x128xf32> to vector<1x1000x128xf32>
    tpu.vector_store %arg5[%swap3A, %swap3A_18, %swap3A_19], %swap3A_22 {strides = array<i32>} : memref<1x1000x128xf32, #tpu.memory_space<vmem>>, vector<1x1000x128xf32>,
    return
  }
  func.func @transform_0(%arg0: i32, %arg1: i32) -> (i32, i32, i32) {
    %c0_i32 = arith.constant 0 : i32
    %c0_i32_0 = arith.constant 0 : i32
    return %arg0, %arg1, %c0_i32 : i32, i32, i32
  }
  func.func @transform_1(%arg0: i32, %arg1: i32) -> (i32, i32, i32) {
    %c0_i32 = arith.constant 0 : i32
    %c0_i32_0 = arith.constant 0 : i32
    %c0_i32_1 = arith.constant 0 : i32
    return %arg1, %c0_i32, %c0_i32_0 : i32, i32, i32
  }
  func.func @transform_2(%arg0: i32, %arg1: i32) -> (i32, i32) {
    %c0_i32 = arith.constant 0 : i32
    %c0_i32_0 = arith.constant 0 : i32
    %c0_i32_1 = arith.constant 0 : i32
    return %c0_i32, %c0_i32_0 : i32, i32
  }
  func.func @transform_3(%arg0: i32, %arg1: i32) -> (i32, i32, i32) {
    %c0_i32 = arith.constant 0 : i32
    %c0_i32_0 = arith.constant 0 : i32
    return %arg0, %arg1, %c0_i32 : i32, i32, i32
  }
}

</mosaic_0001>

<sc_bundles>
// kernel: kernel.6.cloned.1.call-start
scs
__scs_entry_jumppad:
0x0: {  	(pc) =	sbr.rel $0x88, $3  }
0x1: {  	(tag) =	ssettag $0x0;
	lr =	simm.s32 $0x1  }
0x2: {  	[smem:$0x3F9C] =	sst lr;
	_ =	strace $0xD0000000  }
0x3: {  	_ = 	snop  }
0x4: {  	_ = 	snop  }
0x5: {  	_ = 	snop  }
0x6: {  	_ = 	snop  }
0x7: {  	_ = 	snop  }
__scs_overlays_trampoline_lowered:
0x8: {  	[smem:$0x3FAB] =	sst s0  }
0x9: {  	[smem:$0x3FAC] =	sst s1  }
0xa: {  	[smem:$0x3FAD] =	sst s2  }
0xb: {  	[smem:$0x3FAE] =	sst s3  }
0xc: {  	[smem:$0x3FAF] =	sst s4  }
0xd: {  	[smem:$0x3FB0] =	sst s5  }
0xe: {  	[smem:$0x3FB1] =	sst s6  }
0xf: {  	[smem:$0x3FB2] =	sst s7  }
0x10: {  	[smem:$0x3FB3] =	sst s8  }
0x11: {  	[smem:$0x3FB4] =	sst s9;
	s0 =	simm.s32 @!p0 $0x0  }
0x12: {  	s1 =	sld [smem:$0x3F9A];
	s0 =	simm.s32 @p0 $0x1  }
0x13: {  	[smem:$0x3FB5] =	sst s0;
	s0 =	simm.s32 @!p1 $0x0  }
0x14: {  	s2 =	sld [smem:$0x3F99];
	s0 =	simm.s32 @p1 $0x1  }
0x15: {  	[smem:$0x3FB6] =	sst s0;
	s0 =	simm.s32 @!p2 $0x0  }
0x16: {  	s3 =	sld [smem:$0x3FDB];
	s0 =	simm.s32 @p2 $0x1  }
0x17: {  	s4 =	simm.s32 $0x1BF5;
	[smem:$0x3FB8] =	sst s0  }
0x18: {  	s0 =	sld [smem:$0x3F9B];
	_ =	swait.ge [sflag:s4], $0x0  }
0x19: {  	s7 =	sld [smem:$0x3F9C]  }
0x1a: {  	s8 =	sadd.s32 $0xFFFFE003, lr  }
0x1b: {  	s9 =	sadd.s32 $0xFFFFFEF7, lr;
	s5 =	simm.s32 $0xFFFFFFFF;
	p2 =	slt.u32 s8, $0xFFFFF086  }
0x1c: {  	p1 =	slt.u32 s9, $0xF7A;
	s5 =	simm.s32 @!p2 $0x0  }
0x1d: {  	s5 =	simm.s32 @p1 $0x1;
	p0 =	seq.s32 s7, s2  }
0x1e: {  	s7 =	smul.u32 @!p0 $0xF7A, s2;
	p2 =	seq.s32 @!p0 s5, $0x0  }
0x1f: {  	s9 =	smul.u32 $0xF7A, s1;
	s8 =	simm.s32 @!p0 $0x1BF5;
	p2 =	por !p2, p0  }
0x20: {  	[sflag:s8] =	ssyncset.s32 @!p0 $0xFFFFF086;
	s6 =	sadd.s32 @!p0 s3, s7;
	s7 =	simm.s32 @!p0 $0x108  }
0x21: {  	s3 =	sadd.s32 s3, s9;
	s6 =	sadd.s32 @!p0 $0x88, s6;
	s7 =	simm.s32 @p2 $0x1082  }
0x22: {  	[simem:s7], [sflag:s8] =	dma.local @!p0 [hbm:s6], $0xF7A  }
0x23: {  	s9 =	sor.u32 $0xD0000000, s2;
	s6 =	simm.s32 $0x108;
	_ =	swait.ge @!p0 [sflag:s8], $0x0  }
0x24: {  	s3 =	sadd.s32 $0x88, s3;
	s6 =	simm.s32 @!p1 $0x1082;
	[sflag:s4] =	ssyncset.s32 $0xFFFFF086  }
0x25: {  	[simem:s6], [sflag:s4] =	dma.local [hbm:s3], $0xF7A  }
0x26: {  	[smem:$0x3F9C] =	sst s1;
	(tag) =	ssettag s2;
	_ =	strace s9  }
0x27: {  	s1 =	sld [smem:$0x3FAC]  }
0x28: {  	s2 =	sld [smem:$0x3FAD]  }
0x29: {  	s4 =	sld [smem:$0x3FAF]  }
0x2a: {  	p0 =	seq.s32 s5, $0x0;
	s5 =	sld [smem:$0x3FB0]  }
0x2b: {  	s6 =	sld [smem:$0x3FB1]  }
0x2c: {  	s7 =	sld [smem:$0x3FB2]  }
0x2d: {  	s3 =	simm.s32 $0x108;
	s8 =	sld [smem:$0x3FB3]  }
0x2e: {  	s3 =	simm.s32 @!p0 $0x1082;
	s9 =	sld [smem:$0x3FB4]  }
0x2f: {  	lr =	sadd.s32 s0, s3;
	s0 =	sld [smem:$0x3FAB]  }
0x30: {  	s3 =	sld [smem:$0x3FAE]  }
0x31: {  	[smem:$0x3FB7] =	sst s10  }
0x32: {  	s10 =	sld [smem:$0x3FB5];
	_ =	sdelay $0x3  }
0x33: {  	p0 =	seq.s32 s10, $0x1;
	s10 =	sld [smem:$0x3FB7];
	_ =	sdelay $0x3  }
0x34: {  	[smem:$0x3FB7] =	sst s10  }
0x35: {  	s10 =	sld [smem:$0x3FB6];
	_ =	sdelay $0x3  }
0x36: {  	p1 =	seq.s32 s10, $0x1;
	s10 =	sld [smem:$0x3FB7];
	_ =	sdelay $0x3  }
0x37: {  	[smem:$0x3FB7] =	sst s10  }
0x38: {  	s10 =	sld [smem:$0x3FB8]  }
0x39: {  	_ = 	snop;
	(pc) =	sbr.ind lr, $3  }
0x3a: {  	_ = 	snop  }
0x3b: {  	_ = 	snop  }
0x3c: {  	p2 =	seq.s32 s10, $0x1;
	s10 =	sld [smem:$0x3FB7]  }
0x3d: {  	_ =	shalt  }
0x3e: {  	_ =	shalt  }
0x3f: {  	_ =	shalt  }
0x40: {  	_ =	shalt  }
0x41: {  	_ =	shalt  }
0x42: {  	_ =	shalt  }
0x43: {  	_ =	shalt  }
0x44: {  	_ =	shalt  }
0x45: {  	_ =	shalt  }
0x46: {  	_ =	shalt  }
0x47: {  	_ =	shalt  }
0x48: {  	_ =	shalt  }
0x49: {  	_ =	shalt  }
0x4a: {  	_ =	shalt  }
0x4b: {  	_ =	shalt  }
0x4c: {  	_ =	shalt  }
0x4d: {  	_ =	shalt  }
0x4e: {  	_ =	shalt  }
0x4f: {  	_ =	shalt  }
0x50: {  	_ =	shalt  }
0x51: {  	_ =	shalt  }
0x52: {  	_ =	shalt  }
0x53: {  	_ =	shalt  }
0x54: {  	_ =	shalt  }
0x55: {  	_ =	shalt  }
0x56: {  	_ =	shalt  }
0x57: {  	_ =	shalt  }
0x58: {  	_ =	shalt  }
0x59: {  	_ =	shalt  }
0x5a: {  	_ =	shalt  }
0x5b: {  	_ =	shalt  }
0x5c: {  	_ =	shalt  }
0x5d: {  	_ =	shalt  }
0x5e: {  	_ =	shalt  }
0x5f: {  	_ =	shalt  }
0x60: {  	_ =	shalt  }
0x61: {  	_ =	shalt  }
0x62: {  	_ =	shalt  }
0x63: {  	_ =	shalt  }
0x64: {  	_ =	shalt  }
0x65: {  	_ =	shalt  }
0x66: {  	_ =	shalt  }
0x67: {  	_ =	shalt  }
0x68: {  	_ =	shalt  }
0x69: {  	_ =	shalt  }
0x6a: {  	_ =	shalt  }
0x6b: {  	_ =	shalt  }
0x6c: {  	_ =	shalt  }
0x6d: {  	_ =	shalt  }
0x6e: {  	_ =	shalt  }
0x6f: {  	_ =	shalt  }
0x70: {  	_ =	shalt  }
0x71: {  	_ =	shalt  }
0x72: {  	_ =	shalt  }
0x73: {  	_ =	shalt  }
0x74: {  	_ =	shalt  }
0x75: {  	_ =	shalt  }
0x76: {  	_ =	shalt  }
0x77: {  	_ =	shalt  }
0x78: {  	_ =	shalt  }
0x79: {  	_ =	shalt  }
0x7a: {  	_ =	shalt  }
0x7b: {  	_ =	shalt  }
0x7c: {  	_ =	shalt  }
0x7d: {  	_ =	shalt  }
0x7e: {  	_ =	shalt  }
0x7f: {  	_ =	shalt  }
0x80: {  	_ =	shalt  }
0x81: {  	_ =	shalt  }
0x82: {  	_ =	shalt  }
0x83: {  	_ =	shalt  }
0x84: {  	_ =	shalt  }
0x85: {  	_ =	shalt  }
0x86: {  	_ =	shalt  }
0x87: {  	_ =	shalt  }
.Lfunc_end0:
.L_simem_size_0:
called_computation_lowered:
.L_overlay_start_0:
0x88: {  	s2 =	sld [smem:$0x3FD9]  }
0x89: {  	s3 =	sld [smem:$0x3FFE];
	_ =	sdelay $0x1  }
0x8a: {  	s1 =	srdreg.scid  }
0x8b: {  	s0 =	sand.u32 $0x1, s1  }
0x8c: {  	s17 =	sshll.u32 s0, $0xA;
	s2 =	sadd.s32 s3, s2  }
0x8d: {  	s2 =	sadd.s32 s2, s17  }
0x8e: {  	[smem:$0x3FC3] =	sst s2  }
0x8f: {  	_ = 	snop  }
0x90: {  	s2 =	sld [smem:$0x3FD0];
	(tm) =	ssettm $0x1  }
0x91: {  	s18 =	sld [smem:$0x3FFB];
	_ =	sdelay $0x3  }
0x92: {  	_ =	strace s18  }
0x93: {  	s3 =	sld [smem:$0x3FFC];
	_ =	sdelay $0x3  }
0x94: {  	_ =	strace s3  }
0x95: {  	s3 =	sld [smem:$0x3FFD];
	_ =	sdelay $0x3  }
0x96: {  	_ =	strace s3  }
0x97: {  	_ =	strace $0x8FFFFFFF  }
0x98: {  	s19 =	sld [smem:$0x3FDB];
	_ =	sdelay $0x1  }
0x99: {  	s4 =	simm.s32 $_scs_section_size  }
0x9a: {  	s5 =	simm.s32 $_size__tile_overlayer_lowered;
	s6 =	simm.s32 $_tile_overlayer_lowered  }
0x9b: {  	s22 =	simm.s32 $0x1BFF;
	s21 =	sshll.u32 s6, $0x1;
	s3 =	sadd.s32 s4, s19  }
0x9c: {  	s7 =	simm.s32 $0x0;
	s20 =	sshll.u32 s5, $0x1;
	s5 =	sadd.s32 s21, s3  }
0x9d: {  	[timem:s7], [sflag:s22] =	dma.local [hbm:s5], s20  }
0x9e: {  	_ =	swait.ge [sflag:s22], s20  }
0x9f: {  	s4 =	ssub.s32 $0x0, s20;
	[sflag:s22] =	ssyncset.done $0x0  }
0xa0: {  	[sflag:s22] =	ssyncadd.s32 s4;
	_ =	sdelay $0x1  }
0xa1: {  	s23 =	simm.s32 $0x1B8B  }
0xa2: {  	_ =	swait.ge [sflag:s23], $0x1  }
0xa3: {  	[sflag:s23] =	ssyncset.done $0x0  }
0xa4: {  	s25 =	simm.s32 $0x1B8E;
	s24 =	sld [smem:$0x3FFE];
	[sflag:s23] =	ssyncadd.s32 $0xFFFFFFFF  }
0xa5: {  	s26 =	simm.s32 $execute0_lowered;
	[smem:$0x3FD2] =	sst s25  }
0xa6: {  	s5 =	sshll.u32 s26, $0x1;
	_ =	strace $0x80000046;
	[dreg:$0x1] =	wrdreg $0xFFFFFFFF  }
0xa7: {  	s28 =	simm.s32 $_size_execute0_lowered;
	s3 =	sadd.s32 s3, s5;
	[dreg:$0x0] =	wrdreg $0x0  }
0xa8: {  	s5 =	sshll.u32 s28, $0x1;
	[dreg:$0x2] =	wrdreg s3  }
0xa9: {  	[dreg:$0x3] =	wrdreg s5  }
0xaa: {  	[dreg:$0x4] =	wrdreg $0xC0  }
0xab: {  	_ =	task [dreg:s7], $0x5FFFF  }
0xac: {  	[dreg:$0x1] =	wrdreg $0xFFFFFFFF  }
0xad: {  	[dreg:$0x0] =	wrdreg $0x60  }
0xae: {  	[dreg:$0x2] =	wrdreg s2  }
0xaf: {  	[dreg:$0x3] =	wrdreg s24  }
0xb0: {  	[dreg:$0x4] =	wrdreg $0x9  }
0xb1: {  	_ =	task.clear_ibuf [dreg:s7], $0x5FFFF;
	_ =	strace $0x90000046  }
0xb2: {  	s29 =	simm.s32 $0x9;
	_ =	strace $0x80000048  }
0xb3: {  	_ =	swait.ge [sflag:s29], $0x1  }
0xb4: {  	[sflag:s29] =	ssyncadd.s32 $0xFFFFFFFF  }
0xb5: {  	_ =	strace $0x90000048  }
0xb6: {  	_ =	sfence  }
0xb7: {  	s30 =	sld [smem:$0x0];
	_ =	sdelay $0x2  }
0xb8: {  	s31 =	sshll.u32 s1, $0xD;
	s1 =	sshrl.u32 s1, $0x2  }
0xb9: {  	s3 =	sand.u32 $0x4000, s31;
	s1 =	sadd.s32 s1, s30  }
0xba: {  	s0 =	sor.u32 s3, s0;
	s1 =	sshll.u32 s1, $0x11  }
0xbb: {  	s0 =	sor.u32 s1, s0  }
0xbc: {  	s0 =	sadd.s32 $0x8F2B, s0  }
0xbd: {  	[sflag:s0] =	ssyncadd.remote.s32 $0x1  }
0xbe: {  	_ =	sfence.sel $0xFFFF  }
0xbf: {  	[dreg:$0x0] =	wrdreg $0xFFFFFFFF;
	(pc) =	sbr.abs _section_cstart, $3  }
0xc0: {  	[dreg:$0x1] =	wrdreg $0xFFFFFFFF  }
0xc1: {  	_ =	task.clear_ibuf [dreg:s7], $0x2FFFF;
	_ =	strace $0x9FFFFFFF  }
0xc2: {  	(tm) =	ssettm $0x7FFFFFFF  }
0xc3: {  	_ =	shalt  }
tec
execute0_lowered:
.L_overlay_start_1:
0x0: {  	(tag) =	ssettag $0x1  }
0x1: {  	s0 =	srdreg.scid;
	s13 =	rddreg [dreg:$0x0]  }
0x2: {  	s4 =	rddreg [dreg:$0x1];
	s2 =	simm.s32 $0x0;
	s16 =	simm.s32 $0x400  }
0x3: {  	s17 =	simm.s32 $0x1;
	s18 =	simm.s32 $0x800;
	s19 =	simm.s32 $0x1000  }
0x4: {  	s3 =	sand.u32 $0x1, s0;
	s0 =	stileid.u32;
	[smem:$0x7FF] =	sst s2  }
0x5: {  	s14 =	sadd.s32 $0xC00, s4;
	s1 =	sshll.u32 s3, $0x4;
	s7 =	sshll.u32 s0, $0x7  }
0x6: {  	s3 =	ssub.s32 $0x2, s3;
	s5 =	sor.u32 s0, s1;
	s1 =	rddreg [dreg:$0x2]  }
0x7: {  	s7 =	sand.u32 $0x380, s7;
	_ =	strace $0x80000047;
	s30 =	sshrl.u32 s3, $0x1  }
0x8: {  	s6 =	sshrl.u32 s5, $0x3;
	s31 =	ssub.s32 s3, s30;
	s11 =	sshll.u32 s5, $0xB  }
0x9: {  	s6 =	smul.u32 $0x13C00, s6;
	s5 =	sadd.s32 s13, s11;
	s8 =	sor.u32 $0x10, s11  }
0xa: {  	s10 =	sor.u32 $0x20, s11;
	s12 =	sor.u32 $0x30, s11;
	s15 =	sor.u32 $0x40, s11  }
0xb: {  	s9 =	sadd.s32 s13, s10;
	s10 =	sadd.s32 s14, s10;
	s6 =	sor.u32 s7, s6  }
0xc: {  	s7 =	sadd.s32 s13, s8;
	s8 =	sadd.s32 s14, s8;
	s6 =	sshrl.u32 s6, $0x3  }
0xd: {  	s4 =	sadd.s32 s6, s4;
	s6 =	sadd.s32 s14, s11;
	s11 =	sadd.s32 s13, s12  }
0xe: {  	s12 =	sadd.s32 s14, s12;
	s13 =	sadd.s32 s13, s15;
	s14 =	sadd.s32 s14, s15  }
0xf: {  	v0 =	vimm.f32 $0.0e+00;
	s15 =	simm.s32 $0x80;
	s3 =	sadd.s32 $0x10C00, s4;
	s4 =	smax.u32 s31, $0x1  }
.LBB2_1:
0x10: {  	s20 =	simm.s32 $0x40;
	s21 =	simm.s32 $0x0  }
.LBB2_2:
0x11: {  	p0 =	sne.s32 s20, $0x9C00;
	[tilespmem:s21+$0x1000] =	vst v0;
	s21 =	smov.u32 s20;
	s20 =	sadd.s32 $0x40, s20  }
.Ltmp0:
0x12: {  	(pc) =	sbr.rel @p0 .LBB2_2-.Ltmp0, $2  }
0x13: {  	_ =	sdelay $0x2  }
0x14: {  	s21 =	sshra.s32 s21, $0x2  }
0x15: {  	[tilespmem:s21+$0x1000] =	vst v0;
	s20 =	simm.s32 $0x0  }
0x16: {  	[tilespmem:s20], [sflag:$0x1] =	stream.strided.gather [hbm4b:s5+s15], $0x800, s16, s15, $0x38;
	[tilespmem:$0x3780] =	vst v63  }
0x17: {  	_ =	swait.ge [sflag:s17], $0x800  }
0x18: {  	[sflag:s17] =	ssyncset.done $0x0  }
0x19: {  	[sflag:s17] =	ssyncadd.s32 $0xFFFFF800  }
0x1a: {  	[tilespmem:s18], [sflag:$0x1] =	stream.strided.gather [hbm4b:s6+s15], $0x800, s16, s15, $0x38;
	[tilespmem:$0x3780] =	vst v63  }
0x1b: {  	_ =	swait.ge [sflag:s17], $0x800  }
0x1c: {  	[sflag:s17] =	ssyncset.done $0x0  }
0x1d: {  	s21 =	simm.s32 $0x0;
	s20 =	simm.s32 $0x40;
	[sflag:s17] =	ssyncadd.s32 $0xFFFFF800  }
.LBB2_4:
0x1e: {  	p0 =	sne.s32 s20, $0x1F00;
	v1 =	vld [tilespmem:s21+$0x0];
	_ =	sdelay $0x2  }
0x1f: {  	v2 =	vld [tilespmem:s21+$0x800]  }
.Ltmp1:
0x20: {  	(pc) =	sbr.rel @p0 .LBB2_4-.Ltmp1, $2  }
0x21: {  	_ =	sdelay $0x2  }
0x22: {  	s21 =	sshra.s32 s20, $0x2;
	s20 =	sadd.s32 $0x40, s20;
	[tilespmem:v1+s19+$0x0] =	vst.idx.add.f32.msk $0xffff, v2  }
0x23: {  	v1 =	vld [tilespmem:s21+$0x0];
	_ =	sdelay $0x2  }
0x24: {  	v2 =	vld [tilespmem:s21+$0x800];
	_ =	sdelay $0x4  }
0x25: {  	s20 =	simm.s32 $0x0;
	[tilespmem:v1+s19+$0x0] =	vst.idx.add.f32.msk $0xffff, v2  }
0x26: {  	[tilespmem:s20], [sflag:$0x1] =	stream.strided.gather [hbm4b:s7+s15], $0x800, s16, s15, $0x38;
	[tilespmem:$0x3780] =	vst v63  }
0x27: {  	_ =	swait.ge [sflag:s17], $0x800  }
0x28: {  	[sflag:s17] =	ssyncset.done $0x0  }
0x29: {  	[sflag:s17] =	ssyncadd.s32 $0xFFFFF800  }
0x2a: {  	[tilespmem:s18], [sflag:$0x1] =	stream.strided.gather [hbm4b:s8+s15], $0x800, s16, s15, $0x38;
	[tilespmem:$0x3780] =	vst v63  }
0x2b: {  	_ =	swait.ge [sflag:s17], $0x800  }
0x2c: {  	[sflag:s17] =	ssyncset.done $0x0  }
0x2d: {  	s21 =	simm.s32 $0x0;
	s20 =	simm.s32 $0x40;
	[sflag:s17] =	ssyncadd.s32 $0xFFFFF800  }
.LBB2_6:
0x2e: {  	p0 =	sne.s32 s20, $0x1F00;
	v1 =	vld [tilespmem:s21+$0x0];
	_ =	sdelay $0x2  }
0x2f: {  	v2 =	vld [tilespmem:s21+$0x800]  }
.Ltmp2:
0x30: {  	(pc) =	sbr.rel @p0 .LBB2_6-.Ltmp2, $2  }
0x31: {  	_ =	sdelay $0x2  }
0x32: {  	s21 =	sshra.s32 s20, $0x2;
	s20 =	sadd.s32 $0x40, s20;
	[tilespmem:v1+s19+$0x0] =	vst.idx.add.f32.msk $0xffff, v2  }
0x33: {  	v1 =	vld [tilespmem:s21+$0x0];
	_ =	sdelay $0x2  }
0x34: {  	v2 =	vld [tilespmem:s21+$0x800];
	_ =	sdelay $0x4  }
0x35: {  	s20 =	simm.s32 $0x0;
	[tilespmem:v1+s19+$0x0] =	vst.idx.add.f32.msk $0xffff, v2  }
0x36: {  	[tilespmem:s20], [sflag:$0x1] =	stream.strided.gather [hbm4b:s9+s15], $0x800, s16, s15, $0x38;
	[tilespmem:$0x3780] =	vst v63  }
0x37: {  	_ =	swait.ge [sflag:s17], $0x800  }
0x38: {  	[sflag:s17] =	ssyncset.done $0x0  }
0x39: {  	[sflag:s17] =	ssyncadd.s32 $0xFFFFF800  }
0x3a: {  	[tilespmem:s18], [sflag:$0x1] =	stream.strided.gather [hbm4b:s10+s15], $0x800, s16, s15, $0x38;
	[tilespmem:$0x3780] =	vst v63  }
0x3b: {  	_ =	swait.ge [sflag:s17], $0x800  }
0x3c: {  	[sflag:s17] =	ssyncset.done $0x0  }
0x3d: {  	s21 =	simm.s32 $0x0;
	s20 =	simm.s32 $0x40;
	[sflag:s17] =	ssyncadd.s32 $0xFFFFF800  }
.LBB2_8:
0x3e: {  	p0 =	sne.s32 s20, $0x1F00;
	v1 =	vld [tilespmem:s21+$0x0];
	_ =	sdelay $0x2  }
0x3f: {  	v2 =	vld [tilespmem:s21+$0x800]  }
.Ltmp3:
0x40: {  	(pc) =	sbr.rel @p0 .LBB2_8-.Ltmp3, $2  }
0x41: {  	_ =	sdelay $0x2  }
0x42: {  	s21 =	sshra.s32 s20, $0x2;
	s20 =	sadd.s32 $0x40, s20;
	[tilespmem:v1+s19+$0x0] =	vst.idx.add.f32.msk $0xffff, v2  }
0x43: {  	v1 =	vld [tilespmem:s21+$0x0];
	_ =	sdelay $0x2  }
0x44: {  	v2 =	vld [tilespmem:s21+$0x800];
	_ =	sdelay $0x4  }
0x45: {  	s20 =	simm.s32 $0x0;
	[tilespmem:v1+s19+$0x0] =	vst.idx.add.f32.msk $0xffff, v2  }
0x46: {  	[tilespmem:s20], [sflag:$0x1] =	stream.strided.gather [hbm4b:s11+s15], $0x800, s16, s15, $0x38;
	[tilespmem:$0x3780] =	vst v63  }
0x47: {  	_ =	swait.ge [sflag:s17], $0x800  }
0x48: {  	[sflag:s17] =	ssyncset.done $0x0  }
0x49: {  	[sflag:s17] =	ssyncadd.s32 $0xFFFFF800  }
0x4a: {  	[tilespmem:s18], [sflag:$0x1] =	stream.strided.gather [hbm4b:s12+s15], $0x800, s16, s15, $0x38;
	[tilespmem:$0x3780] =	vst v63  }
0x4b: {  	_ =	swait.ge [sflag:s17], $0x800  }
0x4c: {  	[sflag:s17] =	ssyncset.done $0x0  }
0x4d: {  	s21 =	simm.s32 $0x0;
	s20 =	simm.s32 $0x40;
	[sflag:s17] =	ssyncadd.s32 $0xFFFFF800  }
.LBB2_10:
0x4e: {  	p0 =	sne.s32 s20, $0x1F00;
	v1 =	vld [tilespmem:s21+$0x0];
	_ =	sdelay $0x2  }
0x4f: {  	v2 =	vld [tilespmem:s21+$0x800]  }
.Ltmp4:
0x50: {  	(pc) =	sbr.rel @p0 .LBB2_10-.Ltmp4, $2  }
0x51: {  	_ =	sdelay $0x2  }
0x52: {  	s21 =	sshra.s32 s20, $0x2;
	s20 =	sadd.s32 $0x40, s20;
	[tilespmem:v1+s19+$0x0] =	vst.idx.add.f32.msk $0xffff, v2  }
0x53: {  	v1 =	vld [tilespmem:s21+$0x0];
	_ =	sdelay $0x2  }
0x54: {  	v2 =	vld [tilespmem:s21+$0x800];
	_ =	sdelay $0x4  }
0x55: {  	s20 =	simm.s32 $0x0;
	[tilespmem:v1+s19+$0x0] =	vst.idx.add.f32.msk $0xffff, v2  }
0x56: {  	[tilespmem:s20], [sflag:$0x1] =	stream.strided.gather [hbm4b:s13+s15], $0x800, s16, s15, $0x38;
	[tilespmem:$0x3780] =	vst v63  }
0x57: {  	_ =	swait.ge [sflag:s17], $0x800  }
0x58: {  	[sflag:s17] =	ssyncset.done $0x0  }
0x59: {  	[sflag:s17] =	ssyncadd.s32 $0xFFFFF800  }
0x5a: {  	[tilespmem:s18], [sflag:$0x1] =	stream.strided.gather [hbm4b:s14+s15], $0x800, s16, s15, $0x38;
	[tilespmem:$0x3780] =	vst v63  }
0x5b: {  	_ =	swait.ge [sflag:s17], $0x800  }
0x5c: {  	[sflag:s17] =	ssyncset.done $0x0  }
0x5d: {  	s21 =	simm.s32 $0x0;
	s20 =	simm.s32 $0x40;
	[sflag:s17] =	ssyncadd.s32 $0xFFFFF800  }
.LBB2_12:
0x5e: {  	p0 =	sne.s32 s20, $0x1F00;
	v1 =	vld [tilespmem:s21+$0x0];
	_ =	sdelay $0x2  }
0x5f: {  	v2 =	vld [tilespmem:s21+$0x800]  }
.Ltmp5:
0x60: {  	(pc) =	sbr.rel @p0 .LBB2_12-.Ltmp5, $2  }
0x61: {  	_ =	sdelay $0x2  }
0x62: {  	s21 =	sshra.s32 s20, $0x2;
	s20 =	sadd.s32 $0x40, s20;
	[tilespmem:v1+s19+$0x0] =	vst.idx.add.f32.msk $0xffff, v2  }
0x63: {  	v1 =	vld [tilespmem:s21+$0x0];
	_ =	sdelay $0x2  }
0x64: {  	v2 =	vld [tilespmem:s21+$0x800];
	_ =	sdelay $0x2  }
0x65: {  	s2 =	sadd.s32 $0x1, s2  }
0x66: {  	p0 =	sne.s32 s2, s4  }
.Ltmp6:
0x67: {  	[tilespmem:v1+s19+$0x0] =	vst.idx.add.f32.msk $0xffff, v2;
	(pc) =	sbr.rel @p0 .LBB2_1-.Ltmp6, $4  }
0x68: {  	[hbm4b:s3+s15] =	stream.strided.scatter [tilespmem:s19], [sflag:$0x1], $0x2780, s16, s15, $0x38;
	[tilespmem:$0x3780] =	vst v63  }
0x69: {  	_ =	swait.ge [sflag:s17], $0x2780  }
0x6a: {  	[sflag:s17] =	ssyncset.done $0x0  }
0x6b: {  	[sflag:s17] =	ssyncadd.s32 $0xFFFFD880  }
0x6c: {  	_ =	sfence.sel $0x180000  }
0x6d: {  	[bflag:$0x0] =	sbarrier.arrive $0xFFFF  }
0x6e: {  	p0 =	sne.s32 s0, $0x0;
	_ =	strace $0x90000047  }
0x6f: {  	s0 =	sadd.s32 @!p0 $0x100000, s1;
	[bflag:$0x2] =	sbarrier.arrive $0xFFFF  }
0x70: {  	[sflag:s0] =	ssyncadd.tile.s32 @!p0 $0x1;
	_ =	shalt  }
.Lfunc_end2:
_tile_overlayer_lowered:
.L_overlay_start_2:
0x71: {  	(tag) =	ssettag $0x2  }
0x72: {  	s0 =	rddreg [dreg:$0x0];
	s2 =	stileid.u32  }
0x73: {  	s1 =	rddreg [dreg:$0x1];
	p0 =	sne.s32 s2, $0x0  }
0x74: {  	s3 =	rddreg [dreg:$0x2];
	[bflag:$0x3] =	sbarrier.arrive $0xFFFF;
	s2 =	simm.s32 @!p0 $0x1C01  }
0x75: {  	[timem:s3], [sflag:s2] =	dma.local @!p0 [hbm:s0], s1  }
0x76: {  	s0 =	simm.s32 @!p0 $0x1  }
0x77: {  	_ =	swait.ge @!p0 [sflag:s0], s1  }
0x78: {  	s1 =	ssub.s32 @!p0 $0x0, s1;
	[sflag:s0] =	ssyncset.done @!p0 $0x0  }
0x79: {  	[sflag:s0] =	ssyncadd.s32 @!p0 s1  }
0x7a: {  	[bflag:$0x3] =	sbarrier.arrive $0xFFFF  }
0x7b: {  	_ =	shalt  }

// kernel: kernel.9.cloned.1.call-start
scs
__scs_entry_jumppad:
0x0: {  	(pc) =	sbr.rel $0x88, $3  }
0x1: {  	(tag) =	ssettag $0x0;
	lr =	simm.s32 $0x1  }
0x2: {  	[smem:$0x3F9C] =	sst lr;
	_ =	strace $0xD0000000  }
0x3: {  	_ = 	snop  }
0x4: {  	_ = 	snop  }
0x5: {  	_ = 	snop  }
0x6: {  	_ = 	snop  }
0x7: {  	_ = 	snop  }
__scs_overlays_trampoline_lowered:
0x8: {  	[smem:$0x3FAB] =	sst s0  }
0x9: {  	[smem:$0x3FAC] =	sst s1  }
0xa: {  	[smem:$0x3FAD] =	sst s2  }
0xb: {  	[smem:$0x3FAE] =	sst s3  }
0xc: {  	[smem:$0x3FAF] =	sst s4  }
0xd: {  	[smem:$0x3FB0] =	sst s5  }
0xe: {  	[smem:$0x3FB1] =	sst s6  }
0xf: {  	[smem:$0x3FB2] =	sst s7  }
0x10: {  	[smem:$0x3FB3] =	sst s8  }
0x11: {  	[smem:$0x3FB4] =	sst s9;
	s0 =	simm.s32 @!p0 $0x0  }
0x12: {  	s1 =	sld [smem:$0x3F9A];
	s0 =	simm.s32 @p0 $0x1  }
0x13: {  	[smem:$0x3FB5] =	sst s0;
	s0 =	simm.s32 @!p1 $0x0  }
0x14: {  	s2 =	sld [smem:$0x3F99];
	s0 =	simm.s32 @p1 $0x1  }
0x15: {  	[smem:$0x3FB6] =	sst s0;
	s0 =	simm.s32 @!p2 $0x0  }
0x16: {  	s3 =	sld [smem:$0x3FDB];
	s0 =	simm.s32 @p2 $0x1  }
0x17: {  	s4 =	simm.s32 $0x1BF5;
	[smem:$0x3FB8] =	sst s0  }
0x18: {  	s0 =	sld [smem:$0x3F9B];
	_ =	swait.ge [sflag:s4], $0x0  }
0x19: {  	s7 =	sld [smem:$0x3F9C]  }
0x1a: {  	s8 =	sadd.s32 $0xFFFFE003, lr  }
0x1b: {  	s9 =	sadd.s32 $0xFFFFFEF7, lr;
	s5 =	simm.s32 $0xFFFFFFFF;
	p2 =	slt.u32 s8, $0xFFFFF086  }
0x1c: {  	p1 =	slt.u32 s9, $0xF7A;
	s5 =	simm.s32 @!p2 $0x0  }
0x1d: {  	s5 =	simm.s32 @p1 $0x1;
	p0 =	seq.s32 s7, s2  }
0x1e: {  	s7 =	smul.u32 @!p0 $0xF7A, s2;
	p2 =	seq.s32 @!p0 s5, $0x0  }
0x1f: {  	s9 =	smul.u32 $0xF7A, s1;
	s8 =	simm.s32 @!p0 $0x1BF5;
	p2 =	por !p2, p0  }
0x20: {  	[sflag:s8] =	ssyncset.s32 @!p0 $0xFFFFF086;
	s6 =	sadd.s32 @!p0 s3, s7;
	s7 =	simm.s32 @!p0 $0x108  }
0x21: {  	s3 =	sadd.s32 s3, s9;
	s6 =	sadd.s32 @!p0 $0x88, s6;
	s7 =	simm.s32 @p2 $0x1082  }
0x22: {  	[simem:s7], [sflag:s8] =	dma.local @!p0 [hbm:s6], $0xF7A  }
0x23: {  	s9 =	sor.u32 $0xD0000000, s2;
	s6 =	simm.s32 $0x108;
	_ =	swait.ge @!p0 [sflag:s8], $0x0  }
0x24: {  	s3 =	sadd.s32 $0x88, s3;
	s6 =	simm.s32 @!p1 $0x1082;
	[sflag:s4] =	ssyncset.s32 $0xFFFFF086  }
0x25: {  	[simem:s6], [sflag:s4] =	dma.local [hbm:s3], $0xF7A  }
0x26: {  	[smem:$0x3F9C] =	sst s1;
	(tag) =	ssettag s2;
	_ =	strace s9  }
0x27: {  	s1 =	sld [smem:$0x3FAC]  }
0x28: {  	s2 =	sld [smem:$0x3FAD]  }
0x29: {  	s4 =	sld [smem:$0x3FAF]  }
0x2a: {  	p0 =	seq.s32 s5, $0x0;
	s5 =	sld [smem:$0x3FB0]  }
0x2b: {  	s6 =	sld [smem:$0x3FB1]  }
0x2c: {  	s7 =	sld [smem:$0x3FB2]  }
0x2d: {  	s3 =	simm.s32 $0x108;
	s8 =	sld [smem:$0x3FB3]  }
0x2e: {  	s3 =	simm.s32 @!p0 $0x1082;
	s9 =	sld [smem:$0x3FB4]  }
0x2f: {  	lr =	sadd.s32 s0, s3;
	s0 =	sld [smem:$0x3FAB]  }
0x30: {  	s3 =	sld [smem:$0x3FAE]  }
0x31: {  	[smem:$0x3FB7] =	sst s10  }
0x32: {  	s10 =	sld [smem:$0x3FB5];
	_ =	sdelay $0x3  }
0x33: {  	p0 =	seq.s32 s10, $0x1;
	s10 =	sld [smem:$0x3FB7];
	_ =	sdelay $0x3  }
0x34: {  	[smem:$0x3FB7] =	sst s10  }
0x35: {  	s10 =	sld [smem:$0x3FB6];
	_ =	sdelay $0x3  }
0x36: {  	p1 =	seq.s32 s10, $0x1;
	s10 =	sld [smem:$0x3FB7];
	_ =	sdelay $0x3  }
0x37: {  	[smem:$0x3FB7] =	sst s10  }
0x38: {  	s10 =	sld [smem:$0x3FB8]  }
0x39: {  	_ = 	snop;
	(pc) =	sbr.ind lr, $3  }
0x3a: {  	_ = 	snop  }
0x3b: {  	_ = 	snop  }
0x3c: {  	p2 =	seq.s32 s10, $0x1;
	s10 =	sld [smem:$0x3FB7]  }
0x3d: {  	_ =	shalt  }
0x3e: {  	_ =	shalt  }
0x3f: {  	_ =	shalt  }
0x40: {  	_ =	shalt  }
0x41: {  	_ =	shalt  }
0x42: {  	_ =	shalt  }
0x43: {  	_ =	shalt  }
0x44: {  	_ =	shalt  }
0x45: {  	_ =	shalt  }
0x46: {  	_ =	shalt  }
0x47: {  	_ =	shalt  }
0x48: {  	_ =	shalt  }
0x49: {  	_ =	shalt  }
0x4a: {  	_ =	shalt  }
0x4b: {  	_ =	shalt  }
0x4c: {  	_ =	shalt  }
0x4d: {  	_ =	shalt  }
0x4e: {  	_ =	shalt  }
0x4f: {  	_ =	shalt  }
0x50: {  	_ =	shalt  }
0x51: {  	_ =	shalt  }
0x52: {  	_ =	shalt  }
0x53: {  	_ =	shalt  }
0x54: {  	_ =	shalt  }
0x55: {  	_ =	shalt  }
0x56: {  	_ =	shalt  }
0x57: {  	_ =	shalt  }
0x58: {  	_ =	shalt  }
0x59: {  	_ =	shalt  }
0x5a: {  	_ =	shalt  }
0x5b: {  	_ =	shalt  }
0x5c: {  	_ =	shalt  }
0x5d: {  	_ =	shalt  }
0x5e: {  	_ =	shalt  }
0x5f: {  	_ =	shalt  }
0x60: {  	_ =	shalt  }
0x61: {  	_ =	shalt  }
0x62: {  	_ =	shalt  }
0x63: {  	_ =	shalt  }
0x64: {  	_ =	shalt  }
0x65: {  	_ =	shalt  }
0x66: {  	_ =	shalt  }
0x67: {  	_ =	shalt  }
0x68: {  	_ =	shalt  }
0x69: {  	_ =	shalt  }
0x6a: {  	_ =	shalt  }
0x6b: {  	_ =	shalt  }
0x6c: {  	_ =	shalt  }
0x6d: {  	_ =	shalt  }
0x6e: {  	_ =	shalt  }
0x6f: {  	_ =	shalt  }
0x70: {  	_ =	shalt  }
0x71: {  	_ =	shalt  }
0x72: {  	_ =	shalt  }
0x73: {  	_ =	shalt  }
0x74: {  	_ =	shalt  }
0x75: {  	_ =	shalt  }
0x76: {  	_ =	shalt  }
0x77: {  	_ =	shalt  }
0x78: {  	_ =	shalt  }
0x79: {  	_ =	shalt  }
0x7a: {  	_ =	shalt  }
0x7b: {  	_ =	shalt  }
0x7c: {  	_ =	shalt  }
0x7d: {  	_ =	shalt  }
0x7e: {  	_ =	shalt  }
0x7f: {  	_ =	shalt  }
0x80: {  	_ =	shalt  }
0x81: {  	_ =	shalt  }
0x82: {  	_ =	shalt  }
0x83: {  	_ =	shalt  }
0x84: {  	_ =	shalt  }
0x85: {  	_ =	shalt  }
0x86: {  	_ =	shalt  }
0x87: {  	_ =	shalt  }
.Lfunc_end0:
.L_simem_size_0:
called_computation.1_lowered:
.L_overlay_start_0:
0x88: {  	s2 =	sld [smem:$0x3FD9]  }
0x89: {  	s3 =	sld [smem:$0x3FFE];
	_ =	sdelay $0x1  }
0x8a: {  	s1 =	srdreg.scid  }
0x8b: {  	s0 =	sand.u32 $0x1, s1  }
0x8c: {  	s17 =	sshll.u32 s0, $0xA;
	s2 =	sadd.s32 s3, s2  }
0x8d: {  	s2 =	sadd.s32 s2, s17  }
0x8e: {  	[smem:$0x3FC3] =	sst s2  }
0x8f: {  	_ = 	snop  }
0x90: {  	s2 =	sld [smem:$0x3FD0];
	(tm) =	ssettm $0x1  }
0x91: {  	s18 =	sld [smem:$0x3FFB];
	_ =	sdelay $0x3  }
0x92: {  	_ =	strace s18  }
0x93: {  	s3 =	sld [smem:$0x3FFC];
	_ =	sdelay $0x3  }
0x94: {  	_ =	strace s3  }
0x95: {  	s3 =	sld [smem:$0x3FFD];
	_ =	sdelay $0x3  }
0x96: {  	_ =	strace s3  }
0x97: {  	_ =	strace $0x8FFFFFFF  }
0x98: {  	s19 =	sld [smem:$0x3FDB];
	_ =	sdelay $0x1  }
0x99: {  	s4 =	simm.s32 $_scs_section_size  }
0x9a: {  	s5 =	simm.s32 $_size__tile_overlayer_lowered;
	s6 =	simm.s32 $_tile_overlayer_lowered  }
0x9b: {  	s22 =	simm.s32 $0x1BFF;
	s21 =	sshll.u32 s6, $0x1;
	s3 =	sadd.s32 s4, s19  }
0x9c: {  	s7 =	simm.s32 $0x0;
	s20 =	sshll.u32 s5, $0x1;
	s5 =	sadd.s32 s21, s3  }
0x9d: {  	[timem:s7], [sflag:s22] =	dma.local [hbm:s5], s20  }
0x9e: {  	_ =	swait.ge [sflag:s22], s20  }
0x9f: {  	s4 =	ssub.s32 $0x0, s20;
	[sflag:s22] =	ssyncset.done $0x0  }
0xa0: {  	[sflag:s22] =	ssyncadd.s32 s4;
	_ =	sdelay $0x1  }
0xa1: {  	s23 =	simm.s32 $0x1B8B  }
0xa2: {  	_ =	swait.ge [sflag:s23], $0x1  }
0xa3: {  	[sflag:s23] =	ssyncset.done $0x0  }
0xa4: {  	s25 =	simm.s32 $0x1B8E;
	s24 =	sld [smem:$0x3FFE];
	[sflag:s23] =	ssyncadd.s32 $0xFFFFFFFF  }
0xa5: {  	s26 =	simm.s32 $execute0_lowered;
	[smem:$0x3FD2] =	sst s25  }
0xa6: {  	s5 =	sshll.u32 s26, $0x1;
	_ =	strace $0x80000049;
	[dreg:$0x1] =	wrdreg $0xFFFFFFFF  }
0xa7: {  	s28 =	simm.s32 $_size_execute0_lowered;
	s3 =	sadd.s32 s3, s5;
	[dreg:$0x0] =	wrdreg $0x0  }
0xa8: {  	s5 =	sshll.u32 s28, $0x1;
	[dreg:$0x2] =	wrdreg s3  }
0xa9: {  	[dreg:$0x3] =	wrdreg s5  }
0xaa: {  	[dreg:$0x4] =	wrdreg $0xC0  }
0xab: {  	_ =	task [dreg:s7], $0x5FFFF  }
0xac: {  	[dreg:$0x1] =	wrdreg $0xFFFFFFFF  }
0xad: {  	[dreg:$0x0] =	wrdreg $0x60  }
0xae: {  	[dreg:$0x2] =	wrdreg s2  }
0xaf: {  	[dreg:$0x3] =	wrdreg s24  }
0xb0: {  	[dreg:$0x4] =	wrdreg $0xA4000  }
0xb1: {  	[dreg:$0x5] =	wrdreg $0x9  }
0xb2: {  	_ =	task.clear_ibuf [dreg:s7], $0x6FFFF;
	_ =	strace $0x90000049  }
0xb3: {  	s29 =	simm.s32 $0x9;
	_ =	strace $0x8000004B  }
0xb4: {  	_ =	swait.ge [sflag:s29], $0x1  }
0xb5: {  	[sflag:s29] =	ssyncadd.s32 $0xFFFFFFFF  }
0xb6: {  	_ =	strace $0x9000004B  }
0xb7: {  	_ =	sfence  }
0xb8: {  	s30 =	sld [smem:$0x0];
	_ =	sdelay $0x2  }
0xb9: {  	s31 =	sshll.u32 s1, $0xD;
	s1 =	sshrl.u32 s1, $0x2  }
0xba: {  	s3 =	sand.u32 $0x4000, s31;
	s1 =	sadd.s32 s1, s30  }
0xbb: {  	s0 =	sor.u32 s3, s0;
	s1 =	sshll.u32 s1, $0x11  }
0xbc: {  	s0 =	sor.u32 s1, s0  }
0xbd: {  	s0 =	sadd.s32 $0x8F2B, s0  }
0xbe: {  	[sflag:s0] =	ssyncadd.remote.s32 $0x1  }
0xbf: {  	_ =	sfence.sel $0xFFFF  }
0xc0: {  	[dreg:$0x0] =	wrdreg $0xFFFFFFFF;
	(pc) =	sbr.abs _section_cstart, $3  }
0xc1: {  	[dreg:$0x1] =	wrdreg $0xFFFFFFFF  }
0xc2: {  	_ =	task.clear_ibuf [dreg:s7], $0x2FFFF;
	_ =	strace $0x9FFFFFFF  }
0xc3: {  	(tm) =	ssettm $0x7FFFFFFF  }
tec
execute0_lowered:
.L_overlay_start_1:
0x0: {  	(tag) =	ssettag $0x1  }
0x1: {  	s0 =	rddreg [dreg:$0x0]  }
0x2: {  	s3 =	rddreg [dreg:$0x1]  }
0x3: {  	s1 =	rddreg [dreg:$0x2];
	s2 =	simm.s32 $0x0  }
0x4: {  	s5 =	srdreg.scid;
	s18 =	stileid.u32;
	s28 =	simm.s32 $0x5400  }
0x5: {  	s29 =	simm.s32 $0x80;
	s30 =	simm.s32 $0x7C00;
	s31 =	simm.s32 $0x1  }
0x6: {  	[smem:$0x7FF] =	sst s2;
	s7 =	sadd.s32 $0x1AEC00, s3;
	s9 =	smul.u32 $0x4E200, s18  }
0x7: {  	s4 =	sadd.s32 $0x3DA00, s3;
	s8 =	sand.u32 $0x1, s5;
	s12 =	smul.u32 $0x13C00, s18  }
0x8: {  	s5 =	sadd.s32 $0x2C200, s3;
	s10 =	ssub.s32 $0x2, s8;
	s13 =	smul.u32 $0x4F0000, s8  }
0x9: {  	s14 =	sshll.u32 s8, $0x2;
	s24 =	smul.u32 $0x9C400, s8;
	s8 =	sshllo.u32 s8, $0x2  }
0xa: {  	s6 =	sadd.s32 $0x1AA00, s3;
	s3 =	sadd.s32 $0x2EAC00, s3;
	s20 =	smul.u32 $0x13C000, s8  }
0xb: {  	s25 =	sshll.u32 s18, $0x6;
	s16 =	sor.u32 $0x1, s14;
	s8 =	smul.u32 $0x27100, s8  }
0xc: {  	_ =	strace $0x8000004A;
	s11 =	sshrl.u32 s10, $0x1;
	s17 =	smul.u32 $0x13C000, s16  }
0xd: {  	s9 =	sshrl.u32 s9, $0x2;
	s15 =	ssub.s32 s10, s11;
	s10 =	smul.u32 $0x8C00, s18  }
0xe: {  	s26 =	sor.u32 $0x2, s14;
	s9 =	sadd.s32 s9, s1;
	s16 =	smul.u32 $0x27100, s16  }
0xf: {  	s23 =	sadd.s32 s12, s13;
	s11 =	sadd.s32 s0, s24;
	s19 =	smul.u32 $0x13C000, s26  }
0x10: {  	[dreg:$0x4] =	wrdreg s9;
	s13 =	sshrl.u32 s23, $0x3;
	s23 =	smul.u32 $0x27100, s26  }
0x11: {  	s9 =	sadd.s32 s7, s13;
	s17 =	sadd.s32 s12, s17;
	s13 =	sadd.s32 s3, s13  }
0x12: {  	s22 =	sadd.s32 s12, s19;
	s12 =	sadd.s32 s12, s20;
	s20 =	sadd.s32 s0, s8  }
0x13: {  	[dreg:$0x5] =	wrdreg s9;
	s9 =	sor.u32 $0x1C03, s25;
	s17 =	sshrl.u32 s17, $0x3  }
0x14: {  	[dreg:$0x6] =	wrdreg s13;
	s12 =	sshrl.u32 s12, $0x3;
	s14 =	sadd.s32 s7, s17  }
0x15: {  	s21 =	sadd.s32 s3, s17;
	s17 =	sadd.s32 s0, s23;
	s26 =	sadd.s32 s3, s12  }
0x16: {  	s23 =	simm.s32 $0x3;
	[dreg:$0x7] =	wrdreg s14;
	s14 =	sadd.s32 s0, s16  }
.Ltmp0:
0x17: {  	[dreg:$0x8] =	wrdreg s21;
	s16 =	sshrl.u32 s22, $0x3;
	(pc) =	sbr.rel .LBB2_1-.Ltmp0, $4  }
0x18: {  	[dreg:$0xc] =	wrdreg s26;
	s22 =	smax.u32 s15, $0x1;
	s24 =	sadd.s32 s7, s16  }
0x19: {  	s26 =	simm.s32 $0x50;
	s25 =	sadd.s32 s3, s16;
	[dreg:$0x9] =	wrdreg s24  }
0x1a: {  	s0 =	simm.s32 $0x2;
	s7 =	sadd.s32 s7, s12;
	[dreg:$0xa] =	wrdreg s25  }
0x1b: {  	[dreg:$0xb] =	wrdreg s7;
	s24 =	simm.s32 $0x1C00;
	s25 =	simm.s32 $0x3800  }
.LBB2_37:
0x1c: {  	[bflag:$0x0] =	sbarrier.arrive $0xFFFF;
	s2 =	sadd.s32 $0x1, s2  }
0x1d: {  	s7 =	rddreg [dreg:$0xc];
	p0 =	sne.s32 s2, s22  }
0x1e: {  	[hbm:s7], [sflag:s9] =	dma.local [spmem:s3], $0x2710  }
.Ltmp1:
0x1f: {  	_ =	swait.ge [sflag:s23], $0x2710;
	(pc) =	sbr.rel @!p0 .LBB2_38-.Ltmp1, $3  }
0x20: {  	[sflag:s23] =	ssyncset.done $0x0  }
0x21: {  	[sflag:s23] =	ssyncadd.s32 $0xFFFFD8F0  }
0x22: {  	[bflag:$0x0] =	sbarrier.arrive $0xFFFF;
	_ =	sdelay $0x1  }
.LBB2_1:
0x23: {  	s3 =	rddreg [dreg:$0x4]  }
0x24: {  	s7 =	rddreg [dreg:$0x5];
	s3 =	sshrl.u32 s3, $0x3  }
0x25: {  	[spmem:s3], [sflag:s9] =	dma.local [hbm:s7], $0x2710  }
.Ltmp2:
0x26: {  	_ =	swait.ge [sflag:s23], $0x2710;
	(pc) =	sbr.rel .LBB2_2-.Ltmp2, $4  }
0x27: {  	[sflag:s23] =	ssyncset.done $0x0  }
0x28: {  	[sflag:s23] =	ssyncadd.s32 $0xFFFFD8F0  }
0x29: {  	[bflag:$0x0] =	sbarrier.arrive $0xFFFF  }
0x2a: {  	s7 =	simm.s32 $0x0  }
.LBB2_9:
0x2b: {  	s7 =	sadd.s32 $0x1, s7  }
0x2c: {  	p0 =	sne.s32 s7, $0x5  }
.Ltmp3:
0x2d: {  	_ = 	snop;
	(pc) =	sbr.rel @!p0 .LBB2_10-.Ltmp3, $1  }
0x2e: {  	_ =	sdelay $0x3  }
.LBB2_2:
0x2f: {  	s8 =	smul.u32 $0x1C00, s7;
	_ =	sdelay $0x1  }
0x30: {  	s8 =	sadd.s32 s10, s8  }
0x31: {  	s12 =	sshrl.u32 s8, $0x3  }
0x32: {  	s8 =	simm.s32 $0x0;
	s13 =	sadd.s32 s4, s12  }
0x33: {  	[tilespmem:s8], [sflag:$0x3] =	stream.linear.gather [hbm4b:s13+s8], $0x1900, $0x38;
	[tilespmem:$0x1DC80] =	vst v63  }
0x34: {  	_ =	swait.ge [sflag:s23], $0x1900  }
0x35: {  	[sflag:s23] =	ssyncset.done $0x0  }
0x36: {  	s21 =	sadd.s32 s5, s12;
	[sflag:s23] =	ssyncadd.s32 $0xFFFFE700  }
0x37: {  	[tilespmem:s24], [sflag:$0x3] =	stream.linear.gather [hbm4b:s21+s8], $0x1900, $0x38;
	[tilespmem:$0x1DC80] =	vst v63  }
0x38: {  	_ =	swait.ge [sflag:s23], $0x1900  }
0x39: {  	[sflag:s23] =	ssyncset.done $0x0  }
0x3a: {  	s12 =	sadd.s32 s6, s12;
	[sflag:s23] =	ssyncadd.s32 $0xFFFFE700  }
0x3b: {  	[tilespmem:s25], [sflag:$0x3] =	stream.linear.gather [hbm4b:s12+s8], $0x1900, $0x38;
	[tilespmem:$0x1DC80] =	vst v63  }
0x3c: {  	_ =	swait.ge [sflag:s23], $0x1900  }
0x3d: {  	[sflag:s23] =	ssyncset.done $0x0  }
0x3e: {  	[sflag:s23] =	ssyncadd.s32 $0xFFFFE700  }
0x3f: {  	[tilespmem:s28], [sflag:$0x1] =	stream.indirect.gather [hbm4b:s11+s26], $0x80, s8, s26, $0xb8;
	[tilespmem:$0x1DC80] =	vst v63  }
0x40: {  	s12 =	simm.s32 $0x0  }
0x41: {  	[tilespmem:s30], [sflag:$0x2] =	stream.indirect.gather [hbm4b:s11+s26], $0x80, s29, s26, $0xb8;
	[tilespmem:$0x1DC80] =	vst v63  }
.LBB2_3:
0x42: {  	s13 =	sshll.u32 s12, $0x8;
	v0 =	vmov s8;
	s15 =	simm.s32 $0x3  }
0x43: {  	v1 =	vmov s13;
	v0 =	vand.u32 $0x7C, v0;
	v2 =	vmov s15  }
0x44: {  	v0 =	vor.u32 v1, v0;
	v2 =	vand.u32 $0x7F, v2  }
0x45: {  	v0 =	vbroadcast v0, $0x0;
	v2 =	vor.u32 v1, v2  }
0x46: {  	_ =	swait.ge [sflag:s31], $0x2800;
	v2 =	vbroadcast v2, $0x0  }
0x47: {  	[sflag:s31] =	ssyncset.done $0x0  }
0x48: {  	s13 =	simm.s32 $0x5500;
	[sflag:s31] =	ssyncadd.s32 $0xFFFFD800  }
0x49: {  	v5 =	vld [tilespmem:s13+$0xFFFFFF00]  }
0x4a: {  	s21 =	simm.s32 $0x1;
	v6 =	vld [tilespmem:s13+$0xFFFFFF10]  }
0x4b: {  	v4 =	vmov s21;
	v3 =	vld.idx.msk [tilespmem:v0+s25+$0x0], $0xffff  }
0x4c: {  	v0 =	vld.idx.msk [tilespmem:v2+s25+$0x0], $0xffff;
	v2 =	vand.u32 $0x7D, v4  }
0x4d: {  	v7 =	vld [tilespmem:s13+$0xFFFFFF20];
	v2 =	vor.u32 v1, v2  }
0x4e: {  	v8 =	vld [tilespmem:s13+$0xFFFFFF30];
	v2 =	vbroadcast v2, $0x0  }
0x4f: {  	v4 =	vld [tilespmem:s13+$0xF0]  }
0x50: {  	v9 =	vld [tilespmem:s13+$0xFFFFFF40]  }
0x51: {  	v10 =	vld [tilespmem:s13+$0xFFFFFF50];
	v5 =	vmul.f32 v5, v3  }
0x52: {  	v11 =	vld [tilespmem:s13+$0xFFFFFF60]  }
0x53: {  	s16 =	simm.s32 $0x2;
	v6 =	vmul.f32 v6, v3;
	[tilespmem:s13+$0xFFFFFF00] =	vst v5;
	v5 =	vld [tilespmem:s13+$0xFFFFFF70]  }
0x54: {  	v12 =	vmov s16;
	v4 =	vmul.f32 v4, v0;
	v13 =	vld.idx.msk [tilespmem:v2+s25+$0x0], $0xffff  }
0x55: {  	[tilespmem:s13+$0xFFFFFF10] =	vst v6;
	v6 =	vmul.f32 v8, v3;
	v2 =	vand.u32 $0x7E, v12;
	v12 =	vld [tilespmem:s13+$0xFFFFFF80]  }
0x56: {  	v8 =	vld [tilespmem:s13+$0xFFFFFFA0];
	[tilespmem:s13+$0xF0] =	vst v4;
	v4 =	vmul.f32 v7, v3;
	v2 =	vor.u32 v1, v2  }
0x57: {  	v7 =	vld [tilespmem:s13+$0xFFFFFF90];
	[tilespmem:s13+$0xFFFFFF30] =	vst v6;
	v6 =	vmul.f32 v10, v3;
	v2 =	vbroadcast v2, $0x0  }
0x58: {  	v10 =	vld [tilespmem:s13+$0xFFFFFFC0];
	[tilespmem:s13+$0xFFFFFF20] =	vst v4;
	v4 =	vmul.f32 v9, v3  }
0x59: {  	v11 =	vmul.f32 v11, v3;
	v9 =	vld [tilespmem:s13+$0xFFFFFFB0];
	[tilespmem:s13+$0xFFFFFF50] =	vst v6;
	v3 =	vmul.f32 v5, v3  }
0x5a: {  	v6 =	vld [tilespmem:s13+$0xFFFFFFE0];
	[tilespmem:s13+$0xFFFFFF40] =	vst v4;
	v4 =	vmul.f32 v12, v13  }
0x5b: {  	v12 =	vld [tilespmem:s13+$0xFFFFFFD0];
	[tilespmem:s13+$0xFFFFFF70] =	vst v3  }
0x5c: {  	v3 =	vmul.f32 v8, v13;
	[tilespmem:s13+$0xFFFFFF80] =	vst v4;
	v4 =	vmul.f32 v7, v13;
	v7 =	vld [tilespmem:s13+$0x0]  }
0x5d: {  	[tilespmem:s13+$0xFFFFFF60] =	vst v11;
	v2 =	vld.idx.msk [tilespmem:v2+s25+$0x0], $0xffff  }
0x5e: {  	v5 =	vld [tilespmem:s13+$0xFFFFFFF0];
	[tilespmem:s13+$0xFFFFFFA0] =	vst v3;
	v3 =	vmul.f32 v10, v13  }
0x5f: {  	v8 =	vld [tilespmem:s13+$0x10];
	[tilespmem:s13+$0xFFFFFF90] =	vst v4;
	v4 =	vmul.f32 v9, v13  }
0x60: {  	s18 =	simm.s32 $0x4;
	v6 =	vmul.f32 v6, v13;
	v9 =	vld [tilespmem:s13+$0x20];
	[tilespmem:s13+$0xFFFFFFC0] =	vst v3  }
0x61: {  	v11 =	vmov s18;
	v10 =	vld [tilespmem:s13+$0x30];
	[tilespmem:s13+$0xFFFFFFB0] =	vst v4;
	v4 =	vmul.f32 v12, v13  }
0x62: {  	v11 =	vand.u32 $0x7C, v11;
	v3 =	vld [tilespmem:s13+$0x40];
	[tilespmem:s13+$0xFFFFFFE0] =	vst v6;
	v7 =	vmul.f32 v7, v2  }
0x63: {  	s19 =	simm.s32 $0x5;
	s21 =	simm.s32 $0x6;
	v6 =	vor.u32 v1, v11;
	v12 =	vmul.f32 v5, v13;
	[tilespmem:s13+$0xFFFFFFD0] =	vst v4;
	v4 =	vld [tilespmem:s13+$0x50]  }
0x64: {  	v13 =	vmov s19;
	v5 =	vld [tilespmem:s13+$0x60];
	v8 =	vmul.f32 v8, v2;
	[tilespmem:s13+$0x0] =	vst v7;
	v7 =	vmov s21  }
0x65: {  	s15 =	sshll.u32 s12, $0x1;
	[tilespmem:s13+$0xFFFFFFF0] =	vst v12;
	v12 =	vand.u32 $0x7D, v13;
	v9 =	vmul.f32 v9, v2;
	v11 =	vand.u32 $0x7E, v7;
	v7 =	vld [tilespmem:s13+$0x70]  }
0x66: {  	s16 =	simm.s32 $0x5500;
	s18 =	simm.s32 $0x8;
	v6 =	vbroadcast v6, $0x0;
	s19 =	simm.s32 $0x7;
	v10 =	vmul.f32 v10, v2;
	v12 =	vor.u32 v1, v12;
	[tilespmem:s13+$0x10] =	vst v8;
	v8 =	vld [tilespmem:s13+$0x80]  }
.LBB2_4:
0x67: {  	p0 =	slt.u32 s18, $0x4C;
	v11 =	vor.u32 v1, v11;
	v13 =	vmov s19;
	[tilespmem:s13+$0x20] =	vst v9;
	v3 =	vmul.f32 v3, v2;
	v9 =	vld [tilespmem:s13+$0x90]  }
0x68: {  	v12 =	vbroadcast v12, $0x0;
	v13 =	vand.u32 $0x7F, v13;
	[tilespmem:s13+$0x30] =	vst v10;
	v4 =	vmul.f32 v4, v2;
	v10 =	vld [tilespmem:s13+$0xA0]  }
0x69: {  	v11 =	vbroadcast v11, $0x0;
	v13 =	vor.u32 v1, v13;
	[tilespmem:s13+$0x40] =	vst v3;
	v3 =	vmul.f32 v5, v2;
	v5 =	vld [tilespmem:s13+$0xB0]  }
0x6a: {  	v13 =	vbroadcast v13, $0x0;
	[tilespmem:s13+$0x50] =	vst v4;
	v2 =	vmul.f32 v7, v2;
	v4 =	vld [tilespmem:s13+$0xC0]  }
0x6b: {  	[tilespmem:s13+$0x60] =	vst v3;
	v3 =	vmul.f32 v8, v0;
	v7 =	vld [tilespmem:s13+$0xD0]  }
0x6c: {  	[tilespmem:s13+$0x70] =	vst v2;
	v2 =	vmul.f32 v9, v0;
	v8 =	vld [tilespmem:s13+$0xE0]  }
0x6d: {  	v6 =	vld.idx.msk [tilespmem:v6+s25+$0x0], $0xffff;
	[tilespmem:s13+$0x80] =	vst v3;
	v3 =	vmul.f32 v10, v0  }
0x6e: {  	v9 =	vld.idx.msk [tilespmem:v12+s25+$0x0], $0xffff;
	[tilespmem:s13+$0x90] =	vst v2;
	v5 =	vmul.f32 v5, v0  }
0x6f: {  	v2 =	vld.idx.msk [tilespmem:v11+s25+$0x0], $0xffff;
	[tilespmem:s13+$0xA0] =	vst v3;
	v3 =	vmul.f32 v4, v0  }
0x70: {  	s13 =	sadd.s32 $0x200, s13;
	v4 =	vld.idx.msk [tilespmem:v13+s25+$0x0], $0xffff;
	[tilespmem:s16+$0xB0] =	vst v5;
	v5 =	vmul.f32 v7, v0  }
0x71: {  	v7 =	vld [tilespmem:s13+$0xF0];
	[tilespmem:s16+$0xC0] =	vst v3;
	v0 =	vmul.f32 v8, v0  }
0x72: {  	v3 =	vld [tilespmem:s13+$0xFFFFFF00];
	[tilespmem:s16+$0xD0] =	vst v5  }
0x73: {  	v5 =	vld [tilespmem:s13+$0xFFFFFF10];
	[tilespmem:s16+$0xE0] =	vst v0;
	s16 =	smov.u32 s13  }
0x74: {  	v8 =	vld [tilespmem:s13+$0xFFFFFF20]  }
0x75: {  	v10 =	vld [tilespmem:s13+$0xFFFFFF30]  }
0x76: {  	v0 =	vmov v4;
	v11 =	vld [tilespmem:s13+$0xFFFFFF40];
	v7 =	vmul.f32 v7, v4  }
0x77: {  	v3 =	vmul.f32 v3, v6;
	v4 =	vld [tilespmem:s13+$0xFFFFFF50]  }
0x78: {  	v5 =	vmul.f32 v5, v6;
	v12 =	vld [tilespmem:s13+$0xFFFFFF60];
	[tilespmem:s13+$0xF0] =	vst v7  }
0x79: {  	[tilespmem:s13+$0xFFFFFF00] =	vst v3;
	v3 =	vmul.f32 v8, v6;
	v7 =	vld [tilespmem:s13+$0xFFFFFF70]  }
0x7a: {  	[tilespmem:s13+$0xFFFFFF10] =	vst v5;
	v5 =	vmul.f32 v10, v6;
	v8 =	vld [tilespmem:s13+$0xFFFFFF80]  }
0x7b: {  	[tilespmem:s13+$0xFFFFFF20] =	vst v3;
	v3 =	vmul.f32 v11, v6;
	v10 =	vld [tilespmem:s13+$0xFFFFFF90]  }
0x7c: {  	[tilespmem:s13+$0xFFFFFF30] =	vst v5;
	v4 =	vmul.f32 v4, v6;
	v5 =	vld [tilespmem:s13+$0xFFFFFFA0]  }
0x7d: {  	[tilespmem:s13+$0xFFFFFF40] =	vst v3;
	v3 =	vmul.f32 v12, v6;
	v11 =	vld [tilespmem:s13+$0xFFFFFFB0]  }
0x7e: {  	[tilespmem:s13+$0xFFFFFF50] =	vst v4;
	v4 =	vmul.f32 v7, v6;
	v6 =	vld [tilespmem:s13+$0xFFFFFFC0]  }
0x7f: {  	[tilespmem:s13+$0xFFFFFF60] =	vst v3;
	v3 =	vmul.f32 v8, v9;
	v7 =	vld [tilespmem:s13+$0xFFFFFFD0]  }
0x80: {  	[tilespmem:s13+$0xFFFFFF70] =	vst v4;
	v4 =	vmul.f32 v10, v9;
	v8 =	vld [tilespmem:s13+$0xFFFFFFE0]  }
0x81: {  	[tilespmem:s13+$0xFFFFFF80] =	vst v3;
	v3 =	vmul.f32 v5, v9;
	v5 =	vld [tilespmem:s13+$0xFFFFFFF0]  }
0x82: {  	[tilespmem:s13+$0xFFFFFF90] =	vst v4;
	v4 =	vmul.f32 v11, v9;
	v10 =	vld [tilespmem:s13+$0x0]  }
0x83: {  	[tilespmem:s13+$0xFFFFFFA0] =	vst v3;
	v3 =	vmul.f32 v6, v9;
	v6 =	vld [tilespmem:s13+$0x10]  }
0x84: {  	[tilespmem:s13+$0xFFFFFFB0] =	vst v4;
	v4 =	vmul.f32 v7, v9;
	v7 =	vld [tilespmem:s13+$0x20]  }
0x85: {  	[tilespmem:s13+$0xFFFFFFC0] =	vst v3;
	v8 =	vmul.f32 v8, v9;
	v13 =	vld [tilespmem:s13+$0x30]  }
.Ltmp4:
0x86: {  	s19 =	sadd.s32 $0x1, s18;
	v11 =	vmov s18;
	[tilespmem:s13+$0xFFFFFFD0] =	vst v4;
	v5 =	vmul.f32 v5, v9;
	v3 =	vld [tilespmem:s13+$0x40];
	(pc) =	sbr.rel @p0 .LBB2_4-.Ltmp4, $4  }
0x87: {  	v9 =	vand.u32 $0x7C, v11;
	v11 =	vmov s19;
	s19 =	sadd.s32 $0x2, s18;
	[tilespmem:s13+$0xFFFFFFE0] =	vst v8;
	v8 =	vmul.f32 v10, v2;
	v4 =	vld [tilespmem:s13+$0x50]  }
0x88: {  	v10 =	vor.u32 v1, v9;
	v9 =	vmov s19;
	[tilespmem:s13+$0xFFFFFFF0] =	vst v5;
	v14 =	vmul.f32 v6, v2;
	v5 =	vld [tilespmem:s13+$0x60]  }
0x89: {  	v12 =	vand.u32 $0x7D, v11;
	v11 =	vand.u32 $0x7E, v9;
	[tilespmem:s13+$0x0] =	vst v8;
	v9 =	vmul.f32 v7, v2;
	v7 =	vld [tilespmem:s13+$0x70]  }
0x8a: {  	s19 =	sadd.s32 $0x3, s18;
	s18 =	sadd.s32 $0x4, s18;
	v6 =	vbroadcast v10, $0x0;
	v12 =	vor.u32 v1, v12;
	[tilespmem:s13+$0x10] =	vst v14;
	v10 =	vmul.f32 v13, v2;
	v8 =	vld [tilespmem:s13+$0x80]  }
0x8b: {  	v14 =	vld [tilespmem:s13+$0x90]  }
0x8c: {  	v15 =	vld [tilespmem:s13+$0xA0]  }
0x8d: {  	v13 =	vmov s19;
	v11 =	vor.u32 v1, v11;
	v16 =	vld [tilespmem:s13+$0xC0]  }
0x8e: {  	v12 =	vbroadcast v12, $0x0;
	[tilespmem:s13+$0x20] =	vst v9;
	v3 =	vmul.f32 v3, v2;
	v9 =	vld [tilespmem:s13+$0xD0];
	v13 =	vand.u32 $0x7F, v13  }
0x8f: {  	v11 =	vbroadcast v11, $0x0;
	[tilespmem:s13+$0x30] =	vst v10;
	v4 =	vmul.f32 v4, v2;
	v10 =	vld [tilespmem:s13+$0xE0];
	v1 =	vor.u32 v1, v13  }
0x90: {  	v13 =	vld [tilespmem:s13+$0xB0];
	[tilespmem:s13+$0x40] =	vst v3;
	v3 =	vmul.f32 v5, v2;
	v1 =	vbroadcast v1, $0x0  }
0x91: {  	s18 =	sadd.s32 $0x200, s13;
	v5 =	vld.idx.msk [tilespmem:v6+s25+$0x0], $0xffff;
	[tilespmem:s13+$0x50] =	vst v4;
	v2 =	vmul.f32 v7, v2  }
0x92: {  	v7 =	vld [tilespmem:s18+$0xF0];
	[tilespmem:s13+$0x60] =	vst v3;
	v3 =	vmul.f32 v8, v0  }
0x93: {  	v8 =	vld [tilespmem:s18+$0xFFFFFF00];
	[tilespmem:s13+$0x70] =	vst v2;
	v2 =	vmul.f32 v14, v0  }
0x94: {  	v4 =	vld.idx.msk [tilespmem:v12+s25+$0x0], $0xffff;
	[tilespmem:s13+$0x80] =	vst v3;
	v3 =	vmul.f32 v15, v0  }
0x95: {  	v6 =	vld.idx.msk [tilespmem:v11+s25+$0x0], $0xffff;
	[tilespmem:s13+$0x90] =	vst v2;
	v2 =	vmul.f32 v13, v0  }
0x96: {  	[tilespmem:s13+$0xA0] =	vst v3;
	v3 =	vmul.f32 v16, v0;
	v1 =	vld.idx.msk [tilespmem:v1+s25+$0x0], $0xffff  }
0x97: {  	v11 =	vld [tilespmem:s18+$0xFFFFFF10];
	[tilespmem:s16+$0xB0] =	vst v2;
	v2 =	vmul.f32 v9, v0  }
0x98: {  	v9 =	vld [tilespmem:s18+$0xFFFFFF20];
	v0 =	vmul.f32 v10, v0;
	[tilespmem:s16+$0xC0] =	vst v3  }
0x99: {  	v3 =	vld [tilespmem:s18+$0xFFFFFF30];
	[tilespmem:s16+$0xD0] =	vst v2  }
0x9a: {  	v2 =	vld [tilespmem:s18+$0xFFFFFF40];
	[tilespmem:s16+$0xE0] =	vst v0;
	v0 =	vmul.f32 v8, v5  }
0x9b: {  	v8 =	vld [tilespmem:s18+$0xFFFFFF50];
	v7 =	vmul.f32 v7, v1  }
0x9c: {  	v10 =	vmul.f32 v11, v5;
	v11 =	vld [tilespmem:s18+$0xFFFFFF60];
	[tilespmem:s18+$0xFFFFFF00] =	vst v0  }
0x9d: {  	v0 =	vmul.f32 v9, v5;
	[tilespmem:s18+$0xF0] =	vst v7;
	v7 =	vld [tilespmem:s18+$0xFFFFFF70]  }
0x9e: {  	[tilespmem:s18+$0xFFFFFF10] =	vst v10;
	v9 =	vld [tilespmem:s18+$0xFFFFFF80];
	v3 =	vmul.f32 v3, v5  }
0x9f: {  	[tilespmem:s18+$0xFFFFFF20] =	vst v0;
	v0 =	vmul.f32 v2, v5;
	v2 =	vld [tilespmem:s18+$0xFFFFFF90]  }
0xa0: {  	[tilespmem:s18+$0xFFFFFF30] =	vst v3;
	v3 =	vmul.f32 v8, v5;
	v8 =	vld [tilespmem:s18+$0xFFFFFFA0]  }
0xa1: {  	v10 =	vld [tilespmem:s18+$0xFFFFFFB0];
	[tilespmem:s18+$0xFFFFFF40] =	vst v0;
	v0 =	vmul.f32 v11, v5  }
0xa2: {  	[tilespmem:s18+$0xFFFFFF50] =	vst v3;
	v3 =	vmul.f32 v7, v5;
	v5 =	vld [tilespmem:s18+$0xFFFFFFC0]  }
0xa3: {  	[tilespmem:s18+$0xFFFFFF60] =	vst v0;
	v0 =	vmul.f32 v9, v4;
	v7 =	vld [tilespmem:s18+$0xFFFFFFD0]  }
0xa4: {  	v2 =	vmul.f32 v2, v4;
	[tilespmem:s18+$0xFFFFFF70] =	vst v3;
	v3 =	vld [tilespmem:s18+$0xFFFFFFE0]  }
0xa5: {  	[tilespmem:s18+$0xFFFFFF80] =	vst v0;
	v0 =	vmul.f32 v8, v4;
	v8 =	vld [tilespmem:s18+$0xFFFFFFF0]  }
0xa6: {  	v9 =	vld [tilespmem:s18+$0x0];
	[tilespmem:s18+$0xFFFFFF90] =	vst v2;
	v2 =	vmul.f32 v10, v4  }
0xa7: {  	[tilespmem:s18+$0xFFFFFFA0] =	vst v0;
	v0 =	vmul.f32 v5, v4;
	v5 =	vld [tilespmem:s18+$0x10]  }
0xa8: {  	[tilespmem:s18+$0xFFFFFFB0] =	vst v2;
	v2 =	vmul.f32 v7, v4;
	v7 =	vld [tilespmem:s18+$0x20]  }
0xa9: {  	[tilespmem:s18+$0xFFFFFFC0] =	vst v0;
	v0 =	vmul.f32 v3, v4;
	v3 =	vld [tilespmem:s18+$0x30]  }
0xaa: {  	[tilespmem:s18+$0xFFFFFFD0] =	vst v2;
	v2 =	vmul.f32 v8, v4;
	v4 =	vld [tilespmem:s18+$0x40]  }
0xab: {  	v8 =	vld [tilespmem:s18+$0x50];
	[tilespmem:s18+$0xFFFFFFE0] =	vst v0;
	v0 =	vmul.f32 v9, v6  }
0xac: {  	[tilespmem:s18+$0xFFFFFFF0] =	vst v2;
	v2 =	vmul.f32 v5, v6;
	v5 =	vld [tilespmem:s18+$0x60]  }
0xad: {  	[tilespmem:s18+$0x0] =	vst v0;
	v0 =	vmul.f32 v7, v6;
	v7 =	vld [tilespmem:s18+$0x70]  }
0xae: {  	[tilespmem:s18+$0x10] =	vst v2;
	v2 =	vmul.f32 v3, v6;
	v3 =	vld [tilespmem:s18+$0x80]  }
0xaf: {  	[tilespmem:s18+$0x20] =	vst v0;
	v0 =	vmul.f32 v4, v6;
	v4 =	vld [tilespmem:s18+$0x90]  }
0xb0: {  	[tilespmem:s18+$0x30] =	vst v2;
	v2 =	vmul.f32 v8, v6;
	v8 =	vld [tilespmem:s18+$0xA0]  }
0xb1: {  	[tilespmem:s18+$0x40] =	vst v0;
	v0 =	vmul.f32 v5, v6;
	v5 =	vld [tilespmem:s18+$0xB0]  }
0xb2: {  	[tilespmem:s18+$0x50] =	vst v2;
	v2 =	vmul.f32 v7, v6;
	v6 =	vld [tilespmem:s18+$0xC0]  }
0xb3: {  	[tilespmem:s18+$0x60] =	vst v0;
	v0 =	vmul.f32 v3, v1;
	v3 =	vld [tilespmem:s18+$0xD0]  }
0xb4: {  	[tilespmem:s18+$0x70] =	vst v2;
	v2 =	vmul.f32 v4, v1;
	v4 =	vld [tilespmem:s18+$0xE0]  }
0xb5: {  	[tilespmem:s18+$0x80] =	vst v0;
	v0 =	vmul.f32 v8, v1  }
0xb6: {  	[tilespmem:s18+$0x90] =	vst v2;
	v2 =	vmul.f32 v5, v1  }
0xb7: {  	[tilespmem:s18+$0xA0] =	vst v0;
	v0 =	vmul.f32 v6, v1  }
0xb8: {  	[tilespmem:s18+$0xB0] =	vst v2;
	v2 =	vmul.f32 v3, v1  }
0xb9: {  	s16 =	sshll.u32 s12, $0xA;
	[tilespmem:s18+$0xC0] =	vst v0;
	v0 =	vmul.f32 v4, v1  }
0xba: {  	s15 =	sor.u32 $0x1, s15;
	s21 =	simm.s32 $0x0;
	s13 =	sshrl.u32 s16, $0x2;
	[tilespmem:s18+$0xD0] =	vst v2  }
0xbb: {  	p0 =	seq.s32 s12, $0x18;
	s15 =	sshll.u32 s15, $0x7;
	s19 =	sadd.s32 $0x1C00, s13;
	v1 =	vmov s21;
	[tilespmem:s18+$0xE0] =	vst v0  }
0xbc: {  	v1 =	vand.u32 $0x7C, v1;
	v0 =	vmov s15;
	[spmem:s1] =	stream.indirect.scatter.add.f32 [tilespmem:s28], [sflag:$0x3], $0x80, s19, s26, $0xb8;
	[tilespmem:$0x1DC80] =	vst v63  }
0xbd: {  	s16 =	sshrl.u32 @!p0 s16, $0x2;
	v1 =	vor.u32 v0, v1;
	_ =	swait.ge [sflag:s23], $0x2800  }
0xbe: {  	s16 =	sadd.s32 @!p0 $0x100, s16;
	s19 =	simm.s32 $0x3;
	v1 =	vbroadcast v1, $0x0;
	[sflag:s23] =	ssyncset.done $0x0  }
0xbf: {  	s18 =	simm.s32 @!p0 $0x50;
	v2 =	vmov s19;
	s19 =	simm.s32 @!p0 $0x5400;
	[sflag:s23] =	ssyncadd.s32 $0xFFFFD800  }
0xc0: {  	v2 =	vand.u32 $0x7F, v2;
	[tilespmem:s19], [sflag:$0x1] =	stream.indirect.gather @!p0 [hbm4b:s11+s18], $0x80, s16, s18, $0xb8;
	[tilespmem:$0x1DC80] =	vst v63  }
0xc1: {  	v2 =	vor.u32 v0, v2;
	_ =	swait.ge [sflag:s0], $0x2800  }
0xc2: {  	v2 =	vbroadcast v2, $0x0;
	[sflag:s0] =	ssyncset.done $0x0  }
0xc3: {  	[sflag:s0] =	ssyncadd.s32 $0xFFFFD800  }
0xc4: {  	s16 =	simm.s32 $0x7D00;
	v3 =	vld.idx.msk [tilespmem:v1+s25+$0x0], $0xffff  }
0xc5: {  	v5 =	vld [tilespmem:s16+$0xFFFFFF00]  }
0xc6: {  	s21 =	simm.s32 $0x1;
	v6 =	vld [tilespmem:s16+$0xFFFFFF10]  }
0xc7: {  	v4 =	vmov s21;
	v7 =	vld [tilespmem:s16+$0xFFFFFF20]  }
0xc8: {  	v1 =	vld.idx.msk [tilespmem:v2+s25+$0x0], $0xffff;
	v2 =	vand.u32 $0x7D, v4  }
0xc9: {  	v8 =	vld [tilespmem:s16+$0xFFFFFF30];
	v2 =	vor.u32 v0, v2  }
0xca: {  	v4 =	vld [tilespmem:s16+$0xF0];
	v2 =	vbroadcast v2, $0x0  }
0xcb: {  	v9 =	vld [tilespmem:s16+$0xFFFFFF40]  }
0xcc: {  	v10 =	vld [tilespmem:s16+$0xFFFFFF50];
	v5 =	vmul.f32 v5, v3  }
0xcd: {  	v11 =	vld [tilespmem:s16+$0xFFFFFF60];
	v6 =	vmul.f32 v6, v3  }
0xce: {  	[tilespmem:s16+$0xFFFFFF00] =	vst v5;
	v5 =	vld [tilespmem:s16+$0xFFFFFF70]  }
0xcf: {  	s19 =	simm.s32 $0x2;
	v4 =	vmul.f32 v4, v1;
	[tilespmem:s16+$0xFFFFFF10] =	vst v6;
	v6 =	vmul.f32 v8, v3;
	v8 =	vld [tilespmem:s16+$0xFFFFFFA0]  }
0xd0: {  	v12 =	vmov s19;
	v13 =	vld.idx.msk [tilespmem:v2+s25+$0x0], $0xffff  }
0xd1: {  	[tilespmem:s16+$0xF0] =	vst v4;
	v4 =	vmul.f32 v7, v3;
	v2 =	vand.u32 $0x7E, v12;
	v12 =	vld [tilespmem:s16+$0xFFFFFF80]  }
0xd2: {  	v7 =	vld [tilespmem:s16+$0xFFFFFF90];
	[tilespmem:s16+$0xFFFFFF30] =	vst v6;
	v6 =	vmul.f32 v10, v3;
	v2 =	vor.u32 v0, v2  }
0xd3: {  	v11 =	vmul.f32 v11, v3;
	v10 =	vld [tilespmem:s16+$0xFFFFFFC0];
	[tilespmem:s16+$0xFFFFFF20] =	vst v4;
	v2 =	vbroadcast v2, $0x0  }
0xd4: {  	v4 =	vmul.f32 v9, v3;
	[tilespmem:s16+$0xFFFFFF50] =	vst v6;
	v6 =	vld [tilespmem:s16+$0xFFFFFFE0]  }
0xd5: {  	[tilespmem:s16+$0xFFFFFF60] =	vst v11;
	v9 =	vld [tilespmem:s16+$0xFFFFFFB0];
	v3 =	vmul.f32 v5, v3  }
0xd6: {  	v5 =	vld [tilespmem:s16+$0xFFFFFFF0];
	[tilespmem:s16+$0xFFFFFF40] =	vst v4;
	v4 =	vmul.f32 v12, v13  }
0xd7: {  	[tilespmem:s16+$0xFFFFFF70] =	vst v3;
	v12 =	vld [tilespmem:s16+$0xFFFFFFD0];
	v3 =	vmul.f32 v8, v13  }
0xd8: {  	[tilespmem:s16+$0xFFFFFF80] =	vst v4;
	v4 =	vmul.f32 v7, v13;
	v7 =	vld [tilespmem:s16+$0x0]  }
0xd9: {  	v6 =	vmul.f32 v6, v13;
	[tilespmem:s16+$0xFFFFFFA0] =	vst v3;
	v2 =	vld.idx.msk [tilespmem:v2+s25+$0x0], $0xffff  }
0xda: {  	v8 =	vld [tilespmem:s16+$0x10];
	[tilespmem:s16+$0xFFFFFF90] =	vst v4;
	v4 =	vmul.f32 v9, v13  }
0xdb: {  	s21 =	simm.s32 $0x4;
	v3 =	vmul.f32 v10, v13;
	[tilespmem:s16+$0xFFFFFFE0] =	vst v6;
	v9 =	vld [tilespmem:s16+$0x20]  }
0xdc: {  	v11 =	vmov s21;
	v10 =	vld [tilespmem:s16+$0x30];
	[tilespmem:s16+$0xFFFFFFB0] =	vst v4;
	v4 =	vmul.f32 v12, v13  }
0xdd: {  	v11 =	vand.u32 $0x7C, v11;
	[tilespmem:s16+$0xFFFFFFC0] =	vst v3;
	v3 =	vld [tilespmem:s16+$0x40];
	v12 =	vmul.f32 v5, v13  }
0xde: {  	s19 =	simm.s32 $0x5;
	s21 =	simm.s32 $0x6;
	v6 =	vor.u32 v0, v11;
	[tilespmem:s16+$0xFFFFFFD0] =	vst v4;
	v7 =	vmul.f32 v7, v2;
	v4 =	vld [tilespmem:s16+$0x50]  }
0xdf: {  	v11 =	vmov s21;
	v13 =	vmov s19;
	v5 =	vld [tilespmem:s16+$0x60];
	v8 =	vmul.f32 v8, v2;
	[tilespmem:s16+$0xFFFFFFF0] =	vst v12  }
0xe0: {  	v11 =	vand.u32 $0x7E, v11;
	v12 =	vand.u32 $0x7D, v13;
	v9 =	vmul.f32 v9, v2;
	[tilespmem:s16+$0x0] =	vst v7;
	v7 =	vld [tilespmem:s16+$0x70]  }
0xe1: {  	s18 =	simm.s32 $0x7D00;
	s21 =	simm.s32 $0x7;
	v6 =	vbroadcast v6, $0x0;
	s19 =	simm.s32 $0x8;
	v10 =	vmul.f32 v10, v2;
	v12 =	vor.u32 v0, v12;
	[tilespmem:s16+$0x10] =	vst v8;
	v8 =	vld [tilespmem:s16+$0x80]  }
.LBB2_6:
0xe2: {  	p1 =	slt.u32 s19, $0x4C;
	v11 =	vor.u32 v0, v11;
	v13 =	vmov s21;
	[tilespmem:s16+$0x20] =	vst v9;
	v3 =	vmul.f32 v3, v2;
	v9 =	vld [tilespmem:s16+$0x90]  }
0xe3: {  	v12 =	vbroadcast v12, $0x0;
	v13 =	vand.u32 $0x7F, v13;
	[tilespmem:s16+$0x30] =	vst v10;
	v4 =	vmul.f32 v4, v2;
	v10 =	vld [tilespmem:s16+$0xA0]  }
0xe4: {  	v11 =	vbroadcast v11, $0x0;
	v13 =	vor.u32 v0, v13;
	[tilespmem:s16+$0x40] =	vst v3;
	v3 =	vmul.f32 v5, v2;
	v5 =	vld [tilespmem:s16+$0xB0]  }
0xe5: {  	v13 =	vbroadcast v13, $0x0;
	[tilespmem:s16+$0x50] =	vst v4;
	v2 =	vmul.f32 v7, v2;
	v4 =	vld [tilespmem:s16+$0xC0]  }
0xe6: {  	[tilespmem:s16+$0x60] =	vst v3;
	v3 =	vmul.f32 v8, v1;
	v7 =	vld [tilespmem:s16+$0xD0]  }
0xe7: {  	[tilespmem:s16+$0x70] =	vst v2;
	v2 =	vmul.f32 v9, v1;
	v8 =	vld [tilespmem:s16+$0xE0]  }
0xe8: {  	v6 =	vld.idx.msk [tilespmem:v6+s25+$0x0], $0xffff;
	[tilespmem:s16+$0x80] =	vst v3;
	v3 =	vmul.f32 v10, v1  }
0xe9: {  	v9 =	vld.idx.msk [tilespmem:v12+s25+$0x0], $0xffff;
	[tilespmem:s16+$0x90] =	vst v2;
	v5 =	vmul.f32 v5, v1  }
0xea: {  	v2 =	vld.idx.msk [tilespmem:v11+s25+$0x0], $0xffff;
	[tilespmem:s16+$0xA0] =	vst v3;
	v3 =	vmul.f32 v4, v1  }
0xeb: {  	s16 =	sadd.s32 $0x200, s16;
	v4 =	vld.idx.msk [tilespmem:v13+s25+$0x0], $0xffff;
	[tilespmem:s18+$0xB0] =	vst v5;
	v5 =	vmul.f32 v7, v1  }
0xec: {  	v7 =	vld [tilespmem:s16+$0xF0];
	[tilespmem:s18+$0xC0] =	vst v3;
	v1 =	vmul.f32 v8, v1  }
0xed: {  	v3 =	vld [tilespmem:s16+$0xFFFFFF00];
	[tilespmem:s18+$0xD0] =	vst v5  }
0xee: {  	v5 =	vld [tilespmem:s16+$0xFFFFFF10];
	[tilespmem:s18+$0xE0] =	vst v1;
	s18 =	smov.u32 s16  }
0xef: {  	v8 =	vld [tilespmem:s16+$0xFFFFFF20]  }
0xf0: {  	v10 =	vld [tilespmem:s16+$0xFFFFFF30]  }
0xf1: {  	v1 =	vmov v4;
	v11 =	vld [tilespmem:s16+$0xFFFFFF40];
	v7 =	vmul.f32 v7, v4  }
0xf2: {  	v3 =	vmul.f32 v3, v6;
	v4 =	vld [tilespmem:s16+$0xFFFFFF50]  }
0xf3: {  	v5 =	vmul.f32 v5, v6;
	v12 =	vld [tilespmem:s16+$0xFFFFFF60];
	[tilespmem:s16+$0xF0] =	vst v7  }
0xf4: {  	[tilespmem:s16+$0xFFFFFF00] =	vst v3;
	v3 =	vmul.f32 v8, v6;
	v7 =	vld [tilespmem:s16+$0xFFFFFF70]  }
0xf5: {  	[tilespmem:s16+$0xFFFFFF10] =	vst v5;
	v5 =	vmul.f32 v10, v6;
	v8 =	vld [tilespmem:s16+$0xFFFFFF80]  }
0xf6: {  	[tilespmem:s16+$0xFFFFFF20] =	vst v3;
	v3 =	vmul.f32 v11, v6;
	v10 =	vld [tilespmem:s16+$0xFFFFFF90]  }
0xf7: {  	[tilespmem:s16+$0xFFFFFF30] =	vst v5;
	v4 =	vmul.f32 v4, v6;
	v5 =	vld [tilespmem:s16+$0xFFFFFFA0]  }
0xf8: {  	[tilespmem:s16+$0xFFFFFF40] =	vst v3;
	v3 =	vmul.f32 v12, v6;
	v11 =	vld [tilespmem:s16+$0xFFFFFFB0]  }
0xf9: {  	[tilespmem:s16+$0xFFFFFF50] =	vst v4;
	v4 =	vmul.f32 v7, v6;
	v6 =	vld [tilespmem:s16+$0xFFFFFFC0]  }
0xfa: {  	[tilespmem:s16+$0xFFFFFF60] =	vst v3;
	v3 =	vmul.f32 v8, v9;
	v7 =	vld [tilespmem:s16+$0xFFFFFFD0]  }
0xfb: {  	[tilespmem:s16+$0xFFFFFF70] =	vst v4;
	v4 =	vmul.f32 v10, v9;
	v8 =	vld [tilespmem:s16+$0xFFFFFFE0]  }
0xfc: {  	[tilespmem:s16+$0xFFFFFF80] =	vst v3;
	v3 =	vmul.f32 v5, v9;
	v5 =	vld [tilespmem:s16+$0xFFFFFFF0]  }
0xfd: {  	[tilespmem:s16+$0xFFFFFF90] =	vst v4;
	v4 =	vmul.f32 v11, v9;
	v10 =	vld [tilespmem:s16+$0x0]  }
0xfe: {  	[tilespmem:s16+$0xFFFFFFA0] =	vst v3;
	v3 =	vmul.f32 v6, v9;
	v6 =	vld [tilespmem:s16+$0x10]  }
0xff: {  	[tilespmem:s16+$0xFFFFFFB0] =	vst v4;
	v4 =	vmul.f32 v7, v9;
	v7 =	vld [tilespmem:s16+$0x20]  }
0x100: {  	[tilespmem:s16+$0xFFFFFFC0] =	vst v3;
	v8 =	vmul.f32 v8, v9;
	v13 =	vld [tilespmem:s16+$0x30]  }
.Ltmp5:
0x101: {  	s21 =	sadd.s32 $0x1, s19;
	v11 =	vmov s19;
	[tilespmem:s16+$0xFFFFFFD0] =	vst v4;
	v5 =	vmul.f32 v5, v9;
	v3 =	vld [tilespmem:s16+$0x40];
	(pc) =	sbr.rel @p1 .LBB2_6-.Ltmp5, $4  }
0x102: {  	v9 =	vand.u32 $0x7C, v11;
	v11 =	vmov s21;
	s21 =	sadd.s32 $0x2, s19;
	[tilespmem:s16+$0xFFFFFFE0] =	vst v8;
	v8 =	vmul.f32 v10, v2;
	v4 =	vld [tilespmem:s16+$0x50]  }
0x103: {  	v10 =	vor.u32 v0, v9;
	v9 =	vmov s21;
	[tilespmem:s16+$0xFFFFFFF0] =	vst v5;
	v14 =	vmul.f32 v6, v2;
	v5 =	vld [tilespmem:s16+$0x60]  }
0x104: {  	v12 =	vand.u32 $0x7D, v11;
	v11 =	vand.u32 $0x7E, v9;
	[tilespmem:s16+$0x0] =	vst v8;
	v9 =	vmul.f32 v7, v2;
	v7 =	vld [tilespmem:s16+$0x70]  }
0x105: {  	s21 =	sadd.s32 $0x3, s19;
	s19 =	sadd.s32 $0x4, s19;
	v6 =	vbroadcast v10, $0x0;
	v12 =	vor.u32 v0, v12;
	[tilespmem:s16+$0x10] =	vst v14;
	v10 =	vmul.f32 v13, v2;
	v8 =	vld [tilespmem:s16+$0x80]  }
0x106: {  	v14 =	vld [tilespmem:s16+$0x90]  }
0x107: {  	v15 =	vld [tilespmem:s16+$0xA0]  }
0x108: {  	v42 =	vld [tilespmem:s16+$0xB0]  }
0x109: {  	v16 =	vld [tilespmem:s16+$0xC0]  }
0x10a: {  	[tilespmem:s16+$0x20] =	vst v9;
	v3 =	vmul.f32 v3, v2;
	v43 =	vld [tilespmem:s16+$0xD0]  }
0x10b: {  	v44 =	vld [tilespmem:s16+$0xE0];
	[tilespmem:s16+$0x30] =	vst v10;
	v4 =	vmul.f32 v4, v2  }
0x10c: {  	s19 =	sadd.s32 $0x200, s16;
	v46 =	vld.idx.msk [tilespmem:v6+s25+$0x0], $0xffff;
	[tilespmem:s16+$0x40] =	vst v3;
	v45 =	vmul.f32 v5, v2  }
0x10d: {  	v52 =	vld [tilespmem:s19+$0xF0];
	[tilespmem:s16+$0x50] =	vst v4;
	v47 =	vmul.f32 v7, v2  }
0x10e: {  	v54 =	vld [tilespmem:s19+$0xFFFFFF00];
	[tilespmem:s16+$0x60] =	vst v45;
	v49 =	vmul.f32 v8, v1  }
0x10f: {  	v56 =	vld [tilespmem:s19+$0xFFFFFF10];
	[tilespmem:s16+$0x70] =	vst v47;
	v50 =	vmul.f32 v14, v1  }
0x110: {  	v12 =	vbroadcast v12, $0x0;
	v58 =	vld [tilespmem:s19+$0xFFFFFF20];
	v51 =	vmul.f32 v15, v1;
	[tilespmem:s16+$0x80] =	vst v49  }
0x111: {  	v60 =	vld [tilespmem:s19+$0xFFFFFF30];
	v53 =	vmul.f32 v42, v1;
	[tilespmem:s16+$0x90] =	vst v50  }
0x112: {  	v61 =	vld [tilespmem:s19+$0xFFFFFF40];
	v55 =	vmul.f32 v16, v1;
	[tilespmem:s16+$0xA0] =	vst v51  }
0x113: {  	v13 =	vmov s21;
	v63 =	vld [tilespmem:s19+$0xFFFFFF50];
	v57 =	vmul.f32 v43, v1;
	[tilespmem:s18+$0xB0] =	vst v53  }
0x114: {  	v13 =	vand.u32 $0x7F, v13;
	v18 =	vld [tilespmem:s19+$0xFFFFFF90];
	v59 =	vmul.f32 v44, v1;
	[tilespmem:s18+$0xC0] =	vst v55  }
0x115: {  	v41 =	vor.u32 v0, v13;
	v13 =	vld [tilespmem:s19+$0xFFFFFF60];
	v62 =	vmul.f32 v54, v46;
	[tilespmem:s18+$0xD0] =	vst v57  }
0x116: {  	v48 =	vld.idx.msk [tilespmem:v12+s25+$0x0], $0xffff;
	v12 =	vmul.f32 v56, v46;
	[tilespmem:s18+$0xE0] =	vst v59  }
0x117: {  	v15 =	vld [tilespmem:s19+$0xFFFFFF70];
	v14 =	vmul.f32 v58, v46;
	[tilespmem:s19+$0xFFFFFF00] =	vst v62  }
0x118: {  	v16 =	vld [tilespmem:s19+$0xFFFFFF80];
	v3 =	vmul.f32 v60, v46;
	[tilespmem:s19+$0xFFFFFF10] =	vst v12  }
0x119: {  	v11 =	vor.u32 v0, v11;
	v20 =	vld [tilespmem:s19+$0xFFFFFFA0];
	v17 =	vmul.f32 v61, v46;
	[tilespmem:s19+$0xFFFFFF20] =	vst v14  }
0x11a: {  	v11 =	vbroadcast v11, $0x0;
	v22 =	vld [tilespmem:s19+$0xFFFFFFB0];
	v19 =	vmul.f32 v63, v46;
	[tilespmem:s19+$0xFFFFFF30] =	vst v3  }
0x11b: {  	v24 =	vld [tilespmem:s19+$0xFFFFFFC0];
	v21 =	vmul.f32 v13, v46;
	[tilespmem:s19+$0xFFFFFF40] =	vst v17  }
0x11c: {  	v26 =	vld [tilespmem:s19+$0xFFFFFFD0];
	[tilespmem:s19+$0xFFFFFF50] =	vst v19;
	v23 =	vmul.f32 v15, v46  }
0x11d: {  	v27 =	vld [tilespmem:s19+$0xFFFFFFE0];
	[tilespmem:s19+$0xFFFFFF60] =	vst v21;
	v25 =	vmul.f32 v16, v48  }
0x11e: {  	v29 =	vld [tilespmem:s19+$0xFFFFFFF0];
	v2 =	vmul.f32 v18, v48;
	[tilespmem:s19+$0xFFFFFF70] =	vst v23  }
0x11f: {  	v31 =	vld [tilespmem:s19+$0x0];
	v28 =	vmul.f32 v20, v48;
	[tilespmem:s19+$0xFFFFFF80] =	vst v25  }
0x120: {  	v6 =	vld.idx.msk [tilespmem:v11+s25+$0x0], $0xffff;
	v30 =	vmul.f32 v22, v48;
	[tilespmem:s19+$0xFFFFFF90] =	vst v2  }
0x121: {  	v33 =	vld [tilespmem:s19+$0x10];
	v0 =	vbroadcast v41, $0x0;
	v32 =	vmul.f32 v24, v48;
	[tilespmem:s19+$0xFFFFFFA0] =	vst v28  }
0x122: {  	v35 =	vld [tilespmem:s19+$0x20];
	v34 =	vmul.f32 v26, v48;
	[tilespmem:s19+$0xFFFFFFB0] =	vst v30  }
0x123: {  	v37 =	vld [tilespmem:s19+$0x30];
	v36 =	vmul.f32 v27, v48;
	[tilespmem:s19+$0xFFFFFFC0] =	vst v32  }
0x124: {  	v39 =	vld [tilespmem:s19+$0x40];
	v38 =	vmul.f32 v29, v48;
	[tilespmem:s19+$0xFFFFFFD0] =	vst v34  }
0x125: {  	v41 =	vld [tilespmem:s19+$0x50];
	v40 =	vmul.f32 v31, v6;
	[tilespmem:s19+$0xFFFFFFE0] =	vst v36  }
0x126: {  	v45 =	vld [tilespmem:s19+$0x70];
	v42 =	vmul.f32 v33, v6;
	[tilespmem:s19+$0xFFFFFFF0] =	vst v38  }
0x127: {  	v0 =	vld.idx.msk [tilespmem:v0+s25+$0x0], $0xffff;
	v44 =	vmul.f32 v35, v6;
	[tilespmem:s19+$0x0] =	vst v40  }
0x128: {  	v43 =	vld [tilespmem:s19+$0x60];
	v46 =	vmul.f32 v37, v6;
	[tilespmem:s19+$0x10] =	vst v42  }
0x129: {  	v47 =	vld [tilespmem:s19+$0x80];
	v48 =	vmul.f32 v39, v6;
	[tilespmem:s19+$0x20] =	vst v44  }
0x12a: {  	v49 =	vld [tilespmem:s19+$0x90];
	v50 =	vmul.f32 v41, v6;
	[tilespmem:s19+$0x30] =	vst v46  }
0x12b: {  	v51 =	vld [tilespmem:s19+$0xA0];
	v54 =	vmul.f32 v45, v6;
	[tilespmem:s19+$0x40] =	vst v48  }
0x12c: {  	v53 =	vld [tilespmem:s19+$0xB0];
	v7 =	vmul.f32 v52, v0;
	[tilespmem:s19+$0x50] =	vst v50  }
0x12d: {  	v55 =	vld [tilespmem:s19+$0xC0];
	v52 =	vmul.f32 v43, v6;
	[tilespmem:s19+$0x70] =	vst v54  }
0x12e: {  	v57 =	vld [tilespmem:s19+$0xD0];
	v56 =	vmul.f32 v47, v0;
	[tilespmem:s19+$0xF0] =	vst v7  }
0x12f: {  	v59 =	vld [tilespmem:s19+$0xE0];
	v58 =	vmul.f32 v49, v0;
	[tilespmem:s19+$0x60] =	vst v52  }
0x130: {  	v60 =	vmul.f32 v51, v0;
	[tilespmem:s19+$0x80] =	vst v56  }
0x131: {  	v61 =	vmul.f32 v53, v0;
	[tilespmem:s19+$0x90] =	vst v58  }
0x132: {  	v62 =	vmul.f32 v55, v0;
	[tilespmem:s19+$0xA0] =	vst v60  }
0x133: {  	v63 =	vmul.f32 v57, v0;
	[tilespmem:s19+$0xB0] =	vst v61  }
0x134: {  	v0 =	vmul.f32 v59, v0;
	[tilespmem:s19+$0xC0] =	vst v62  }
0x135: {  	s15 =	sand.u32 $0x3FFFFF80, s15;
	[tilespmem:s19+$0xD0] =	vst v63  }
.Ltmp6:
0x136: {  	s15 =	sadd.s32 $0x1C00, s15;
	[tilespmem:s19+$0xE0] =	vst v0;
	(pc) =	sbr.rel @p0 .LBB2_9-.Ltmp6, $4  }
0x137: {  	[spmem:s1] =	stream.indirect.scatter.add.f32 [tilespmem:s30], [sflag:$0x3], $0x80, s15, s26, $0xb8;
	[tilespmem:$0x1DC80] =	vst v63  }
0x138: {  	_ =	swait.ge [sflag:s23], $0x2800  }
0x139: {  	[sflag:s23] =	ssyncset.done $0x0  }
0x13a: {  	[sflag:s23] =	ssyncadd.s32 $0xFFFFD800  }
.Ltmp7:
0x13b: {  	(pc) =	sbr.rel .LBB2_3-.Ltmp7, $3  }
0x13c: {  	_ =	sdelay $0x1  }
0x13d: {  	s13 =	sadd.s32 $0x180, s13;
	s12 =	sadd.s32 $0x1, s12  }
0x13e: {  	[tilespmem:s30], [sflag:$0x2] =	stream.indirect.gather [hbm4b:s11+s26], $0x80, s13, s26, $0xb8;
	[tilespmem:$0x1DC80] =	vst v63  }
.LBB2_10:
0x13f: {  	[bflag:$0x0] =	sbarrier.arrive $0xFFFF  }
0x140: {  	s7 =	rddreg [dreg:$0x6]  }
0x141: {  	[hbm:s7], [sflag:s9] =	dma.local [spmem:s3], $0x2710  }
0x142: {  	_ =	swait.ge [sflag:s23], $0x2710  }
0x143: {  	[sflag:s23] =	ssyncset.done $0x0  }
0x144: {  	[sflag:s23] =	ssyncadd.s32 $0xFFFFD8F0  }
0x145: {  	[bflag:$0x0] =	sbarrier.arrive $0xFFFF  }
0x146: {  	s21 =	rddreg [dreg:$0x7]  }
0x147: {  	[spmem:s3], [sflag:s9] =	dma.local [hbm:s21], $0x2710  }
.Ltmp8:
0x148: {  	_ =	swait.ge [sflag:s23], $0x2710;
	(pc) =	sbr.rel .LBB2_11-.Ltmp8, $4  }
0x149: {  	[sflag:s23] =	ssyncset.done $0x0  }
0x14a: {  	[sflag:s23] =	ssyncadd.s32 $0xFFFFD8F0  }
0x14b: {  	[bflag:$0x0] =	sbarrier.arrive $0xFFFF  }
0x14c: {  	s8 =	simm.s32 $0x0;
	s7 =	simm.s32 $0x0  }
.LBB2_18:
0x14d: {  	s8 =	sadd.s32 $0x1, s8  }
0x14e: {  	p0 =	sne.s32 s8, $0x5  }
.Ltmp9:
0x14f: {  	_ = 	snop;
	(pc) =	sbr.rel @!p0 .LBB2_19-.Ltmp9, $1  }
0x150: {  	_ =	sdelay $0x3  }
.LBB2_11:
0x151: {  	s12 =	smul.u32 $0x1C00, s8;
	_ =	sdelay $0x1  }
0x152: {  	s12 =	sadd.s32 s10, s12  }
0x153: {  	s12 =	sshrl.u32 s12, $0x3  }
0x154: {  	s13 =	sadd.s32 s4, s12  }
0x155: {  	[tilespmem:s7], [sflag:$0x3] =	stream.linear.gather [hbm4b:s13+s7], $0x1900, $0x38;
	[tilespmem:$0x1DC80] =	vst v63  }
0x156: {  	_ =	swait.ge [sflag:s23], $0x1900  }
0x157: {  	[sflag:s23] =	ssyncset.done $0x0  }
0x158: {  	s21 =	sadd.s32 s5, s12;
	[sflag:s23] =	ssyncadd.s32 $0xFFFFE700  }
0x159: {  	[tilespmem:s24], [sflag:$0x3] =	stream.linear.gather [hbm4b:s21+s7], $0x1900, $0x38;
	[tilespmem:$0x1DC80] =	vst v63  }
0x15a: {  	_ =	swait.ge [sflag:s23], $0x1900  }
0x15b: {  	[sflag:s23] =	ssyncset.done $0x0  }
0x15c: {  	s12 =	sadd.s32 s6, s12;
	[sflag:s23] =	ssyncadd.s32 $0xFFFFE700  }
0x15d: {  	[tilespmem:s25], [sflag:$0x3] =	stream.linear.gather [hbm4b:s12+s7], $0x1900, $0x38;
	[tilespmem:$0x1DC80] =	vst v63  }
0x15e: {  	_ =	swait.ge [sflag:s23], $0x1900  }
0x15f: {  	[sflag:s23] =	ssyncset.done $0x0  }
0x160: {  	[sflag:s23] =	ssyncadd.s32 $0xFFFFE700  }
0x161: {  	[tilespmem:s28], [sflag:$0x1] =	stream.indirect.gather [hbm4b:s14+s26], $0x80, s7, s26, $0xb8;
	[tilespmem:$0x1DC80] =	vst v63  }
0x162: {  	s12 =	simm.s32 $0x0  }
0x163: {  	[tilespmem:s30], [sflag:$0x2] =	stream.indirect.gather [hbm4b:s14+s26], $0x80, s29, s26, $0xb8;
	[tilespmem:$0x1DC80] =	vst v63  }
.LBB2_12:
0x164: {  	s13 =	simm.s32 $0x0  }
0x165: {  	s15 =	sshll.u32 s12, $0x8;
	s19 =	simm.s32 $0x3;
	v0 =	vmov s13  }
0x166: {  	v1 =	vmov s15;
	v2 =	vmov s19;
	v0 =	vand.u32 $0x7C, v0  }
0x167: {  	v2 =	vand.u32 $0x7F, v2;
	v0 =	vor.u32 v1, v0  }
0x168: {  	v2 =	vor.u32 v1, v2;
	v0 =	vbroadcast v0, $0x0  }
0x169: {  	_ =	swait.ge [sflag:s31], $0x2800;
	v2 =	vbroadcast v2, $0x0  }
0x16a: {  	[sflag:s31] =	ssyncset.done $0x0  }
0x16b: {  	s13 =	simm.s32 $0x5500;
	[sflag:s31] =	ssyncadd.s32 $0xFFFFD800  }
0x16c: {  	v5 =	vld [tilespmem:s13+$0xFFFFFF00]  }
0x16d: {  	s21 =	simm.s32 $0x1;
	v6 =	vld [tilespmem:s13+$0xFFFFFF10]  }
0x16e: {  	v4 =	vmov s21;
	v3 =	vld.idx.msk [tilespmem:v0+s25+$0x0], $0xffff  }
0x16f: {  	v0 =	vld.idx.msk [tilespmem:v2+s25+$0x0], $0xffff;
	v2 =	vand.u32 $0x7D, v4  }
0x170: {  	v7 =	vld [tilespmem:s13+$0xFFFFFF20];
	v2 =	vor.u32 v1, v2  }
0x171: {  	v4 =	vld [tilespmem:s13+$0xF0];
	v2 =	vbroadcast v2, $0x0  }
0x172: {  	v8 =	vld [tilespmem:s13+$0xFFFFFF30]  }
0x173: {  	v9 =	vld [tilespmem:s13+$0xFFFFFF40]  }
0x174: {  	v10 =	vld [tilespmem:s13+$0xFFFFFF50];
	v5 =	vmul.f32 v5, v3  }
0x175: {  	v11 =	vld [tilespmem:s13+$0xFFFFFF60]  }
0x176: {  	s16 =	simm.s32 $0x2;
	v4 =	vmul.f32 v4, v0;
	[tilespmem:s13+$0xFFFFFF00] =	vst v5;
	v5 =	vld [tilespmem:s13+$0xFFFFFF70]  }
0x177: {  	v12 =	vmov s16;
	v6 =	vmul.f32 v6, v3;
	v13 =	vld.idx.msk [tilespmem:v2+s25+$0x0], $0xffff  }
0x178: {  	[tilespmem:s13+$0xF0] =	vst v4;
	v4 =	vmul.f32 v7, v3;
	v2 =	vand.u32 $0x7E, v12;
	v12 =	vld [tilespmem:s13+$0xFFFFFF80]  }
0x179: {  	v7 =	vld [tilespmem:s13+$0xFFFFFF90];
	[tilespmem:s13+$0xFFFFFF10] =	vst v6;
	v6 =	vmul.f32 v8, v3;
	v2 =	vor.u32 v1, v2  }
0x17a: {  	v8 =	vld [tilespmem:s13+$0xFFFFFFA0];
	[tilespmem:s13+$0xFFFFFF20] =	vst v4;
	v4 =	vmul.f32 v9, v3;
	v2 =	vbroadcast v2, $0x0  }
0x17b: {  	v9 =	vld [tilespmem:s13+$0xFFFFFFB0];
	[tilespmem:s13+$0xFFFFFF30] =	vst v6;
	v6 =	vmul.f32 v10, v3  }
0x17c: {  	v11 =	vmul.f32 v11, v3;
	v10 =	vld [tilespmem:s13+$0xFFFFFFC0];
	[tilespmem:s13+$0xFFFFFF40] =	vst v4;
	v3 =	vmul.f32 v5, v3  }
0x17d: {  	[tilespmem:s13+$0xFFFFFF50] =	vst v6;
	v6 =	vld [tilespmem:s13+$0xFFFFFFE0];
	v4 =	vmul.f32 v12, v13  }
0x17e: {  	v12 =	vld [tilespmem:s13+$0xFFFFFFD0];
	[tilespmem:s13+$0xFFFFFF70] =	vst v3  }
0x17f: {  	v3 =	vmul.f32 v8, v13;
	[tilespmem:s13+$0xFFFFFF80] =	vst v4;
	v4 =	vmul.f32 v7, v13;
	v7 =	vld [tilespmem:s13+$0x0]  }
0x180: {  	[tilespmem:s13+$0xFFFFFF60] =	vst v11;
	v2 =	vld.idx.msk [tilespmem:v2+s25+$0x0], $0xffff  }
0x181: {  	v5 =	vld [tilespmem:s13+$0xFFFFFFF0];
	[tilespmem:s13+$0xFFFFFFA0] =	vst v3;
	v3 =	vmul.f32 v10, v13  }
0x182: {  	v8 =	vld [tilespmem:s13+$0x10];
	[tilespmem:s13+$0xFFFFFF90] =	vst v4;
	v4 =	vmul.f32 v9, v13  }
0x183: {  	s18 =	simm.s32 $0x4;
	v6 =	vmul.f32 v6, v13;
	v9 =	vld [tilespmem:s13+$0x20];
	[tilespmem:s13+$0xFFFFFFC0] =	vst v3  }
0x184: {  	v11 =	vmov s18;
	v10 =	vld [tilespmem:s13+$0x30];
	[tilespmem:s13+$0xFFFFFFB0] =	vst v4;
	v4 =	vmul.f32 v12, v13  }
0x185: {  	v11 =	vand.u32 $0x7C, v11;
	v3 =	vld [tilespmem:s13+$0x40];
	[tilespmem:s13+$0xFFFFFFE0] =	vst v6;
	v7 =	vmul.f32 v7, v2  }
0x186: {  	s19 =	simm.s32 $0x5;
	s21 =	simm.s32 $0x6;
	v6 =	vor.u32 v1, v11;
	v12 =	vmul.f32 v5, v13;
	[tilespmem:s13+$0xFFFFFFD0] =	vst v4;
	v4 =	vld [tilespmem:s13+$0x50]  }
0x187: {  	v13 =	vmov s19;
	v5 =	vld [tilespmem:s13+$0x60];
	v8 =	vmul.f32 v8, v2;
	[tilespmem:s13+$0x0] =	vst v7;
	v7 =	vmov s21  }
0x188: {  	s15 =	sshll.u32 s12, $0x1;
	[tilespmem:s13+$0xFFFFFFF0] =	vst v12;
	v12 =	vand.u32 $0x7D, v13;
	v9 =	vmul.f32 v9, v2;
	v11 =	vand.u32 $0x7E, v7;
	v7 =	vld [tilespmem:s13+$0x70]  }
0x189: {  	s16 =	simm.s32 $0x5500;
	s18 =	simm.s32 $0x8;
	v6 =	vbroadcast v6, $0x0;
	s19 =	simm.s32 $0x7;
	v10 =	vmul.f32 v10, v2;
	v12 =	vor.u32 v1, v12;
	[tilespmem:s13+$0x10] =	vst v8;
	v8 =	vld [tilespmem:s13+$0x80]  }
.LBB2_13:
0x18a: {  	p0 =	slt.u32 s18, $0x4C;
	v11 =	vor.u32 v1, v11;
	v13 =	vmov s19;
	[tilespmem:s13+$0x20] =	vst v9;
	v3 =	vmul.f32 v3, v2;
	v9 =	vld [tilespmem:s13+$0x90]  }
0x18b: {  	v12 =	vbroadcast v12, $0x0;
	v13 =	vand.u32 $0x7F, v13;
	[tilespmem:s13+$0x30] =	vst v10;
	v4 =	vmul.f32 v4, v2;
	v10 =	vld [tilespmem:s13+$0xA0]  }
0x18c: {  	v11 =	vbroadcast v11, $0x0;
	v13 =	vor.u32 v1, v13;
	[tilespmem:s13+$0x40] =	vst v3;
	v3 =	vmul.f32 v5, v2;
	v5 =	vld [tilespmem:s13+$0xB0]  }
0x18d: {  	v13 =	vbroadcast v13, $0x0;
	[tilespmem:s13+$0x50] =	vst v4;
	v2 =	vmul.f32 v7, v2;
	v4 =	vld [tilespmem:s13+$0xC0]  }
0x18e: {  	[tilespmem:s13+$0x60] =	vst v3;
	v3 =	vmul.f32 v8, v0;
	v7 =	vld [tilespmem:s13+$0xD0]  }
0x18f: {  	[tilespmem:s13+$0x70] =	vst v2;
	v2 =	vmul.f32 v9, v0;
	v8 =	vld [tilespmem:s13+$0xE0]  }
0x190: {  	v6 =	vld.idx.msk [tilespmem:v6+s25+$0x0], $0xffff;
	[tilespmem:s13+$0x80] =	vst v3;
	v3 =	vmul.f32 v10, v0  }
0x191: {  	v9 =	vld.idx.msk [tilespmem:v12+s25+$0x0], $0xffff;
	[tilespmem:s13+$0x90] =	vst v2;
	v5 =	vmul.f32 v5, v0  }
0x192: {  	v2 =	vld.idx.msk [tilespmem:v11+s25+$0x0], $0xffff;
	[tilespmem:s13+$0xA0] =	vst v3;
	v3 =	vmul.f32 v4, v0  }
0x193: {  	s13 =	sadd.s32 $0x200, s13;
	v4 =	vld.idx.msk [tilespmem:v13+s25+$0x0], $0xffff;
	[tilespmem:s16+$0xB0] =	vst v5;
	v5 =	vmul.f32 v7, v0  }
0x194: {  	v7 =	vld [tilespmem:s13+$0xF0];
	[tilespmem:s16+$0xC0] =	vst v3;
	v0 =	vmul.f32 v8, v0  }
0x195: {  	v3 =	vld [tilespmem:s13+$0xFFFFFF00];
	[tilespmem:s16+$0xD0] =	vst v5  }
0x196: {  	v5 =	vld [tilespmem:s13+$0xFFFFFF10];
	[tilespmem:s16+$0xE0] =	vst v0;
	s16 =	smov.u32 s13  }
0x197: {  	v8 =	vld [tilespmem:s13+$0xFFFFFF20]  }
0x198: {  	v10 =	vld [tilespmem:s13+$0xFFFFFF30]  }
0x199: {  	v0 =	vmov v4;
	v11 =	vld [tilespmem:s13+$0xFFFFFF40];
	v7 =	vmul.f32 v7, v4  }
0x19a: {  	v3 =	vmul.f32 v3, v6;
	v4 =	vld [tilespmem:s13+$0xFFFFFF50]  }
0x19b: {  	v5 =	vmul.f32 v5, v6;
	v12 =	vld [tilespmem:s13+$0xFFFFFF60];
	[tilespmem:s13+$0xF0] =	vst v7  }
0x19c: {  	[tilespmem:s13+$0xFFFFFF00] =	vst v3;
	v3 =	vmul.f32 v8, v6;
	v7 =	vld [tilespmem:s13+$0xFFFFFF70]  }
0x19d: {  	[tilespmem:s13+$0xFFFFFF10] =	vst v5;
	v5 =	vmul.f32 v10, v6;
	v8 =	vld [tilespmem:s13+$0xFFFFFF80]  }
0x19e: {  	[tilespmem:s13+$0xFFFFFF20] =	vst v3;
	v3 =	vmul.f32 v11, v6;
	v10 =	vld [tilespmem:s13+$0xFFFFFF90]  }
0x19f: {  	[tilespmem:s13+$0xFFFFFF30] =	vst v5;
	v4 =	vmul.f32 v4, v6;
	v5 =	vld [tilespmem:s13+$0xFFFFFFA0]  }
0x1a0: {  	[tilespmem:s13+$0xFFFFFF40] =	vst v3;
	v3 =	vmul.f32 v12, v6;
	v11 =	vld [tilespmem:s13+$0xFFFFFFB0]  }
0x1a1: {  	[tilespmem:s13+$0xFFFFFF50] =	vst v4;
	v4 =	vmul.f32 v7, v6;
	v6 =	vld [tilespmem:s13+$0xFFFFFFC0]  }
0x1a2: {  	[tilespmem:s13+$0xFFFFFF60] =	vst v3;
	v3 =	vmul.f32 v8, v9;
	v7 =	vld [tilespmem:s13+$0xFFFFFFD0]  }
0x1a3: {  	[tilespmem:s13+$0xFFFFFF70] =	vst v4;
	v4 =	vmul.f32 v10, v9;
	v8 =	vld [tilespmem:s13+$0xFFFFFFE0]  }
0x1a4: {  	[tilespmem:s13+$0xFFFFFF80] =	vst v3;
	v3 =	vmul.f32 v5, v9;
	v5 =	vld [tilespmem:s13+$0xFFFFFFF0]  }
0x1a5: {  	[tilespmem:s13+$0xFFFFFF90] =	vst v4;
	v4 =	vmul.f32 v11, v9;
	v10 =	vld [tilespmem:s13+$0x0]  }
0x1a6: {  	[tilespmem:s13+$0xFFFFFFA0] =	vst v3;
	v3 =	vmul.f32 v6, v9;
	v6 =	vld [tilespmem:s13+$0x10]  }
0x1a7: {  	[tilespmem:s13+$0xFFFFFFB0] =	vst v4;
	v4 =	vmul.f32 v7, v9;
	v7 =	vld [tilespmem:s13+$0x20]  }
0x1a8: {  	[tilespmem:s13+$0xFFFFFFC0] =	vst v3;
	v8 =	vmul.f32 v8, v9;
	v13 =	vld [tilespmem:s13+$0x30]  }
.Ltmp10:
0x1a9: {  	s19 =	sadd.s32 $0x1, s18;
	v11 =	vmov s18;
	[tilespmem:s13+$0xFFFFFFD0] =	vst v4;
	v5 =	vmul.f32 v5, v9;
	v3 =	vld [tilespmem:s13+$0x40];
	(pc) =	sbr.rel @p0 .LBB2_13-.Ltmp10, $4  }
0x1aa: {  	v9 =	vand.u32 $0x7C, v11;
	v11 =	vmov s19;
	s19 =	sadd.s32 $0x2, s18;
	[tilespmem:s13+$0xFFFFFFE0] =	vst v8;
	v8 =	vmul.f32 v10, v2;
	v4 =	vld [tilespmem:s13+$0x50]  }
0x1ab: {  	v10 =	vor.u32 v1, v9;
	v9 =	vmov s19;
	[tilespmem:s13+$0xFFFFFFF0] =	vst v5;
	v14 =	vmul.f32 v6, v2;
	v5 =	vld [tilespmem:s13+$0x60]  }
0x1ac: {  	v12 =	vand.u32 $0x7D, v11;
	v11 =	vand.u32 $0x7E, v9;
	[tilespmem:s13+$0x0] =	vst v8;
	v9 =	vmul.f32 v7, v2;
	v7 =	vld [tilespmem:s13+$0x70]  }
0x1ad: {  	s19 =	sadd.s32 $0x3, s18;
	s18 =	sadd.s32 $0x4, s18;
	v6 =	vbroadcast v10, $0x0;
	v12 =	vor.u32 v1, v12;
	[tilespmem:s13+$0x10] =	vst v14;
	v10 =	vmul.f32 v13, v2;
	v8 =	vld [tilespmem:s13+$0x80]  }
0x1ae: {  	v14 =	vld [tilespmem:s13+$0x90]  }
0x1af: {  	v15 =	vld [tilespmem:s13+$0xA0]  }
0x1b0: {  	v13 =	vmov s19;
	v11 =	vor.u32 v1, v11;
	v16 =	vld [tilespmem:s13+$0xC0]  }
0x1b1: {  	v12 =	vbroadcast v12, $0x0;
	[tilespmem:s13+$0x20] =	vst v9;
	v3 =	vmul.f32 v3, v2;
	v9 =	vld [tilespmem:s13+$0xD0];
	v13 =	vand.u32 $0x7F, v13  }
0x1b2: {  	v11 =	vbroadcast v11, $0x0;
	[tilespmem:s13+$0x30] =	vst v10;
	v4 =	vmul.f32 v4, v2;
	v10 =	vld [tilespmem:s13+$0xE0];
	v1 =	vor.u32 v1, v13  }
0x1b3: {  	v13 =	vld [tilespmem:s13+$0xB0];
	[tilespmem:s13+$0x40] =	vst v3;
	v3 =	vmul.f32 v5, v2;
	v1 =	vbroadcast v1, $0x0  }
0x1b4: {  	s18 =	sadd.s32 $0x200, s13;
	v5 =	vld.idx.msk [tilespmem:v6+s25+$0x0], $0xffff;
	[tilespmem:s13+$0x50] =	vst v4;
	v2 =	vmul.f32 v7, v2  }
0x1b5: {  	v7 =	vld [tilespmem:s18+$0xF0];
	[tilespmem:s13+$0x60] =	vst v3;
	v3 =	vmul.f32 v8, v0  }
0x1b6: {  	v8 =	vld [tilespmem:s18+$0xFFFFFF00];
	[tilespmem:s13+$0x70] =	vst v2;
	v2 =	vmul.f32 v14, v0  }
0x1b7: {  	v4 =	vld.idx.msk [tilespmem:v12+s25+$0x0], $0xffff;
	[tilespmem:s13+$0x80] =	vst v3;
	v3 =	vmul.f32 v15, v0  }
0x1b8: {  	v6 =	vld.idx.msk [tilespmem:v11+s25+$0x0], $0xffff;
	[tilespmem:s13+$0x90] =	vst v2;
	v2 =	vmul.f32 v13, v0  }
0x1b9: {  	[tilespmem:s13+$0xA0] =	vst v3;
	v3 =	vmul.f32 v16, v0;
	v1 =	vld.idx.msk [tilespmem:v1+s25+$0x0], $0xffff  }
0x1ba: {  	v11 =	vld [tilespmem:s18+$0xFFFFFF10];
	[tilespmem:s16+$0xB0] =	vst v2;
	v2 =	vmul.f32 v9, v0  }
0x1bb: {  	v9 =	vld [tilespmem:s18+$0xFFFFFF20];
	v0 =	vmul.f32 v10, v0;
	[tilespmem:s16+$0xC0] =	vst v3  }
0x1bc: {  	v3 =	vld [tilespmem:s18+$0xFFFFFF30];
	[tilespmem:s16+$0xD0] =	vst v2  }
0x1bd: {  	v2 =	vld [tilespmem:s18+$0xFFFFFF40];
	[tilespmem:s16+$0xE0] =	vst v0;
	v0 =	vmul.f32 v8, v5  }
0x1be: {  	v8 =	vld [tilespmem:s18+$0xFFFFFF50];
	v7 =	vmul.f32 v7, v1  }
0x1bf: {  	v10 =	vmul.f32 v11, v5;
	v11 =	vld [tilespmem:s18+$0xFFFFFF60];
	[tilespmem:s18+$0xFFFFFF00] =	vst v0  }
0x1c0: {  	v0 =	vmul.f32 v9, v5;
	[tilespmem:s18+$0xF0] =	vst v7;
	v7 =	vld [tilespmem:s18+$0xFFFFFF70]  }
0x1c1: {  	[tilespmem:s18+$0xFFFFFF10] =	vst v10;
	v9 =	vld [tilespmem:s18+$0xFFFFFF80];
	v3 =	vmul.f32 v3, v5  }
0x1c2: {  	[tilespmem:s18+$0xFFFFFF20] =	vst v0;
	v0 =	vmul.f32 v2, v5;
	v2 =	vld [tilespmem:s18+$0xFFFFFF90]  }
0x1c3: {  	[tilespmem:s18+$0xFFFFFF30] =	vst v3;
	v3 =	vmul.f32 v8, v5;
	v8 =	vld [tilespmem:s18+$0xFFFFFFA0]  }
0x1c4: {  	v10 =	vld [tilespmem:s18+$0xFFFFFFB0];
	[tilespmem:s18+$0xFFFFFF40] =	vst v0;
	v0 =	vmul.f32 v11, v5  }
0x1c5: {  	[tilespmem:s18+$0xFFFFFF50] =	vst v3;
	v3 =	vmul.f32 v7, v5;
	v5 =	vld [tilespmem:s18+$0xFFFFFFC0]  }
0x1c6: {  	[tilespmem:s18+$0xFFFFFF60] =	vst v0;
	v0 =	vmul.f32 v9, v4;
	v7 =	vld [tilespmem:s18+$0xFFFFFFD0]  }
0x1c7: {  	v2 =	vmul.f32 v2, v4;
	[tilespmem:s18+$0xFFFFFF70] =	vst v3;
	v3 =	vld [tilespmem:s18+$0xFFFFFFE0]  }
0x1c8: {  	[tilespmem:s18+$0xFFFFFF80] =	vst v0;
	v0 =	vmul.f32 v8, v4;
	v8 =	vld [tilespmem:s18+$0xFFFFFFF0]  }
0x1c9: {  	v9 =	vld [tilespmem:s18+$0x0];
	[tilespmem:s18+$0xFFFFFF90] =	vst v2;
	v2 =	vmul.f32 v10, v4  }
0x1ca: {  	[tilespmem:s18+$0xFFFFFFA0] =	vst v0;
	v0 =	vmul.f32 v5, v4;
	v5 =	vld [tilespmem:s18+$0x10]  }
0x1cb: {  	[tilespmem:s18+$0xFFFFFFB0] =	vst v2;
	v2 =	vmul.f32 v7, v4;
	v7 =	vld [tilespmem:s18+$0x20]  }
0x1cc: {  	[tilespmem:s18+$0xFFFFFFC0] =	vst v0;
	v0 =	vmul.f32 v3, v4;
	v3 =	vld [tilespmem:s18+$0x30]  }
0x1cd: {  	[tilespmem:s18+$0xFFFFFFD0] =	vst v2;
	v2 =	vmul.f32 v8, v4;
	v4 =	vld [tilespmem:s18+$0x40]  }
0x1ce: {  	v8 =	vld [tilespmem:s18+$0x50];
	[tilespmem:s18+$0xFFFFFFE0] =	vst v0;
	v0 =	vmul.f32 v9, v6  }
0x1cf: {  	[tilespmem:s18+$0xFFFFFFF0] =	vst v2;
	v2 =	vmul.f32 v5, v6;
	v5 =	vld [tilespmem:s18+$0x60]  }
0x1d0: {  	[tilespmem:s18+$0x0] =	vst v0;
	v0 =	vmul.f32 v7, v6;
	v7 =	vld [tilespmem:s18+$0x70]  }
0x1d1: {  	[tilespmem:s18+$0x10] =	vst v2;
	v2 =	vmul.f32 v3, v6;
	v3 =	vld [tilespmem:s18+$0x80]  }
0x1d2: {  	[tilespmem:s18+$0x20] =	vst v0;
	v0 =	vmul.f32 v4, v6;
	v4 =	vld [tilespmem:s18+$0x90]  }
0x1d3: {  	[tilespmem:s18+$0x30] =	vst v2;
	v2 =	vmul.f32 v8, v6;
	v8 =	vld [tilespmem:s18+$0xA0]  }
0x1d4: {  	[tilespmem:s18+$0x40] =	vst v0;
	v0 =	vmul.f32 v5, v6;
	v5 =	vld [tilespmem:s18+$0xB0]  }
0x1d5: {  	[tilespmem:s18+$0x50] =	vst v2;
	v2 =	vmul.f32 v7, v6;
	v6 =	vld [tilespmem:s18+$0xC0]  }
0x1d6: {  	[tilespmem:s18+$0x60] =	vst v0;
	v0 =	vmul.f32 v3, v1;
	v3 =	vld [tilespmem:s18+$0xD0]  }
0x1d7: {  	[tilespmem:s18+$0x70] =	vst v2;
	v2 =	vmul.f32 v4, v1;
	v4 =	vld [tilespmem:s18+$0xE0]  }
0x1d8: {  	[tilespmem:s18+$0x80] =	vst v0;
	v0 =	vmul.f32 v8, v1  }
0x1d9: {  	[tilespmem:s18+$0x90] =	vst v2;
	v2 =	vmul.f32 v5, v1  }
0x1da: {  	[tilespmem:s18+$0xA0] =	vst v0;
	v0 =	vmul.f32 v6, v1  }
0x1db: {  	[tilespmem:s18+$0xB0] =	vst v2;
	v2 =	vmul.f32 v3, v1  }
0x1dc: {  	s16 =	sshll.u32 s12, $0xA;
	[tilespmem:s18+$0xC0] =	vst v0;
	v0 =	vmul.f32 v4, v1  }
0x1dd: {  	s15 =	sor.u32 $0x1, s15;
	s21 =	simm.s32 $0x0;
	s13 =	sshrl.u32 s16, $0x2;
	[tilespmem:s18+$0xD0] =	vst v2  }
0x1de: {  	p0 =	seq.s32 s12, $0x18;
	s15 =	sshll.u32 s15, $0x7;
	s19 =	sadd.s32 $0x1C00, s13;
	v1 =	vmov s21;
	[tilespmem:s18+$0xE0] =	vst v0  }
0x1df: {  	v1 =	vand.u32 $0x7C, v1;
	v0 =	vmov s15;
	[spmem:s1] =	stream.indirect.scatter.add.f32 [tilespmem:s28], [sflag:$0x3], $0x80, s19, s26, $0xb8;
	[tilespmem:$0x1DC80] =	vst v63  }
0x1e0: {  	s16 =	sshrl.u32 @!p0 s16, $0x2;
	v1 =	vor.u32 v0, v1;
	_ =	swait.ge [sflag:s23], $0x2800  }
0x1e1: {  	s16 =	sadd.s32 @!p0 $0x100, s16;
	s19 =	simm.s32 $0x3;
	v1 =	vbroadcast v1, $0x0;
	[sflag:s23] =	ssyncset.done $0x0  }
0x1e2: {  	s18 =	simm.s32 @!p0 $0x50;
	v2 =	vmov s19;
	s19 =	simm.s32 @!p0 $0x5400;
	[sflag:s23] =	ssyncadd.s32 $0xFFFFD800  }
0x1e3: {  	v2 =	vand.u32 $0x7F, v2;
	[tilespmem:s19], [sflag:$0x1] =	stream.indirect.gather @!p0 [hbm4b:s14+s18], $0x80, s16, s18, $0xb8;
	[tilespmem:$0x1DC80] =	vst v63  }
0x1e4: {  	v2 =	vor.u32 v0, v2;
	_ =	swait.ge [sflag:s0], $0x2800  }
0x1e5: {  	v2 =	vbroadcast v2, $0x0;
	[sflag:s0] =	ssyncset.done $0x0  }
0x1e6: {  	[sflag:s0] =	ssyncadd.s32 $0xFFFFD800  }
0x1e7: {  	s16 =	simm.s32 $0x7D00;
	v3 =	vld.idx.msk [tilespmem:v1+s25+$0x0], $0xffff  }
0x1e8: {  	v5 =	vld [tilespmem:s16+$0xFFFFFF00]  }
0x1e9: {  	s21 =	simm.s32 $0x1;
	v6 =	vld [tilespmem:s16+$0xFFFFFF10]  }
0x1ea: {  	v4 =	vmov s21;
	v7 =	vld [tilespmem:s16+$0xFFFFFF20]  }
0x1eb: {  	v1 =	vld.idx.msk [tilespmem:v2+s25+$0x0], $0xffff;
	v2 =	vand.u32 $0x7D, v4  }
0x1ec: {  	v8 =	vld [tilespmem:s16+$0xFFFFFF30];
	v2 =	vor.u32 v0, v2  }
0x1ed: {  	v4 =	vld [tilespmem:s16+$0xF0];
	v2 =	vbroadcast v2, $0x0  }
0x1ee: {  	v9 =	vld [tilespmem:s16+$0xFFFFFF40]  }
0x1ef: {  	v10 =	vld [tilespmem:s16+$0xFFFFFF50];
	v5 =	vmul.f32 v5, v3  }
0x1f0: {  	v11 =	vld [tilespmem:s16+$0xFFFFFF60];
	v6 =	vmul.f32 v6, v3  }
0x1f1: {  	[tilespmem:s16+$0xFFFFFF00] =	vst v5;
	v5 =	vld [tilespmem:s16+$0xFFFFFF70]  }
0x1f2: {  	s19 =	simm.s32 $0x2;
	v4 =	vmul.f32 v4, v1;
	[tilespmem:s16+$0xFFFFFF10] =	vst v6;
	v6 =	vmul.f32 v8, v3;
	v8 =	vld [tilespmem:s16+$0xFFFFFFA0]  }
0x1f3: {  	v12 =	vmov s19;
	v13 =	vld.idx.msk [tilespmem:v2+s25+$0x0], $0xffff  }
0x1f4: {  	[tilespmem:s16+$0xF0] =	vst v4;
	v4 =	vmul.f32 v7, v3;
	v2 =	vand.u32 $0x7E, v12;
	v12 =	vld [tilespmem:s16+$0xFFFFFF80]  }
0x1f5: {  	v7 =	vld [tilespmem:s16+$0xFFFFFF90];
	[tilespmem:s16+$0xFFFFFF30] =	vst v6;
	v6 =	vmul.f32 v10, v3;
	v2 =	vor.u32 v0, v2  }
0x1f6: {  	v11 =	vmul.f32 v11, v3;
	v10 =	vld [tilespmem:s16+$0xFFFFFFC0];
	[tilespmem:s16+$0xFFFFFF20] =	vst v4;
	v2 =	vbroadcast v2, $0x0  }
0x1f7: {  	v4 =	vmul.f32 v9, v3;
	[tilespmem:s16+$0xFFFFFF50] =	vst v6;
	v6 =	vld [tilespmem:s16+$0xFFFFFFE0]  }
0x1f8: {  	[tilespmem:s16+$0xFFFFFF60] =	vst v11;
	v9 =	vld [tilespmem:s16+$0xFFFFFFB0];
	v3 =	vmul.f32 v5, v3  }
0x1f9: {  	v5 =	vld [tilespmem:s16+$0xFFFFFFF0];
	[tilespmem:s16+$0xFFFFFF40] =	vst v4;
	v4 =	vmul.f32 v12, v13  }
0x1fa: {  	[tilespmem:s16+$0xFFFFFF70] =	vst v3;
	v12 =	vld [tilespmem:s16+$0xFFFFFFD0];
	v3 =	vmul.f32 v8, v13  }
0x1fb: {  	[tilespmem:s16+$0xFFFFFF80] =	vst v4;
	v4 =	vmul.f32 v7, v13;
	v7 =	vld [tilespmem:s16+$0x0]  }
0x1fc: {  	v6 =	vmul.f32 v6, v13;
	[tilespmem:s16+$0xFFFFFFA0] =	vst v3;
	v2 =	vld.idx.msk [tilespmem:v2+s25+$0x0], $0xffff  }
0x1fd: {  	v8 =	vld [tilespmem:s16+$0x10];
	[tilespmem:s16+$0xFFFFFF90] =	vst v4;
	v4 =	vmul.f32 v9, v13  }
0x1fe: {  	s21 =	simm.s32 $0x4;
	v3 =	vmul.f32 v10, v13;
	[tilespmem:s16+$0xFFFFFFE0] =	vst v6;
	v9 =	vld [tilespmem:s16+$0x20]  }
0x1ff: {  	v11 =	vmov s21;
	v10 =	vld [tilespmem:s16+$0x30];
	[tilespmem:s16+$0xFFFFFFB0] =	vst v4;
	v4 =	vmul.f32 v12, v13  }
0x200: {  	v11 =	vand.u32 $0x7C, v11;
	[tilespmem:s16+$0xFFFFFFC0] =	vst v3;
	v3 =	vld [tilespmem:s16+$0x40];
	v12 =	vmul.f32 v5, v13  }
0x201: {  	s19 =	simm.s32 $0x5;
	s21 =	simm.s32 $0x6;
	v6 =	vor.u32 v0, v11;
	[tilespmem:s16+$0xFFFFFFD0] =	vst v4;
	v7 =	vmul.f32 v7, v2;
	v4 =	vld [tilespmem:s16+$0x50]  }
0x202: {  	v11 =	vmov s21;
	v13 =	vmov s19;
	v5 =	vld [tilespmem:s16+$0x60];
	v8 =	vmul.f32 v8, v2;
	[tilespmem:s16+$0xFFFFFFF0] =	vst v12  }
0x203: {  	v11 =	vand.u32 $0x7E, v11;
	v12 =	vand.u32 $0x7D, v13;
	v9 =	vmul.f32 v9, v2;
	[tilespmem:s16+$0x0] =	vst v7;
	v7 =	vld [tilespmem:s16+$0x70]  }
0x204: {  	s18 =	simm.s32 $0x7D00;
	s21 =	simm.s32 $0x7;
	v6 =	vbroadcast v6, $0x0;
	s19 =	simm.s32 $0x8;
	v10 =	vmul.f32 v10, v2;
	v12 =	vor.u32 v0, v12;
	[tilespmem:s16+$0x10] =	vst v8;
	v8 =	vld [tilespmem:s16+$0x80]  }
.LBB2_15:
0x205: {  	p1 =	slt.u32 s19, $0x4C;
	v11 =	vor.u32 v0, v11;
	v13 =	vmov s21;
	[tilespmem:s16+$0x20] =	vst v9;
	v3 =	vmul.f32 v3, v2;
	v9 =	vld [tilespmem:s16+$0x90]  }
0x206: {  	v12 =	vbroadcast v12, $0x0;
	v13 =	vand.u32 $0x7F, v13;
	[tilespmem:s16+$0x30] =	vst v10;
	v4 =	vmul.f32 v4, v2;
	v10 =	vld [tilespmem:s16+$0xA0]  }
0x207: {  	v11 =	vbroadcast v11, $0x0;
	v13 =	vor.u32 v0, v13;
	[tilespmem:s16+$0x40] =	vst v3;
	v3 =	vmul.f32 v5, v2;
	v5 =	vld [tilespmem:s16+$0xB0]  }
0x208: {  	v13 =	vbroadcast v13, $0x0;
	[tilespmem:s16+$0x50] =	vst v4;
	v2 =	vmul.f32 v7, v2;
	v4 =	vld [tilespmem:s16+$0xC0]  }
0x209: {  	[tilespmem:s16+$0x60] =	vst v3;
	v3 =	vmul.f32 v8, v1;
	v7 =	vld [tilespmem:s16+$0xD0]  }
0x20a: {  	[tilespmem:s16+$0x70] =	vst v2;
	v2 =	vmul.f32 v9, v1;
	v8 =	vld [tilespmem:s16+$0xE0]  }
0x20b: {  	v6 =	vld.idx.msk [tilespmem:v6+s25+$0x0], $0xffff;
	[tilespmem:s16+$0x80] =	vst v3;
	v3 =	vmul.f32 v10, v1  }
0x20c: {  	v9 =	vld.idx.msk [tilespmem:v12+s25+$0x0], $0xffff;
	[tilespmem:s16+$0x90] =	vst v2;
	v5 =	vmul.f32 v5, v1  }
0x20d: {  	v2 =	vld.idx.msk [tilespmem:v11+s25+$0x0], $0xffff;
	[tilespmem:s16+$0xA0] =	vst v3;
	v3 =	vmul.f32 v4, v1  }
0x20e: {  	s16 =	sadd.s32 $0x200, s16;
	v4 =	vld.idx.msk [tilespmem:v13+s25+$0x0], $0xffff;
	[tilespmem:s18+$0xB0] =	vst v5;
	v5 =	vmul.f32 v7, v1  }
0x20f: {  	v7 =	vld [tilespmem:s16+$0xF0];
	[tilespmem:s18+$0xC0] =	vst v3;
	v1 =	vmul.f32 v8, v1  }
0x210: {  	v3 =	vld [tilespmem:s16+$0xFFFFFF00];
	[tilespmem:s18+$0xD0] =	vst v5  }
0x211: {  	v5 =	vld [tilespmem:s16+$0xFFFFFF10];
	[tilespmem:s18+$0xE0] =	vst v1;
	s18 =	smov.u32 s16  }
0x212: {  	v8 =	vld [tilespmem:s16+$0xFFFFFF20]  }
0x213: {  	v10 =	vld [tilespmem:s16+$0xFFFFFF30]  }
0x214: {  	v1 =	vmov v4;
	v11 =	vld [tilespmem:s16+$0xFFFFFF40];
	v7 =	vmul.f32 v7, v4  }
0x215: {  	v3 =	vmul.f32 v3, v6;
	v4 =	vld [tilespmem:s16+$0xFFFFFF50]  }
0x216: {  	v5 =	vmul.f32 v5, v6;
	v12 =	vld [tilespmem:s16+$0xFFFFFF60];
	[tilespmem:s16+$0xF0] =	vst v7  }
0x217: {  	[tilespmem:s16+$0xFFFFFF00] =	vst v3;
	v3 =	vmul.f32 v8, v6;
	v7 =	vld [tilespmem:s16+$0xFFFFFF70]  }
0x218: {  	[tilespmem:s16+$0xFFFFFF10] =	vst v5;
	v5 =	vmul.f32 v10, v6;
	v8 =	vld [tilespmem:s16+$0xFFFFFF80]  }
0x219: {  	[tilespmem:s16+$0xFFFFFF20] =	vst v3;
	v3 =	vmul.f32 v11, v6;
	v10 =	vld [tilespmem:s16+$0xFFFFFF90]  }
0x21a: {  	[tilespmem:s16+$0xFFFFFF30] =	vst v5;
	v4 =	vmul.f32 v4, v6;
	v5 =	vld [tilespmem:s16+$0xFFFFFFA0]  }
0x21b: {  	[tilespmem:s16+$0xFFFFFF40] =	vst v3;
	v3 =	vmul.f32 v12, v6;
	v11 =	vld [tilespmem:s16+$0xFFFFFFB0]  }
0x21c: {  	[tilespmem:s16+$0xFFFFFF50] =	vst v4;
	v4 =	vmul.f32 v7, v6;
	v6 =	vld [tilespmem:s16+$0xFFFFFFC0]  }
0x21d: {  	[tilespmem:s16+$0xFFFFFF60] =	vst v3;
	v3 =	vmul.f32 v8, v9;
	v7 =	vld [tilespmem:s16+$0xFFFFFFD0]  }
0x21e: {  	[tilespmem:s16+$0xFFFFFF70] =	vst v4;
	v4 =	vmul.f32 v10, v9;
	v8 =	vld [tilespmem:s16+$0xFFFFFFE0]  }
0x21f: {  	[tilespmem:s16+$0xFFFFFF80] =	vst v3;
	v3 =	vmul.f32 v5, v9;
	v5 =	vld [tilespmem:s16+$0xFFFFFFF0]  }
0x220: {  	[tilespmem:s16+$0xFFFFFF90] =	vst v4;
	v4 =	vmul.f32 v11, v9;
	v10 =	vld [tilespmem:s16+$0x0]  }
0x221: {  	[tilespmem:s16+$0xFFFFFFA0] =	vst v3;
	v3 =	vmul.f32 v6, v9;
	v6 =	vld [tilespmem:s16+$0x10]  }
0x222: {  	[tilespmem:s16+$0xFFFFFFB0] =	vst v4;
	v4 =	vmul.f32 v7, v9;
	v7 =	vld [tilespmem:s16+$0x20]  }
0x223: {  	[tilespmem:s16+$0xFFFFFFC0] =	vst v3;
	v8 =	vmul.f32 v8, v9;
	v13 =	vld [tilespmem:s16+$0x30]  }
.Ltmp11:
0x224: {  	s21 =	sadd.s32 $0x1, s19;
	v11 =	vmov s19;
	[tilespmem:s16+$0xFFFFFFD0] =	vst v4;
	v5 =	vmul.f32 v5, v9;
	v3 =	vld [tilespmem:s16+$0x40];
	(pc) =	sbr.rel @p1 .LBB2_15-.Ltmp11, $4  }
0x225: {  	v9 =	vand.u32 $0x7C, v11;
	v11 =	vmov s21;
	s21 =	sadd.s32 $0x2, s19;
	[tilespmem:s16+$0xFFFFFFE0] =	vst v8;
	v8 =	vmul.f32 v10, v2;
	v4 =	vld [tilespmem:s16+$0x50]  }
0x226: {  	v10 =	vor.u32 v0, v9;
	v9 =	vmov s21;
	[tilespmem:s16+$0xFFFFFFF0] =	vst v5;
	v14 =	vmul.f32 v6, v2;
	v5 =	vld [tilespmem:s16+$0x60]  }
0x227: {  	v12 =	vand.u32 $0x7D, v11;
	v11 =	vand.u32 $0x7E, v9;
	[tilespmem:s16+$0x0] =	vst v8;
	v9 =	vmul.f32 v7, v2;
	v7 =	vld [tilespmem:s16+$0x70]  }
0x228: {  	s21 =	sadd.s32 $0x3, s19;
	s19 =	sadd.s32 $0x4, s19;
	v6 =	vbroadcast v10, $0x0;
	v12 =	vor.u32 v0, v12;
	[tilespmem:s16+$0x10] =	vst v14;
	v10 =	vmul.f32 v13, v2;
	v8 =	vld [tilespmem:s16+$0x80]  }
0x229: {  	v14 =	vld [tilespmem:s16+$0x90]  }
0x22a: {  	v15 =	vld [tilespmem:s16+$0xA0]  }
0x22b: {  	v42 =	vld [tilespmem:s16+$0xB0]  }
0x22c: {  	v16 =	vld [tilespmem:s16+$0xC0]  }
0x22d: {  	[tilespmem:s16+$0x20] =	vst v9;
	v3 =	vmul.f32 v3, v2;
	v43 =	vld [tilespmem:s16+$0xD0]  }
0x22e: {  	v44 =	vld [tilespmem:s16+$0xE0];
	[tilespmem:s16+$0x30] =	vst v10;
	v4 =	vmul.f32 v4, v2  }
0x22f: {  	s19 =	sadd.s32 $0x200, s16;
	v46 =	vld.idx.msk [tilespmem:v6+s25+$0x0], $0xffff;
	[tilespmem:s16+$0x40] =	vst v3;
	v45 =	vmul.f32 v5, v2  }
0x230: {  	v52 =	vld [tilespmem:s19+$0xF0];
	[tilespmem:s16+$0x50] =	vst v4;
	v47 =	vmul.f32 v7, v2  }
0x231: {  	v54 =	vld [tilespmem:s19+$0xFFFFFF00];
	[tilespmem:s16+$0x60] =	vst v45;
	v49 =	vmul.f32 v8, v1  }
0x232: {  	v56 =	vld [tilespmem:s19+$0xFFFFFF10];
	[tilespmem:s16+$0x70] =	vst v47;
	v50 =	vmul.f32 v14, v1  }
0x233: {  	v12 =	vbroadcast v12, $0x0;
	v58 =	vld [tilespmem:s19+$0xFFFFFF20];
	v51 =	vmul.f32 v15, v1;
	[tilespmem:s16+$0x80] =	vst v49  }
0x234: {  	v60 =	vld [tilespmem:s19+$0xFFFFFF30];
	v53 =	vmul.f32 v42, v1;
	[tilespmem:s16+$0x90] =	vst v50  }
0x235: {  	v61 =	vld [tilespmem:s19+$0xFFFFFF40];
	v55 =	vmul.f32 v16, v1;
	[tilespmem:s16+$0xA0] =	vst v51  }
0x236: {  	v13 =	vmov s21;
	v63 =	vld [tilespmem:s19+$0xFFFFFF50];
	v57 =	vmul.f32 v43, v1;
	[tilespmem:s18+$0xB0] =	vst v53  }
0x237: {  	v13 =	vand.u32 $0x7F, v13;
	v18 =	vld [tilespmem:s19+$0xFFFFFF90];
	v59 =	vmul.f32 v44, v1;
	[tilespmem:s18+$0xC0] =	vst v55  }
0x238: {  	v41 =	vor.u32 v0, v13;
	v13 =	vld [tilespmem:s19+$0xFFFFFF60];
	v62 =	vmul.f32 v54, v46;
	[tilespmem:s18+$0xD0] =	vst v57  }
0x239: {  	v48 =	vld.idx.msk [tilespmem:v12+s25+$0x0], $0xffff;
	v12 =	vmul.f32 v56, v46;
	[tilespmem:s18+$0xE0] =	vst v59  }
0x23a: {  	v15 =	vld [tilespmem:s19+$0xFFFFFF70];
	v14 =	vmul.f32 v58, v46;
	[tilespmem:s19+$0xFFFFFF00] =	vst v62  }
0x23b: {  	v16 =	vld [tilespmem:s19+$0xFFFFFF80];
	v3 =	vmul.f32 v60, v46;
	[tilespmem:s19+$0xFFFFFF10] =	vst v12  }
0x23c: {  	v11 =	vor.u32 v0, v11;
	v20 =	vld [tilespmem:s19+$0xFFFFFFA0];
	v17 =	vmul.f32 v61, v46;
	[tilespmem:s19+$0xFFFFFF20] =	vst v14  }
0x23d: {  	v11 =	vbroadcast v11, $0x0;
	v22 =	vld [tilespmem:s19+$0xFFFFFFB0];
	v19 =	vmul.f32 v63, v46;
	[tilespmem:s19+$0xFFFFFF30] =	vst v3  }
0x23e: {  	v24 =	vld [tilespmem:s19+$0xFFFFFFC0];
	v21 =	vmul.f32 v13, v46;
	[tilespmem:s19+$0xFFFFFF40] =	vst v17  }
0x23f: {  	v26 =	vld [tilespmem:s19+$0xFFFFFFD0];
	[tilespmem:s19+$0xFFFFFF50] =	vst v19;
	v23 =	vmul.f32 v15, v46  }
0x240: {  	v27 =	vld [tilespmem:s19+$0xFFFFFFE0];
	[tilespmem:s19+$0xFFFFFF60] =	vst v21;
	v25 =	vmul.f32 v16, v48  }
0x241: {  	v29 =	vld [tilespmem:s19+$0xFFFFFFF0];
	v2 =	vmul.f32 v18, v48;
	[tilespmem:s19+$0xFFFFFF70] =	vst v23  }
0x242: {  	v31 =	vld [tilespmem:s19+$0x0];
	v28 =	vmul.f32 v20, v48;
	[tilespmem:s19+$0xFFFFFF80] =	vst v25  }
0x243: {  	v6 =	vld.idx.msk [tilespmem:v11+s25+$0x0], $0xffff;
	v30 =	vmul.f32 v22, v48;
	[tilespmem:s19+$0xFFFFFF90] =	vst v2  }
0x244: {  	v33 =	vld [tilespmem:s19+$0x10];
	v0 =	vbroadcast v41, $0x0;
	v32 =	vmul.f32 v24, v48;
	[tilespmem:s19+$0xFFFFFFA0] =	vst v28  }
0x245: {  	v35 =	vld [tilespmem:s19+$0x20];
	v34 =	vmul.f32 v26, v48;
	[tilespmem:s19+$0xFFFFFFB0] =	vst v30  }
0x246: {  	v37 =	vld [tilespmem:s19+$0x30];
	v36 =	vmul.f32 v27, v48;
	[tilespmem:s19+$0xFFFFFFC0] =	vst v32  }
0x247: {  	v39 =	vld [tilespmem:s19+$0x40];
	v38 =	vmul.f32 v29, v48;
	[tilespmem:s19+$0xFFFFFFD0] =	vst v34  }
0x248: {  	v41 =	vld [tilespmem:s19+$0x50];
	v40 =	vmul.f32 v31, v6;
	[tilespmem:s19+$0xFFFFFFE0] =	vst v36  }
0x249: {  	v45 =	vld [tilespmem:s19+$0x70];
	v42 =	vmul.f32 v33, v6;
	[tilespmem:s19+$0xFFFFFFF0] =	vst v38  }
0x24a: {  	v0 =	vld.idx.msk [tilespmem:v0+s25+$0x0], $0xffff;
	v44 =	vmul.f32 v35, v6;
	[tilespmem:s19+$0x0] =	vst v40  }
0x24b: {  	v43 =	vld [tilespmem:s19+$0x60];
	v46 =	vmul.f32 v37, v6;
	[tilespmem:s19+$0x10] =	vst v42  }
0x24c: {  	v47 =	vld [tilespmem:s19+$0x80];
	v48 =	vmul.f32 v39, v6;
	[tilespmem:s19+$0x20] =	vst v44  }
0x24d: {  	v49 =	vld [tilespmem:s19+$0x90];
	v50 =	vmul.f32 v41, v6;
	[tilespmem:s19+$0x30] =	vst v46  }
0x24e: {  	v51 =	vld [tilespmem:s19+$0xA0];
	v54 =	vmul.f32 v45, v6;
	[tilespmem:s19+$0x40] =	vst v48  }
0x24f: {  	v53 =	vld [tilespmem:s19+$0xB0];
	v7 =	vmul.f32 v52, v0;
	[tilespmem:s19+$0x50] =	vst v50  }
0x250: {  	v55 =	vld [tilespmem:s19+$0xC0];
	v52 =	vmul.f32 v43, v6;
	[tilespmem:s19+$0x70] =	vst v54  }
0x251: {  	v57 =	vld [tilespmem:s19+$0xD0];
	v56 =	vmul.f32 v47, v0;
	[tilespmem:s19+$0xF0] =	vst v7  }
0x252: {  	v59 =	vld [tilespmem:s19+$0xE0];
	v58 =	vmul.f32 v49, v0;
	[tilespmem:s19+$0x60] =	vst v52  }
0x253: {  	v60 =	vmul.f32 v51, v0;
	[tilespmem:s19+$0x80] =	vst v56  }
0x254: {  	v61 =	vmul.f32 v53, v0;
	[tilespmem:s19+$0x90] =	vst v58  }
0x255: {  	v62 =	vmul.f32 v55, v0;
	[tilespmem:s19+$0xA0] =	vst v60  }
0x256: {  	v63 =	vmul.f32 v57, v0;
	[tilespmem:s19+$0xB0] =	vst v61  }
0x257: {  	v0 =	vmul.f32 v59, v0;
	[tilespmem:s19+$0xC0] =	vst v62  }
0x258: {  	s15 =	sand.u32 $0x3FFFFF80, s15;
	[tilespmem:s19+$0xD0] =	vst v63  }
.Ltmp12:
0x259: {  	s15 =	sadd.s32 $0x1C00, s15;
	[tilespmem:s19+$0xE0] =	vst v0;
	(pc) =	sbr.rel @p0 .LBB2_18-.Ltmp12, $4  }
0x25a: {  	[spmem:s1] =	stream.indirect.scatter.add.f32 [tilespmem:s30], [sflag:$0x3], $0x80, s15, s26, $0xb8;
	[tilespmem:$0x1DC80] =	vst v63  }
0x25b: {  	_ =	swait.ge [sflag:s23], $0x2800  }
0x25c: {  	[sflag:s23] =	ssyncset.done $0x0  }
0x25d: {  	[sflag:s23] =	ssyncadd.s32 $0xFFFFD800  }
.Ltmp13:
0x25e: {  	(pc) =	sbr.rel .LBB2_12-.Ltmp13, $3  }
0x25f: {  	_ =	sdelay $0x1  }
0x260: {  	s13 =	sadd.s32 $0x180, s13;
	s12 =	sadd.s32 $0x1, s12  }
0x261: {  	[tilespmem:s30], [sflag:$0x2] =	stream.indirect.gather [hbm4b:s14+s26], $0x80, s13, s26, $0xb8;
	[tilespmem:$0x1DC80] =	vst v63  }
.LBB2_19:
0x262: {  	[bflag:$0x0] =	sbarrier.arrive $0xFFFF  }
0x263: {  	s7 =	rddreg [dreg:$0x8]  }
0x264: {  	[hbm:s7], [sflag:s9] =	dma.local [spmem:s3], $0x2710  }
0x265: {  	_ =	swait.ge [sflag:s23], $0x2710  }
0x266: {  	[sflag:s23] =	ssyncset.done $0x0  }
0x267: {  	[sflag:s23] =	ssyncadd.s32 $0xFFFFD8F0  }
0x268: {  	[bflag:$0x0] =	sbarrier.arrive $0xFFFF  }
0x269: {  	s21 =	rddreg [dreg:$0x9]  }
0x26a: {  	[spmem:s3], [sflag:s9] =	dma.local [hbm:s21], $0x2710  }
.Ltmp14:
0x26b: {  	_ =	swait.ge [sflag:s23], $0x2710;
	(pc) =	sbr.rel .LBB2_20-.Ltmp14, $4  }
0x26c: {  	[sflag:s23] =	ssyncset.done $0x0  }
0x26d: {  	[sflag:s23] =	ssyncadd.s32 $0xFFFFD8F0  }
0x26e: {  	[bflag:$0x0] =	sbarrier.arrive $0xFFFF  }
0x26f: {  	s8 =	simm.s32 $0x0;
	s7 =	simm.s32 $0x0  }
.LBB2_27:
0x270: {  	s8 =	sadd.s32 $0x1, s8  }
0x271: {  	p0 =	sne.s32 s8, $0x5  }
.Ltmp15:
0x272: {  	_ = 	snop;
	(pc) =	sbr.rel @!p0 .LBB2_28-.Ltmp15, $1  }
0x273: {  	_ =	sdelay $0x3  }
.LBB2_20:
0x274: {  	s12 =	smul.u32 $0x1C00, s8;
	_ =	sdelay $0x1  }
0x275: {  	s12 =	sadd.s32 s10, s12  }
0x276: {  	s12 =	sshrl.u32 s12, $0x3  }
0x277: {  	s13 =	sadd.s32 s4, s12  }
0x278: {  	[tilespmem:s7], [sflag:$0x3] =	stream.linear.gather [hbm4b:s13+s7], $0x1900, $0x38;
	[tilespmem:$0x1DC80] =	vst v63  }
0x279: {  	_ =	swait.ge [sflag:s23], $0x1900  }
0x27a: {  	[sflag:s23] =	ssyncset.done $0x0  }
0x27b: {  	s21 =	sadd.s32 s5, s12;
	[sflag:s23] =	ssyncadd.s32 $0xFFFFE700  }
0x27c: {  	[tilespmem:s24], [sflag:$0x3] =	stream.linear.gather [hbm4b:s21+s7], $0x1900, $0x38;
	[tilespmem:$0x1DC80] =	vst v63  }
0x27d: {  	_ =	swait.ge [sflag:s23], $0x1900  }
0x27e: {  	[sflag:s23] =	ssyncset.done $0x0  }
0x27f: {  	s12 =	sadd.s32 s6, s12;
	[sflag:s23] =	ssyncadd.s32 $0xFFFFE700  }
0x280: {  	[tilespmem:s25], [sflag:$0x3] =	stream.linear.gather [hbm4b:s12+s7], $0x1900, $0x38;
	[tilespmem:$0x1DC80] =	vst v63  }
0x281: {  	_ =	swait.ge [sflag:s23], $0x1900  }
0x282: {  	[sflag:s23] =	ssyncset.done $0x0  }
0x283: {  	[sflag:s23] =	ssyncadd.s32 $0xFFFFE700  }
0x284: {  	[tilespmem:s28], [sflag:$0x1] =	stream.indirect.gather [hbm4b:s17+s26], $0x80, s7, s26, $0xb8;
	[tilespmem:$0x1DC80] =	vst v63  }
0x285: {  	s12 =	simm.s32 $0x0  }
0x286: {  	[tilespmem:s30], [sflag:$0x2] =	stream.indirect.gather [hbm4b:s17+s26], $0x80, s29, s26, $0xb8;
	[tilespmem:$0x1DC80] =	vst v63  }
.LBB2_21:
0x287: {  	s13 =	simm.s32 $0x0  }
0x288: {  	s15 =	sshll.u32 s12, $0x8;
	s19 =	simm.s32 $0x3;
	v0 =	vmov s13  }
0x289: {  	v1 =	vmov s15;
	v2 =	vmov s19;
	v0 =	vand.u32 $0x7C, v0  }
0x28a: {  	v2 =	vand.u32 $0x7F, v2;
	v0 =	vor.u32 v1, v0  }
0x28b: {  	v2 =	vor.u32 v1, v2;
	v0 =	vbroadcast v0, $0x0  }
0x28c: {  	_ =	swait.ge [sflag:s31], $0x2800;
	v2 =	vbroadcast v2, $0x0  }
0x28d: {  	[sflag:s31] =	ssyncset.done $0x0  }
0x28e: {  	s13 =	simm.s32 $0x5500;
	[sflag:s31] =	ssyncadd.s32 $0xFFFFD800  }
0x28f: {  	v5 =	vld [tilespmem:s13+$0xFFFFFF00]  }
0x290: {  	s21 =	simm.s32 $0x1;
	v6 =	vld [tilespmem:s13+$0xFFFFFF10]  }
0x291: {  	v4 =	vmov s21;
	v3 =	vld.idx.msk [tilespmem:v0+s25+$0x0], $0xffff  }
0x292: {  	v0 =	vld.idx.msk [tilespmem:v2+s25+$0x0], $0xffff;
	v2 =	vand.u32 $0x7D, v4  }
0x293: {  	v7 =	vld [tilespmem:s13+$0xFFFFFF20];
	v2 =	vor.u32 v1, v2  }
0x294: {  	v4 =	vld [tilespmem:s13+$0xF0];
	v2 =	vbroadcast v2, $0x0  }
0x295: {  	v8 =	vld [tilespmem:s13+$0xFFFFFF30]  }
0x296: {  	v9 =	vld [tilespmem:s13+$0xFFFFFF40]  }
0x297: {  	v10 =	vld [tilespmem:s13+$0xFFFFFF50];
	v5 =	vmul.f32 v5, v3  }
0x298: {  	v11 =	vld [tilespmem:s13+$0xFFFFFF60]  }
0x299: {  	s16 =	simm.s32 $0x2;
	v4 =	vmul.f32 v4, v0;
	[tilespmem:s13+$0xFFFFFF00] =	vst v5;
	v5 =	vld [tilespmem:s13+$0xFFFFFF70]  }
0x29a: {  	v12 =	vmov s16;
	v6 =	vmul.f32 v6, v3;
	v13 =	vld.idx.msk [tilespmem:v2+s25+$0x0], $0xffff  }
0x29b: {  	[tilespmem:s13+$0xF0] =	vst v4;
	v4 =	vmul.f32 v7, v3;
	v2 =	vand.u32 $0x7E, v12;
	v12 =	vld [tilespmem:s13+$0xFFFFFF80]  }
0x29c: {  	v7 =	vld [tilespmem:s13+$0xFFFFFF90];
	[tilespmem:s13+$0xFFFFFF10] =	vst v6;
	v6 =	vmul.f32 v8, v3;
	v2 =	vor.u32 v1, v2  }
0x29d: {  	v8 =	vld [tilespmem:s13+$0xFFFFFFA0];
	[tilespmem:s13+$0xFFFFFF20] =	vst v4;
	v4 =	vmul.f32 v9, v3;
	v2 =	vbroadcast v2, $0x0  }
0x29e: {  	v9 =	vld [tilespmem:s13+$0xFFFFFFB0];
	[tilespmem:s13+$0xFFFFFF30] =	vst v6;
	v6 =	vmul.f32 v10, v3  }
0x29f: {  	v11 =	vmul.f32 v11, v3;
	v10 =	vld [tilespmem:s13+$0xFFFFFFC0];
	[tilespmem:s13+$0xFFFFFF40] =	vst v4;
	v3 =	vmul.f32 v5, v3  }
0x2a0: {  	[tilespmem:s13+$0xFFFFFF50] =	vst v6;
	v6 =	vld [tilespmem:s13+$0xFFFFFFE0];
	v4 =	vmul.f32 v12, v13  }
0x2a1: {  	v12 =	vld [tilespmem:s13+$0xFFFFFFD0];
	[tilespmem:s13+$0xFFFFFF70] =	vst v3  }
0x2a2: {  	v3 =	vmul.f32 v8, v13;
	[tilespmem:s13+$0xFFFFFF80] =	vst v4;
	v4 =	vmul.f32 v7, v13;
	v7 =	vld [tilespmem:s13+$0x0]  }
0x2a3: {  	[tilespmem:s13+$0xFFFFFF60] =	vst v11;
	v2 =	vld.idx.msk [tilespmem:v2+s25+$0x0], $0xffff  }
0x2a4: {  	v5 =	vld [tilespmem:s13+$0xFFFFFFF0];
	[tilespmem:s13+$0xFFFFFFA0] =	vst v3;
	v3 =	vmul.f32 v10, v13  }
0x2a5: {  	v8 =	vld [tilespmem:s13+$0x10];
	[tilespmem:s13+$0xFFFFFF90] =	vst v4;
	v4 =	vmul.f32 v9, v13  }
0x2a6: {  	s18 =	simm.s32 $0x4;
	v6 =	vmul.f32 v6, v13;
	v9 =	vld [tilespmem:s13+$0x20];
	[tilespmem:s13+$0xFFFFFFC0] =	vst v3  }
0x2a7: {  	v11 =	vmov s18;
	v10 =	vld [tilespmem:s13+$0x30];
	[tilespmem:s13+$0xFFFFFFB0] =	vst v4;
	v4 =	vmul.f32 v12, v13  }
0x2a8: {  	v11 =	vand.u32 $0x7C, v11;
	v3 =	vld [tilespmem:s13+$0x40];
	[tilespmem:s13+$0xFFFFFFE0] =	vst v6;
	v7 =	vmul.f32 v7, v2  }
0x2a9: {  	s19 =	simm.s32 $0x5;
	s21 =	simm.s32 $0x6;
	v6 =	vor.u32 v1, v11;
	v12 =	vmul.f32 v5, v13;
	[tilespmem:s13+$0xFFFFFFD0] =	vst v4;
	v4 =	vld [tilespmem:s13+$0x50]  }
0x2aa: {  	v13 =	vmov s19;
	v5 =	vld [tilespmem:s13+$0x60];
	v8 =	vmul.f32 v8, v2;
	[tilespmem:s13+$0x0] =	vst v7;
	v7 =	vmov s21  }
0x2ab: {  	s15 =	sshll.u32 s12, $0x1;
	[tilespmem:s13+$0xFFFFFFF0] =	vst v12;
	v12 =	vand.u32 $0x7D, v13;
	v9 =	vmul.f32 v9, v2;
	v11 =	vand.u32 $0x7E, v7;
	v7 =	vld [tilespmem:s13+$0x70]  }
0x2ac: {  	s16 =	simm.s32 $0x5500;
	s18 =	simm.s32 $0x8;
	v6 =	vbroadcast v6, $0x0;
	s19 =	simm.s32 $0x7;
	v10 =	vmul.f32 v10, v2;
	v12 =	vor.u32 v1, v12;
	[tilespmem:s13+$0x10] =	vst v8;
	v8 =	vld [tilespmem:s13+$0x80]  }
.LBB2_22:
0x2ad: {  	p0 =	slt.u32 s18, $0x4C;
	v11 =	vor.u32 v1, v11;
	v13 =	vmov s19;
	[tilespmem:s13+$0x20] =	vst v9;
	v3 =	vmul.f32 v3, v2;
	v9 =	vld [tilespmem:s13+$0x90]  }
0x2ae: {  	v12 =	vbroadcast v12, $0x0;
	v13 =	vand.u32 $0x7F, v13;
	[tilespmem:s13+$0x30] =	vst v10;
	v4 =	vmul.f32 v4, v2;
	v10 =	vld [tilespmem:s13+$0xA0]  }
0x2af: {  	v11 =	vbroadcast v11, $0x0;
	v13 =	vor.u32 v1, v13;
	[tilespmem:s13+$0x40] =	vst v3;
	v3 =	vmul.f32 v5, v2;
	v5 =	vld [tilespmem:s13+$0xB0]  }
0x2b0: {  	v13 =	vbroadcast v13, $0x0;
	[tilespmem:s13+$0x50] =	vst v4;
	v2 =	vmul.f32 v7, v2;
	v4 =	vld [tilespmem:s13+$0xC0]  }
0x2b1: {  	[tilespmem:s13+$0x60] =	vst v3;
	v3 =	vmul.f32 v8, v0;
	v7 =	vld [tilespmem:s13+$0xD0]  }
0x2b2: {  	[tilespmem:s13+$0x70] =	vst v2;
	v2 =	vmul.f32 v9, v0;
	v8 =	vld [tilespmem:s13+$0xE0]  }
0x2b3: {  	v6 =	vld.idx.msk [tilespmem:v6+s25+$0x0], $0xffff;
	[tilespmem:s13+$0x80] =	vst v3;
	v3 =	vmul.f32 v10, v0  }
0x2b4: {  	v9 =	vld.idx.msk [tilespmem:v12+s25+$0x0], $0xffff;
	[tilespmem:s13+$0x90] =	vst v2;
	v5 =	vmul.f32 v5, v0  }
0x2b5: {  	v2 =	vld.idx.msk [tilespmem:v11+s25+$0x0], $0xffff;
	[tilespmem:s13+$0xA0] =	vst v3;
	v3 =	vmul.f32 v4, v0  }
0x2b6: {  	s13 =	sadd.s32 $0x200, s13;
	v4 =	vld.idx.msk [tilespmem:v13+s25+$0x0], $0xffff;
	[tilespmem:s16+$0xB0] =	vst v5;
	v5 =	vmul.f32 v7, v0  }
0x2b7: {  	v7 =	vld [tilespmem:s13+$0xF0];
	[tilespmem:s16+$0xC0] =	vst v3;
	v0 =	vmul.f32 v8, v0  }
0x2b8: {  	v3 =	vld [tilespmem:s13+$0xFFFFFF00];
	[tilespmem:s16+$0xD0] =	vst v5  }
0x2b9: {  	v5 =	vld [tilespmem:s13+$0xFFFFFF10];
	[tilespmem:s16+$0xE0] =	vst v0;
	s16 =	smov.u32 s13  }
0x2ba: {  	v8 =	vld [tilespmem:s13+$0xFFFFFF20]  }
0x2bb: {  	v10 =	vld [tilespmem:s13+$0xFFFFFF30]  }
0x2bc: {  	v0 =	vmov v4;
	v11 =	vld [tilespmem:s13+$0xFFFFFF40];
	v7 =	vmul.f32 v7, v4  }
0x2bd: {  	v3 =	vmul.f32 v3, v6;
	v4 =	vld [tilespmem:s13+$0xFFFFFF50]  }
0x2be: {  	v5 =	vmul.f32 v5, v6;
	v12 =	vld [tilespmem:s13+$0xFFFFFF60];
	[tilespmem:s13+$0xF0] =	vst v7  }
0x2bf: {  	[tilespmem:s13+$0xFFFFFF00] =	vst v3;
	v3 =	vmul.f32 v8, v6;
	v7 =	vld [tilespmem:s13+$0xFFFFFF70]  }
0x2c0: {  	[tilespmem:s13+$0xFFFFFF10] =	vst v5;
	v5 =	vmul.f32 v10, v6;
	v8 =	vld [tilespmem:s13+$0xFFFFFF80]  }
0x2c1: {  	[tilespmem:s13+$0xFFFFFF20] =	vst v3;
	v3 =	vmul.f32 v11, v6;
	v10 =	vld [tilespmem:s13+$0xFFFFFF90]  }
0x2c2: {  	[tilespmem:s13+$0xFFFFFF30] =	vst v5;
	v4 =	vmul.f32 v4, v6;
	v5 =	vld [tilespmem:s13+$0xFFFFFFA0]  }
0x2c3: {  	[tilespmem:s13+$0xFFFFFF40] =	vst v3;
	v3 =	vmul.f32 v12, v6;
	v11 =	vld [tilespmem:s13+$0xFFFFFFB0]  }
0x2c4: {  	[tilespmem:s13+$0xFFFFFF50] =	vst v4;
	v4 =	vmul.f32 v7, v6;
	v6 =	vld [tilespmem:s13+$0xFFFFFFC0]  }
0x2c5: {  	[tilespmem:s13+$0xFFFFFF60] =	vst v3;
	v3 =	vmul.f32 v8, v9;
	v7 =	vld [tilespmem:s13+$0xFFFFFFD0]  }
0x2c6: {  	[tilespmem:s13+$0xFFFFFF70] =	vst v4;
	v4 =	vmul.f32 v10, v9;
	v8 =	vld [tilespmem:s13+$0xFFFFFFE0]  }
0x2c7: {  	[tilespmem:s13+$0xFFFFFF80] =	vst v3;
	v3 =	vmul.f32 v5, v9;
	v5 =	vld [tilespmem:s13+$0xFFFFFFF0]  }
0x2c8: {  	[tilespmem:s13+$0xFFFFFF90] =	vst v4;
	v4 =	vmul.f32 v11, v9;
	v10 =	vld [tilespmem:s13+$0x0]  }
0x2c9: {  	[tilespmem:s13+$0xFFFFFFA0] =	vst v3;
	v3 =	vmul.f32 v6, v9;
	v6 =	vld [tilespmem:s13+$0x10]  }
0x2ca: {  	[tilespmem:s13+$0xFFFFFFB0] =	vst v4;
	v4 =	vmul.f32 v7, v9;
	v7 =	vld [tilespmem:s13+$0x20]  }
0x2cb: {  	[tilespmem:s13+$0xFFFFFFC0] =	vst v3;
	v8 =	vmul.f32 v8, v9;
	v13 =	vld [tilespmem:s13+$0x30]  }
.Ltmp16:
0x2cc: {  	s19 =	sadd.s32 $0x1, s18;
	v11 =	vmov s18;
	[tilespmem:s13+$0xFFFFFFD0] =	vst v4;
	v5 =	vmul.f32 v5, v9;
	v3 =	vld [tilespmem:s13+$0x40];
	(pc) =	sbr.rel @p0 .LBB2_22-.Ltmp16, $4  }
0x2cd: {  	v9 =	vand.u32 $0x7C, v11;
	v11 =	vmov s19;
	s19 =	sadd.s32 $0x2, s18;
	[tilespmem:s13+$0xFFFFFFE0] =	vst v8;
	v8 =	vmul.f32 v10, v2;
	v4 =	vld [tilespmem:s13+$0x50]  }
0x2ce: {  	v10 =	vor.u32 v1, v9;
	v9 =	vmov s19;
	[tilespmem:s13+$0xFFFFFFF0] =	vst v5;
	v14 =	vmul.f32 v6, v2;
	v5 =	vld [tilespmem:s13+$0x60]  }
0x2cf: {  	v12 =	vand.u32 $0x7D, v11;
	v11 =	vand.u32 $0x7E, v9;
	[tilespmem:s13+$0x0] =	vst v8;
	v9 =	vmul.f32 v7, v2;
	v7 =	vld [tilespmem:s13+$0x70]  }
0x2d0: {  	s19 =	sadd.s32 $0x3, s18;
	s18 =	sadd.s32 $0x4, s18;
	v6 =	vbroadcast v10, $0x0;
	v12 =	vor.u32 v1, v12;
	[tilespmem:s13+$0x10] =	vst v14;
	v10 =	vmul.f32 v13, v2;
	v8 =	vld [tilespmem:s13+$0x80]  }
0x2d1: {  	v14 =	vld [tilespmem:s13+$0x90]  }
0x2d2: {  	v15 =	vld [tilespmem:s13+$0xA0]  }
0x2d3: {  	v13 =	vmov s19;
	v11 =	vor.u32 v1, v11;
	v16 =	vld [tilespmem:s13+$0xC0]  }
0x2d4: {  	v12 =	vbroadcast v12, $0x0;
	[tilespmem:s13+$0x20] =	vst v9;
	v3 =	vmul.f32 v3, v2;
	v9 =	vld [tilespmem:s13+$0xD0];
	v13 =	vand.u32 $0x7F, v13  }
0x2d5: {  	v11 =	vbroadcast v11, $0x0;
	[tilespmem:s13+$0x30] =	vst v10;
	v4 =	vmul.f32 v4, v2;
	v10 =	vld [tilespmem:s13+$0xE0];
	v1 =	vor.u32 v1, v13  }
0x2d6: {  	v13 =	vld [tilespmem:s13+$0xB0];
	[tilespmem:s13+$0x40] =	vst v3;
	v3 =	vmul.f32 v5, v2;
	v1 =	vbroadcast v1, $0x0  }
0x2d7: {  	s18 =	sadd.s32 $0x200, s13;
	v5 =	vld.idx.msk [tilespmem:v6+s25+$0x0], $0xffff;
	[tilespmem:s13+$0x50] =	vst v4;
	v2 =	vmul.f32 v7, v2  }
0x2d8: {  	v7 =	vld [tilespmem:s18+$0xF0];
	[tilespmem:s13+$0x60] =	vst v3;
	v3 =	vmul.f32 v8, v0  }
0x2d9: {  	v8 =	vld [tilespmem:s18+$0xFFFFFF00];
	[tilespmem:s13+$0x70] =	vst v2;
	v2 =	vmul.f32 v14, v0  }
0x2da: {  	v4 =	vld.idx.msk [tilespmem:v12+s25+$0x0], $0xffff;
	[tilespmem:s13+$0x80] =	vst v3;
	v3 =	vmul.f32 v15, v0  }
0x2db: {  	v6 =	vld.idx.msk [tilespmem:v11+s25+$0x0], $0xffff;
	[tilespmem:s13+$0x90] =	vst v2;
	v2 =	vmul.f32 v13, v0  }
0x2dc: {  	[tilespmem:s13+$0xA0] =	vst v3;
	v3 =	vmul.f32 v16, v0;
	v1 =	vld.idx.msk [tilespmem:v1+s25+$0x0], $0xffff  }
0x2dd: {  	v11 =	vld [tilespmem:s18+$0xFFFFFF10];
	[tilespmem:s16+$0xB0] =	vst v2;
	v2 =	vmul.f32 v9, v0  }
0x2de: {  	v9 =	vld [tilespmem:s18+$0xFFFFFF20];
	v0 =	vmul.f32 v10, v0;
	[tilespmem:s16+$0xC0] =	vst v3  }
0x2df: {  	v3 =	vld [tilespmem:s18+$0xFFFFFF30];
	[tilespmem:s16+$0xD0] =	vst v2  }
0x2e0: {  	v2 =	vld [tilespmem:s18+$0xFFFFFF40];
	[tilespmem:s16+$0xE0] =	vst v0;
	v0 =	vmul.f32 v8, v5  }
0x2e1: {  	v8 =	vld [tilespmem:s18+$0xFFFFFF50];
	v7 =	vmul.f32 v7, v1  }
0x2e2: {  	v10 =	vmul.f32 v11, v5;
	v11 =	vld [tilespmem:s18+$0xFFFFFF60];
	[tilespmem:s18+$0xFFFFFF00] =	vst v0  }
0x2e3: {  	v0 =	vmul.f32 v9, v5;
	[tilespmem:s18+$0xF0] =	vst v7;
	v7 =	vld [tilespmem:s18+$0xFFFFFF70]  }
0x2e4: {  	[tilespmem:s18+$0xFFFFFF10] =	vst v10;
	v9 =	vld [tilespmem:s18+$0xFFFFFF80];
	v3 =	vmul.f32 v3, v5  }
0x2e5: {  	[tilespmem:s18+$0xFFFFFF20] =	vst v0;
	v0 =	vmul.f32 v2, v5;
	v2 =	vld [tilespmem:s18+$0xFFFFFF90]  }
0x2e6: {  	[tilespmem:s18+$0xFFFFFF30] =	vst v3;
	v3 =	vmul.f32 v8, v5;
	v8 =	vld [tilespmem:s18+$0xFFFFFFA0]  }
0x2e7: {  	v10 =	vld [tilespmem:s18+$0xFFFFFFB0];
	[tilespmem:s18+$0xFFFFFF40] =	vst v0;
	v0 =	vmul.f32 v11, v5  }
0x2e8: {  	[tilespmem:s18+$0xFFFFFF50] =	vst v3;
	v3 =	vmul.f32 v7, v5;
	v5 =	vld [tilespmem:s18+$0xFFFFFFC0]  }
0x2e9: {  	[tilespmem:s18+$0xFFFFFF60] =	vst v0;
	v0 =	vmul.f32 v9, v4;
	v7 =	vld [tilespmem:s18+$0xFFFFFFD0]  }
0x2ea: {  	v2 =	vmul.f32 v2, v4;
	[tilespmem:s18+$0xFFFFFF70] =	vst v3;
	v3 =	vld [tilespmem:s18+$0xFFFFFFE0]  }
0x2eb: {  	[tilespmem:s18+$0xFFFFFF80] =	vst v0;
	v0 =	vmul.f32 v8, v4;
	v8 =	vld [tilespmem:s18+$0xFFFFFFF0]  }
0x2ec: {  	v9 =	vld [tilespmem:s18+$0x0];
	[tilespmem:s18+$0xFFFFFF90] =	vst v2;
	v2 =	vmul.f32 v10, v4  }
0x2ed: {  	[tilespmem:s18+$0xFFFFFFA0] =	vst v0;
	v0 =	vmul.f32 v5, v4;
	v5 =	vld [tilespmem:s18+$0x10]  }
0x2ee: {  	[tilespmem:s18+$0xFFFFFFB0] =	vst v2;
	v2 =	vmul.f32 v7, v4;
	v7 =	vld [tilespmem:s18+$0x20]  }
0x2ef: {  	[tilespmem:s18+$0xFFFFFFC0] =	vst v0;
	v0 =	vmul.f32 v3, v4;
	v3 =	vld [tilespmem:s18+$0x30]  }
0x2f0: {  	[tilespmem:s18+$0xFFFFFFD0] =	vst v2;
	v2 =	vmul.f32 v8, v4;
	v4 =	vld [tilespmem:s18+$0x40]  }
0x2f1: {  	v8 =	vld [tilespmem:s18+$0x50];
	[tilespmem:s18+$0xFFFFFFE0] =	vst v0;
	v0 =	vmul.f32 v9, v6  }
0x2f2: {  	[tilespmem:s18+$0xFFFFFFF0] =	vst v2;
	v2 =	vmul.f32 v5, v6;
	v5 =	vld [tilespmem:s18+$0x60]  }
0x2f3: {  	[tilespmem:s18+$0x0] =	vst v0;
	v0 =	vmul.f32 v7, v6;
	v7 =	vld [tilespmem:s18+$0x70]  }
0x2f4: {  	[tilespmem:s18+$0x10] =	vst v2;
	v2 =	vmul.f32 v3, v6;
	v3 =	vld [tilespmem:s18+$0x80]  }
0x2f5: {  	[tilespmem:s18+$0x20] =	vst v0;
	v0 =	vmul.f32 v4, v6;
	v4 =	vld [tilespmem:s18+$0x90]  }
0x2f6: {  	[tilespmem:s18+$0x30] =	vst v2;
	v2 =	vmul.f32 v8, v6;
	v8 =	vld [tilespmem:s18+$0xA0]  }
0x2f7: {  	[tilespmem:s18+$0x40] =	vst v0;
	v0 =	vmul.f32 v5, v6;
	v5 =	vld [tilespmem:s18+$0xB0]  }
0x2f8: {  	[tilespmem:s18+$0x50] =	vst v2;
	v2 =	vmul.f32 v7, v6;
	v6 =	vld [tilespmem:s18+$0xC0]  }
0x2f9: {  	[tilespmem:s18+$0x60] =	vst v0;
	v0 =	vmul.f32 v3, v1;
	v3 =	vld [tilespmem:s18+$0xD0]  }
0x2fa: {  	[tilespmem:s18+$0x70] =	vst v2;
	v2 =	vmul.f32 v4, v1;
	v4 =	vld [tilespmem:s18+$0xE0]  }
0x2fb: {  	[tilespmem:s18+$0x80] =	vst v0;
	v0 =	vmul.f32 v8, v1  }
0x2fc: {  	[tilespmem:s18+$0x90] =	vst v2;
	v2 =	vmul.f32 v5, v1  }
0x2fd: {  	[tilespmem:s18+$0xA0] =	vst v0;
	v0 =	vmul.f32 v6, v1  }
0x2fe: {  	[tilespmem:s18+$0xB0] =	vst v2;
	v2 =	vmul.f32 v3, v1  }
0x2ff: {  	s16 =	sshll.u32 s12, $0xA;
	[tilespmem:s18+$0xC0] =	vst v0;
	v0 =	vmul.f32 v4, v1  }
0x300: {  	s15 =	sor.u32 $0x1, s15;
	s21 =	simm.s32 $0x0;
	s13 =	sshrl.u32 s16, $0x2;
	[tilespmem:s18+$0xD0] =	vst v2  }
0x301: {  	p0 =	seq.s32 s12, $0x18;
	s15 =	sshll.u32 s15, $0x7;
	s19 =	sadd.s32 $0x1C00, s13;
	v1 =	vmov s21;
	[tilespmem:s18+$0xE0] =	vst v0  }
0x302: {  	v1 =	vand.u32 $0x7C, v1;
	v0 =	vmov s15;
	[spmem:s1] =	stream.indirect.scatter.add.f32 [tilespmem:s28], [sflag:$0x3], $0x80, s19, s26, $0xb8;
	[tilespmem:$0x1DC80] =	vst v63  }
0x303: {  	s16 =	sshrl.u32 @!p0 s16, $0x2;
	v1 =	vor.u32 v0, v1;
	_ =	swait.ge [sflag:s23], $0x2800  }
0x304: {  	s16 =	sadd.s32 @!p0 $0x100, s16;
	s19 =	simm.s32 $0x3;
	v1 =	vbroadcast v1, $0x0;
	[sflag:s23] =	ssyncset.done $0x0  }
0x305: {  	s18 =	simm.s32 @!p0 $0x50;
	v2 =	vmov s19;
	s19 =	simm.s32 @!p0 $0x5400;
	[sflag:s23] =	ssyncadd.s32 $0xFFFFD800  }
0x306: {  	v2 =	vand.u32 $0x7F, v2;
	[tilespmem:s19], [sflag:$0x1] =	stream.indirect.gather @!p0 [hbm4b:s17+s18], $0x80, s16, s18, $0xb8;
	[tilespmem:$0x1DC80] =	vst v63  }
0x307: {  	v2 =	vor.u32 v0, v2;
	_ =	swait.ge [sflag:s0], $0x2800  }
0x308: {  	v2 =	vbroadcast v2, $0x0;
	[sflag:s0] =	ssyncset.done $0x0  }
0x309: {  	[sflag:s0] =	ssyncadd.s32 $0xFFFFD800  }
0x30a: {  	s16 =	simm.s32 $0x7D00;
	v3 =	vld.idx.msk [tilespmem:v1+s25+$0x0], $0xffff  }
0x30b: {  	v5 =	vld [tilespmem:s16+$0xFFFFFF00]  }
0x30c: {  	s21 =	simm.s32 $0x1;
	v6 =	vld [tilespmem:s16+$0xFFFFFF10]  }
0x30d: {  	v4 =	vmov s21;
	v7 =	vld [tilespmem:s16+$0xFFFFFF20]  }
0x30e: {  	v1 =	vld.idx.msk [tilespmem:v2+s25+$0x0], $0xffff;
	v2 =	vand.u32 $0x7D, v4  }
0x30f: {  	v8 =	vld [tilespmem:s16+$0xFFFFFF30];
	v2 =	vor.u32 v0, v2  }
0x310: {  	v4 =	vld [tilespmem:s16+$0xF0];
	v2 =	vbroadcast v2, $0x0  }
0x311: {  	v9 =	vld [tilespmem:s16+$0xFFFFFF40]  }
0x312: {  	v10 =	vld [tilespmem:s16+$0xFFFFFF50];
	v5 =	vmul.f32 v5, v3  }
0x313: {  	v11 =	vld [tilespmem:s16+$0xFFFFFF60];
	v6 =	vmul.f32 v6, v3  }
0x314: {  	[tilespmem:s16+$0xFFFFFF00] =	vst v5;
	v5 =	vld [tilespmem:s16+$0xFFFFFF70]  }
0x315: {  	s19 =	simm.s32 $0x2;
	v4 =	vmul.f32 v4, v1;
	[tilespmem:s16+$0xFFFFFF10] =	vst v6;
	v6 =	vmul.f32 v8, v3;
	v8 =	vld [tilespmem:s16+$0xFFFFFFA0]  }
0x316: {  	v12 =	vmov s19;
	v13 =	vld.idx.msk [tilespmem:v2+s25+$0x0], $0xffff  }
0x317: {  	[tilespmem:s16+$0xF0] =	vst v4;
	v4 =	vmul.f32 v7, v3;
	v2 =	vand.u32 $0x7E, v12;
	v12 =	vld [tilespmem:s16+$0xFFFFFF80]  }
0x318: {  	v7 =	vld [tilespmem:s16+$0xFFFFFF90];
	[tilespmem:s16+$0xFFFFFF30] =	vst v6;
	v6 =	vmul.f32 v10, v3;
	v2 =	vor.u32 v0, v2  }
0x319: {  	v11 =	vmul.f32 v11, v3;
	v10 =	vld [tilespmem:s16+$0xFFFFFFC0];
	[tilespmem:s16+$0xFFFFFF20] =	vst v4;
	v2 =	vbroadcast v2, $0x0  }
0x31a: {  	v4 =	vmul.f32 v9, v3;
	[tilespmem:s16+$0xFFFFFF50] =	vst v6;
	v6 =	vld [tilespmem:s16+$0xFFFFFFE0]  }
0x31b: {  	[tilespmem:s16+$0xFFFFFF60] =	vst v11;
	v9 =	vld [tilespmem:s16+$0xFFFFFFB0];
	v3 =	vmul.f32 v5, v3  }
0x31c: {  	v5 =	vld [tilespmem:s16+$0xFFFFFFF0];
	[tilespmem:s16+$0xFFFFFF40] =	vst v4;
	v4 =	vmul.f32 v12, v13  }
0x31d: {  	[tilespmem:s16+$0xFFFFFF70] =	vst v3;
	v12 =	vld [tilespmem:s16+$0xFFFFFFD0];
	v3 =	vmul.f32 v8, v13  }
0x31e: {  	[tilespmem:s16+$0xFFFFFF80] =	vst v4;
	v4 =	vmul.f32 v7, v13;
	v7 =	vld [tilespmem:s16+$0x0]  }
0x31f: {  	v6 =	vmul.f32 v6, v13;
	[tilespmem:s16+$0xFFFFFFA0] =	vst v3;
	v2 =	vld.idx.msk [tilespmem:v2+s25+$0x0], $0xffff  }
0x320: {  	v8 =	vld [tilespmem:s16+$0x10];
	[tilespmem:s16+$0xFFFFFF90] =	vst v4;
	v4 =	vmul.f32 v9, v13  }
0x321: {  	s21 =	simm.s32 $0x4;
	v3 =	vmul.f32 v10, v13;
	[tilespmem:s16+$0xFFFFFFE0] =	vst v6;
	v9 =	vld [tilespmem:s16+$0x20]  }
0x322: {  	v11 =	vmov s21;
	v10 =	vld [tilespmem:s16+$0x30];
	[tilespmem:s16+$0xFFFFFFB0] =	vst v4;
	v4 =	vmul.f32 v12, v13  }
0x323: {  	v11 =	vand.u32 $0x7C, v11;
	[tilespmem:s16+$0xFFFFFFC0] =	vst v3;
	v3 =	vld [tilespmem:s16+$0x40];
	v12 =	vmul.f32 v5, v13  }
0x324: {  	s19 =	simm.s32 $0x5;
	s21 =	simm.s32 $0x6;
	v6 =	vor.u32 v0, v11;
	[tilespmem:s16+$0xFFFFFFD0] =	vst v4;
	v7 =	vmul.f32 v7, v2;
	v4 =	vld [tilespmem:s16+$0x50]  }
0x325: {  	v11 =	vmov s21;
	v13 =	vmov s19;
	v5 =	vld [tilespmem:s16+$0x60];
	v8 =	vmul.f32 v8, v2;
	[tilespmem:s16+$0xFFFFFFF0] =	vst v12  }
0x326: {  	v11 =	vand.u32 $0x7E, v11;
	v12 =	vand.u32 $0x7D, v13;
	v9 =	vmul.f32 v9, v2;
	[tilespmem:s16+$0x0] =	vst v7;
	v7 =	vld [tilespmem:s16+$0x70]  }
0x327: {  	s18 =	simm.s32 $0x7D00;
	s21 =	simm.s32 $0x7;
	v6 =	vbroadcast v6, $0x0;
	s19 =	simm.s32 $0x8;
	v10 =	vmul.f32 v10, v2;
	v12 =	vor.u32 v0, v12;
	[tilespmem:s16+$0x10] =	vst v8;
	v8 =	vld [tilespmem:s16+$0x80]  }
.LBB2_24:
0x328: {  	p1 =	slt.u32 s19, $0x4C;
	v11 =	vor.u32 v0, v11;
	v13 =	vmov s21;
	[tilespmem:s16+$0x20] =	vst v9;
	v3 =	vmul.f32 v3, v2;
	v9 =	vld [tilespmem:s16+$0x90]  }
0x329: {  	v12 =	vbroadcast v12, $0x0;
	v13 =	vand.u32 $0x7F, v13;
	[tilespmem:s16+$0x30] =	vst v10;
	v4 =	vmul.f32 v4, v2;
	v10 =	vld [tilespmem:s16+$0xA0]  }
0x32a: {  	v11 =	vbroadcast v11, $0x0;
	v13 =	vor.u32 v0, v13;
	[tilespmem:s16+$0x40] =	vst v3;
	v3 =	vmul.f32 v5, v2;
	v5 =	vld [tilespmem:s16+$0xB0]  }
0x32b: {  	v13 =	vbroadcast v13, $0x0;
	[tilespmem:s16+$0x50] =	vst v4;
	v2 =	vmul.f32 v7, v2;
	v4 =	vld [tilespmem:s16+$0xC0]  }
0x32c: {  	[tilespmem:s16+$0x60] =	vst v3;
	v3 =	vmul.f32 v8, v1;
	v7 =	vld [tilespmem:s16+$0xD0]  }
0x32d: {  	[tilespmem:s16+$0x70] =	vst v2;
	v2 =	vmul.f32 v9, v1;
	v8 =	vld [tilespmem:s16+$0xE0]  }
0x32e: {  	v6 =	vld.idx.msk [tilespmem:v6+s25+$0x0], $0xffff;
	[tilespmem:s16+$0x80] =	vst v3;
	v3 =	vmul.f32 v10, v1  }
0x32f: {  	v9 =	vld.idx.msk [tilespmem:v12+s25+$0x0], $0xffff;
	[tilespmem:s16+$0x90] =	vst v2;
	v5 =	vmul.f32 v5, v1  }
0x330: {  	v2 =	vld.idx.msk [tilespmem:v11+s25+$0x0], $0xffff;
	[tilespmem:s16+$0xA0] =	vst v3;
	v3 =	vmul.f32 v4, v1  }
0x331: {  	s16 =	sadd.s32 $0x200, s16;
	v4 =	vld.idx.msk [tilespmem:v13+s25+$0x0], $0xffff;
	[tilespmem:s18+$0xB0] =	vst v5;
	v5 =	vmul.f32 v7, v1  }
0x332: {  	v7 =	vld [tilespmem:s16+$0xF0];
	[tilespmem:s18+$0xC0] =	vst v3;
	v1 =	vmul.f32 v8, v1  }
0x333: {  	v3 =	vld [tilespmem:s16+$0xFFFFFF00];
	[tilespmem:s18+$0xD0] =	vst v5  }
0x334: {  	v5 =	vld [tilespmem:s16+$0xFFFFFF10];
	[tilespmem:s18+$0xE0] =	vst v1;
	s18 =	smov.u32 s16  }
0x335: {  	v8 =	vld [tilespmem:s16+$0xFFFFFF20]  }
0x336: {  	v10 =	vld [tilespmem:s16+$0xFFFFFF30]  }
0x337: {  	v1 =	vmov v4;
	v11 =	vld [tilespmem:s16+$0xFFFFFF40];
	v7 =	vmul.f32 v7, v4  }
0x338: {  	v3 =	vmul.f32 v3, v6;
	v4 =	vld [tilespmem:s16+$0xFFFFFF50]  }
0x339: {  	v5 =	vmul.f32 v5, v6;
	v12 =	vld [tilespmem:s16+$0xFFFFFF60];
	[tilespmem:s16+$0xF0] =	vst v7  }
0x33a: {  	[tilespmem:s16+$0xFFFFFF00] =	vst v3;
	v3 =	vmul.f32 v8, v6;
	v7 =	vld [tilespmem:s16+$0xFFFFFF70]  }
0x33b: {  	[tilespmem:s16+$0xFFFFFF10] =	vst v5;
	v5 =	vmul.f32 v10, v6;
	v8 =	vld [tilespmem:s16+$0xFFFFFF80]  }
0x33c: {  	[tilespmem:s16+$0xFFFFFF20] =	vst v3;
	v3 =	vmul.f32 v11, v6;
	v10 =	vld [tilespmem:s16+$0xFFFFFF90]  }
0x33d: {  	[tilespmem:s16+$0xFFFFFF30] =	vst v5;
	v4 =	vmul.f32 v4, v6;
	v5 =	vld [tilespmem:s16+$0xFFFFFFA0]  }
0x33e: {  	[tilespmem:s16+$0xFFFFFF40] =	vst v3;
	v3 =	vmul.f32 v12, v6;
	v11 =	vld [tilespmem:s16+$0xFFFFFFB0]  }
0x33f: {  	[tilespmem:s16+$0xFFFFFF50] =	vst v4;
	v4 =	vmul.f32 v7, v6;
	v6 =	vld [tilespmem:s16+$0xFFFFFFC0]  }
0x340: {  	[tilespmem:s16+$0xFFFFFF60] =	vst v3;
	v3 =	vmul.f32 v8, v9;
	v7 =	vld [tilespmem:s16+$0xFFFFFFD0]  }
0x341: {  	[tilespmem:s16+$0xFFFFFF70] =	vst v4;
	v4 =	vmul.f32 v10, v9;
	v8 =	vld [tilespmem:s16+$0xFFFFFFE0]  }
0x342: {  	[tilespmem:s16+$0xFFFFFF80] =	vst v3;
	v3 =	vmul.f32 v5, v9;
	v5 =	vld [tilespmem:s16+$0xFFFFFFF0]  }
0x343: {  	[tilespmem:s16+$0xFFFFFF90] =	vst v4;
	v4 =	vmul.f32 v11, v9;
	v10 =	vld [tilespmem:s16+$0x0]  }
0x344: {  	[tilespmem:s16+$0xFFFFFFA0] =	vst v3;
	v3 =	vmul.f32 v6, v9;
	v6 =	vld [tilespmem:s16+$0x10]  }
0x345: {  	[tilespmem:s16+$0xFFFFFFB0] =	vst v4;
	v4 =	vmul.f32 v7, v9;
	v7 =	vld [tilespmem:s16+$0x20]  }
0x346: {  	[tilespmem:s16+$0xFFFFFFC0] =	vst v3;
	v8 =	vmul.f32 v8, v9;
	v13 =	vld [tilespmem:s16+$0x30]  }
.Ltmp17:
0x347: {  	s21 =	sadd.s32 $0x1, s19;
	v11 =	vmov s19;
	[tilespmem:s16+$0xFFFFFFD0] =	vst v4;
	v5 =	vmul.f32 v5, v9;
	v3 =	vld [tilespmem:s16+$0x40];
	(pc) =	sbr.rel @p1 .LBB2_24-.Ltmp17, $4  }
0x348: {  	v9 =	vand.u32 $0x7C, v11;
	v11 =	vmov s21;
	s21 =	sadd.s32 $0x2, s19;
	[tilespmem:s16+$0xFFFFFFE0] =	vst v8;
	v8 =	vmul.f32 v10, v2;
	v4 =	vld [tilespmem:s16+$0x50]  }
0x349: {  	v10 =	vor.u32 v0, v9;
	v9 =	vmov s21;
	[tilespmem:s16+$0xFFFFFFF0] =	vst v5;
	v14 =	vmul.f32 v6, v2;
	v5 =	vld [tilespmem:s16+$0x60]  }
0x34a: {  	v12 =	vand.u32 $0x7D, v11;
	v11 =	vand.u32 $0x7E, v9;
	[tilespmem:s16+$0x0] =	vst v8;
	v9 =	vmul.f32 v7, v2;
	v7 =	vld [tilespmem:s16+$0x70]  }
0x34b: {  	s21 =	sadd.s32 $0x3, s19;
	s19 =	sadd.s32 $0x4, s19;
	v6 =	vbroadcast v10, $0x0;
	v12 =	vor.u32 v0, v12;
	[tilespmem:s16+$0x10] =	vst v14;
	v10 =	vmul.f32 v13, v2;
	v8 =	vld [tilespmem:s16+$0x80]  }
0x34c: {  	v14 =	vld [tilespmem:s16+$0x90]  }
0x34d: {  	v15 =	vld [tilespmem:s16+$0xA0]  }
0x34e: {  	v42 =	vld [tilespmem:s16+$0xB0]  }
0x34f: {  	v16 =	vld [tilespmem:s16+$0xC0]  }
0x350: {  	[tilespmem:s16+$0x20] =	vst v9;
	v3 =	vmul.f32 v3, v2;
	v43 =	vld [tilespmem:s16+$0xD0]  }
0x351: {  	v44 =	vld [tilespmem:s16+$0xE0];
	[tilespmem:s16+$0x30] =	vst v10;
	v4 =	vmul.f32 v4, v2  }
0x352: {  	s19 =	sadd.s32 $0x200, s16;
	v46 =	vld.idx.msk [tilespmem:v6+s25+$0x0], $0xffff;
	[tilespmem:s16+$0x40] =	vst v3;
	v45 =	vmul.f32 v5, v2  }
0x353: {  	v52 =	vld [tilespmem:s19+$0xF0];
	[tilespmem:s16+$0x50] =	vst v4;
	v47 =	vmul.f32 v7, v2  }
0x354: {  	v54 =	vld [tilespmem:s19+$0xFFFFFF00];
	[tilespmem:s16+$0x60] =	vst v45;
	v49 =	vmul.f32 v8, v1  }
0x355: {  	v56 =	vld [tilespmem:s19+$0xFFFFFF10];
	[tilespmem:s16+$0x70] =	vst v47;
	v50 =	vmul.f32 v14, v1  }
0x356: {  	v12 =	vbroadcast v12, $0x0;
	v58 =	vld [tilespmem:s19+$0xFFFFFF20];
	v51 =	vmul.f32 v15, v1;
	[tilespmem:s16+$0x80] =	vst v49  }
0x357: {  	v60 =	vld [tilespmem:s19+$0xFFFFFF30];
	v53 =	vmul.f32 v42, v1;
	[tilespmem:s16+$0x90] =	vst v50  }
0x358: {  	v61 =	vld [tilespmem:s19+$0xFFFFFF40];
	v55 =	vmul.f32 v16, v1;
	[tilespmem:s16+$0xA0] =	vst v51  }
0x359: {  	v13 =	vmov s21;
	v63 =	vld [tilespmem:s19+$0xFFFFFF50];
	v57 =	vmul.f32 v43, v1;
	[tilespmem:s18+$0xB0] =	vst v53  }
0x35a: {  	v13 =	vand.u32 $0x7F, v13;
	v18 =	vld [tilespmem:s19+$0xFFFFFF90];
	v59 =	vmul.f32 v44, v1;
	[tilespmem:s18+$0xC0] =	vst v55  }
0x35b: {  	v41 =	vor.u32 v0, v13;
	v13 =	vld [tilespmem:s19+$0xFFFFFF60];
	v62 =	vmul.f32 v54, v46;
	[tilespmem:s18+$0xD0] =	vst v57  }
0x35c: {  	v48 =	vld.idx.msk [tilespmem:v12+s25+$0x0], $0xffff;
	v12 =	vmul.f32 v56, v46;
	[tilespmem:s18+$0xE0] =	vst v59  }
0x35d: {  	v15 =	vld [tilespmem:s19+$0xFFFFFF70];
	v14 =	vmul.f32 v58, v46;
	[tilespmem:s19+$0xFFFFFF00] =	vst v62  }
0x35e: {  	v16 =	vld [tilespmem:s19+$0xFFFFFF80];
	v3 =	vmul.f32 v60, v46;
	[tilespmem:s19+$0xFFFFFF10] =	vst v12  }
0x35f: {  	v11 =	vor.u32 v0, v11;
	v20 =	vld [tilespmem:s19+$0xFFFFFFA0];
	v17 =	vmul.f32 v61, v46;
	[tilespmem:s19+$0xFFFFFF20] =	vst v14  }
0x360: {  	v11 =	vbroadcast v11, $0x0;
	v22 =	vld [tilespmem:s19+$0xFFFFFFB0];
	v19 =	vmul.f32 v63, v46;
	[tilespmem:s19+$0xFFFFFF30] =	vst v3  }
0x361: {  	v24 =	vld [tilespmem:s19+$0xFFFFFFC0];
	v21 =	vmul.f32 v13, v46;
	[tilespmem:s19+$0xFFFFFF40] =	vst v17  }
0x362: {  	v26 =	vld [tilespmem:s19+$0xFFFFFFD0];
	[tilespmem:s19+$0xFFFFFF50] =	vst v19;
	v23 =	vmul.f32 v15, v46  }
0x363: {  	v27 =	vld [tilespmem:s19+$0xFFFFFFE0];
	[tilespmem:s19+$0xFFFFFF60] =	vst v21;
	v25 =	vmul.f32 v16, v48  }
0x364: {  	v29 =	vld [tilespmem:s19+$0xFFFFFFF0];
	v2 =	vmul.f32 v18, v48;
	[tilespmem:s19+$0xFFFFFF70] =	vst v23  }
0x365: {  	v31 =	vld [tilespmem:s19+$0x0];
	v28 =	vmul.f32 v20, v48;
	[tilespmem:s19+$0xFFFFFF80] =	vst v25  }
0x366: {  	v6 =	vld.idx.msk [tilespmem:v11+s25+$0x0], $0xffff;
	v30 =	vmul.f32 v22, v48;
	[tilespmem:s19+$0xFFFFFF90] =	vst v2  }
0x367: {  	v33 =	vld [tilespmem:s19+$0x10];
	v0 =	vbroadcast v41, $0x0;
	v32 =	vmul.f32 v24, v48;
	[tilespmem:s19+$0xFFFFFFA0] =	vst v28  }
0x368: {  	v35 =	vld [tilespmem:s19+$0x20];
	v34 =	vmul.f32 v26, v48;
	[tilespmem:s19+$0xFFFFFFB0] =	vst v30  }
0x369: {  	v37 =	vld [tilespmem:s19+$0x30];
	v36 =	vmul.f32 v27, v48;
	[tilespmem:s19+$0xFFFFFFC0] =	vst v32  }
0x36a: {  	v39 =	vld [tilespmem:s19+$0x40];
	v38 =	vmul.f32 v29, v48;
	[tilespmem:s19+$0xFFFFFFD0] =	vst v34  }
0x36b: {  	v41 =	vld [tilespmem:s19+$0x50];
	v40 =	vmul.f32 v31, v6;
	[tilespmem:s19+$0xFFFFFFE0] =	vst v36  }
0x36c: {  	v45 =	vld [tilespmem:s19+$0x70];
	v42 =	vmul.f32 v33, v6;
	[tilespmem:s19+$0xFFFFFFF0] =	vst v38  }
0x36d: {  	v0 =	vld.idx.msk [tilespmem:v0+s25+$0x0], $0xffff;
	v44 =	vmul.f32 v35, v6;
	[tilespmem:s19+$0x0] =	vst v40  }
0x36e: {  	v43 =	vld [tilespmem:s19+$0x60];
	v46 =	vmul.f32 v37, v6;
	[tilespmem:s19+$0x10] =	vst v42  }
0x36f: {  	v47 =	vld [tilespmem:s19+$0x80];
	v48 =	vmul.f32 v39, v6;
	[tilespmem:s19+$0x20] =	vst v44  }
0x370: {  	v49 =	vld [tilespmem:s19+$0x90];
	v50 =	vmul.f32 v41, v6;
	[tilespmem:s19+$0x30] =	vst v46  }
0x371: {  	v51 =	vld [tilespmem:s19+$0xA0];
	v54 =	vmul.f32 v45, v6;
	[tilespmem:s19+$0x40] =	vst v48  }
0x372: {  	v53 =	vld [tilespmem:s19+$0xB0];
	v7 =	vmul.f32 v52, v0;
	[tilespmem:s19+$0x50] =	vst v50  }
0x373: {  	v55 =	vld [tilespmem:s19+$0xC0];
	v52 =	vmul.f32 v43, v6;
	[tilespmem:s19+$0x70] =	vst v54  }
0x374: {  	v57 =	vld [tilespmem:s19+$0xD0];
	v56 =	vmul.f32 v47, v0;
	[tilespmem:s19+$0xF0] =	vst v7  }
0x375: {  	v59 =	vld [tilespmem:s19+$0xE0];
	v58 =	vmul.f32 v49, v0;
	[tilespmem:s19+$0x60] =	vst v52  }
0x376: {  	v60 =	vmul.f32 v51, v0;
	[tilespmem:s19+$0x80] =	vst v56  }
0x377: {  	v61 =	vmul.f32 v53, v0;
	[tilespmem:s19+$0x90] =	vst v58  }
0x378: {  	v62 =	vmul.f32 v55, v0;
	[tilespmem:s19+$0xA0] =	vst v60  }
0x379: {  	v63 =	vmul.f32 v57, v0;
	[tilespmem:s19+$0xB0] =	vst v61  }
0x37a: {  	v0 =	vmul.f32 v59, v0;
	[tilespmem:s19+$0xC0] =	vst v62  }
0x37b: {  	s15 =	sand.u32 $0x3FFFFF80, s15;
	[tilespmem:s19+$0xD0] =	vst v63  }
.Ltmp18:
0x37c: {  	s15 =	sadd.s32 $0x1C00, s15;
	[tilespmem:s19+$0xE0] =	vst v0;
	(pc) =	sbr.rel @p0 .LBB2_27-.Ltmp18, $4  }
0x37d: {  	[spmem:s1] =	stream.indirect.scatter.add.f32 [tilespmem:s30], [sflag:$0x3], $0x80, s15, s26, $0xb8;
	[tilespmem:$0x1DC80] =	vst v63  }
0x37e: {  	_ =	swait.ge [sflag:s23], $0x2800  }
0x37f: {  	[sflag:s23] =	ssyncset.done $0x0  }
0x380: {  	[sflag:s23] =	ssyncadd.s32 $0xFFFFD800  }
.Ltmp19:
0x381: {  	(pc) =	sbr.rel .LBB2_21-.Ltmp19, $3  }
0x382: {  	_ =	sdelay $0x1  }
0x383: {  	s13 =	sadd.s32 $0x180, s13;
	s12 =	sadd.s32 $0x1, s12  }
0x384: {  	[tilespmem:s30], [sflag:$0x2] =	stream.indirect.gather [hbm4b:s17+s26], $0x80, s13, s26, $0xb8;
	[tilespmem:$0x1DC80] =	vst v63  }
.LBB2_28:
0x385: {  	[bflag:$0x0] =	sbarrier.arrive $0xFFFF  }
0x386: {  	s7 =	rddreg [dreg:$0xa]  }
0x387: {  	[hbm:s7], [sflag:s9] =	dma.local [spmem:s3], $0x2710  }
0x388: {  	_ =	swait.ge [sflag:s23], $0x2710  }
0x389: {  	[sflag:s23] =	ssyncset.done $0x0  }
0x38a: {  	[sflag:s23] =	ssyncadd.s32 $0xFFFFD8F0  }
0x38b: {  	[bflag:$0x0] =	sbarrier.arrive $0xFFFF  }
0x38c: {  	s21 =	rddreg [dreg:$0xb]  }
0x38d: {  	[spmem:s3], [sflag:s9] =	dma.local [hbm:s21], $0x2710  }
.Ltmp20:
0x38e: {  	_ =	swait.ge [sflag:s23], $0x2710;
	(pc) =	sbr.rel .LBB2_29-.Ltmp20, $4  }
0x38f: {  	[sflag:s23] =	ssyncset.done $0x0  }
0x390: {  	[sflag:s23] =	ssyncadd.s32 $0xFFFFD8F0  }
0x391: {  	[bflag:$0x0] =	sbarrier.arrive $0xFFFF  }
0x392: {  	s8 =	simm.s32 $0x0;
	s7 =	simm.s32 $0x0  }
.LBB2_36:
0x393: {  	s8 =	sadd.s32 $0x1, s8  }
0x394: {  	p0 =	sne.s32 s8, $0x5  }
.Ltmp21:
0x395: {  	_ = 	snop;
	(pc) =	sbr.rel @!p0 .LBB2_37-.Ltmp21, $1  }
0x396: {  	_ =	sdelay $0x3  }
.LBB2_29:
0x397: {  	s12 =	smul.u32 $0x1C00, s8;
	_ =	sdelay $0x1  }
0x398: {  	s12 =	sadd.s32 s10, s12  }
0x399: {  	s12 =	sshrl.u32 s12, $0x3  }
0x39a: {  	s13 =	sadd.s32 s4, s12  }
0x39b: {  	[tilespmem:s7], [sflag:$0x3] =	stream.linear.gather [hbm4b:s13+s7], $0x1900, $0x38;
	[tilespmem:$0x1DC80] =	vst v63  }
0x39c: {  	_ =	swait.ge [sflag:s23], $0x1900  }
0x39d: {  	[sflag:s23] =	ssyncset.done $0x0  }
0x39e: {  	s21 =	sadd.s32 s5, s12;
	[sflag:s23] =	ssyncadd.s32 $0xFFFFE700  }
0x39f: {  	[tilespmem:s24], [sflag:$0x3] =	stream.linear.gather [hbm4b:s21+s7], $0x1900, $0x38;
	[tilespmem:$0x1DC80] =	vst v63  }
0x3a0: {  	_ =	swait.ge [sflag:s23], $0x1900  }
0x3a1: {  	[sflag:s23] =	ssyncset.done $0x0  }
0x3a2: {  	s12 =	sadd.s32 s6, s12;
	[sflag:s23] =	ssyncadd.s32 $0xFFFFE700  }
0x3a3: {  	[tilespmem:s25], [sflag:$0x3] =	stream.linear.gather [hbm4b:s12+s7], $0x1900, $0x38;
	[tilespmem:$0x1DC80] =	vst v63  }
0x3a4: {  	_ =	swait.ge [sflag:s23], $0x1900  }
0x3a5: {  	[sflag:s23] =	ssyncset.done $0x0  }
0x3a6: {  	[sflag:s23] =	ssyncadd.s32 $0xFFFFE700  }
0x3a7: {  	[tilespmem:s28], [sflag:$0x1] =	stream.indirect.gather [hbm4b:s20+s26], $0x80, s7, s26, $0xb8;
	[tilespmem:$0x1DC80] =	vst v63  }
0x3a8: {  	s12 =	simm.s32 $0x0  }
0x3a9: {  	[tilespmem:s30], [sflag:$0x2] =	stream.indirect.gather [hbm4b:s20+s26], $0x80, s29, s26, $0xb8;
	[tilespmem:$0x1DC80] =	vst v63  }
.LBB2_30:
0x3aa: {  	s13 =	simm.s32 $0x0  }
0x3ab: {  	s15 =	sshll.u32 s12, $0x8;
	s19 =	simm.s32 $0x3;
	v0 =	vmov s13  }
0x3ac: {  	v1 =	vmov s15;
	v2 =	vmov s19;
	v0 =	vand.u32 $0x7C, v0  }
0x3ad: {  	v2 =	vand.u32 $0x7F, v2;
	v0 =	vor.u32 v1, v0  }
0x3ae: {  	v2 =	vor.u32 v1, v2;
	v0 =	vbroadcast v0, $0x0  }
0x3af: {  	_ =	swait.ge [sflag:s31], $0x2800;
	v2 =	vbroadcast v2, $0x0  }
0x3b0: {  	[sflag:s31] =	ssyncset.done $0x0  }
0x3b1: {  	s13 =	simm.s32 $0x5500;
	[sflag:s31] =	ssyncadd.s32 $0xFFFFD800  }
0x3b2: {  	v5 =	vld [tilespmem:s13+$0xFFFFFF00]  }
0x3b3: {  	s21 =	simm.s32 $0x1;
	v6 =	vld [tilespmem:s13+$0xFFFFFF10]  }
0x3b4: {  	v4 =	vmov s21;
	v3 =	vld.idx.msk [tilespmem:v0+s25+$0x0], $0xffff  }
0x3b5: {  	v0 =	vld.idx.msk [tilespmem:v2+s25+$0x0], $0xffff;
	v2 =	vand.u32 $0x7D, v4  }
0x3b6: {  	v7 =	vld [tilespmem:s13+$0xFFFFFF20];
	v2 =	vor.u32 v1, v2  }
0x3b7: {  	v4 =	vld [tilespmem:s13+$0xF0];
	v2 =	vbroadcast v2, $0x0  }
0x3b8: {  	v8 =	vld [tilespmem:s13+$0xFFFFFF30]  }
0x3b9: {  	v9 =	vld [tilespmem:s13+$0xFFFFFF40]  }
0x3ba: {  	v10 =	vld [tilespmem:s13+$0xFFFFFF50];
	v5 =	vmul.f32 v5, v3  }
0x3bb: {  	v11 =	vld [tilespmem:s13+$0xFFFFFF60]  }
0x3bc: {  	s16 =	simm.s32 $0x2;
	v4 =	vmul.f32 v4, v0;
	[tilespmem:s13+$0xFFFFFF00] =	vst v5;
	v5 =	vld [tilespmem:s13+$0xFFFFFF70]  }
0x3bd: {  	v12 =	vmov s16;
	v6 =	vmul.f32 v6, v3;
	v13 =	vld.idx.msk [tilespmem:v2+s25+$0x0], $0xffff  }
0x3be: {  	[tilespmem:s13+$0xF0] =	vst v4;
	v4 =	vmul.f32 v7, v3;
	v2 =	vand.u32 $0x7E, v12;
	v12 =	vld [tilespmem:s13+$0xFFFFFF80]  }
0x3bf: {  	v7 =	vld [tilespmem:s13+$0xFFFFFF90];
	[tilespmem:s13+$0xFFFFFF10] =	vst v6;
	v6 =	vmul.f32 v8, v3;
	v2 =	vor.u32 v1, v2  }
0x3c0: {  	v8 =	vld [tilespmem:s13+$0xFFFFFFA0];
	[tilespmem:s13+$0xFFFFFF20] =	vst v4;
	v4 =	vmul.f32 v9, v3;
	v2 =	vbroadcast v2, $0x0  }
0x3c1: {  	v9 =	vld [tilespmem:s13+$0xFFFFFFB0];
	[tilespmem:s13+$0xFFFFFF30] =	vst v6;
	v6 =	vmul.f32 v10, v3  }
0x3c2: {  	v11 =	vmul.f32 v11, v3;
	v10 =	vld [tilespmem:s13+$0xFFFFFFC0];
	[tilespmem:s13+$0xFFFFFF40] =	vst v4;
	v3 =	vmul.f32 v5, v3  }
0x3c3: {  	[tilespmem:s13+$0xFFFFFF50] =	vst v6;
	v6 =	vld [tilespmem:s13+$0xFFFFFFE0];
	v4 =	vmul.f32 v12, v13  }
0x3c4: {  	v12 =	vld [tilespmem:s13+$0xFFFFFFD0];
	[tilespmem:s13+$0xFFFFFF70] =	vst v3  }
0x3c5: {  	v3 =	vmul.f32 v8, v13;
	[tilespmem:s13+$0xFFFFFF80] =	vst v4;
	v4 =	vmul.f32 v7, v13;
	v7 =	vld [tilespmem:s13+$0x0]  }
0x3c6: {  	[tilespmem:s13+$0xFFFFFF60] =	vst v11;
	v2 =	vld.idx.msk [tilespmem:v2+s25+$0x0], $0xffff  }
0x3c7: {  	v5 =	vld [tilespmem:s13+$0xFFFFFFF0];
	[tilespmem:s13+$0xFFFFFFA0] =	vst v3;
	v3 =	vmul.f32 v10, v13  }
0x3c8: {  	v8 =	vld [tilespmem:s13+$0x10];
	[tilespmem:s13+$0xFFFFFF90] =	vst v4;
	v4 =	vmul.f32 v9, v13  }
0x3c9: {  	s18 =	simm.s32 $0x4;
	v6 =	vmul.f32 v6, v13;
	v9 =	vld [tilespmem:s13+$0x20];
	[tilespmem:s13+$0xFFFFFFC0] =	vst v3  }
0x3ca: {  	v11 =	vmov s18;
	v10 =	vld [tilespmem:s13+$0x30];
	[tilespmem:s13+$0xFFFFFFB0] =	vst v4;
	v4 =	vmul.f32 v12, v13  }
0x3cb: {  	v11 =	vand.u32 $0x7C, v11;
	v3 =	vld [tilespmem:s13+$0x40];
	[tilespmem:s13+$0xFFFFFFE0] =	vst v6;
	v7 =	vmul.f32 v7, v2  }
0x3cc: {  	s19 =	simm.s32 $0x5;
	s21 =	simm.s32 $0x6;
	v6 =	vor.u32 v1, v11;
	v12 =	vmul.f32 v5, v13;
	[tilespmem:s13+$0xFFFFFFD0] =	vst v4;
	v4 =	vld [tilespmem:s13+$0x50]  }
0x3cd: {  	v13 =	vmov s19;
	v5 =	vld [tilespmem:s13+$0x60];
	v8 =	vmul.f32 v8, v2;
	[tilespmem:s13+$0x0] =	vst v7;
	v7 =	vmov s21  }
0x3ce: {  	s15 =	sshll.u32 s12, $0x1;
	[tilespmem:s13+$0xFFFFFFF0] =	vst v12;
	v12 =	vand.u32 $0x7D, v13;
	v9 =	vmul.f32 v9, v2;
	v11 =	vand.u32 $0x7E, v7;
	v7 =	vld [tilespmem:s13+$0x70]  }
0x3cf: {  	s16 =	simm.s32 $0x5500;
	s18 =	simm.s32 $0x8;
	v6 =	vbroadcast v6, $0x0;
	s19 =	simm.s32 $0x7;
	v10 =	vmul.f32 v10, v2;
	v12 =	vor.u32 v1, v12;
	[tilespmem:s13+$0x10] =	vst v8;
	v8 =	vld [tilespmem:s13+$0x80]  }
.LBB2_31:
0x3d0: {  	p0 =	slt.u32 s18, $0x4C;
	v11 =	vor.u32 v1, v11;
	v13 =	vmov s19;
	[tilespmem:s13+$0x20] =	vst v9;
	v3 =	vmul.f32 v3, v2;
	v9 =	vld [tilespmem:s13+$0x90]  }
0x3d1: {  	v12 =	vbroadcast v12, $0x0;
	v13 =	vand.u32 $0x7F, v13;
	[tilespmem:s13+$0x30] =	vst v10;
	v4 =	vmul.f32 v4, v2;
	v10 =	vld [tilespmem:s13+$0xA0]  }
0x3d2: {  	v11 =	vbroadcast v11, $0x0;
	v13 =	vor.u32 v1, v13;
	[tilespmem:s13+$0x40] =	vst v3;
	v3 =	vmul.f32 v5, v2;
	v5 =	vld [tilespmem:s13+$0xB0]  }
0x3d3: {  	v13 =	vbroadcast v13, $0x0;
	[tilespmem:s13+$0x50] =	vst v4;
	v2 =	vmul.f32 v7, v2;
	v4 =	vld [tilespmem:s13+$0xC0]  }
0x3d4: {  	[tilespmem:s13+$0x60] =	vst v3;
	v3 =	vmul.f32 v8, v0;
	v7 =	vld [tilespmem:s13+$0xD0]  }
0x3d5: {  	[tilespmem:s13+$0x70] =	vst v2;
	v2 =	vmul.f32 v9, v0;
	v8 =	vld [tilespmem:s13+$0xE0]  }
0x3d6: {  	v6 =	vld.idx.msk [tilespmem:v6+s25+$0x0], $0xffff;
	[tilespmem:s13+$0x80] =	vst v3;
	v3 =	vmul.f32 v10, v0  }
0x3d7: {  	v9 =	vld.idx.msk [tilespmem:v12+s25+$0x0], $0xffff;
	[tilespmem:s13+$0x90] =	vst v2;
	v5 =	vmul.f32 v5, v0  }
0x3d8: {  	v2 =	vld.idx.msk [tilespmem:v11+s25+$0x0], $0xffff;
	[tilespmem:s13+$0xA0] =	vst v3;
	v3 =	vmul.f32 v4, v0  }
0x3d9: {  	s13 =	sadd.s32 $0x200, s13;
	v4 =	vld.idx.msk [tilespmem:v13+s25+$0x0], $0xffff;
	[tilespmem:s16+$0xB0] =	vst v5;
	v5 =	vmul.f32 v7, v0  }
0x3da: {  	v7 =	vld [tilespmem:s13+$0xF0];
	[tilespmem:s16+$0xC0] =	vst v3;
	v0 =	vmul.f32 v8, v0  }
0x3db: {  	v3 =	vld [tilespmem:s13+$0xFFFFFF00];
	[tilespmem:s16+$0xD0] =	vst v5  }
0x3dc: {  	v5 =	vld [tilespmem:s13+$0xFFFFFF10];
	[tilespmem:s16+$0xE0] =	vst v0;
	s16 =	smov.u32 s13  }
0x3dd: {  	v8 =	vld [tilespmem:s13+$0xFFFFFF20]  }
0x3de: {  	v10 =	vld [tilespmem:s13+$0xFFFFFF30]  }
0x3df: {  	v0 =	vmov v4;
	v11 =	vld [tilespmem:s13+$0xFFFFFF40];
	v7 =	vmul.f32 v7, v4  }
0x3e0: {  	v3 =	vmul.f32 v3, v6;
	v4 =	vld [tilespmem:s13+$0xFFFFFF50]  }
0x3e1: {  	v5 =	vmul.f32 v5, v6;
	v12 =	vld [tilespmem:s13+$0xFFFFFF60];
	[tilespmem:s13+$0xF0] =	vst v7  }
0x3e2: {  	[tilespmem:s13+$0xFFFFFF00] =	vst v3;
	v3 =	vmul.f32 v8, v6;
	v7 =	vld [tilespmem:s13+$0xFFFFFF70]  }
0x3e3: {  	[tilespmem:s13+$0xFFFFFF10] =	vst v5;
	v5 =	vmul.f32 v10, v6;
	v8 =	vld [tilespmem:s13+$0xFFFFFF80]  }
0x3e4: {  	[tilespmem:s13+$0xFFFFFF20] =	vst v3;
	v3 =	vmul.f32 v11, v6;
	v10 =	vld [tilespmem:s13+$0xFFFFFF90]  }
0x3e5: {  	[tilespmem:s13+$0xFFFFFF30] =	vst v5;
	v4 =	vmul.f32 v4, v6;
	v5 =	vld [tilespmem:s13+$0xFFFFFFA0]  }
0x3e6: {  	[tilespmem:s13+$0xFFFFFF40] =	vst v3;
	v3 =	vmul.f32 v12, v6;
	v11 =	vld [tilespmem:s13+$0xFFFFFFB0]  }
0x3e7: {  	[tilespmem:s13+$0xFFFFFF50] =	vst v4;
	v4 =	vmul.f32 v7, v6;
	v6 =	vld [tilespmem:s13+$0xFFFFFFC0]  }
0x3e8: {  	[tilespmem:s13+$0xFFFFFF60] =	vst v3;
	v3 =	vmul.f32 v8, v9;
	v7 =	vld [tilespmem:s13+$0xFFFFFFD0]  }
0x3e9: {  	[tilespmem:s13+$0xFFFFFF70] =	vst v4;
	v4 =	vmul.f32 v10, v9;
	v8 =	vld [tilespmem:s13+$0xFFFFFFE0]  }
0x3ea: {  	[tilespmem:s13+$0xFFFFFF80] =	vst v3;
	v3 =	vmul.f32 v5, v9;
	v5 =	vld [tilespmem:s13+$0xFFFFFFF0]  }
0x3eb: {  	[tilespmem:s13+$0xFFFFFF90] =	vst v4;
	v4 =	vmul.f32 v11, v9;
	v10 =	vld [tilespmem:s13+$0x0]  }
0x3ec: {  	[tilespmem:s13+$0xFFFFFFA0] =	vst v3;
	v3 =	vmul.f32 v6, v9;
	v6 =	vld [tilespmem:s13+$0x10]  }
0x3ed: {  	[tilespmem:s13+$0xFFFFFFB0] =	vst v4;
	v4 =	vmul.f32 v7, v9;
	v7 =	vld [tilespmem:s13+$0x20]  }
0x3ee: {  	[tilespmem:s13+$0xFFFFFFC0] =	vst v3;
	v8 =	vmul.f32 v8, v9;
	v13 =	vld [tilespmem:s13+$0x30]  }
.Ltmp22:
0x3ef: {  	s19 =	sadd.s32 $0x1, s18;
	v11 =	vmov s18;
	[tilespmem:s13+$0xFFFFFFD0] =	vst v4;
	v5 =	vmul.f32 v5, v9;
	v3 =	vld [tilespmem:s13+$0x40];
	(pc) =	sbr.rel @p0 .LBB2_31-.Ltmp22, $4  }
0x3f0: {  	v9 =	vand.u32 $0x7C, v11;
	v11 =	vmov s19;
	s19 =	sadd.s32 $0x2, s18;
	[tilespmem:s13+$0xFFFFFFE0] =	vst v8;
	v8 =	vmul.f32 v10, v2;
	v4 =	vld [tilespmem:s13+$0x50]  }
0x3f1: {  	v10 =	vor.u32 v1, v9;
	v9 =	vmov s19;
	[tilespmem:s13+$0xFFFFFFF0] =	vst v5;
	v14 =	vmul.f32 v6, v2;
	v5 =	vld [tilespmem:s13+$0x60]  }
0x3f2: {  	v12 =	vand.u32 $0x7D, v11;
	v11 =	vand.u32 $0x7E, v9;
	[tilespmem:s13+$0x0] =	vst v8;
	v9 =	vmul.f32 v7, v2;
	v7 =	vld [tilespmem:s13+$0x70]  }
0x3f3: {  	s19 =	sadd.s32 $0x3, s18;
	s18 =	sadd.s32 $0x4, s18;
	v6 =	vbroadcast v10, $0x0;
	v12 =	vor.u32 v1, v12;
	[tilespmem:s13+$0x10] =	vst v14;
	v10 =	vmul.f32 v13, v2;
	v8 =	vld [tilespmem:s13+$0x80]  }
0x3f4: {  	v14 =	vld [tilespmem:s13+$0x90]  }
0x3f5: {  	v15 =	vld [tilespmem:s13+$0xA0]  }
0x3f6: {  	v13 =	vmov s19;
	v11 =	vor.u32 v1, v11;
	v16 =	vld [tilespmem:s13+$0xC0]  }
0x3f7: {  	v12 =	vbroadcast v12, $0x0;
	[tilespmem:s13+$0x20] =	vst v9;
	v3 =	vmul.f32 v3, v2;
	v9 =	vld [tilespmem:s13+$0xD0];
	v13 =	vand.u32 $0x7F, v13  }
0x3f8: {  	v11 =	vbroadcast v11, $0x0;
	[tilespmem:s13+$0x30] =	vst v10;
	v4 =	vmul.f32 v4, v2;
	v10 =	vld [tilespmem:s13+$0xE0];
	v1 =	vor.u32 v1, v13  }
0x3f9: {  	v13 =	vld [tilespmem:s13+$0xB0];
	[tilespmem:s13+$0x40] =	vst v3;
	v3 =	vmul.f32 v5, v2;
	v1 =	vbroadcast v1, $0x0  }
0x3fa: {  	s18 =	sadd.s32 $0x200, s13;
	v5 =	vld.idx.msk [tilespmem:v6+s25+$0x0], $0xffff;
	[tilespmem:s13+$0x50] =	vst v4;
	v2 =	vmul.f32 v7, v2  }
0x3fb: {  	v7 =	vld [tilespmem:s18+$0xF0];
	[tilespmem:s13+$0x60] =	vst v3;
	v3 =	vmul.f32 v8, v0  }
0x3fc: {  	v8 =	vld [tilespmem:s18+$0xFFFFFF00];
	[tilespmem:s13+$0x70] =	vst v2;
	v2 =	vmul.f32 v14, v0  }
0x3fd: {  	v4 =	vld.idx.msk [tilespmem:v12+s25+$0x0], $0xffff;
	[tilespmem:s13+$0x80] =	vst v3;
	v3 =	vmul.f32 v15, v0  }
0x3fe: {  	v6 =	vld.idx.msk [tilespmem:v11+s25+$0x0], $0xffff;
	[tilespmem:s13+$0x90] =	vst v2;
	v2 =	vmul.f32 v13, v0  }
0x3ff: {  	[tilespmem:s13+$0xA0] =	vst v3;
	v3 =	vmul.f32 v16, v0;
	v1 =	vld.idx.msk [tilespmem:v1+s25+$0x0], $0xffff  }
0x400: {  	v11 =	vld [tilespmem:s18+$0xFFFFFF10];
	[tilespmem:s16+$0xB0] =	vst v2;
	v2 =	vmul.f32 v9, v0  }
0x401: {  	v9 =	vld [tilespmem:s18+$0xFFFFFF20];
	v0 =	vmul.f32 v10, v0;
	[tilespmem:s16+$0xC0] =	vst v3  }
0x402: {  	v3 =	vld [tilespmem:s18+$0xFFFFFF30];
	[tilespmem:s16+$0xD0] =	vst v2  }
0x403: {  	v2 =	vld [tilespmem:s18+$0xFFFFFF40];
	[tilespmem:s16+$0xE0] =	vst v0;
	v0 =	vmul.f32 v8, v5  }
0x404: {  	v8 =	vld [tilespmem:s18+$0xFFFFFF50];
	v7 =	vmul.f32 v7, v1  }
0x405: {  	v10 =	vmul.f32 v11, v5;
	v11 =	vld [tilespmem:s18+$0xFFFFFF60];
	[tilespmem:s18+$0xFFFFFF00] =	vst v0  }
0x406: {  	v0 =	vmul.f32 v9, v5;
	[tilespmem:s18+$0xF0] =	vst v7;
	v7 =	vld [tilespmem:s18+$0xFFFFFF70]  }
0x407: {  	[tilespmem:s18+$0xFFFFFF10] =	vst v10;
	v9 =	vld [tilespmem:s18+$0xFFFFFF80];
	v3 =	vmul.f32 v3, v5  }
0x408: {  	[tilespmem:s18+$0xFFFFFF20] =	vst v0;
	v0 =	vmul.f32 v2, v5;
	v2 =	vld [tilespmem:s18+$0xFFFFFF90]  }
0x409: {  	[tilespmem:s18+$0xFFFFFF30] =	vst v3;
	v3 =	vmul.f32 v8, v5;
	v8 =	vld [tilespmem:s18+$0xFFFFFFA0]  }
0x40a: {  	v10 =	vld [tilespmem:s18+$0xFFFFFFB0];
	[tilespmem:s18+$0xFFFFFF40] =	vst v0;
	v0 =	vmul.f32 v11, v5  }
0x40b: {  	[tilespmem:s18+$0xFFFFFF50] =	vst v3;
	v3 =	vmul.f32 v7, v5;
	v5 =	vld [tilespmem:s18+$0xFFFFFFC0]  }
0x40c: {  	[tilespmem:s18+$0xFFFFFF60] =	vst v0;
	v0 =	vmul.f32 v9, v4;
	v7 =	vld [tilespmem:s18+$0xFFFFFFD0]  }
0x40d: {  	v2 =	vmul.f32 v2, v4;
	[tilespmem:s18+$0xFFFFFF70] =	vst v3;
	v3 =	vld [tilespmem:s18+$0xFFFFFFE0]  }
0x40e: {  	[tilespmem:s18+$0xFFFFFF80] =	vst v0;
	v0 =	vmul.f32 v8, v4;
	v8 =	vld [tilespmem:s18+$0xFFFFFFF0]  }
0x40f: {  	v9 =	vld [tilespmem:s18+$0x0];
	[tilespmem:s18+$0xFFFFFF90] =	vst v2;
	v2 =	vmul.f32 v10, v4  }
0x410: {  	[tilespmem:s18+$0xFFFFFFA0] =	vst v0;
	v0 =	vmul.f32 v5, v4;
	v5 =	vld [tilespmem:s18+$0x10]  }
0x411: {  	[tilespmem:s18+$0xFFFFFFB0] =	vst v2;
	v2 =	vmul.f32 v7, v4;
	v7 =	vld [tilespmem:s18+$0x20]  }
0x412: {  	[tilespmem:s18+$0xFFFFFFC0] =	vst v0;
	v0 =	vmul.f32 v3, v4;
	v3 =	vld [tilespmem:s18+$0x30]  }
0x413: {  	[tilespmem:s18+$0xFFFFFFD0] =	vst v2;
	v2 =	vmul.f32 v8, v4;
	v4 =	vld [tilespmem:s18+$0x40]  }
0x414: {  	v8 =	vld [tilespmem:s18+$0x50];
	[tilespmem:s18+$0xFFFFFFE0] =	vst v0;
	v0 =	vmul.f32 v9, v6  }
0x415: {  	[tilespmem:s18+$0xFFFFFFF0] =	vst v2;
	v2 =	vmul.f32 v5, v6;
	v5 =	vld [tilespmem:s18+$0x60]  }
0x416: {  	[tilespmem:s18+$0x0] =	vst v0;
	v0 =	vmul.f32 v7, v6;
	v7 =	vld [tilespmem:s18+$0x70]  }
0x417: {  	[tilespmem:s18+$0x10] =	vst v2;
	v2 =	vmul.f32 v3, v6;
	v3 =	vld [tilespmem:s18+$0x80]  }
0x418: {  	[tilespmem:s18+$0x20] =	vst v0;
	v0 =	vmul.f32 v4, v6;
	v4 =	vld [tilespmem:s18+$0x90]  }
0x419: {  	[tilespmem:s18+$0x30] =	vst v2;
	v2 =	vmul.f32 v8, v6;
	v8 =	vld [tilespmem:s18+$0xA0]  }
0x41a: {  	[tilespmem:s18+$0x40] =	vst v0;
	v0 =	vmul.f32 v5, v6;
	v5 =	vld [tilespmem:s18+$0xB0]  }
0x41b: {  	[tilespmem:s18+$0x50] =	vst v2;
	v2 =	vmul.f32 v7, v6;
	v6 =	vld [tilespmem:s18+$0xC0]  }
0x41c: {  	[tilespmem:s18+$0x60] =	vst v0;
	v0 =	vmul.f32 v3, v1;
	v3 =	vld [tilespmem:s18+$0xD0]  }
0x41d: {  	[tilespmem:s18+$0x70] =	vst v2;
	v2 =	vmul.f32 v4, v1;
	v4 =	vld [tilespmem:s18+$0xE0]  }
0x41e: {  	[tilespmem:s18+$0x80] =	vst v0;
	v0 =	vmul.f32 v8, v1  }
0x41f: {  	[tilespmem:s18+$0x90] =	vst v2;
	v2 =	vmul.f32 v5, v1  }
0x420: {  	[tilespmem:s18+$0xA0] =	vst v0;
	v0 =	vmul.f32 v6, v1  }
0x421: {  	[tilespmem:s18+$0xB0] =	vst v2;
	v2 =	vmul.f32 v3, v1  }
0x422: {  	s16 =	sshll.u32 s12, $0xA;
	[tilespmem:s18+$0xC0] =	vst v0;
	v0 =	vmul.f32 v4, v1  }
0x423: {  	s15 =	sor.u32 $0x1, s15;
	s21 =	simm.s32 $0x0;
	s13 =	sshrl.u32 s16, $0x2;
	[tilespmem:s18+$0xD0] =	vst v2  }
0x424: {  	p0 =	seq.s32 s12, $0x18;
	s15 =	sshll.u32 s15, $0x7;
	s19 =	sadd.s32 $0x1C00, s13;
	v1 =	vmov s21;
	[tilespmem:s18+$0xE0] =	vst v0  }
0x425: {  	v1 =	vand.u32 $0x7C, v1;
	v0 =	vmov s15;
	[spmem:s1] =	stream.indirect.scatter.add.f32 [tilespmem:s28], [sflag:$0x3], $0x80, s19, s26, $0xb8;
	[tilespmem:$0x1DC80] =	vst v63  }
0x426: {  	s16 =	sshrl.u32 @!p0 s16, $0x2;
	v1 =	vor.u32 v0, v1;
	_ =	swait.ge [sflag:s23], $0x2800  }
0x427: {  	s16 =	sadd.s32 @!p0 $0x100, s16;
	s19 =	simm.s32 $0x3;
	v1 =	vbroadcast v1, $0x0;
	[sflag:s23] =	ssyncset.done $0x0  }
0x428: {  	s18 =	simm.s32 @!p0 $0x50;
	v2 =	vmov s19;
	s19 =	simm.s32 @!p0 $0x5400;
	[sflag:s23] =	ssyncadd.s32 $0xFFFFD800  }
0x429: {  	v2 =	vand.u32 $0x7F, v2;
	[tilespmem:s19], [sflag:$0x1] =	stream.indirect.gather @!p0 [hbm4b:s20+s18], $0x80, s16, s18, $0xb8;
	[tilespmem:$0x1DC80] =	vst v63  }
0x42a: {  	v2 =	vor.u32 v0, v2;
	_ =	swait.ge [sflag:s0], $0x2800  }
0x42b: {  	v2 =	vbroadcast v2, $0x0;
	[sflag:s0] =	ssyncset.done $0x0  }
0x42c: {  	[sflag:s0] =	ssyncadd.s32 $0xFFFFD800  }
0x42d: {  	s16 =	simm.s32 $0x7D00;
	v3 =	vld.idx.msk [tilespmem:v1+s25+$0x0], $0xffff  }
0x42e: {  	v5 =	vld [tilespmem:s16+$0xFFFFFF00]  }
0x42f: {  	s21 =	simm.s32 $0x1;
	v6 =	vld [tilespmem:s16+$0xFFFFFF10]  }
0x430: {  	v4 =	vmov s21;
	v7 =	vld [tilespmem:s16+$0xFFFFFF20]  }
0x431: {  	v1 =	vld.idx.msk [tilespmem:v2+s25+$0x0], $0xffff;
	v2 =	vand.u32 $0x7D, v4  }
0x432: {  	v8 =	vld [tilespmem:s16+$0xFFFFFF30];
	v2 =	vor.u32 v0, v2  }
0x433: {  	v4 =	vld [tilespmem:s16+$0xF0];
	v2 =	vbroadcast v2, $0x0  }
0x434: {  	v9 =	vld [tilespmem:s16+$0xFFFFFF40]  }
0x435: {  	v10 =	vld [tilespmem:s16+$0xFFFFFF50];
	v5 =	vmul.f32 v5, v3  }
0x436: {  	v11 =	vld [tilespmem:s16+$0xFFFFFF60];
	v6 =	vmul.f32 v6, v3  }
0x437: {  	[tilespmem:s16+$0xFFFFFF00] =	vst v5;
	v5 =	vld [tilespmem:s16+$0xFFFFFF70]  }
0x438: {  	s19 =	simm.s32 $0x2;
	v4 =	vmul.f32 v4, v1;
	[tilespmem:s16+$0xFFFFFF10] =	vst v6;
	v6 =	vmul.f32 v8, v3;
	v8 =	vld [tilespmem:s16+$0xFFFFFFA0]  }
0x439: {  	v12 =	vmov s19;
	v13 =	vld.idx.msk [tilespmem:v2+s25+$0x0], $0xffff  }
0x43a: {  	[tilespmem:s16+$0xF0] =	vst v4;
	v4 =	vmul.f32 v7, v3;
	v2 =	vand.u32 $0x7E, v12;
	v12 =	vld [tilespmem:s16+$0xFFFFFF80]  }
0x43b: {  	v7 =	vld [tilespmem:s16+$0xFFFFFF90];
	[tilespmem:s16+$0xFFFFFF30] =	vst v6;
	v6 =	vmul.f32 v10, v3;
	v2 =	vor.u32 v0, v2  }
0x43c: {  	v11 =	vmul.f32 v11, v3;
	v10 =	vld [tilespmem:s16+$0xFFFFFFC0];
	[tilespmem:s16+$0xFFFFFF20] =	vst v4;
	v2 =	vbroadcast v2, $0x0  }
0x43d: {  	v4 =	vmul.f32 v9, v3;
	[tilespmem:s16+$0xFFFFFF50] =	vst v6;
	v6 =	vld [tilespmem:s16+$0xFFFFFFE0]  }
0x43e: {  	[tilespmem:s16+$0xFFFFFF60] =	vst v11;
	v9 =	vld [tilespmem:s16+$0xFFFFFFB0];
	v3 =	vmul.f32 v5, v3  }
0x43f: {  	v5 =	vld [tilespmem:s16+$0xFFFFFFF0];
	[tilespmem:s16+$0xFFFFFF40] =	vst v4;
	v4 =	vmul.f32 v12, v13  }
0x440: {  	[tilespmem:s16+$0xFFFFFF70] =	vst v3;
	v12 =	vld [tilespmem:s16+$0xFFFFFFD0];
	v3 =	vmul.f32 v8, v13  }
0x441: {  	[tilespmem:s16+$0xFFFFFF80] =	vst v4;
	v4 =	vmul.f32 v7, v13;
	v7 =	vld [tilespmem:s16+$0x0]  }
0x442: {  	v6 =	vmul.f32 v6, v13;
	[tilespmem:s16+$0xFFFFFFA0] =	vst v3;
	v2 =	vld.idx.msk [tilespmem:v2+s25+$0x0], $0xffff  }
0x443: {  	v8 =	vld [tilespmem:s16+$0x10];
	[tilespmem:s16+$0xFFFFFF90] =	vst v4;
	v4 =	vmul.f32 v9, v13  }
0x444: {  	s21 =	simm.s32 $0x4;
	v3 =	vmul.f32 v10, v13;
	[tilespmem:s16+$0xFFFFFFE0] =	vst v6;
	v9 =	vld [tilespmem:s16+$0x20]  }
0x445: {  	v11 =	vmov s21;
	v10 =	vld [tilespmem:s16+$0x30];
	[tilespmem:s16+$0xFFFFFFB0] =	vst v4;
	v4 =	vmul.f32 v12, v13  }
0x446: {  	v11 =	vand.u32 $0x7C, v11;
	[tilespmem:s16+$0xFFFFFFC0] =	vst v3;
	v3 =	vld [tilespmem:s16+$0x40];
	v12 =	vmul.f32 v5, v13  }
0x447: {  	s19 =	simm.s32 $0x5;
	s21 =	simm.s32 $0x6;
	v6 =	vor.u32 v0, v11;
	[tilespmem:s16+$0xFFFFFFD0] =	vst v4;
	v7 =	vmul.f32 v7, v2;
	v4 =	vld [tilespmem:s16+$0x50]  }
0x448: {  	v11 =	vmov s21;
	v13 =	vmov s19;
	v5 =	vld [tilespmem:s16+$0x60];
	v8 =	vmul.f32 v8, v2;
	[tilespmem:s16+$0xFFFFFFF0] =	vst v12  }
0x449: {  	v11 =	vand.u32 $0x7E, v11;
	v12 =	vand.u32 $0x7D, v13;
	v9 =	vmul.f32 v9, v2;
	[tilespmem:s16+$0x0] =	vst v7;
	v7 =	vld [tilespmem:s16+$0x70]  }
0x44a: {  	s18 =	simm.s32 $0x7D00;
	s21 =	simm.s32 $0x7;
	v6 =	vbroadcast v6, $0x0;
	s19 =	simm.s32 $0x8;
	v10 =	vmul.f32 v10, v2;
	v12 =	vor.u32 v0, v12;
	[tilespmem:s16+$0x10] =	vst v8;
	v8 =	vld [tilespmem:s16+$0x80]  }
.LBB2_33:
0x44b: {  	p1 =	slt.u32 s19, $0x4C;
	v11 =	vor.u32 v0, v11;
	v13 =	vmov s21;
	[tilespmem:s16+$0x20] =	vst v9;
	v3 =	vmul.f32 v3, v2;
	v9 =	vld [tilespmem:s16+$0x90]  }
0x44c: {  	v12 =	vbroadcast v12, $0x0;
	v13 =	vand.u32 $0x7F, v13;
	[tilespmem:s16+$0x30] =	vst v10;
	v4 =	vmul.f32 v4, v2;
	v10 =	vld [tilespmem:s16+$0xA0]  }
0x44d: {  	v11 =	vbroadcast v11, $0x0;
	v13 =	vor.u32 v0, v13;
	[tilespmem:s16+$0x40] =	vst v3;
	v3 =	vmul.f32 v5, v2;
	v5 =	vld [tilespmem:s16+$0xB0]  }
0x44e: {  	v13 =	vbroadcast v13, $0x0;
	[tilespmem:s16+$0x50] =	vst v4;
	v2 =	vmul.f32 v7, v2;
	v4 =	vld [tilespmem:s16+$0xC0]  }
0x44f: {  	[tilespmem:s16+$0x60] =	vst v3;
	v3 =	vmul.f32 v8, v1;
	v7 =	vld [tilespmem:s16+$0xD0]  }
0x450: {  	[tilespmem:s16+$0x70] =	vst v2;
	v2 =	vmul.f32 v9, v1;
	v8 =	vld [tilespmem:s16+$0xE0]  }
0x451: {  	v6 =	vld.idx.msk [tilespmem:v6+s25+$0x0], $0xffff;
	[tilespmem:s16+$0x80] =	vst v3;
	v3 =	vmul.f32 v10, v1  }
0x452: {  	v9 =	vld.idx.msk [tilespmem:v12+s25+$0x0], $0xffff;
	[tilespmem:s16+$0x90] =	vst v2;
	v5 =	vmul.f32 v5, v1  }
0x453: {  	v2 =	vld.idx.msk [tilespmem:v11+s25+$0x0], $0xffff;
	[tilespmem:s16+$0xA0] =	vst v3;
	v3 =	vmul.f32 v4, v1  }
0x454: {  	s16 =	sadd.s32 $0x200, s16;
	v4 =	vld.idx.msk [tilespmem:v13+s25+$0x0], $0xffff;
	[tilespmem:s18+$0xB0] =	vst v5;
	v5 =	vmul.f32 v7, v1  }
0x455: {  	v7 =	vld [tilespmem:s16+$0xF0];
	[tilespmem:s18+$0xC0] =	vst v3;
	v1 =	vmul.f32 v8, v1  }
0x456: {  	v3 =	vld [tilespmem:s16+$0xFFFFFF00];
	[tilespmem:s18+$0xD0] =	vst v5  }
0x457: {  	v5 =	vld [tilespmem:s16+$0xFFFFFF10];
	[tilespmem:s18+$0xE0] =	vst v1;
	s18 =	smov.u32 s16  }
0x458: {  	v8 =	vld [tilespmem:s16+$0xFFFFFF20]  }
0x459: {  	v10 =	vld [tilespmem:s16+$0xFFFFFF30]  }
0x45a: {  	v1 =	vmov v4;
	v11 =	vld [tilespmem:s16+$0xFFFFFF40];
	v7 =	vmul.f32 v7, v4  }
0x45b: {  	v3 =	vmul.f32 v3, v6;
	v4 =	vld [tilespmem:s16+$0xFFFFFF50]  }
0x45c: {  	v5 =	vmul.f32 v5, v6;
	v12 =	vld [tilespmem:s16+$0xFFFFFF60];
	[tilespmem:s16+$0xF0] =	vst v7  }
0x45d: {  	[tilespmem:s16+$0xFFFFFF00] =	vst v3;
	v3 =	vmul.f32 v8, v6;
	v7 =	vld [tilespmem:s16+$0xFFFFFF70]  }
0x45e: {  	[tilespmem:s16+$0xFFFFFF10] =	vst v5;
	v5 =	vmul.f32 v10, v6;
	v8 =	vld [tilespmem:s16+$0xFFFFFF80]  }
0x45f: {  	[tilespmem:s16+$0xFFFFFF20] =	vst v3;
	v3 =	vmul.f32 v11, v6;
	v10 =	vld [tilespmem:s16+$0xFFFFFF90]  }
0x460: {  	[tilespmem:s16+$0xFFFFFF30] =	vst v5;
	v4 =	vmul.f32 v4, v6;
	v5 =	vld [tilespmem:s16+$0xFFFFFFA0]  }
0x461: {  	[tilespmem:s16+$0xFFFFFF40] =	vst v3;
	v3 =	vmul.f32 v12, v6;
	v11 =	vld [tilespmem:s16+$0xFFFFFFB0]  }
0x462: {  	[tilespmem:s16+$0xFFFFFF50] =	vst v4;
	v4 =	vmul.f32 v7, v6;
	v6 =	vld [tilespmem:s16+$0xFFFFFFC0]  }
0x463: {  	[tilespmem:s16+$0xFFFFFF60] =	vst v3;
	v3 =	vmul.f32 v8, v9;
	v7 =	vld [tilespmem:s16+$0xFFFFFFD0]  }
0x464: {  	[tilespmem:s16+$0xFFFFFF70] =	vst v4;
	v4 =	vmul.f32 v10, v9;
	v8 =	vld [tilespmem:s16+$0xFFFFFFE0]  }
0x465: {  	[tilespmem:s16+$0xFFFFFF80] =	vst v3;
	v3 =	vmul.f32 v5, v9;
	v5 =	vld [tilespmem:s16+$0xFFFFFFF0]  }
0x466: {  	[tilespmem:s16+$0xFFFFFF90] =	vst v4;
	v4 =	vmul.f32 v11, v9;
	v10 =	vld [tilespmem:s16+$0x0]  }
0x467: {  	[tilespmem:s16+$0xFFFFFFA0] =	vst v3;
	v3 =	vmul.f32 v6, v9;
	v6 =	vld [tilespmem:s16+$0x10]  }
0x468: {  	[tilespmem:s16+$0xFFFFFFB0] =	vst v4;
	v4 =	vmul.f32 v7, v9;
	v7 =	vld [tilespmem:s16+$0x20]  }
0x469: {  	[tilespmem:s16+$0xFFFFFFC0] =	vst v3;
	v8 =	vmul.f32 v8, v9;
	v13 =	vld [tilespmem:s16+$0x30]  }
.Ltmp23:
0x46a: {  	s21 =	sadd.s32 $0x1, s19;
	v11 =	vmov s19;
	[tilespmem:s16+$0xFFFFFFD0] =	vst v4;
	v5 =	vmul.f32 v5, v9;
	v3 =	vld [tilespmem:s16+$0x40];
	(pc) =	sbr.rel @p1 .LBB2_33-.Ltmp23, $4  }
0x46b: {  	v9 =	vand.u32 $0x7C, v11;
	v11 =	vmov s21;
	s21 =	sadd.s32 $0x2, s19;
	[tilespmem:s16+$0xFFFFFFE0] =	vst v8;
	v8 =	vmul.f32 v10, v2;
	v4 =	vld [tilespmem:s16+$0x50]  }
0x46c: {  	v10 =	vor.u32 v0, v9;
	v9 =	vmov s21;
	[tilespmem:s16+$0xFFFFFFF0] =	vst v5;
	v14 =	vmul.f32 v6, v2;
	v5 =	vld [tilespmem:s16+$0x60]  }
0x46d: {  	v12 =	vand.u32 $0x7D, v11;
	v11 =	vand.u32 $0x7E, v9;
	[tilespmem:s16+$0x0] =	vst v8;
	v9 =	vmul.f32 v7, v2;
	v7 =	vld [tilespmem:s16+$0x70]  }
0x46e: {  	s21 =	sadd.s32 $0x3, s19;
	s19 =	sadd.s32 $0x4, s19;
	v6 =	vbroadcast v10, $0x0;
	v12 =	vor.u32 v0, v12;
	[tilespmem:s16+$0x10] =	vst v14;
	v10 =	vmul.f32 v13, v2;
	v8 =	vld [tilespmem:s16+$0x80]  }
0x46f: {  	v14 =	vld [tilespmem:s16+$0x90]  }
0x470: {  	v15 =	vld [tilespmem:s16+$0xA0]  }
0x471: {  	v42 =	vld [tilespmem:s16+$0xB0]  }
0x472: {  	v16 =	vld [tilespmem:s16+$0xC0]  }
0x473: {  	[tilespmem:s16+$0x20] =	vst v9;
	v3 =	vmul.f32 v3, v2;
	v43 =	vld [tilespmem:s16+$0xD0]  }
0x474: {  	v44 =	vld [tilespmem:s16+$0xE0];
	[tilespmem:s16+$0x30] =	vst v10;
	v4 =	vmul.f32 v4, v2  }
0x475: {  	s19 =	sadd.s32 $0x200, s16;
	v46 =	vld.idx.msk [tilespmem:v6+s25+$0x0], $0xffff;
	[tilespmem:s16+$0x40] =	vst v3;
	v45 =	vmul.f32 v5, v2  }
0x476: {  	v52 =	vld [tilespmem:s19+$0xF0];
	[tilespmem:s16+$0x50] =	vst v4;
	v47 =	vmul.f32 v7, v2  }
0x477: {  	v54 =	vld [tilespmem:s19+$0xFFFFFF00];
	[tilespmem:s16+$0x60] =	vst v45;
	v49 =	vmul.f32 v8, v1  }
0x478: {  	v56 =	vld [tilespmem:s19+$0xFFFFFF10];
	[tilespmem:s16+$0x70] =	vst v47;
	v50 =	vmul.f32 v14, v1  }
0x479: {  	v12 =	vbroadcast v12, $0x0;
	v58 =	vld [tilespmem:s19+$0xFFFFFF20];
	v51 =	vmul.f32 v15, v1;
	[tilespmem:s16+$0x80] =	vst v49  }
0x47a: {  	v60 =	vld [tilespmem:s19+$0xFFFFFF30];
	v53 =	vmul.f32 v42, v1;
	[tilespmem:s16+$0x90] =	vst v50  }
0x47b: {  	v61 =	vld [tilespmem:s19+$0xFFFFFF40];
	v55 =	vmul.f32 v16, v1;
	[tilespmem:s16+$0xA0] =	vst v51  }
0x47c: {  	v13 =	vmov s21;
	v63 =	vld [tilespmem:s19+$0xFFFFFF50];
	v57 =	vmul.f32 v43, v1;
	[tilespmem:s18+$0xB0] =	vst v53  }
0x47d: {  	v13 =	vand.u32 $0x7F, v13;
	v18 =	vld [tilespmem:s19+$0xFFFFFF90];
	v59 =	vmul.f32 v44, v1;
	[tilespmem:s18+$0xC0] =	vst v55  }
0x47e: {  	v41 =	vor.u32 v0, v13;
	v13 =	vld [tilespmem:s19+$0xFFFFFF60];
	v62 =	vmul.f32 v54, v46;
	[tilespmem:s18+$0xD0] =	vst v57  }
0x47f: {  	v48 =	vld.idx.msk [tilespmem:v12+s25+$0x0], $0xffff;
	v12 =	vmul.f32 v56, v46;
	[tilespmem:s18+$0xE0] =	vst v59  }
0x480: {  	v15 =	vld [tilespmem:s19+$0xFFFFFF70];
	v14 =	vmul.f32 v58, v46;
	[tilespmem:s19+$0xFFFFFF00] =	vst v62  }
0x481: {  	v16 =	vld [tilespmem:s19+$0xFFFFFF80];
	v3 =	vmul.f32 v60, v46;
	[tilespmem:s19+$0xFFFFFF10] =	vst v12  }
0x482: {  	v11 =	vor.u32 v0, v11;
	v20 =	vld [tilespmem:s19+$0xFFFFFFA0];
	v17 =	vmul.f32 v61, v46;
	[tilespmem:s19+$0xFFFFFF20] =	vst v14  }
0x483: {  	v11 =	vbroadcast v11, $0x0;
	v22 =	vld [tilespmem:s19+$0xFFFFFFB0];
	v19 =	vmul.f32 v63, v46;
	[tilespmem:s19+$0xFFFFFF30] =	vst v3  }
0x484: {  	v24 =	vld [tilespmem:s19+$0xFFFFFFC0];
	v21 =	vmul.f32 v13, v46;
	[tilespmem:s19+$0xFFFFFF40] =	vst v17  }
0x485: {  	v26 =	vld [tilespmem:s19+$0xFFFFFFD0];
	[tilespmem:s19+$0xFFFFFF50] =	vst v19;
	v23 =	vmul.f32 v15, v46  }
0x486: {  	v27 =	vld [tilespmem:s19+$0xFFFFFFE0];
	[tilespmem:s19+$0xFFFFFF60] =	vst v21;
	v25 =	vmul.f32 v16, v48  }
0x487: {  	v29 =	vld [tilespmem:s19+$0xFFFFFFF0];
	v2 =	vmul.f32 v18, v48;
	[tilespmem:s19+$0xFFFFFF70] =	vst v23  }
0x488: {  	v31 =	vld [tilespmem:s19+$0x0];
	v28 =	vmul.f32 v20, v48;
	[tilespmem:s19+$0xFFFFFF80] =	vst v25  }
0x489: {  	v6 =	vld.idx.msk [tilespmem:v11+s25+$0x0], $0xffff;
	v30 =	vmul.f32 v22, v48;
	[tilespmem:s19+$0xFFFFFF90] =	vst v2  }
0x48a: {  	v33 =	vld [tilespmem:s19+$0x10];
	v0 =	vbroadcast v41, $0x0;
	v32 =	vmul.f32 v24, v48;
	[tilespmem:s19+$0xFFFFFFA0] =	vst v28  }
0x48b: {  	v35 =	vld [tilespmem:s19+$0x20];
	v34 =	vmul.f32 v26, v48;
	[tilespmem:s19+$0xFFFFFFB0] =	vst v30  }
0x48c: {  	v37 =	vld [tilespmem:s19+$0x30];
	v36 =	vmul.f32 v27, v48;
	[tilespmem:s19+$0xFFFFFFC0] =	vst v32  }
0x48d: {  	v39 =	vld [tilespmem:s19+$0x40];
	v38 =	vmul.f32 v29, v48;
	[tilespmem:s19+$0xFFFFFFD0] =	vst v34  }
0x48e: {  	v41 =	vld [tilespmem:s19+$0x50];
	v40 =	vmul.f32 v31, v6;
	[tilespmem:s19+$0xFFFFFFE0] =	vst v36  }
0x48f: {  	v45 =	vld [tilespmem:s19+$0x70];
	v42 =	vmul.f32 v33, v6;
	[tilespmem:s19+$0xFFFFFFF0] =	vst v38  }
0x490: {  	v0 =	vld.idx.msk [tilespmem:v0+s25+$0x0], $0xffff;
	v44 =	vmul.f32 v35, v6;
	[tilespmem:s19+$0x0] =	vst v40  }
0x491: {  	v43 =	vld [tilespmem:s19+$0x60];
	v46 =	vmul.f32 v37, v6;
	[tilespmem:s19+$0x10] =	vst v42  }
0x492: {  	v47 =	vld [tilespmem:s19+$0x80];
	v48 =	vmul.f32 v39, v6;
	[tilespmem:s19+$0x20] =	vst v44  }
0x493: {  	v49 =	vld [tilespmem:s19+$0x90];
	v50 =	vmul.f32 v41, v6;
	[tilespmem:s19+$0x30] =	vst v46  }
0x494: {  	v51 =	vld [tilespmem:s19+$0xA0];
	v54 =	vmul.f32 v45, v6;
	[tilespmem:s19+$0x40] =	vst v48  }
0x495: {  	v53 =	vld [tilespmem:s19+$0xB0];
	v7 =	vmul.f32 v52, v0;
	[tilespmem:s19+$0x50] =	vst v50  }
0x496: {  	v55 =	vld [tilespmem:s19+$0xC0];
	v52 =	vmul.f32 v43, v6;
	[tilespmem:s19+$0x70] =	vst v54  }
0x497: {  	v57 =	vld [tilespmem:s19+$0xD0];
	v56 =	vmul.f32 v47, v0;
	[tilespmem:s19+$0xF0] =	vst v7  }
0x498: {  	v59 =	vld [tilespmem:s19+$0xE0];
	v58 =	vmul.f32 v49, v0;
	[tilespmem:s19+$0x60] =	vst v52  }
0x499: {  	v60 =	vmul.f32 v51, v0;
	[tilespmem:s19+$0x80] =	vst v56  }
0x49a: {  	v61 =	vmul.f32 v53, v0;
	[tilespmem:s19+$0x90] =	vst v58  }
0x49b: {  	v62 =	vmul.f32 v55, v0;
	[tilespmem:s19+$0xA0] =	vst v60  }
0x49c: {  	v63 =	vmul.f32 v57, v0;
	[tilespmem:s19+$0xB0] =	vst v61  }
0x49d: {  	v0 =	vmul.f32 v59, v0;
	[tilespmem:s19+$0xC0] =	vst v62  }
0x49e: {  	s15 =	sand.u32 $0x3FFFFF80, s15;
	[tilespmem:s19+$0xD0] =	vst v63  }
.Ltmp24:
0x49f: {  	s15 =	sadd.s32 $0x1C00, s15;
	[tilespmem:s19+$0xE0] =	vst v0;
	(pc) =	sbr.rel @p0 .LBB2_36-.Ltmp24, $4  }
0x4a0: {  	[spmem:s1] =	stream.indirect.scatter.add.f32 [tilespmem:s30], [sflag:$0x3], $0x80, s15, s26, $0xb8;
	[tilespmem:$0x1DC80] =	vst v63  }
0x4a1: {  	_ =	swait.ge [sflag:s23], $0x2800  }
0x4a2: {  	[sflag:s23] =	ssyncset.done $0x0  }
0x4a3: {  	[sflag:s23] =	ssyncadd.s32 $0xFFFFD800  }
.Ltmp25:
0x4a4: {  	(pc) =	sbr.rel .LBB2_30-.Ltmp25, $3  }
0x4a5: {  	_ =	sdelay $0x1  }
0x4a6: {  	s13 =	sadd.s32 $0x180, s13;
	s12 =	sadd.s32 $0x1, s12  }
0x4a7: {  	[tilespmem:s30], [sflag:$0x2] =	stream.indirect.gather [hbm4b:s20+s26], $0x80, s13, s26, $0xb8;
	[tilespmem:$0x1DC80] =	vst v63  }
.LBB2_38:
0x4a8: {  	_ =	sfence.sel $0x180000  }
0x4a9: {  	[bflag:$0x0] =	sbarrier.arrive $0xFFFF  }
0x4aa: {  	_ =	strace $0x9000004A  }
0x4ab: {  	s0 =	stileid.u32;
	[bflag:$0x2] =	sbarrier.arrive $0xFFFF  }
0x4ac: {  	p0 =	sne.s32 s0, $0x0;
	s0 =	rddreg [dreg:$0x3]  }
0x4ad: {  	s0 =	sadd.s32 @!p0 $0x100000, s0  }
0x4ae: {  	[sflag:s0] =	ssyncadd.tile.s32 @!p0 $0x1;
	_ =	shalt  }
.Lfunc_end2:
_tile_overlayer_lowered:
.L_overlay_start_2:
0x4af: {  	(tag) =	ssettag $0x2  }
0x4b0: {  	s0 =	rddreg [dreg:$0x0];
	s2 =	stileid.u32  }
0x4b1: {  	s1 =	rddreg [dreg:$0x1];
	p0 =	sne.s32 s2, $0x0  }
0x4b2: {  	s3 =	rddreg [dreg:$0x2];
	[bflag:$0x3] =	sbarrier.arrive $0xFFFF;
	s2 =	simm.s32 @!p0 $0x1C03  }
0x4b3: {  	[timem:s3], [sflag:s2] =	dma.local @!p0 [hbm:s0], s1  }
0x4b4: {  	s0 =	simm.s32 @!p0 $0x3  }
0x4b5: {  	_ =	swait.ge @!p0 [sflag:s0], s1  }
0x4b6: {  	s1 =	ssub.s32 @!p0 $0x0, s1;
	[sflag:s0] =	ssyncset.done @!p0 $0x0  }
0x4b7: {  	[sflag:s0] =	ssyncadd.s32 @!p0 s1  }
0x4b8: {  	[bflag:$0x3] =	sbarrier.arrive $0xFFFF  }
0x4b9: {  	_ =	shalt  }

</sc_bundles>
